<compile_context>
chip_gen: v7x
topology: tpu7x:2x2x1
jax: 0.10.2.dev20260603
libtpu: 0.0.44.dev20260713+nightly
codegen_flags: <defaults>
</compile_context>

<pallas_src>
import functools

import jax
import jax.numpy as jnp
from jax import lax
from jax.experimental import pallas as pl
from jax.experimental.pallas import tpu as pltpu
from jax.experimental.pallas import tpu_sc as plsc

VOCAB = 100000
EMBED_DIM = 128
ROWS, SEQ = 4096, 50

NUM_CORES = 2
NUM_SUBCORES = 16
NW = NUM_CORES * NUM_SUBCORES
R_PER_W = ROWS // NW

PAIR = 2
P_PER_W = R_PER_W // PAIR
NBUF = 8
LAG = 2
N_GROUPS = P_PER_W // NBUF


def _emb_kernel(table_hbm, tok_hbm, out_hbm, idx_v, rows_v, gsems, ssems):
    wid = lax.axis_index("s") * NUM_CORES + lax.axis_index("c")
    base = wid * R_PER_W
    pltpu.sync_copy(tok_hbm.at[pl.ds(base, R_PER_W)], idx_v)

    class _Pair:
        def __init__(self, copies):
            self.copies = copies

        def start(self):
            for c in self.copies:
                c.start()

        def wait(self):
            for c in self.copies:
                c.wait()

    def gather(p, b):
        return _Pair([
            pltpu.make_async_copy(
                table_hbm.at[idx_v.at[p * PAIR + k]],
                rows_v.at[b, k],
                gsems.at[b],
            )
            for k in range(PAIR)
        ])

    def scatter(p, b):
        return pltpu.make_async_copy(
            rows_v.at[b],
            out_hbm.at[pl.ds(base + p * PAIR, PAIR)],
            ssems.at[b],
        )

    for b in range(NBUF):
        gather(b, b).start()

    def step(p, b, pl_, bl, do_lag):
        gather(p, b).wait()
        scatter(p, b).start()
        if do_lag:
            scatter(pl_, bl).wait()
            gather(pl_ + NBUF, bl).start()

    for b in range(NBUF):
        step(b, b, b - LAG, (b - LAG) % NBUF, b >= LAG)

    def group_body(gi, carry):
        p0 = gi * NBUF
        for b in range(NBUF):
            step(p0 + b, b, p0 + b - LAG, (b - LAG) % NBUF, True)
        return carry

    lax.fori_loop(1, N_GROUPS - 1, group_body, 0)

    p0 = (N_GROUPS - 1) * NBUF
    for b in range(NBUF):
        p = p0 + b
        gather(p, b).wait()
        scatter(p, b).start()
        pl_, bl = p - LAG, (b - LAG) % NBUF
        scatter(pl_, bl).wait()
        if pl_ + NBUF < P_PER_W:
            gather(pl_ + NBUF, bl).start()
    for k in range(LAG):
        p = P_PER_W - LAG + k
        scatter(p, p % NBUF).wait()


@functools.partial(jax.jit)
def _embedding_lookup(table, tokens):
    mesh = plsc.VectorSubcoreMesh(core_axis_name="c", subcore_axis_name="s")
    return pl.kernel(
        _emb_kernel,
        out_type=jax.ShapeDtypeStruct((ROWS, SEQ, EMBED_DIM), jnp.float32),
        mesh=mesh,
        scratch_types=[
            pltpu.VMEM((R_PER_W, SEQ), jnp.int32),
            pltpu.VMEM((NBUF, PAIR, SEQ, EMBED_DIM), jnp.float32),
            pltpu.SemaphoreType.DMA((NBUF,)),
            pltpu.SemaphoreType.DMA((NBUF,)),
        ],
    )(table, tokens)


def kernel(tokens, token_embedding):
    return _embedding_lookup(token_embedding, tokens)

# --- scband reference (transcript-rebuilt; emitter-appended) ---
"""Pipeline reference for scband-llama-embedding-58093727645910 (READ-ONLY COPY).

The authoritative reference and input builder live on the scoring server;
editing this copy changes nothing except your own understanding.
"""

import jax, jax.numpy as jnp
import numpy as np

VOCAB = 100000
EMBED_DIM = 128
PAD_TOKEN = 0


def setup_inputs(seed: int = 0) -> dict:
    key = jax.random.key(seed)
    k1, k2 = jax.random.split(key)
    tokens = jax.random.randint(k1, (4096, 50), 0, VOCAB, dtype=jnp.int32)
    token_embedding = jax.random.normal(k2, (VOCAB, EMBED_DIM), dtype=jnp.float32)
    return {"tokens": tokens, "token_embedding": token_embedding}


def reference(tokens, token_embedding):
    # F.embedding(tokens, table, padding_idx=PAD_TOKEN)
    # padding_idx only affects gradients; the forward is a plain row gather.
    data = jnp.take(token_embedding, tokens, axis=0)
    return data

if __name__ == "__main__":
    import jax
    _d = setup_inputs()
    print(jax.jit(kernel)(*tuple(_d.values())))

</pallas_src>

<mosaic_0001>
#map = affine_map<(d0, d1) -> (0, 0)>
#map1 = affine_map<(d0, d1) -> (0, 0, 0)>
module attributes {stable_mosaic.version = 14 : i64} {
  func.func @_emb_kernel(%arg0: i32, %arg1: i32, %arg2: memref<100000x128xf32, #tpu.memory_space<hbm>>, %arg3: memref<4096x50xi32, #tpu.memory_space<hbm>>, %arg4: memref<4096x50x128xf32, #tpu.memory_space<hbm>>, %arg5: memref<128x50xi32, #tpu.memory_space<vmem>>, %arg6: memref<8x2x50x128xf32, #tpu.memory_space<vmem>>, %arg7: memref<8x!tpu.dma_semaphore, #tpu.memory_space<semaphore_mem>>, %arg8: memref<8x!tpu.dma_semaphore, #tpu.memory_space<semaphore_mem>>) attributes {dimension_semantics = [#tpu.dimension_semantics<core_parallel>, #tpu.dimension_semantics<subcore_parallel>], iteration_bounds = array<i64: 2, 16>, scalar_prefetch = 0 : i64, scratch_operands = 4 : i64, tpu.core_type = #tpu.core_type<sc_vector_subcore>, window_params = [{transform_indices = #map}, {transform_indices = #map}, {transform_indices = #map1}]} {
    %mul3A = arith.constant 2 : i32
    %mul3A_0 = arith.muli %arg1, %mul3A : i32
    %add3A = arith.addi %mul3A_0, %arg0 : i32
    %mul3A_1 = arith.constant 128 : i32
    %mul3A_2 = arith.muli %add3A, %mul3A_1 : i32
    "tpu.region"() ({
      %run_scoped3A = tpu.sem_alloc : memref<!tpu.dma_semaphore, #tpu.memory_space<semaphore_mem>>
      %dma_start3A_1734 = arith.constant 0 : i32
      %dma_start3A_1735 = tpu.memref_slice %arg3[%mul3A_2, %dma_start3A_1734] : memref<4096x50xi32, #tpu.memory_space<hbm>> -> memref<128x50xi32, #tpu.memory_space<hbm>>
      %dma_start3A_1736 = arith.constant 0 : i32
      %dma_start3A_1737 = tpu.memref_slice %arg3[%mul3A_2, %dma_start3A_1736] : memref<4096x50xi32, #tpu.memory_space<hbm>> -> memref<128x50xi32, #tpu.memory_space<hbm>>
      tpu.enqueue_dma source(%dma_start3A_1737 : memref<128x50xi32, #tpu.memory_space<hbm>>) target(%arg5 : memref<128x50xi32, #tpu.memory_space<vmem>>) target_semaphore(%run_scoped3A : memref<!tpu.dma_semaphore, #tpu.memory_space<semaphore_mem>>)
      %dma_wait3A_1738 = arith.constant 0 : i32
      %dma_wait3A_1739 = tpu.memref_slice %arg3[%mul3A_2, %dma_wait3A_1738] : memref<4096x50xi32, #tpu.memory_space<hbm>> -> memref<128x50xi32, #tpu.memory_space<hbm>>
      %dma_wait3A_1740 = arith.constant 0 : i32
      %dma_wait3A_1741 = tpu.memref_slice %arg3[%mul3A_2, %dma_wait3A_1740] : memref<4096x50xi32, #tpu.memory_space<hbm>> -> memref<128x50xi32, #tpu.memory_space<hbm>>
      tpu.wait_dma2 semaphore(%run_scoped3A : memref<!tpu.dma_semaphore, #tpu.memory_space<semaphore_mem>>) src(%dma_wait3A_1741 : memref<128x50xi32, #tpu.memory_space<hbm>>) dst(%arg5 : memref<128x50xi32, #tpu.memory_space<vmem>>)
      tpu.yield
    }) : () -> ()
    %dma_start3A = arith.constant 0 : i32
    %dma_start3A_3 = arith.constant 0 : i32
    %dma_start3A_4 = arith.constant 0 : i32
    %dma_start3A_5 = arith.constant 0 : i32
    %dma_start3A_6 = arith.constant 0 : i32
    %dma_start3A_7 = arith.constant 0 : i32
    %dma_start3A_8 = tpu.memref_slice %arg6[%dma_start3A_3, %dma_start3A_4, %dma_start3A_6, %dma_start3A_7] : memref<8x2x50x128xf32, #tpu.memory_space<vmem>> -> memref<1x1x50x128xf32, #tpu.memory_space<vmem>>
    %dma_start3A_9 = tpu.memref_squeeze %dma_start3A_8 : memref<1x1x50x128xf32, #tpu.memory_space<vmem>> -> memref<50x128xf32, #tpu.memory_space<vmem>>
    %dma_start3A_10 = arith.constant 0 : i32
    %dma_start3A_11 = tpu.memref_slice %arg5[%dma_start3A, %dma_start3A_10] : memref<128x50xi32, #tpu.memory_space<vmem>> -> memref<1x50xi32, #tpu.memory_space<vmem>>
    %dma_start3A_12 = tpu.memref_squeeze %dma_start3A_11 : memref<1x50xi32, #tpu.memory_space<vmem>> -> memref<50xi32, #tpu.memory_space<vmem>>
    %dma_start3A_13 = arith.constant 0 : i32
    %dma_start3A_14 = arith.constant 0 : i32
    %dma_start3A_15 = tpu.memref_slice %arg2[%dma_start3A_13, %dma_start3A_14] : memref<100000x128xf32, #tpu.memory_space<hbm>> -> memref<100000x128xf32, #tpu.memory_space<hbm>>
    %dma_start3A_16 = tpu.memref_slice %arg7[%dma_start3A_5] : memref<8x!tpu.dma_semaphore, #tpu.memory_space<semaphore_mem>> -> memref<1x!tpu.dma_semaphore, #tpu.memory_space<semaphore_mem>>
    %dma_start3A_17 = tpu.memref_squeeze %dma_start3A_16 : memref<1x!tpu.dma_semaphore, #tpu.memory_space<semaphore_mem>> -> memref<!tpu.dma_semaphore, #tpu.memory_space<semaphore_mem>>
    tpu.enqueue_indirect_dma source(%dma_start3A_15 : memref<100000x128xf32, #tpu.memory_space<hbm>>) target(%dma_start3A_9 : memref<50x128xf32, #tpu.memory_space<vmem>>) offsets(%dma_start3A_12 : memref<50xi32, #tpu.memory_space<vmem>>) semaphore(%dma_start3A_17 : memref<!tpu.dma_semaphore, #tpu.memory_space<semaphore_mem>>)
    %dma_start3A_18 = arith.constant 1 : i32
    %dma_start3A_19 = arith.constant 0 : i32
    %dma_start3A_20 = arith.constant 1 : i32
    %dma_start3A_21 = arith.constant 0 : i32
    %dma_start3A_22 = arith.constant 0 : i32
    %dma_start3A_23 = arith.constant 0 : i32
    %dma_start3A_24 = tpu.memref_slice %arg6[%dma_start3A_19, %dma_start3A_20, %dma_start3A_22, %dma_start3A_23] : memref<8x2x50x128xf32, #tpu.memory_space<vmem>> -> memref<1x1x50x128xf32, #tpu.memory_space<vmem>>
    %dma_start3A_25 = tpu.memref_squeeze %dma_start3A_24 : memref<1x1x50x128xf32, #tpu.memory_space<vmem>> -> memref<50x128xf32, #tpu.memory_space<vmem>>
    %dma_start3A_26 = arith.constant 0 : i32
    %dma_start3A_27 = tpu.memref_slice %arg5[%dma_start3A_18, %dma_start3A_26] : memref<128x50xi32, #tpu.memory_space<vmem>> -> memref<1x50xi32, #tpu.memory_space<vmem>>
    %dma_start3A_28 = tpu.memref_squeeze %dma_start3A_27 : memref<1x50xi32, #tpu.memory_space<vmem>> -> memref<50xi32, #tpu.memory_space<vmem>>
    %dma_start3A_29 = arith.constant 0 : i32
    %dma_start3A_30 = arith.constant 0 : i32
    %dma_start3A_31 = tpu.memref_slice %arg2[%dma_start3A_29, %dma_start3A_30] : memref<100000x128xf32, #tpu.memory_space<hbm>> -> memref<100000x128xf32, #tpu.memory_space<hbm>>
    %dma_start3A_32 = tpu.memref_slice %arg7[%dma_start3A_21] : memref<8x!tpu.dma_semaphore, #tpu.memory_space<semaphore_mem>> -> memref<1x!tpu.dma_semaphore, #tpu.memory_space<semaphore_mem>>
    %dma_start3A_33 = tpu.memref_squeeze %dma_start3A_32 : memref<1x!tpu.dma_semaphore, #tpu.memory_space<semaphore_mem>> -> memref<!tpu.dma_semaphore, #tpu.memory_space<semaphore_mem>>
    tpu.enqueue_indirect_dma source(%dma_start3A_31 : memref<100000x128xf32, #tpu.memory_space<hbm>>) target(%dma_start3A_25 : memref<50x128xf32, #tpu.memory_space<vmem>>) offsets(%dma_start3A_28 : memref<50xi32, #tpu.memory_space<vmem>>) semaphore(%dma_start3A_33 : memref<!tpu.dma_semaphore, #tpu.memory_space<semaphore_mem>>)
    %dma_start3A_34 = arith.constant 2 : i32
    %dma_start3A_35 = arith.constant 1 : i32
    %dma_start3A_36 = arith.constant 0 : i32
    %dma_start3A_37 = arith.constant 1 : i32
    %dma_start3A_38 = arith.constant 0 : i32
    %dma_start3A_39 = arith.constant 0 : i32
    %dma_start3A_40 = tpu.memref_slice %arg6[%dma_start3A_35, %dma_start3A_36, %dma_start3A_38, %dma_start3A_39] : memref<8x2x50x128xf32, #tpu.memory_space<vmem>> -> memref<1x1x50x128xf32, #tpu.memory_space<vmem>>
    %dma_start3A_41 = tpu.memref_squeeze %dma_start3A_40 : memref<1x1x50x128xf32, #tpu.memory_space<vmem>> -> memref<50x128xf32, #tpu.memory_space<vmem>>
    %dma_start3A_42 = arith.constant 0 : i32
    %dma_start3A_43 = tpu.memref_slice %arg5[%dma_start3A_34, %dma_start3A_42] : memref<128x50xi32, #tpu.memory_space<vmem>> -> memref<1x50xi32, #tpu.memory_space<vmem>>
    %dma_start3A_44 = tpu.memref_squeeze %dma_start3A_43 : memref<1x50xi32, #tpu.memory_space<vmem>> -> memref<50xi32, #tpu.memory_space<vmem>>
    %dma_start3A_45 = arith.constant 0 : i32
    %dma_start3A_46 = arith.constant 0 : i32
    %dma_start3A_47 = tpu.memref_slice %arg2[%dma_start3A_45, %dma_start3A_46] : memref<100000x128xf32, #tpu.memory_space<hbm>> -> memref<100000x128xf32, #tpu.memory_space<hbm>>
    %dma_start3A_48 = tpu.memref_slice %arg7[%dma_start3A_37] : memref<8x!tpu.dma_semaphore, #tpu.memory_space<semaphore_mem>> -> memref<1x!tpu.dma_semaphore, #tpu.memory_space<semaphore_mem>>
    %dma_start3A_49 = tpu.memref_squeeze %dma_start3A_48 : memref<1x!tpu.dma_semaphore, #tpu.memory_space<semaphore_mem>> -> memref<!tpu.dma_semaphore, #tpu.memory_space<semaphore_mem>>
    tpu.enqueue_indirect_dma source(%dma_start3A_47 : memref<100000x128xf32, #tpu.memory_space<hbm>>) target(%dma_start3A_41 : memref<50x128xf32, #tpu.memory_space<vmem>>) offsets(%dma_start3A_44 : memref<50xi32, #tpu.memory_space<vmem>>) semaphore(%dma_start3A_49 : memref<!tpu.dma_semaphore, #tpu.memory_space<semaphore_mem>>)
    %dma_start3A_50 = arith.constant 3 : i32
    %dma_start3A_51 = arith.constant 1 : i32
    %dma_start3A_52 = arith.constant 1 : i32
    %dma_start3A_53 = arith.constant 1 : i32
    %dma_start3A_54 = arith.constant 0 : i32
    %dma_start3A_55 = arith.constant 0 : i32
    %dma_start3A_56 = tpu.memref_slice %arg6[%dma_start3A_51, %dma_start3A_52, %dma_start3A_54, %dma_start3A_55] : memref<8x2x50x128xf32, #tpu.memory_space<vmem>> -> memref<1x1x50x128xf32, #tpu.memory_space<vmem>>
    %dma_start3A_57 = tpu.memref_squeeze %dma_start3A_56 : memref<1x1x50x128xf32, #tpu.memory_space<vmem>> -> memref<50x128xf32, #tpu.memory_space<vmem>>
    %dma_start3A_58 = arith.constant 0 : i32
    %dma_start3A_59 = tpu.memref_slice %arg5[%dma_start3A_50, %dma_start3A_58] : memref<128x50xi32, #tpu.memory_space<vmem>> -> memref<1x50xi32, #tpu.memory_space<vmem>>
    %dma_start3A_60 = tpu.memref_squeeze %dma_start3A_59 : memref<1x50xi32, #tpu.memory_space<vmem>> -> memref<50xi32, #tpu.memory_space<vmem>>
    %dma_start3A_61 = arith.constant 0 : i32
    %dma_start3A_62 = arith.constant 0 : i32
    %dma_start3A_63 = tpu.memref_slice %arg2[%dma_start3A_61, %dma_start3A_62] : memref<100000x128xf32, #tpu.memory_space<hbm>> -> memref<100000x128xf32, #tpu.memory_space<hbm>>
    %dma_start3A_64 = tpu.memref_slice %arg7[%dma_start3A_53] : memref<8x!tpu.dma_semaphore, #tpu.memory_space<semaphore_mem>> -> memref<1x!tpu.dma_semaphore, #tpu.memory_space<semaphore_mem>>
    %dma_start3A_65 = tpu.memref_squeeze %dma_start3A_64 : memref<1x!tpu.dma_semaphore, #tpu.memory_space<semaphore_mem>> -> memref<!tpu.dma_semaphore, #tpu.memory_space<semaphore_mem>>
    tpu.enqueue_indirect_dma source(%dma_start3A_63 : memref<100000x128xf32, #tpu.memory_space<hbm>>) target(%dma_start3A_57 : memref<50x128xf32, #tpu.memory_space<vmem>>) offsets(%dma_start3A_60 : memref<50xi32, #tpu.memory_space<vmem>>) semaphore(%dma_start3A_65 : memref<!tpu.dma_semaphore, #tpu.memory_space<semaphore_mem>>)
    %dma_start3A_66 = arith.constant 4 : i32
    %dma_start3A_67 = arith.constant 2 : i32
    %dma_start3A_68 = arith.constant 0 : i32
    %dma_start3A_69 = arith.constant 2 : i32
    %dma_start3A_70 = arith.constant 0 : i32
    %dma_start3A_71 = arith.constant 0 : i32
    %dma_start3A_72 = tpu.memref_slice %arg6[%dma_start3A_67, %dma_start3A_68, %dma_start3A_70, %dma_start3A_71] : memref<8x2x50x128xf32, #tpu.memory_space<vmem>> -> memref<1x1x50x128xf32, #tpu.memory_space<vmem>>
    %dma_start3A_73 = tpu.memref_squeeze %dma_start3A_72 : memref<1x1x50x128xf32, #tpu.memory_space<vmem>> -> memref<50x128xf32, #tpu.memory_space<vmem>>
    %dma_start3A_74 = arith.constant 0 : i32
    %dma_start3A_75 = tpu.memref_slice %arg5[%dma_start3A_66, %dma_start3A_74] : memref<128x50xi32, #tpu.memory_space<vmem>> -> memref<1x50xi32, #tpu.memory_space<vmem>>
    %dma_start3A_76 = tpu.memref_squeeze %dma_start3A_75 : memref<1x50xi32, #tpu.memory_space<vmem>> -> memref<50xi32, #tpu.memory_space<vmem>>
    %dma_start3A_77 = arith.constant 0 : i32
    %dma_start3A_78 = arith.constant 0 : i32
    %dma_start3A_79 = tpu.memref_slice %arg2[%dma_start3A_77, %dma_start3A_78] : memref<100000x128xf32, #tpu.memory_space<hbm>> -> memref<100000x128xf32, #tpu.memory_space<hbm>>
    %dma_start3A_80 = tpu.memref_slice %arg7[%dma_start3A_69] : memref<8x!tpu.dma_semaphore, #tpu.memory_space<semaphore_mem>> -> memref<1x!tpu.dma_semaphore, #tpu.memory_space<semaphore_mem>>
    %dma_start3A_81 = tpu.memref_squeeze %dma_start3A_80 : memref<1x!tpu.dma_semaphore, #tpu.memory_space<semaphore_mem>> -> memref<!tpu.dma_semaphore, #tpu.memory_space<semaphore_mem>>
    tpu.enqueue_indirect_dma source(%dma_start3A_79 : memref<100000x128xf32, #tpu.memory_space<hbm>>) target(%dma_start3A_73 : memref<50x128xf32, #tpu.memory_space<vmem>>) offsets(%dma_start3A_76 : memref<50xi32, #tpu.memory_space<vmem>>) semaphore(%dma_start3A_81 : memref<!tpu.dma_semaphore, #tpu.memory_space<semaphore_mem>>)
    %dma_start3A_82 = arith.constant 5 : i32
    %dma_start3A_83 = arith.constant 2 : i32
    %dma_start3A_84 = arith.constant 1 : i32
    %dma_start3A_85 = arith.constant 2 : i32
    %dma_start3A_86 = arith.constant 0 : i32
    %dma_start3A_87 = arith.constant 0 : i32
    %dma_start3A_88 = tpu.memref_slice %arg6[%dma_start3A_83, %dma_start3A_84, %dma_start3A_86, %dma_start3A_87] : memref<8x2x50x128xf32, #tpu.memory_space<vmem>> -> memref<1x1x50x128xf32, #tpu.memory_space<vmem>>
    %dma_start3A_89 = tpu.memref_squeeze %dma_start3A_88 : memref<1x1x50x128xf32, #tpu.memory_space<vmem>> -> memref<50x128xf32, #tpu.memory_space<vmem>>
    %dma_start3A_90 = arith.constant 0 : i32
    %dma_start3A_91 = tpu.memref_slice %arg5[%dma_start3A_82, %dma_start3A_90] : memref<128x50xi32, #tpu.memory_space<vmem>> -> memref<1x50xi32, #tpu.memory_space<vmem>>
    %dma_start3A_92 = tpu.memref_squeeze %dma_start3A_91 : memref<1x50xi32, #tpu.memory_space<vmem>> -> memref<50xi32, #tpu.memory_space<vmem>>
    %dma_start3A_93 = arith.constant 0 : i32
    %dma_start3A_94 = arith.constant 0 : i32
    %dma_start3A_95 = tpu.memref_slice %arg2[%dma_start3A_93, %dma_start3A_94] : memref<100000x128xf32, #tpu.memory_space<hbm>> -> memref<100000x128xf32, #tpu.memory_space<hbm>>
    %dma_start3A_96 = tpu.memref_slice %arg7[%dma_start3A_85] : memref<8x!tpu.dma_semaphore, #tpu.memory_space<semaphore_mem>> -> memref<1x!tpu.dma_semaphore, #tpu.memory_space<semaphore_mem>>
    %dma_start3A_97 = tpu.memref_squeeze %dma_start3A_96 : memref<1x!tpu.dma_semaphore, #tpu.memory_space<semaphore_mem>> -> memref<!tpu.dma_semaphore, #tpu.memory_space<semaphore_mem>>
    tpu.enqueue_indirect_dma source(%dma_start3A_95 : memref<100000x128xf32, #tpu.memory_space<hbm>>) target(%dma_start3A_89 : memref<50x128xf32, #tpu.memory_space<vmem>>) offsets(%dma_start3A_92 : memref<50xi32, #tpu.memory_space<vmem>>) semaphore(%dma_start3A_97 : memref<!tpu.dma_semaphore, #tpu.memory_space<semaphore_mem>>)
    %dma_start3A_98 = arith.constant 6 : i32
    %dma_start3A_99 = arith.constant 3 : i32
    %dma_start3A_100 = arith.constant 0 : i32
    %dma_start3A_101 = arith.constant 3 : i32
    %dma_start3A_102 = arith.constant 0 : i32
    %dma_start3A_103 = arith.constant 0 : i32
    %dma_start3A_104 = tpu.memref_slice %arg6[%dma_start3A_99, %dma_start3A_100, %dma_start3A_102, %dma_start3A_103] : memref<8x2x50x128xf32, #tpu.memory_space<vmem>> -> memref<1x1x50x128xf32, #tpu.memory_space<vmem>>
    %dma_start3A_105 = tpu.memref_squeeze %dma_start3A_104 : memref<1x1x50x128xf32, #tpu.memory_space<vmem>> -> memref<50x128xf32, #tpu.memory_space<vmem>>
    %dma_start3A_106 = arith.constant 0 : i32
    %dma_start3A_107 = tpu.memref_slice %arg5[%dma_start3A_98, %dma_start3A_106] : memref<128x50xi32, #tpu.memory_space<vmem>> -> memref<1x50xi32, #tpu.memory_space<vmem>>
    %dma_start3A_108 = tpu.memref_squeeze %dma_start3A_107 : memref<1x50xi32, #tpu.memory_space<vmem>> -> memref<50xi32, #tpu.memory_space<vmem>>
    %dma_start3A_109 = arith.constant 0 : i32
    %dma_start3A_110 = arith.constant 0 : i32
    %dma_start3A_111 = tpu.memref_slice %arg2[%dma_start3A_109, %dma_start3A_110] : memref<100000x128xf32, #tpu.memory_space<hbm>> -> memref<100000x128xf32, #tpu.memory_space<hbm>>
    %dma_start3A_112 = tpu.memref_slice %arg7[%dma_start3A_101] : memref<8x!tpu.dma_semaphore, #tpu.memory_space<semaphore_mem>> -> memref<1x!tpu.dma_semaphore, #tpu.memory_space<semaphore_mem>>
    %dma_start3A_113 = tpu.memref_squeeze %dma_start3A_112 : memref<1x!tpu.dma_semaphore, #tpu.memory_space<semaphore_mem>> -> memref<!tpu.dma_semaphore, #tpu.memory_space<semaphore_mem>>
    tpu.enqueue_indirect_dma source(%dma_start3A_111 : memref<100000x128xf32, #tpu.memory_space<hbm>>) target(%dma_start3A_105 : memref<50x128xf32, #tpu.memory_space<vmem>>) offsets(%dma_start3A_108 : memref<50xi32, #tpu.memory_space<vmem>>) semaphore(%dma_start3A_113 : memref<!tpu.dma_semaphore, #tpu.memory_space<semaphore_mem>>)
    %dma_start3A_114 = arith.constant 7 : i32
    %dma_start3A_115 = arith.constant 3 : i32
    %dma_start3A_116 = arith.constant 1 : i32
    %dma_start3A_117 = arith.constant 3 : i32
    %dma_start3A_118 = arith.constant 0 : i32
    %dma_start3A_119 = arith.constant 0 : i32
    %dma_start3A_120 = tpu.memref_slice %arg6[%dma_start3A_115, %dma_start3A_116, %dma_start3A_118, %dma_start3A_119] : memref<8x2x50x128xf32, #tpu.memory_space<vmem>> -> memref<1x1x50x128xf32, #tpu.memory_space<vmem>>
    %dma_start3A_121 = tpu.memref_squeeze %dma_start3A_120 : memref<1x1x50x128xf32, #tpu.memory_space<vmem>> -> memref<50x128xf32, #tpu.memory_space<vmem>>
    %dma_start3A_122 = arith.constant 0 : i32
    %dma_start3A_123 = tpu.memref_slice %arg5[%dma_start3A_114, %dma_start3A_122] : memref<128x50xi32, #tpu.memory_space<vmem>> -> memref<1x50xi32, #tpu.memory_space<vmem>>
    %dma_start3A_124 = tpu.memref_squeeze %dma_start3A_123 : memref<1x50xi32, #tpu.memory_space<vmem>> -> memref<50xi32, #tpu.memory_space<vmem>>
    %dma_start3A_125 = arith.constant 0 : i32
    %dma_start3A_126 = arith.constant 0 : i32
    %dma_start3A_127 = tpu.memref_slice %arg2[%dma_start3A_125, %dma_start3A_126] : memref<100000x128xf32, #tpu.memory_space<hbm>> -> memref<100000x128xf32, #tpu.memory_space<hbm>>
    %dma_start3A_128 = tpu.memref_slice %arg7[%dma_start3A_117] : memref<8x!tpu.dma_semaphore, #tpu.memory_space<semaphore_mem>> -> memref<1x!tpu.dma_semaphore, #tpu.memory_space<semaphore_mem>>
    %dma_start3A_129 = tpu.memref_squeeze %dma_start3A_128 : memref<1x!tpu.dma_semaphore, #tpu.memory_space<semaphore_mem>> -> memref<!tpu.dma_semaphore, #tpu.memory_space<semaphore_mem>>
    tpu.enqueue_indirect_dma source(%dma_start3A_127 : memref<100000x128xf32, #tpu.memory_space<hbm>>) target(%dma_start3A_121 : memref<50x128xf32, #tpu.memory_space<vmem>>) offsets(%dma_start3A_124 : memref<50xi32, #tpu.memory_space<vmem>>) semaphore(%dma_start3A_129 : memref<!tpu.dma_semaphore, #tpu.memory_space<semaphore_mem>>)
    %dma_start3A_130 = arith.constant 8 : i32
    %dma_start3A_131 = arith.constant 4 : i32
    %dma_start3A_132 = arith.constant 0 : i32
    %dma_start3A_133 = arith.constant 4 : i32
    %dma_start3A_134 = arith.constant 0 : i32
    %dma_start3A_135 = arith.constant 0 : i32
    %dma_start3A_136 = tpu.memref_slice %arg6[%dma_start3A_131, %dma_start3A_132, %dma_start3A_134, %dma_start3A_135] : memref<8x2x50x128xf32, #tpu.memory_space<vmem>> -> memref<1x1x50x128xf32, #tpu.memory_space<vmem>>
    %dma_start3A_137 = tpu.memref_squeeze %dma_start3A_136 : memref<1x1x50x128xf32, #tpu.memory_space<vmem>> -> memref<50x128xf32, #tpu.memory_space<vmem>>
    %dma_start3A_138 = arith.constant 0 : i32
    %dma_start3A_139 = tpu.memref_slice %arg5[%dma_start3A_130, %dma_start3A_138] : memref<128x50xi32, #tpu.memory_space<vmem>> -> memref<1x50xi32, #tpu.memory_space<vmem>>
    %dma_start3A_140 = tpu.memref_squeeze %dma_start3A_139 : memref<1x50xi32, #tpu.memory_space<vmem>> -> memref<50xi32, #tpu.memory_space<vmem>>
    %dma_start3A_141 = arith.constant 0 : i32
    %dma_start3A_142 = arith.constant 0 : i32
    %dma_start3A_143 = tpu.memref_slice %arg2[%dma_start3A_141, %dma_start3A_142] : memref<100000x128xf32, #tpu.memory_space<hbm>> -> memref<100000x128xf32, #tpu.memory_space<hbm>>
    %dma_start3A_144 = tpu.memref_slice %arg7[%dma_start3A_133] : memref<8x!tpu.dma_semaphore, #tpu.memory_space<semaphore_mem>> -> memref<1x!tpu.dma_semaphore, #tpu.memory_space<semaphore_mem>>
    %dma_start3A_145 = tpu.memref_squeeze %dma_start3A_144 : memref<1x!tpu.dma_semaphore, #tpu.memory_space<semaphore_mem>> -> memref<!tpu.dma_semaphore, #tpu.memory_space<semaphore_mem>>
    tpu.enqueue_indirect_dma source(%dma_start3A_143 : memref<100000x128xf32, #tpu.memory_space<hbm>>) target(%dma_start3A_137 : memref<50x128xf32, #tpu.memory_space<vmem>>) offsets(%dma_start3A_140 : memref<50xi32, #tpu.memory_space<vmem>>) semaphore(%dma_start3A_145 : memref<!tpu.dma_semaphore, #tpu.memory_space<semaphore_mem>>)
    %dma_start3A_146 = arith.constant 9 : i32
    %dma_start3A_147 = arith.constant 4 : i32
    %dma_start3A_148 = arith.constant 1 : i32
    %dma_start3A_149 = arith.constant 4 : i32
    %dma_start3A_150 = arith.constant 0 : i32
    %dma_start3A_151 = arith.constant 0 : i32
    %dma_start3A_152 = tpu.memref_slice %arg6[%dma_start3A_147, %dma_start3A_148, %dma_start3A_150, %dma_start3A_151] : memref<8x2x50x128xf32, #tpu.memory_space<vmem>> -> memref<1x1x50x128xf32, #tpu.memory_space<vmem>>
    %dma_start3A_153 = tpu.memref_squeeze %dma_start3A_152 : memref<1x1x50x128xf32, #tpu.memory_space<vmem>> -> memref<50x128xf32, #tpu.memory_space<vmem>>
    %dma_start3A_154 = arith.constant 0 : i32
    %dma_start3A_155 = tpu.memref_slice %arg5[%dma_start3A_146, %dma_start3A_154] : memref<128x50xi32, #tpu.memory_space<vmem>> -> memref<1x50xi32, #tpu.memory_space<vmem>>
    %dma_start3A_156 = tpu.memref_squeeze %dma_start3A_155 : memref<1x50xi32, #tpu.memory_space<vmem>> -> memref<50xi32, #tpu.memory_space<vmem>>
    %dma_start3A_157 = arith.constant 0 : i32
    %dma_start3A_158 = arith.constant 0 : i32
    %dma_start3A_159 = tpu.memref_slice %arg2[%dma_start3A_157, %dma_start3A_158] : memref<100000x128xf32, #tpu.memory_space<hbm>> -> memref<100000x128xf32, #tpu.memory_space<hbm>>
    %dma_start3A_160 = tpu.memref_slice %arg7[%dma_start3A_149] : memref<8x!tpu.dma_semaphore, #tpu.memory_space<semaphore_mem>> -> memref<1x!tpu.dma_semaphore, #tpu.memory_space<semaphore_mem>>
    %dma_start3A_161 = tpu.memref_squeeze %dma_start3A_160 : memref<1x!tpu.dma_semaphore, #tpu.memory_space<semaphore_mem>> -> memref<!tpu.dma_semaphore, #tpu.memory_space<semaphore_mem>>
    tpu.enqueue_indirect_dma source(%dma_start3A_159 : memref<100000x128xf32, #tpu.memory_space<hbm>>) target(%dma_start3A_153 : memref<50x128xf32, #tpu.memory_space<vmem>>) offsets(%dma_start3A_156 : memref<50xi32, #tpu.memory_space<vmem>>) semaphore(%dma_start3A_161 : memref<!tpu.dma_semaphore, #tpu.memory_space<semaphore_mem>>)
    %dma_start3A_162 = arith.constant 10 : i32
    %dma_start3A_163 = arith.constant 5 : i32
    %dma_start3A_164 = arith.constant 0 : i32
    %dma_start3A_165 = arith.constant 5 : i32
    %dma_start3A_166 = arith.constant 0 : i32
    %dma_start3A_167 = arith.constant 0 : i32
    %dma_start3A_168 = tpu.memref_slice %arg6[%dma_start3A_163, %dma_start3A_164, %dma_start3A_166, %dma_start3A_167] : memref<8x2x50x128xf32, #tpu.memory_space<vmem>> -> memref<1x1x50x128xf32, #tpu.memory_space<vmem>>
    %dma_start3A_169 = tpu.memref_squeeze %dma_start3A_168 : memref<1x1x50x128xf32, #tpu.memory_space<vmem>> -> memref<50x128xf32, #tpu.memory_space<vmem>>
    %dma_start3A_170 = arith.constant 0 : i32
    %dma_start3A_171 = tpu.memref_slice %arg5[%dma_start3A_162, %dma_start3A_170] : memref<128x50xi32, #tpu.memory_space<vmem>> -> memref<1x50xi32, #tpu.memory_space<vmem>>
    %dma_start3A_172 = tpu.memref_squeeze %dma_start3A_171 : memref<1x50xi32, #tpu.memory_space<vmem>> -> memref<50xi32, #tpu.memory_space<vmem>>
    %dma_start3A_173 = arith.constant 0 : i32
    %dma_start3A_174 = arith.constant 0 : i32
    %dma_start3A_175 = tpu.memref_slice %arg2[%dma_start3A_173, %dma_start3A_174] : memref<100000x128xf32, #tpu.memory_space<hbm>> -> memref<100000x128xf32, #tpu.memory_space<hbm>>
    %dma_start3A_176 = tpu.memref_slice %arg7[%dma_start3A_165] : memref<8x!tpu.dma_semaphore, #tpu.memory_space<semaphore_mem>> -> memref<1x!tpu.dma_semaphore, #tpu.memory_space<semaphore_mem>>
    %dma_start3A_177 = tpu.memref_squeeze %dma_start3A_176 : memref<1x!tpu.dma_semaphore, #tpu.memory_space<semaphore_mem>> -> memref<!tpu.dma_semaphore, #tpu.memory_space<semaphore_mem>>
    tpu.enqueue_indirect_dma source(%dma_start3A_175 : memref<100000x128xf32, #tpu.memory_space<hbm>>) target(%dma_start3A_169 : memref<50x128xf32, #tpu.memory_space<vmem>>) offsets(%dma_start3A_172 : memref<50xi32, #tpu.memory_space<vmem>>) semaphore(%dma_start3A_177 : memref<!tpu.dma_semaphore, #tpu.memory_space<semaphore_mem>>)
    %dma_start3A_178 = arith.constant 11 : i32
    %dma_start3A_179 = arith.constant 5 : i32
    %dma_start3A_180 = arith.constant 1 : i32
    %dma_start3A_181 = arith.constant 5 : i32
    %dma_start3A_182 = arith.constant 0 : i32
    %dma_start3A_183 = arith.constant 0 : i32
    %dma_start3A_184 = tpu.memref_slice %arg6[%dma_start3A_179, %dma_start3A_180, %dma_start3A_182, %dma_start3A_183] : memref<8x2x50x128xf32, #tpu.memory_space<vmem>> -> memref<1x1x50x128xf32, #tpu.memory_space<vmem>>
    %dma_start3A_185 = tpu.memref_squeeze %dma_start3A_184 : memref<1x1x50x128xf32, #tpu.memory_space<vmem>> -> memref<50x128xf32, #tpu.memory_space<vmem>>
    %dma_start3A_186 = arith.constant 0 : i32
    %dma_start3A_187 = tpu.memref_slice %arg5[%dma_start3A_178, %dma_start3A_186] : memref<128x50xi32, #tpu.memory_space<vmem>> -> memref<1x50xi32, #tpu.memory_space<vmem>>
    %dma_start3A_188 = tpu.memref_squeeze %dma_start3A_187 : memref<1x50xi32, #tpu.memory_space<vmem>> -> memref<50xi32, #tpu.memory_space<vmem>>
    %dma_start3A_189 = arith.constant 0 : i32
    %dma_start3A_190 = arith.constant 0 : i32
    %dma_start3A_191 = tpu.memref_slice %arg2[%dma_start3A_189, %dma_start3A_190] : memref<100000x128xf32, #tpu.memory_space<hbm>> -> memref<100000x128xf32, #tpu.memory_space<hbm>>
    %dma_start3A_192 = tpu.memref_slice %arg7[%dma_start3A_181] : memref<8x!tpu.dma_semaphore, #tpu.memory_space<semaphore_mem>> -> memref<1x!tpu.dma_semaphore, #tpu.memory_space<semaphore_mem>>
    %dma_start3A_193 = tpu.memref_squeeze %dma_start3A_192 : memref<1x!tpu.dma_semaphore, #tpu.memory_space<semaphore_mem>> -> memref<!tpu.dma_semaphore, #tpu.memory_space<semaphore_mem>>
    tpu.enqueue_indirect_dma source(%dma_start3A_191 : memref<100000x128xf32, #tpu.memory_space<hbm>>) target(%dma_start3A_185 : memref<50x128xf32, #tpu.memory_space<vmem>>) offsets(%dma_start3A_188 : memref<50xi32, #tpu.memory_space<vmem>>) semaphore(%dma_start3A_193 : memref<!tpu.dma_semaphore, #tpu.memory_space<semaphore_mem>>)
    %dma_start3A_194 = arith.constant 12 : i32
    %dma_start3A_195 = arith.constant 6 : i32
    %dma_start3A_196 = arith.constant 0 : i32
    %dma_start3A_197 = arith.constant 6 : i32
    %dma_start3A_198 = arith.constant 0 : i32
    %dma_start3A_199 = arith.constant 0 : i32
    %dma_start3A_200 = tpu.memref_slice %arg6[%dma_start3A_195, %dma_start3A_196, %dma_start3A_198, %dma_start3A_199] : memref<8x2x50x128xf32, #tpu.memory_space<vmem>> -> memref<1x1x50x128xf32, #tpu.memory_space<vmem>>
    %dma_start3A_201 = tpu.memref_squeeze %dma_start3A_200 : memref<1x1x50x128xf32, #tpu.memory_space<vmem>> -> memref<50x128xf32, #tpu.memory_space<vmem>>
    %dma_start3A_202 = arith.constant 0 : i32
    %dma_start3A_203 = tpu.memref_slice %arg5[%dma_start3A_194, %dma_start3A_202] : memref<128x50xi32, #tpu.memory_space<vmem>> -> memref<1x50xi32, #tpu.memory_space<vmem>>
    %dma_start3A_204 = tpu.memref_squeeze %dma_start3A_203 : memref<1x50xi32, #tpu.memory_space<vmem>> -> memref<50xi32, #tpu.memory_space<vmem>>
    %dma_start3A_205 = arith.constant 0 : i32
    %dma_start3A_206 = arith.constant 0 : i32
    %dma_start3A_207 = tpu.memref_slice %arg2[%dma_start3A_205, %dma_start3A_206] : memref<100000x128xf32, #tpu.memory_space<hbm>> -> memref<100000x128xf32, #tpu.memory_space<hbm>>
    %dma_start3A_208 = tpu.memref_slice %arg7[%dma_start3A_197] : memref<8x!tpu.dma_semaphore, #tpu.memory_space<semaphore_mem>> -> memref<1x!tpu.dma_semaphore, #tpu.memory_space<semaphore_mem>>
    %dma_start3A_209 = tpu.memref_squeeze %dma_start3A_208 : memref<1x!tpu.dma_semaphore, #tpu.memory_space<semaphore_mem>> -> memref<!tpu.dma_semaphore, #tpu.memory_space<semaphore_mem>>
    tpu.enqueue_indirect_dma source(%dma_start3A_207 : memref<100000x128xf32, #tpu.memory_space<hbm>>) target(%dma_start3A_201 : memref<50x128xf32, #tpu.memory_space<vmem>>) offsets(%dma_start3A_204 : memref<50xi32, #tpu.memory_space<vmem>>) semaphore(%dma_start3A_209 : memref<!tpu.dma_semaphore, #tpu.memory_space<semaphore_mem>>)
    %dma_start3A_210 = arith.constant 13 : i32
    %dma_start3A_211 = arith.constant 6 : i32
    %dma_start3A_212 = arith.constant 1 : i32
    %dma_start3A_213 = arith.constant 6 : i32
    %dma_start3A_214 = arith.constant 0 : i32
    %dma_start3A_215 = arith.constant 0 : i32
    %dma_start3A_216 = tpu.memref_slice %arg6[%dma_start3A_211, %dma_start3A_212, %dma_start3A_214, %dma_start3A_215] : memref<8x2x50x128xf32, #tpu.memory_space<vmem>> -> memref<1x1x50x128xf32, #tpu.memory_space<vmem>>
    %dma_start3A_217 = tpu.memref_squeeze %dma_start3A_216 : memref<1x1x50x128xf32, #tpu.memory_space<vmem>> -> memref<50x128xf32, #tpu.memory_space<vmem>>
    %dma_start3A_218 = arith.constant 0 : i32
    %dma_start3A_219 = tpu.memref_slice %arg5[%dma_start3A_210, %dma_start3A_218] : memref<128x50xi32, #tpu.memory_space<vmem>> -> memref<1x50xi32, #tpu.memory_space<vmem>>
    %dma_start3A_220 = tpu.memref_squeeze %dma_start3A_219 : memref<1x50xi32, #tpu.memory_space<vmem>> -> memref<50xi32, #tpu.memory_space<vmem>>
    %dma_start3A_221 = arith.constant 0 : i32
    %dma_start3A_222 = arith.constant 0 : i32
    %dma_start3A_223 = tpu.memref_slice %arg2[%dma_start3A_221, %dma_start3A_222] : memref<100000x128xf32, #tpu.memory_space<hbm>> -> memref<100000x128xf32, #tpu.memory_space<hbm>>
    %dma_start3A_224 = tpu.memref_slice %arg7[%dma_start3A_213] : memref<8x!tpu.dma_semaphore, #tpu.memory_space<semaphore_mem>> -> memref<1x!tpu.dma_semaphore, #tpu.memory_space<semaphore_mem>>
    %dma_start3A_225 = tpu.memref_squeeze %dma_start3A_224 : memref<1x!tpu.dma_semaphore, #tpu.memory_space<semaphore_mem>> -> memref<!tpu.dma_semaphore, #tpu.memory_space<semaphore_mem>>
    tpu.enqueue_indirect_dma source(%dma_start3A_223 : memref<100000x128xf32, #tpu.memory_space<hbm>>) target(%dma_start3A_217 : memref<50x128xf32, #tpu.memory_space<vmem>>) offsets(%dma_start3A_220 : memref<50xi32, #tpu.memory_space<vmem>>) semaphore(%dma_start3A_225 : memref<!tpu.dma_semaphore, #tpu.memory_space<semaphore_mem>>)
    %dma_start3A_226 = arith.constant 14 : i32
    %dma_start3A_227 = arith.constant 7 : i32
    %dma_start3A_228 = arith.constant 0 : i32
    %dma_start3A_229 = arith.constant 7 : i32
    %dma_start3A_230 = arith.constant 0 : i32
    %dma_start3A_231 = arith.constant 0 : i32
    %dma_start3A_232 = tpu.memref_slice %arg6[%dma_start3A_227, %dma_start3A_228, %dma_start3A_230, %dma_start3A_231] : memref<8x2x50x128xf32, #tpu.memory_space<vmem>> -> memref<1x1x50x128xf32, #tpu.memory_space<vmem>>
    %dma_start3A_233 = tpu.memref_squeeze %dma_start3A_232 : memref<1x1x50x128xf32, #tpu.memory_space<vmem>> -> memref<50x128xf32, #tpu.memory_space<vmem>>
    %dma_start3A_234 = arith.constant 0 : i32
    %dma_start3A_235 = tpu.memref_slice %arg5[%dma_start3A_226, %dma_start3A_234] : memref<128x50xi32, #tpu.memory_space<vmem>> -> memref<1x50xi32, #tpu.memory_space<vmem>>
    %dma_start3A_236 = tpu.memref_squeeze %dma_start3A_235 : memref<1x50xi32, #tpu.memory_space<vmem>> -> memref<50xi32, #tpu.memory_space<vmem>>
    %dma_start3A_237 = arith.constant 0 : i32
    %dma_start3A_238 = arith.constant 0 : i32
    %dma_start3A_239 = tpu.memref_slice %arg2[%dma_start3A_237, %dma_start3A_238] : memref<100000x128xf32, #tpu.memory_space<hbm>> -> memref<100000x128xf32, #tpu.memory_space<hbm>>
    %dma_start3A_240 = tpu.memref_slice %arg7[%dma_start3A_229] : memref<8x!tpu.dma_semaphore, #tpu.memory_space<semaphore_mem>> -> memref<1x!tpu.dma_semaphore, #tpu.memory_space<semaphore_mem>>
    %dma_start3A_241 = tpu.memref_squeeze %dma_start3A_240 : memref<1x!tpu.dma_semaphore, #tpu.memory_space<semaphore_mem>> -> memref<!tpu.dma_semaphore, #tpu.memory_space<semaphore_mem>>
    tpu.enqueue_indirect_dma source(%dma_start3A_239 : memref<100000x128xf32, #tpu.memory_space<hbm>>) target(%dma_start3A_233 : memref<50x128xf32, #tpu.memory_space<vmem>>) offsets(%dma_start3A_236 : memref<50xi32, #tpu.memory_space<vmem>>) semaphore(%dma_start3A_241 : memref<!tpu.dma_semaphore, #tpu.memory_space<semaphore_mem>>)
    %dma_start3A_242 = arith.constant 15 : i32
    %dma_start3A_243 = arith.constant 7 : i32
    %dma_start3A_244 = arith.constant 1 : i32
    %dma_start3A_245 = arith.constant 7 : i32
    %dma_start3A_246 = arith.constant 0 : i32
    %dma_start3A_247 = arith.constant 0 : i32
    %dma_start3A_248 = tpu.memref_slice %arg6[%dma_start3A_243, %dma_start3A_244, %dma_start3A_246, %dma_start3A_247] : memref<8x2x50x128xf32, #tpu.memory_space<vmem>> -> memref<1x1x50x128xf32, #tpu.memory_space<vmem>>
    %dma_start3A_249 = tpu.memref_squeeze %dma_start3A_248 : memref<1x1x50x128xf32, #tpu.memory_space<vmem>> -> memref<50x128xf32, #tpu.memory_space<vmem>>
    %dma_start3A_250 = arith.constant 0 : i32
    %dma_start3A_251 = tpu.memref_slice %arg5[%dma_start3A_242, %dma_start3A_250] : memref<128x50xi32, #tpu.memory_space<vmem>> -> memref<1x50xi32, #tpu.memory_space<vmem>>
    %dma_start3A_252 = tpu.memref_squeeze %dma_start3A_251 : memref<1x50xi32, #tpu.memory_space<vmem>> -> memref<50xi32, #tpu.memory_space<vmem>>
    %dma_start3A_253 = arith.constant 0 : i32
    %dma_start3A_254 = arith.constant 0 : i32
    %dma_start3A_255 = tpu.memref_slice %arg2[%dma_start3A_253, %dma_start3A_254] : memref<100000x128xf32, #tpu.memory_space<hbm>> -> memref<100000x128xf32, #tpu.memory_space<hbm>>
    %dma_start3A_256 = tpu.memref_slice %arg7[%dma_start3A_245] : memref<8x!tpu.dma_semaphore, #tpu.memory_space<semaphore_mem>> -> memref<1x!tpu.dma_semaphore, #tpu.memory_space<semaphore_mem>>
    %dma_start3A_257 = tpu.memref_squeeze %dma_start3A_256 : memref<1x!tpu.dma_semaphore, #tpu.memory_space<semaphore_mem>> -> memref<!tpu.dma_semaphore, #tpu.memory_space<semaphore_mem>>
    tpu.enqueue_indirect_dma source(%dma_start3A_255 : memref<100000x128xf32, #tpu.memory_space<hbm>>) target(%dma_start3A_249 : memref<50x128xf32, #tpu.memory_space<vmem>>) offsets(%dma_start3A_252 : memref<50xi32, #tpu.memory_space<vmem>>) semaphore(%dma_start3A_257 : memref<!tpu.dma_semaphore, #tpu.memory_space<semaphore_mem>>)
    %dma_wait3A = arith.constant 0 : i32
    %dma_wait3A_258 = arith.constant 0 : i32
    %dma_wait3A_259 = arith.constant 0 : i32
    %dma_wait3A_260 = arith.constant 0 : i32
    %dma_wait3A_261 = arith.constant 0 : i32
    %dma_wait3A_262 = arith.constant 0 : i32
    %dma_wait3A_263 = tpu.memref_slice %arg6[%dma_wait3A_258, %dma_wait3A_259, %dma_wait3A_261, %dma_wait3A_262] : memref<8x2x50x128xf32, #tpu.memory_space<vmem>> -> memref<1x1x50x128xf32, #tpu.memory_space<vmem>>
    %dma_wait3A_264 = tpu.memref_squeeze %dma_wait3A_263 : memref<1x1x50x128xf32, #tpu.memory_space<vmem>> -> memref<50x128xf32, #tpu.memory_space<vmem>>
    %dma_wait3A_265 = arith.constant 0 : i32
    %dma_wait3A_266 = tpu.memref_slice %arg5[%dma_wait3A, %dma_wait3A_265] : memref<128x50xi32, #tpu.memory_space<vmem>> -> memref<1x50xi32, #tpu.memory_space<vmem>>
    %dma_wait3A_267 = tpu.memref_squeeze %dma_wait3A_266 : memref<1x50xi32, #tpu.memory_space<vmem>> -> memref<50xi32, #tpu.memory_space<vmem>>
    %dma_wait3A_268 = arith.constant 0 : i32
    %dma_wait3A_269 = arith.constant 0 : i32
    %dma_wait3A_270 = tpu.memref_slice %arg2[%dma_wait3A_268, %dma_wait3A_269] : memref<100000x128xf32, #tpu.memory_space<hbm>> -> memref<100000x128xf32, #tpu.memory_space<hbm>>
    %dma_wait3A_271 = tpu.memref_slice %arg7[%dma_wait3A_260] : memref<8x!tpu.dma_semaphore, #tpu.memory_space<semaphore_mem>> -> memref<1x!tpu.dma_semaphore, #tpu.memory_space<semaphore_mem>>
    %dma_wait3A_272 = tpu.memref_squeeze %dma_wait3A_271 : memref<1x!tpu.dma_semaphore, #tpu.memory_space<semaphore_mem>> -> memref<!tpu.dma_semaphore, #tpu.memory_space<semaphore_mem>>
    tpu.wait_indirect_dma semaphore(%dma_wait3A_272 : memref<!tpu.dma_semaphore, #tpu.memory_space<semaphore_mem>>) src(%dma_wait3A_270 : memref<100000x128xf32, #tpu.memory_space<hbm>>) dst(%dma_wait3A_264 : memref<50x128xf32, #tpu.memory_space<vmem>>)
    %dma_wait3A_273 = arith.constant 1 : i32
    %dma_wait3A_274 = arith.constant 0 : i32
    %dma_wait3A_275 = arith.constant 1 : i32
    %dma_wait3A_276 = arith.constant 0 : i32
    %dma_wait3A_277 = arith.constant 0 : i32
    %dma_wait3A_278 = arith.constant 0 : i32
    %dma_wait3A_279 = tpu.memref_slice %arg6[%dma_wait3A_274, %dma_wait3A_275, %dma_wait3A_277, %dma_wait3A_278] : memref<8x2x50x128xf32, #tpu.memory_space<vmem>> -> memref<1x1x50x128xf32, #tpu.memory_space<vmem>>
    %dma_wait3A_280 = tpu.memref_squeeze %dma_wait3A_279 : memref<1x1x50x128xf32, #tpu.memory_space<vmem>> -> memref<50x128xf32, #tpu.memory_space<vmem>>
    %dma_wait3A_281 = arith.constant 0 : i32
    %dma_wait3A_282 = tpu.memref_slice %arg5[%dma_wait3A_273, %dma_wait3A_281] : memref<128x50xi32, #tpu.memory_space<vmem>> -> memref<1x50xi32, #tpu.memory_space<vmem>>
    %dma_wait3A_283 = tpu.memref_squeeze %dma_wait3A_282 : memref<1x50xi32, #tpu.memory_space<vmem>> -> memref<50xi32, #tpu.memory_space<vmem>>
    %dma_wait3A_284 = arith.constant 0 : i32
    %dma_wait3A_285 = arith.constant 0 : i32
    %dma_wait3A_286 = tpu.memref_slice %arg2[%dma_wait3A_284, %dma_wait3A_285] : memref<100000x128xf32, #tpu.memory_space<hbm>> -> memref<100000x128xf32, #tpu.memory_space<hbm>>
    %dma_wait3A_287 = tpu.memref_slice %arg7[%dma_wait3A_276] : memref<8x!tpu.dma_semaphore, #tpu.memory_space<semaphore_mem>> -> memref<1x!tpu.dma_semaphore, #tpu.memory_space<semaphore_mem>>
    %dma_wait3A_288 = tpu.memref_squeeze %dma_wait3A_287 : memref<1x!tpu.dma_semaphore, #tpu.memory_space<semaphore_mem>> -> memref<!tpu.dma_semaphore, #tpu.memory_space<semaphore_mem>>
    tpu.wait_indirect_dma semaphore(%dma_wait3A_288 : memref<!tpu.dma_semaphore, #tpu.memory_space<semaphore_mem>>) src(%dma_wait3A_286 : memref<100000x128xf32, #tpu.memory_space<hbm>>) dst(%dma_wait3A_280 : memref<50x128xf32, #tpu.memory_space<vmem>>)
    %add3A_289 = arith.constant 0 : i32
    %add3A_290 = arith.addi %mul3A_2, %add3A_289 : i32
    %dma_start3A_291 = arith.constant 0 : i32
    %dma_start3A_292 = arith.constant 0 : i32
    %dma_start3A_293 = arith.constant 0 : i32
    %dma_start3A_294 = arith.constant 0 : i32
    %dma_start3A_295 = arith.constant 0 : i32
    %dma_start3A_296 = tpu.memref_slice %arg6[%dma_start3A_291, %dma_start3A_293, %dma_start3A_294, %dma_start3A_295] : memref<8x2x50x128xf32, #tpu.memory_space<vmem>> -> memref<1x2x50x128xf32, #tpu.memory_space<vmem>>
    %dma_start3A_297 = tpu.memref_squeeze %dma_start3A_296 : memref<1x2x50x128xf32, #tpu.memory_space<vmem>> -> memref<2x50x128xf32, #tpu.memory_space<vmem>>
    %dma_start3A_298 = arith.constant 0 : i32
    %dma_start3A_299 = arith.constant 0 : i32
    %dma_start3A_300 = tpu.memref_slice %arg4[%add3A_290, %dma_start3A_298, %dma_start3A_299] : memref<4096x50x128xf32, #tpu.memory_space<hbm>> -> memref<2x50x128xf32, #tpu.memory_space<hbm>>
    %dma_start3A_301 = tpu.memref_slice %arg8[%dma_start3A_292] : memref<8x!tpu.dma_semaphore, #tpu.memory_space<semaphore_mem>> -> memref<1x!tpu.dma_semaphore, #tpu.memory_space<semaphore_mem>>
    %dma_start3A_302 = tpu.memref_squeeze %dma_start3A_301 : memref<1x!tpu.dma_semaphore, #tpu.memory_space<semaphore_mem>> -> memref<!tpu.dma_semaphore, #tpu.memory_space<semaphore_mem>>
    %dma_start3A_303 = arith.constant 0 : i32
    %dma_start3A_304 = arith.constant 0 : i32
    %dma_start3A_305 = tpu.memref_slice %arg4[%add3A_290, %dma_start3A_303, %dma_start3A_304] : memref<4096x50x128xf32, #tpu.memory_space<hbm>> -> memref<2x50x128xf32, #tpu.memory_space<hbm>>
    %dma_start3A_306 = arith.constant 0 : i32
    %dma_start3A_307 = arith.constant 0 : i32
    %dma_start3A_308 = arith.constant 0 : i32
    %dma_start3A_309 = tpu.memref_slice %arg6[%dma_start3A_291, %dma_start3A_306, %dma_start3A_307, %dma_start3A_308] : memref<8x2x50x128xf32, #tpu.memory_space<vmem>> -> memref<1x2x50x128xf32, #tpu.memory_space<vmem>>
    %dma_start3A_310 = tpu.memref_squeeze %dma_start3A_309 : memref<1x2x50x128xf32, #tpu.memory_space<vmem>> -> memref<2x50x128xf32, #tpu.memory_space<vmem>>
    tpu.enqueue_dma source(%dma_start3A_310 : memref<2x50x128xf32, #tpu.memory_space<vmem>>) target(%dma_start3A_305 : memref<2x50x128xf32, #tpu.memory_space<hbm>>) target_semaphore(%dma_start3A_302 : memref<!tpu.dma_semaphore, #tpu.memory_space<semaphore_mem>>)
    %dma_wait3A_311 = arith.constant 2 : i32
    %dma_wait3A_312 = arith.constant 1 : i32
    %dma_wait3A_313 = arith.constant 0 : i32
    %dma_wait3A_314 = arith.constant 1 : i32
    %dma_wait3A_315 = arith.constant 0 : i32
    %dma_wait3A_316 = arith.constant 0 : i32
    %dma_wait3A_317 = tpu.memref_slice %arg6[%dma_wait3A_312, %dma_wait3A_313, %dma_wait3A_315, %dma_wait3A_316] : memref<8x2x50x128xf32, #tpu.memory_space<vmem>> -> memref<1x1x50x128xf32, #tpu.memory_space<vmem>>
    %dma_wait3A_318 = tpu.memref_squeeze %dma_wait3A_317 : memref<1x1x50x128xf32, #tpu.memory_space<vmem>> -> memref<50x128xf32, #tpu.memory_space<vmem>>
    %dma_wait3A_319 = arith.constant 0 : i32
    %dma_wait3A_320 = tpu.memref_slice %arg5[%dma_wait3A_311, %dma_wait3A_319] : memref<128x50xi32, #tpu.memory_space<vmem>> -> memref<1x50xi32, #tpu.memory_space<vmem>>
    %dma_wait3A_321 = tpu.memref_squeeze %dma_wait3A_320 : memref<1x50xi32, #tpu.memory_space<vmem>> -> memref<50xi32, #tpu.memory_space<vmem>>
    %dma_wait3A_322 = arith.constant 0 : i32
    %dma_wait3A_323 = arith.constant 0 : i32
    %dma_wait3A_324 = tpu.memref_slice %arg2[%dma_wait3A_322, %dma_wait3A_323] : memref<100000x128xf32, #tpu.memory_space<hbm>> -> memref<100000x128xf32, #tpu.memory_space<hbm>>
    %dma_wait3A_325 = tpu.memref_slice %arg7[%dma_wait3A_314] : memref<8x!tpu.dma_semaphore, #tpu.memory_space<semaphore_mem>> -> memref<1x!tpu.dma_semaphore, #tpu.memory_space<semaphore_mem>>
    %dma_wait3A_326 = tpu.memref_squeeze %dma_wait3A_325 : memref<1x!tpu.dma_semaphore, #tpu.memory_space<semaphore_mem>> -> memref<!tpu.dma_semaphore, #tpu.memory_space<semaphore_mem>>
    tpu.wait_indirect_dma semaphore(%dma_wait3A_326 : memref<!tpu.dma_semaphore, #tpu.memory_space<semaphore_mem>>) src(%dma_wait3A_324 : memref<100000x128xf32, #tpu.memory_space<hbm>>) dst(%dma_wait3A_318 : memref<50x128xf32, #tpu.memory_space<vmem>>)
    %dma_wait3A_327 = arith.constant 3 : i32
    %dma_wait3A_328 = arith.constant 1 : i32
    %dma_wait3A_329 = arith.constant 1 : i32
    %dma_wait3A_330 = arith.constant 1 : i32
    %dma_wait3A_331 = arith.constant 0 : i32
    %dma_wait3A_332 = arith.constant 0 : i32
    %dma_wait3A_333 = tpu.memref_slice %arg6[%dma_wait3A_328, %dma_wait3A_329, %dma_wait3A_331, %dma_wait3A_332] : memref<8x2x50x128xf32, #tpu.memory_space<vmem>> -> memref<1x1x50x128xf32, #tpu.memory_space<vmem>>
    %dma_wait3A_334 = tpu.memref_squeeze %dma_wait3A_333 : memref<1x1x50x128xf32, #tpu.memory_space<vmem>> -> memref<50x128xf32, #tpu.memory_space<vmem>>
    %dma_wait3A_335 = arith.constant 0 : i32
    %dma_wait3A_336 = tpu.memref_slice %arg5[%dma_wait3A_327, %dma_wait3A_335] : memref<128x50xi32, #tpu.memory_space<vmem>> -> memref<1x50xi32, #tpu.memory_space<vmem>>
    %dma_wait3A_337 = tpu.memref_squeeze %dma_wait3A_336 : memref<1x50xi32, #tpu.memory_space<vmem>> -> memref<50xi32, #tpu.memory_space<vmem>>
    %dma_wait3A_338 = arith.constant 0 : i32
    %dma_wait3A_339 = arith.constant 0 : i32
    %dma_wait3A_340 = tpu.memref_slice %arg2[%dma_wait3A_338, %dma_wait3A_339] : memref<100000x128xf32, #tpu.memory_space<hbm>> -> memref<100000x128xf32, #tpu.memory_space<hbm>>
    %dma_wait3A_341 = tpu.memref_slice %arg7[%dma_wait3A_330] : memref<8x!tpu.dma_semaphore, #tpu.memory_space<semaphore_mem>> -> memref<1x!tpu.dma_semaphore, #tpu.memory_space<semaphore_mem>>
    %dma_wait3A_342 = tpu.memref_squeeze %dma_wait3A_341 : memref<1x!tpu.dma_semaphore, #tpu.memory_space<semaphore_mem>> -> memref<!tpu.dma_semaphore, #tpu.memory_space<semaphore_mem>>
    tpu.wait_indirect_dma semaphore(%dma_wait3A_342 : memref<!tpu.dma_semaphore, #tpu.memory_space<semaphore_mem>>) src(%dma_wait3A_340 : memref<100000x128xf32, #tpu.memory_space<hbm>>) dst(%dma_wait3A_334 : memref<50x128xf32, #tpu.memory_space<vmem>>)
    %add3A_343 = arith.constant 2 : i32
    %add3A_344 = arith.addi %mul3A_2, %add3A_343 : i32
    %dma_start3A_345 = arith.constant 1 : i32
    %dma_start3A_346 = arith.constant 1 : i32
    %dma_start3A_347 = arith.constant 0 : i32
    %dma_start3A_348 = arith.constant 0 : i32
    %dma_start3A_349 = arith.constant 0 : i32
    %dma_start3A_350 = tpu.memref_slice %arg6[%dma_start3A_345, %dma_start3A_347, %dma_start3A_348, %dma_start3A_349] : memref<8x2x50x128xf32, #tpu.memory_space<vmem>> -> memref<1x2x50x128xf32, #tpu.memory_space<vmem>>
    %dma_start3A_351 = tpu.memref_squeeze %dma_start3A_350 : memref<1x2x50x128xf32, #tpu.memory_space<vmem>> -> memref<2x50x128xf32, #tpu.memory_space<vmem>>
    %dma_start3A_352 = arith.constant 0 : i32
    %dma_start3A_353 = arith.constant 0 : i32
    %dma_start3A_354 = tpu.memref_slice %arg4[%add3A_344, %dma_start3A_352, %dma_start3A_353] : memref<4096x50x128xf32, #tpu.memory_space<hbm>> -> memref<2x50x128xf32, #tpu.memory_space<hbm>>
    %dma_start3A_355 = tpu.memref_slice %arg8[%dma_start3A_346] : memref<8x!tpu.dma_semaphore, #tpu.memory_space<semaphore_mem>> -> memref<1x!tpu.dma_semaphore, #tpu.memory_space<semaphore_mem>>
    %dma_start3A_356 = tpu.memref_squeeze %dma_start3A_355 : memref<1x!tpu.dma_semaphore, #tpu.memory_space<semaphore_mem>> -> memref<!tpu.dma_semaphore, #tpu.memory_space<semaphore_mem>>
    %dma_start3A_357 = arith.constant 0 : i32
    %dma_start3A_358 = arith.constant 0 : i32
    %dma_start3A_359 = tpu.memref_slice %arg4[%add3A_344, %dma_start3A_357, %dma_start3A_358] : memref<4096x50x128xf32, #tpu.memory_space<hbm>> -> memref<2x50x128xf32, #tpu.memory_space<hbm>>
    %dma_start3A_360 = arith.constant 0 : i32
    %dma_start3A_361 = arith.constant 0 : i32
    %dma_start3A_362 = arith.constant 0 : i32
    %dma_start3A_363 = tpu.memref_slice %arg6[%dma_start3A_345, %dma_start3A_360, %dma_start3A_361, %dma_start3A_362] : memref<8x2x50x128xf32, #tpu.memory_space<vmem>> -> memref<1x2x50x128xf32, #tpu.memory_space<vmem>>
    %dma_start3A_364 = tpu.memref_squeeze %dma_start3A_363 : memref<1x2x50x128xf32, #tpu.memory_space<vmem>> -> memref<2x50x128xf32, #tpu.memory_space<vmem>>
    tpu.enqueue_dma source(%dma_start3A_364 : memref<2x50x128xf32, #tpu.memory_space<vmem>>) target(%dma_start3A_359 : memref<2x50x128xf32, #tpu.memory_space<hbm>>) target_semaphore(%dma_start3A_356 : memref<!tpu.dma_semaphore, #tpu.memory_space<semaphore_mem>>)
    %dma_wait3A_365 = arith.constant 4 : i32
    %dma_wait3A_366 = arith.constant 2 : i32
    %dma_wait3A_367 = arith.constant 0 : i32
    %dma_wait3A_368 = arith.constant 2 : i32
    %dma_wait3A_369 = arith.constant 0 : i32
    %dma_wait3A_370 = arith.constant 0 : i32
    %dma_wait3A_371 = tpu.memref_slice %arg6[%dma_wait3A_366, %dma_wait3A_367, %dma_wait3A_369, %dma_wait3A_370] : memref<8x2x50x128xf32, #tpu.memory_space<vmem>> -> memref<1x1x50x128xf32, #tpu.memory_space<vmem>>
    %dma_wait3A_372 = tpu.memref_squeeze %dma_wait3A_371 : memref<1x1x50x128xf32, #tpu.memory_space<vmem>> -> memref<50x128xf32, #tpu.memory_space<vmem>>
    %dma_wait3A_373 = arith.constant 0 : i32
    %dma_wait3A_374 = tpu.memref_slice %arg5[%dma_wait3A_365, %dma_wait3A_373] : memref<128x50xi32, #tpu.memory_space<vmem>> -> memref<1x50xi32, #tpu.memory_space<vmem>>
    %dma_wait3A_375 = tpu.memref_squeeze %dma_wait3A_374 : memref<1x50xi32, #tpu.memory_space<vmem>> -> memref<50xi32, #tpu.memory_space<vmem>>
    %dma_wait3A_376 = arith.constant 0 : i32
    %dma_wait3A_377 = arith.constant 0 : i32
    %dma_wait3A_378 = tpu.memref_slice %arg2[%dma_wait3A_376, %dma_wait3A_377] : memref<100000x128xf32, #tpu.memory_space<hbm>> -> memref<100000x128xf32, #tpu.memory_space<hbm>>
    %dma_wait3A_379 = tpu.memref_slice %arg7[%dma_wait3A_368] : memref<8x!tpu.dma_semaphore, #tpu.memory_space<semaphore_mem>> -> memref<1x!tpu.dma_semaphore, #tpu.memory_space<semaphore_mem>>
    %dma_wait3A_380 = tpu.memref_squeeze %dma_wait3A_379 : memref<1x!tpu.dma_semaphore, #tpu.memory_space<semaphore_mem>> -> memref<!tpu.dma_semaphore, #tpu.memory_space<semaphore_mem>>
    tpu.wait_indirect_dma semaphore(%dma_wait3A_380 : memref<!tpu.dma_semaphore, #tpu.memory_space<semaphore_mem>>) src(%dma_wait3A_378 : memref<100000x128xf32, #tpu.memory_space<hbm>>) dst(%dma_wait3A_372 : memref<50x128xf32, #tpu.memory_space<vmem>>)
    %dma_wait3A_381 = arith.constant 5 : i32
    %dma_wait3A_382 = arith.constant 2 : i32
    %dma_wait3A_383 = arith.constant 1 : i32
    %dma_wait3A_384 = arith.constant 2 : i32
    %dma_wait3A_385 = arith.constant 0 : i32
    %dma_wait3A_386 = arith.constant 0 : i32
    %dma_wait3A_387 = tpu.memref_slice %arg6[%dma_wait3A_382, %dma_wait3A_383, %dma_wait3A_385, %dma_wait3A_386] : memref<8x2x50x128xf32, #tpu.memory_space<vmem>> -> memref<1x1x50x128xf32, #tpu.memory_space<vmem>>
    %dma_wait3A_388 = tpu.memref_squeeze %dma_wait3A_387 : memref<1x1x50x128xf32, #tpu.memory_space<vmem>> -> memref<50x128xf32, #tpu.memory_space<vmem>>
    %dma_wait3A_389 = arith.constant 0 : i32
    %dma_wait3A_390 = tpu.memref_slice %arg5[%dma_wait3A_381, %dma_wait3A_389] : memref<128x50xi32, #tpu.memory_space<vmem>> -> memref<1x50xi32, #tpu.memory_space<vmem>>
    %dma_wait3A_391 = tpu.memref_squeeze %dma_wait3A_390 : memref<1x50xi32, #tpu.memory_space<vmem>> -> memref<50xi32, #tpu.memory_space<vmem>>
    %dma_wait3A_392 = arith.constant 0 : i32
    %dma_wait3A_393 = arith.constant 0 : i32
    %dma_wait3A_394 = tpu.memref_slice %arg2[%dma_wait3A_392, %dma_wait3A_393] : memref<100000x128xf32, #tpu.memory_space<hbm>> -> memref<100000x128xf32, #tpu.memory_space<hbm>>
    %dma_wait3A_395 = tpu.memref_slice %arg7[%dma_wait3A_384] : memref<8x!tpu.dma_semaphore, #tpu.memory_space<semaphore_mem>> -> memref<1x!tpu.dma_semaphore, #tpu.memory_space<semaphore_mem>>
    %dma_wait3A_396 = tpu.memref_squeeze %dma_wait3A_395 : memref<1x!tpu.dma_semaphore, #tpu.memory_space<semaphore_mem>> -> memref<!tpu.dma_semaphore, #tpu.memory_space<semaphore_mem>>
    tpu.wait_indirect_dma semaphore(%dma_wait3A_396 : memref<!tpu.dma_semaphore, #tpu.memory_space<semaphore_mem>>) src(%dma_wait3A_394 : memref<100000x128xf32, #tpu.memory_space<hbm>>) dst(%dma_wait3A_388 : memref<50x128xf32, #tpu.memory_space<vmem>>)
    %add3A_397 = arith.constant 4 : i32
    %add3A_398 = arith.addi %mul3A_2, %add3A_397 : i32
    %dma_start3A_399 = arith.constant 2 : i32
    %dma_start3A_400 = arith.constant 2 : i32
    %dma_start3A_401 = arith.constant 0 : i32
    %dma_start3A_402 = arith.constant 0 : i32
    %dma_start3A_403 = arith.constant 0 : i32
    %dma_start3A_404 = tpu.memref_slice %arg6[%dma_start3A_399, %dma_start3A_401, %dma_start3A_402, %dma_start3A_403] : memref<8x2x50x128xf32, #tpu.memory_space<vmem>> -> memref<1x2x50x128xf32, #tpu.memory_space<vmem>>
    %dma_start3A_405 = tpu.memref_squeeze %dma_start3A_404 : memref<1x2x50x128xf32, #tpu.memory_space<vmem>> -> memref<2x50x128xf32, #tpu.memory_space<vmem>>
    %dma_start3A_406 = arith.constant 0 : i32
    %dma_start3A_407 = arith.constant 0 : i32
    %dma_start3A_408 = tpu.memref_slice %arg4[%add3A_398, %dma_start3A_406, %dma_start3A_407] : memref<4096x50x128xf32, #tpu.memory_space<hbm>> -> memref<2x50x128xf32, #tpu.memory_space<hbm>>
    %dma_start3A_409 = tpu.memref_slice %arg8[%dma_start3A_400] : memref<8x!tpu.dma_semaphore, #tpu.memory_space<semaphore_mem>> -> memref<1x!tpu.dma_semaphore, #tpu.memory_space<semaphore_mem>>
    %dma_start3A_410 = tpu.memref_squeeze %dma_start3A_409 : memref<1x!tpu.dma_semaphore, #tpu.memory_space<semaphore_mem>> -> memref<!tpu.dma_semaphore, #tpu.memory_space<semaphore_mem>>
    %dma_start3A_411 = arith.constant 0 : i32
    %dma_start3A_412 = arith.constant 0 : i32
    %dma_start3A_413 = tpu.memref_slice %arg4[%add3A_398, %dma_start3A_411, %dma_start3A_412] : memref<4096x50x128xf32, #tpu.memory_space<hbm>> -> memref<2x50x128xf32, #tpu.memory_space<hbm>>
    %dma_start3A_414 = arith.constant 0 : i32
    %dma_start3A_415 = arith.constant 0 : i32
    %dma_start3A_416 = arith.constant 0 : i32
    %dma_start3A_417 = tpu.memref_slice %arg6[%dma_start3A_399, %dma_start3A_414, %dma_start3A_415, %dma_start3A_416] : memref<8x2x50x128xf32, #tpu.memory_space<vmem>> -> memref<1x2x50x128xf32, #tpu.memory_space<vmem>>
    %dma_start3A_418 = tpu.memref_squeeze %dma_start3A_417 : memref<1x2x50x128xf32, #tpu.memory_space<vmem>> -> memref<2x50x128xf32, #tpu.memory_space<vmem>>
    tpu.enqueue_dma source(%dma_start3A_418 : memref<2x50x128xf32, #tpu.memory_space<vmem>>) target(%dma_start3A_413 : memref<2x50x128xf32, #tpu.memory_space<hbm>>) target_semaphore(%dma_start3A_410 : memref<!tpu.dma_semaphore, #tpu.memory_space<semaphore_mem>>)
    %add3A_419 = arith.constant 0 : i32
    %add3A_420 = arith.addi %mul3A_2, %add3A_419 : i32
    %dma_wait3A_421 = arith.constant 0 : i32
    %dma_wait3A_422 = arith.constant 0 : i32
    %dma_wait3A_423 = arith.constant 0 : i32
    %dma_wait3A_424 = arith.constant 0 : i32
    %dma_wait3A_425 = arith.constant 0 : i32
    %dma_wait3A_426 = tpu.memref_slice %arg6[%dma_wait3A_421, %dma_wait3A_423, %dma_wait3A_424, %dma_wait3A_425] : memref<8x2x50x128xf32, #tpu.memory_space<vmem>> -> memref<1x2x50x128xf32, #tpu.memory_space<vmem>>
    %dma_wait3A_427 = tpu.memref_squeeze %dma_wait3A_426 : memref<1x2x50x128xf32, #tpu.memory_space<vmem>> -> memref<2x50x128xf32, #tpu.memory_space<vmem>>
    %dma_wait3A_428 = arith.constant 0 : i32
    %dma_wait3A_429 = arith.constant 0 : i32
    %dma_wait3A_430 = tpu.memref_slice %arg4[%add3A_420, %dma_wait3A_428, %dma_wait3A_429] : memref<4096x50x128xf32, #tpu.memory_space<hbm>> -> memref<2x50x128xf32, #tpu.memory_space<hbm>>
    %dma_wait3A_431 = tpu.memref_slice %arg8[%dma_wait3A_422] : memref<8x!tpu.dma_semaphore, #tpu.memory_space<semaphore_mem>> -> memref<1x!tpu.dma_semaphore, #tpu.memory_space<semaphore_mem>>
    %dma_wait3A_432 = tpu.memref_squeeze %dma_wait3A_431 : memref<1x!tpu.dma_semaphore, #tpu.memory_space<semaphore_mem>> -> memref<!tpu.dma_semaphore, #tpu.memory_space<semaphore_mem>>
    %dma_wait3A_433 = arith.constant 0 : i32
    %dma_wait3A_434 = arith.constant 0 : i32
    %dma_wait3A_435 = tpu.memref_slice %arg4[%add3A_420, %dma_wait3A_433, %dma_wait3A_434] : memref<4096x50x128xf32, #tpu.memory_space<hbm>> -> memref<2x50x128xf32, #tpu.memory_space<hbm>>
    %dma_wait3A_436 = arith.constant 0 : i32
    %dma_wait3A_437 = arith.constant 0 : i32
    %dma_wait3A_438 = arith.constant 0 : i32
    %dma_wait3A_439 = tpu.memref_slice %arg6[%dma_wait3A_421, %dma_wait3A_436, %dma_wait3A_437, %dma_wait3A_438] : memref<8x2x50x128xf32, #tpu.memory_space<vmem>> -> memref<1x2x50x128xf32, #tpu.memory_space<vmem>>
    %dma_wait3A_440 = tpu.memref_squeeze %dma_wait3A_439 : memref<1x2x50x128xf32, #tpu.memory_space<vmem>> -> memref<2x50x128xf32, #tpu.memory_space<vmem>>
    tpu.wait_dma2 semaphore(%dma_wait3A_432 : memref<!tpu.dma_semaphore, #tpu.memory_space<semaphore_mem>>) src(%dma_wait3A_440 : memref<2x50x128xf32, #tpu.memory_space<vmem>>) dst(%dma_wait3A_435 : memref<2x50x128xf32, #tpu.memory_space<hbm>>)
    %dma_start3A_441 = arith.constant 16 : i32
    %dma_start3A_442 = arith.constant 0 : i32
    %dma_start3A_443 = arith.constant 0 : i32
    %dma_start3A_444 = arith.constant 0 : i32
    %dma_start3A_445 = arith.constant 0 : i32
    %dma_start3A_446 = arith.constant 0 : i32
    %dma_start3A_447 = tpu.memref_slice %arg6[%dma_start3A_442, %dma_start3A_443, %dma_start3A_445, %dma_start3A_446] : memref<8x2x50x128xf32, #tpu.memory_space<vmem>> -> memref<1x1x50x128xf32, #tpu.memory_space<vmem>>
    %dma_start3A_448 = tpu.memref_squeeze %dma_start3A_447 : memref<1x1x50x128xf32, #tpu.memory_space<vmem>> -> memref<50x128xf32, #tpu.memory_space<vmem>>
    %dma_start3A_449 = arith.constant 0 : i32
    %dma_start3A_450 = tpu.memref_slice %arg5[%dma_start3A_441, %dma_start3A_449] : memref<128x50xi32, #tpu.memory_space<vmem>> -> memref<1x50xi32, #tpu.memory_space<vmem>>
    %dma_start3A_451 = tpu.memref_squeeze %dma_start3A_450 : memref<1x50xi32, #tpu.memory_space<vmem>> -> memref<50xi32, #tpu.memory_space<vmem>>
    %dma_start3A_452 = arith.constant 0 : i32
    %dma_start3A_453 = arith.constant 0 : i32
    %dma_start3A_454 = tpu.memref_slice %arg2[%dma_start3A_452, %dma_start3A_453] : memref<100000x128xf32, #tpu.memory_space<hbm>> -> memref<100000x128xf32, #tpu.memory_space<hbm>>
    %dma_start3A_455 = tpu.memref_slice %arg7[%dma_start3A_444] : memref<8x!tpu.dma_semaphore, #tpu.memory_space<semaphore_mem>> -> memref<1x!tpu.dma_semaphore, #tpu.memory_space<semaphore_mem>>
    %dma_start3A_456 = tpu.memref_squeeze %dma_start3A_455 : memref<1x!tpu.dma_semaphore, #tpu.memory_space<semaphore_mem>> -> memref<!tpu.dma_semaphore, #tpu.memory_space<semaphore_mem>>
    tpu.enqueue_indirect_dma source(%dma_start3A_454 : memref<100000x128xf32, #tpu.memory_space<hbm>>) target(%dma_start3A_448 : memref<50x128xf32, #tpu.memory_space<vmem>>) offsets(%dma_start3A_451 : memref<50xi32, #tpu.memory_space<vmem>>) semaphore(%dma_start3A_456 : memref<!tpu.dma_semaphore, #tpu.memory_space<semaphore_mem>>)
    %dma_start3A_457 = arith.constant 17 : i32
    %dma_start3A_458 = arith.constant 0 : i32
    %dma_start3A_459 = arith.constant 1 : i32
    %dma_start3A_460 = arith.constant 0 : i32
    %dma_start3A_461 = arith.constant 0 : i32
    %dma_start3A_462 = arith.constant 0 : i32
    %dma_start3A_463 = tpu.memref_slice %arg6[%dma_start3A_458, %dma_start3A_459, %dma_start3A_461, %dma_start3A_462] : memref<8x2x50x128xf32, #tpu.memory_space<vmem>> -> memref<1x1x50x128xf32, #tpu.memory_space<vmem>>
    %dma_start3A_464 = tpu.memref_squeeze %dma_start3A_463 : memref<1x1x50x128xf32, #tpu.memory_space<vmem>> -> memref<50x128xf32, #tpu.memory_space<vmem>>
    %dma_start3A_465 = arith.constant 0 : i32
    %dma_start3A_466 = tpu.memref_slice %arg5[%dma_start3A_457, %dma_start3A_465] : memref<128x50xi32, #tpu.memory_space<vmem>> -> memref<1x50xi32, #tpu.memory_space<vmem>>
    %dma_start3A_467 = tpu.memref_squeeze %dma_start3A_466 : memref<1x50xi32, #tpu.memory_space<vmem>> -> memref<50xi32, #tpu.memory_space<vmem>>
    %dma_start3A_468 = arith.constant 0 : i32
    %dma_start3A_469 = arith.constant 0 : i32
    %dma_start3A_470 = tpu.memref_slice %arg2[%dma_start3A_468, %dma_start3A_469] : memref<100000x128xf32, #tpu.memory_space<hbm>> -> memref<100000x128xf32, #tpu.memory_space<hbm>>
    %dma_start3A_471 = tpu.memref_slice %arg7[%dma_start3A_460] : memref<8x!tpu.dma_semaphore, #tpu.memory_space<semaphore_mem>> -> memref<1x!tpu.dma_semaphore, #tpu.memory_space<semaphore_mem>>
    %dma_start3A_472 = tpu.memref_squeeze %dma_start3A_471 : memref<1x!tpu.dma_semaphore, #tpu.memory_space<semaphore_mem>> -> memref<!tpu.dma_semaphore, #tpu.memory_space<semaphore_mem>>
    tpu.enqueue_indirect_dma source(%dma_start3A_470 : memref<100000x128xf32, #tpu.memory_space<hbm>>) target(%dma_start3A_464 : memref<50x128xf32, #tpu.memory_space<vmem>>) offsets(%dma_start3A_467 : memref<50xi32, #tpu.memory_space<vmem>>) semaphore(%dma_start3A_472 : memref<!tpu.dma_semaphore, #tpu.memory_space<semaphore_mem>>)
    %dma_wait3A_473 = arith.constant 6 : i32
    %dma_wait3A_474 = arith.constant 3 : i32
    %dma_wait3A_475 = arith.constant 0 : i32
    %dma_wait3A_476 = arith.constant 3 : i32
    %dma_wait3A_477 = arith.constant 0 : i32
    %dma_wait3A_478 = arith.constant 0 : i32
    %dma_wait3A_479 = tpu.memref_slice %arg6[%dma_wait3A_474, %dma_wait3A_475, %dma_wait3A_477, %dma_wait3A_478] : memref<8x2x50x128xf32, #tpu.memory_space<vmem>> -> memref<1x1x50x128xf32, #tpu.memory_space<vmem>>
    %dma_wait3A_480 = tpu.memref_squeeze %dma_wait3A_479 : memref<1x1x50x128xf32, #tpu.memory_space<vmem>> -> memref<50x128xf32, #tpu.memory_space<vmem>>
    %dma_wait3A_481 = arith.constant 0 : i32
    %dma_wait3A_482 = tpu.memref_slice %arg5[%dma_wait3A_473, %dma_wait3A_481] : memref<128x50xi32, #tpu.memory_space<vmem>> -> memref<1x50xi32, #tpu.memory_space<vmem>>
    %dma_wait3A_483 = tpu.memref_squeeze %dma_wait3A_482 : memref<1x50xi32, #tpu.memory_space<vmem>> -> memref<50xi32, #tpu.memory_space<vmem>>
    %dma_wait3A_484 = arith.constant 0 : i32
    %dma_wait3A_485 = arith.constant 0 : i32
    %dma_wait3A_486 = tpu.memref_slice %arg2[%dma_wait3A_484, %dma_wait3A_485] : memref<100000x128xf32, #tpu.memory_space<hbm>> -> memref<100000x128xf32, #tpu.memory_space<hbm>>
    %dma_wait3A_487 = tpu.memref_slice %arg7[%dma_wait3A_476] : memref<8x!tpu.dma_semaphore, #tpu.memory_space<semaphore_mem>> -> memref<1x!tpu.dma_semaphore, #tpu.memory_space<semaphore_mem>>
    %dma_wait3A_488 = tpu.memref_squeeze %dma_wait3A_487 : memref<1x!tpu.dma_semaphore, #tpu.memory_space<semaphore_mem>> -> memref<!tpu.dma_semaphore, #tpu.memory_space<semaphore_mem>>
    tpu.wait_indirect_dma semaphore(%dma_wait3A_488 : memref<!tpu.dma_semaphore, #tpu.memory_space<semaphore_mem>>) src(%dma_wait3A_486 : memref<100000x128xf32, #tpu.memory_space<hbm>>) dst(%dma_wait3A_480 : memref<50x128xf32, #tpu.memory_space<vmem>>)
    %dma_wait3A_489 = arith.constant 7 : i32
    %dma_wait3A_490 = arith.constant 3 : i32
    %dma_wait3A_491 = arith.constant 1 : i32
    %dma_wait3A_492 = arith.constant 3 : i32
    %dma_wait3A_493 = arith.constant 0 : i32
    %dma_wait3A_494 = arith.constant 0 : i32
    %dma_wait3A_495 = tpu.memref_slice %arg6[%dma_wait3A_490, %dma_wait3A_491, %dma_wait3A_493, %dma_wait3A_494] : memref<8x2x50x128xf32, #tpu.memory_space<vmem>> -> memref<1x1x50x128xf32, #tpu.memory_space<vmem>>
    %dma_wait3A_496 = tpu.memref_squeeze %dma_wait3A_495 : memref<1x1x50x128xf32, #tpu.memory_space<vmem>> -> memref<50x128xf32, #tpu.memory_space<vmem>>
    %dma_wait3A_497 = arith.constant 0 : i32
    %dma_wait3A_498 = tpu.memref_slice %arg5[%dma_wait3A_489, %dma_wait3A_497] : memref<128x50xi32, #tpu.memory_space<vmem>> -> memref<1x50xi32, #tpu.memory_space<vmem>>
    %dma_wait3A_499 = tpu.memref_squeeze %dma_wait3A_498 : memref<1x50xi32, #tpu.memory_space<vmem>> -> memref<50xi32, #tpu.memory_space<vmem>>
    %dma_wait3A_500 = arith.constant 0 : i32
    %dma_wait3A_501 = arith.constant 0 : i32
    %dma_wait3A_502 = tpu.memref_slice %arg2[%dma_wait3A_500, %dma_wait3A_501] : memref<100000x128xf32, #tpu.memory_space<hbm>> -> memref<100000x128xf32, #tpu.memory_space<hbm>>
    %dma_wait3A_503 = tpu.memref_slice %arg7[%dma_wait3A_492] : memref<8x!tpu.dma_semaphore, #tpu.memory_space<semaphore_mem>> -> memref<1x!tpu.dma_semaphore, #tpu.memory_space<semaphore_mem>>
    %dma_wait3A_504 = tpu.memref_squeeze %dma_wait3A_503 : memref<1x!tpu.dma_semaphore, #tpu.memory_space<semaphore_mem>> -> memref<!tpu.dma_semaphore, #tpu.memory_space<semaphore_mem>>
    tpu.wait_indirect_dma semaphore(%dma_wait3A_504 : memref<!tpu.dma_semaphore, #tpu.memory_space<semaphore_mem>>) src(%dma_wait3A_502 : memref<100000x128xf32, #tpu.memory_space<hbm>>) dst(%dma_wait3A_496 : memref<50x128xf32, #tpu.memory_space<vmem>>)
    %add3A_505 = arith.constant 6 : i32
    %add3A_506 = arith.addi %mul3A_2, %add3A_505 : i32
    %dma_start3A_507 = arith.constant 3 : i32
    %dma_start3A_508 = arith.constant 3 : i32
    %dma_start3A_509 = arith.constant 0 : i32
    %dma_start3A_510 = arith.constant 0 : i32
    %dma_start3A_511 = arith.constant 0 : i32
    %dma_start3A_512 = tpu.memref_slice %arg6[%dma_start3A_507, %dma_start3A_509, %dma_start3A_510, %dma_start3A_511] : memref<8x2x50x128xf32, #tpu.memory_space<vmem>> -> memref<1x2x50x128xf32, #tpu.memory_space<vmem>>
    %dma_start3A_513 = tpu.memref_squeeze %dma_start3A_512 : memref<1x2x50x128xf32, #tpu.memory_space<vmem>> -> memref<2x50x128xf32, #tpu.memory_space<vmem>>
    %dma_start3A_514 = arith.constant 0 : i32
    %dma_start3A_515 = arith.constant 0 : i32
    %dma_start3A_516 = tpu.memref_slice %arg4[%add3A_506, %dma_start3A_514, %dma_start3A_515] : memref<4096x50x128xf32, #tpu.memory_space<hbm>> -> memref<2x50x128xf32, #tpu.memory_space<hbm>>
    %dma_start3A_517 = tpu.memref_slice %arg8[%dma_start3A_508] : memref<8x!tpu.dma_semaphore, #tpu.memory_space<semaphore_mem>> -> memref<1x!tpu.dma_semaphore, #tpu.memory_space<semaphore_mem>>
    %dma_start3A_518 = tpu.memref_squeeze %dma_start3A_517 : memref<1x!tpu.dma_semaphore, #tpu.memory_space<semaphore_mem>> -> memref<!tpu.dma_semaphore, #tpu.memory_space<semaphore_mem>>
    %dma_start3A_519 = arith.constant 0 : i32
    %dma_start3A_520 = arith.constant 0 : i32
    %dma_start3A_521 = tpu.memref_slice %arg4[%add3A_506, %dma_start3A_519, %dma_start3A_520] : memref<4096x50x128xf32, #tpu.memory_space<hbm>> -> memref<2x50x128xf32, #tpu.memory_space<hbm>>
    %dma_start3A_522 = arith.constant 0 : i32
    %dma_start3A_523 = arith.constant 0 : i32
    %dma_start3A_524 = arith.constant 0 : i32
    %dma_start3A_525 = tpu.memref_slice %arg6[%dma_start3A_507, %dma_start3A_522, %dma_start3A_523, %dma_start3A_524] : memref<8x2x50x128xf32, #tpu.memory_space<vmem>> -> memref<1x2x50x128xf32, #tpu.memory_space<vmem>>
    %dma_start3A_526 = tpu.memref_squeeze %dma_start3A_525 : memref<1x2x50x128xf32, #tpu.memory_space<vmem>> -> memref<2x50x128xf32, #tpu.memory_space<vmem>>
    tpu.enqueue_dma source(%dma_start3A_526 : memref<2x50x128xf32, #tpu.memory_space<vmem>>) target(%dma_start3A_521 : memref<2x50x128xf32, #tpu.memory_space<hbm>>) target_semaphore(%dma_start3A_518 : memref<!tpu.dma_semaphore, #tpu.memory_space<semaphore_mem>>)
    %add3A_527 = arith.constant 2 : i32
    %add3A_528 = arith.addi %mul3A_2, %add3A_527 : i32
    %dma_wait3A_529 = arith.constant 1 : i32
    %dma_wait3A_530 = arith.constant 1 : i32
    %dma_wait3A_531 = arith.constant 0 : i32
    %dma_wait3A_532 = arith.constant 0 : i32
    %dma_wait3A_533 = arith.constant 0 : i32
    %dma_wait3A_534 = tpu.memref_slice %arg6[%dma_wait3A_529, %dma_wait3A_531, %dma_wait3A_532, %dma_wait3A_533] : memref<8x2x50x128xf32, #tpu.memory_space<vmem>> -> memref<1x2x50x128xf32, #tpu.memory_space<vmem>>
    %dma_wait3A_535 = tpu.memref_squeeze %dma_wait3A_534 : memref<1x2x50x128xf32, #tpu.memory_space<vmem>> -> memref<2x50x128xf32, #tpu.memory_space<vmem>>
    %dma_wait3A_536 = arith.constant 0 : i32
    %dma_wait3A_537 = arith.constant 0 : i32
    %dma_wait3A_538 = tpu.memref_slice %arg4[%add3A_528, %dma_wait3A_536, %dma_wait3A_537] : memref<4096x50x128xf32, #tpu.memory_space<hbm>> -> memref<2x50x128xf32, #tpu.memory_space<hbm>>
    %dma_wait3A_539 = tpu.memref_slice %arg8[%dma_wait3A_530] : memref<8x!tpu.dma_semaphore, #tpu.memory_space<semaphore_mem>> -> memref<1x!tpu.dma_semaphore, #tpu.memory_space<semaphore_mem>>
    %dma_wait3A_540 = tpu.memref_squeeze %dma_wait3A_539 : memref<1x!tpu.dma_semaphore, #tpu.memory_space<semaphore_mem>> -> memref<!tpu.dma_semaphore, #tpu.memory_space<semaphore_mem>>
    %dma_wait3A_541 = arith.constant 0 : i32
    %dma_wait3A_542 = arith.constant 0 : i32
    %dma_wait3A_543 = tpu.memref_slice %arg4[%add3A_528, %dma_wait3A_541, %dma_wait3A_542] : memref<4096x50x128xf32, #tpu.memory_space<hbm>> -> memref<2x50x128xf32, #tpu.memory_space<hbm>>
    %dma_wait3A_544 = arith.constant 0 : i32
    %dma_wait3A_545 = arith.constant 0 : i32
    %dma_wait3A_546 = arith.constant 0 : i32
    %dma_wait3A_547 = tpu.memref_slice %arg6[%dma_wait3A_529, %dma_wait3A_544, %dma_wait3A_545, %dma_wait3A_546] : memref<8x2x50x128xf32, #tpu.memory_space<vmem>> -> memref<1x2x50x128xf32, #tpu.memory_space<vmem>>
    %dma_wait3A_548 = tpu.memref_squeeze %dma_wait3A_547 : memref<1x2x50x128xf32, #tpu.memory_space<vmem>> -> memref<2x50x128xf32, #tpu.memory_space<vmem>>
    tpu.wait_dma2 semaphore(%dma_wait3A_540 : memref<!tpu.dma_semaphore, #tpu.memory_space<semaphore_mem>>) src(%dma_wait3A_548 : memref<2x50x128xf32, #tpu.memory_space<vmem>>) dst(%dma_wait3A_543 : memref<2x50x128xf32, #tpu.memory_space<hbm>>)
    %dma_start3A_549 = arith.constant 18 : i32
    %dma_start3A_550 = arith.constant 1 : i32
    %dma_start3A_551 = arith.constant 0 : i32
    %dma_start3A_552 = arith.constant 1 : i32
    %dma_start3A_553 = arith.constant 0 : i32
    %dma_start3A_554 = arith.constant 0 : i32
    %dma_start3A_555 = tpu.memref_slice %arg6[%dma_start3A_550, %dma_start3A_551, %dma_start3A_553, %dma_start3A_554] : memref<8x2x50x128xf32, #tpu.memory_space<vmem>> -> memref<1x1x50x128xf32, #tpu.memory_space<vmem>>
    %dma_start3A_556 = tpu.memref_squeeze %dma_start3A_555 : memref<1x1x50x128xf32, #tpu.memory_space<vmem>> -> memref<50x128xf32, #tpu.memory_space<vmem>>
    %dma_start3A_557 = arith.constant 0 : i32
    %dma_start3A_558 = tpu.memref_slice %arg5[%dma_start3A_549, %dma_start3A_557] : memref<128x50xi32, #tpu.memory_space<vmem>> -> memref<1x50xi32, #tpu.memory_space<vmem>>
    %dma_start3A_559 = tpu.memref_squeeze %dma_start3A_558 : memref<1x50xi32, #tpu.memory_space<vmem>> -> memref<50xi32, #tpu.memory_space<vmem>>
    %dma_start3A_560 = arith.constant 0 : i32
    %dma_start3A_561 = arith.constant 0 : i32
    %dma_start3A_562 = tpu.memref_slice %arg2[%dma_start3A_560, %dma_start3A_561] : memref<100000x128xf32, #tpu.memory_space<hbm>> -> memref<100000x128xf32, #tpu.memory_space<hbm>>
    %dma_start3A_563 = tpu.memref_slice %arg7[%dma_start3A_552] : memref<8x!tpu.dma_semaphore, #tpu.memory_space<semaphore_mem>> -> memref<1x!tpu.dma_semaphore, #tpu.memory_space<semaphore_mem>>
    %dma_start3A_564 = tpu.memref_squeeze %dma_start3A_563 : memref<1x!tpu.dma_semaphore, #tpu.memory_space<semaphore_mem>> -> memref<!tpu.dma_semaphore, #tpu.memory_space<semaphore_mem>>
    tpu.enqueue_indirect_dma source(%dma_start3A_562 : memref<100000x128xf32, #tpu.memory_space<hbm>>) target(%dma_start3A_556 : memref<50x128xf32, #tpu.memory_space<vmem>>) offsets(%dma_start3A_559 : memref<50xi32, #tpu.memory_space<vmem>>) semaphore(%dma_start3A_564 : memref<!tpu.dma_semaphore, #tpu.memory_space<semaphore_mem>>)
    %dma_start3A_565 = arith.constant 19 : i32
    %dma_start3A_566 = arith.constant 1 : i32
    %dma_start3A_567 = arith.constant 1 : i32
    %dma_start3A_568 = arith.constant 1 : i32
    %dma_start3A_569 = arith.constant 0 : i32
    %dma_start3A_570 = arith.constant 0 : i32
    %dma_start3A_571 = tpu.memref_slice %arg6[%dma_start3A_566, %dma_start3A_567, %dma_start3A_569, %dma_start3A_570] : memref<8x2x50x128xf32, #tpu.memory_space<vmem>> -> memref<1x1x50x128xf32, #tpu.memory_space<vmem>>
    %dma_start3A_572 = tpu.memref_squeeze %dma_start3A_571 : memref<1x1x50x128xf32, #tpu.memory_space<vmem>> -> memref<50x128xf32, #tpu.memory_space<vmem>>
    %dma_start3A_573 = arith.constant 0 : i32
    %dma_start3A_574 = tpu.memref_slice %arg5[%dma_start3A_565, %dma_start3A_573] : memref<128x50xi32, #tpu.memory_space<vmem>> -> memref<1x50xi32, #tpu.memory_space<vmem>>
    %dma_start3A_575 = tpu.memref_squeeze %dma_start3A_574 : memref<1x50xi32, #tpu.memory_space<vmem>> -> memref<50xi32, #tpu.memory_space<vmem>>
    %dma_start3A_576 = arith.constant 0 : i32
    %dma_start3A_577 = arith.constant 0 : i32
    %dma_start3A_578 = tpu.memref_slice %arg2[%dma_start3A_576, %dma_start3A_577] : memref<100000x128xf32, #tpu.memory_space<hbm>> -> memref<100000x128xf32, #tpu.memory_space<hbm>>
    %dma_start3A_579 = tpu.memref_slice %arg7[%dma_start3A_568] : memref<8x!tpu.dma_semaphore, #tpu.memory_space<semaphore_mem>> -> memref<1x!tpu.dma_semaphore, #tpu.memory_space<semaphore_mem>>
    %dma_start3A_580 = tpu.memref_squeeze %dma_start3A_579 : memref<1x!tpu.dma_semaphore, #tpu.memory_space<semaphore_mem>> -> memref<!tpu.dma_semaphore, #tpu.memory_space<semaphore_mem>>
    tpu.enqueue_indirect_dma source(%dma_start3A_578 : memref<100000x128xf32, #tpu.memory_space<hbm>>) target(%dma_start3A_572 : memref<50x128xf32, #tpu.memory_space<vmem>>) offsets(%dma_start3A_575 : memref<50xi32, #tpu.memory_space<vmem>>) semaphore(%dma_start3A_580 : memref<!tpu.dma_semaphore, #tpu.memory_space<semaphore_mem>>)
    %dma_wait3A_581 = arith.constant 8 : i32
    %dma_wait3A_582 = arith.constant 4 : i32
    %dma_wait3A_583 = arith.constant 0 : i32
    %dma_wait3A_584 = arith.constant 4 : i32
    %dma_wait3A_585 = arith.constant 0 : i32
    %dma_wait3A_586 = arith.constant 0 : i32
    %dma_wait3A_587 = tpu.memref_slice %arg6[%dma_wait3A_582, %dma_wait3A_583, %dma_wait3A_585, %dma_wait3A_586] : memref<8x2x50x128xf32, #tpu.memory_space<vmem>> -> memref<1x1x50x128xf32, #tpu.memory_space<vmem>>
    %dma_wait3A_588 = tpu.memref_squeeze %dma_wait3A_587 : memref<1x1x50x128xf32, #tpu.memory_space<vmem>> -> memref<50x128xf32, #tpu.memory_space<vmem>>
    %dma_wait3A_589 = arith.constant 0 : i32
    %dma_wait3A_590 = tpu.memref_slice %arg5[%dma_wait3A_581, %dma_wait3A_589] : memref<128x50xi32, #tpu.memory_space<vmem>> -> memref<1x50xi32, #tpu.memory_space<vmem>>
    %dma_wait3A_591 = tpu.memref_squeeze %dma_wait3A_590 : memref<1x50xi32, #tpu.memory_space<vmem>> -> memref<50xi32, #tpu.memory_space<vmem>>
    %dma_wait3A_592 = arith.constant 0 : i32
    %dma_wait3A_593 = arith.constant 0 : i32
    %dma_wait3A_594 = tpu.memref_slice %arg2[%dma_wait3A_592, %dma_wait3A_593] : memref<100000x128xf32, #tpu.memory_space<hbm>> -> memref<100000x128xf32, #tpu.memory_space<hbm>>
    %dma_wait3A_595 = tpu.memref_slice %arg7[%dma_wait3A_584] : memref<8x!tpu.dma_semaphore, #tpu.memory_space<semaphore_mem>> -> memref<1x!tpu.dma_semaphore, #tpu.memory_space<semaphore_mem>>
    %dma_wait3A_596 = tpu.memref_squeeze %dma_wait3A_595 : memref<1x!tpu.dma_semaphore, #tpu.memory_space<semaphore_mem>> -> memref<!tpu.dma_semaphore, #tpu.memory_space<semaphore_mem>>
    tpu.wait_indirect_dma semaphore(%dma_wait3A_596 : memref<!tpu.dma_semaphore, #tpu.memory_space<semaphore_mem>>) src(%dma_wait3A_594 : memref<100000x128xf32, #tpu.memory_space<hbm>>) dst(%dma_wait3A_588 : memref<50x128xf32, #tpu.memory_space<vmem>>)
    %dma_wait3A_597 = arith.constant 9 : i32
    %dma_wait3A_598 = arith.constant 4 : i32
    %dma_wait3A_599 = arith.constant 1 : i32
    %dma_wait3A_600 = arith.constant 4 : i32
    %dma_wait3A_601 = arith.constant 0 : i32
    %dma_wait3A_602 = arith.constant 0 : i32
    %dma_wait3A_603 = tpu.memref_slice %arg6[%dma_wait3A_598, %dma_wait3A_599, %dma_wait3A_601, %dma_wait3A_602] : memref<8x2x50x128xf32, #tpu.memory_space<vmem>> -> memref<1x1x50x128xf32, #tpu.memory_space<vmem>>
    %dma_wait3A_604 = tpu.memref_squeeze %dma_wait3A_603 : memref<1x1x50x128xf32, #tpu.memory_space<vmem>> -> memref<50x128xf32, #tpu.memory_space<vmem>>
    %dma_wait3A_605 = arith.constant 0 : i32
    %dma_wait3A_606 = tpu.memref_slice %arg5[%dma_wait3A_597, %dma_wait3A_605] : memref<128x50xi32, #tpu.memory_space<vmem>> -> memref<1x50xi32, #tpu.memory_space<vmem>>
    %dma_wait3A_607 = tpu.memref_squeeze %dma_wait3A_606 : memref<1x50xi32, #tpu.memory_space<vmem>> -> memref<50xi32, #tpu.memory_space<vmem>>
    %dma_wait3A_608 = arith.constant 0 : i32
    %dma_wait3A_609 = arith.constant 0 : i32
    %dma_wait3A_610 = tpu.memref_slice %arg2[%dma_wait3A_608, %dma_wait3A_609] : memref<100000x128xf32, #tpu.memory_space<hbm>> -> memref<100000x128xf32, #tpu.memory_space<hbm>>
    %dma_wait3A_611 = tpu.memref_slice %arg7[%dma_wait3A_600] : memref<8x!tpu.dma_semaphore, #tpu.memory_space<semaphore_mem>> -> memref<1x!tpu.dma_semaphore, #tpu.memory_space<semaphore_mem>>
    %dma_wait3A_612 = tpu.memref_squeeze %dma_wait3A_611 : memref<1x!tpu.dma_semaphore, #tpu.memory_space<semaphore_mem>> -> memref<!tpu.dma_semaphore, #tpu.memory_space<semaphore_mem>>
    tpu.wait_indirect_dma semaphore(%dma_wait3A_612 : memref<!tpu.dma_semaphore, #tpu.memory_space<semaphore_mem>>) src(%dma_wait3A_610 : memref<100000x128xf32, #tpu.memory_space<hbm>>) dst(%dma_wait3A_604 : memref<50x128xf32, #tpu.memory_space<vmem>>)
    %add3A_613 = arith.constant 8 : i32
    %add3A_614 = arith.addi %mul3A_2, %add3A_613 : i32
    %dma_start3A_615 = arith.constant 4 : i32
    %dma_start3A_616 = arith.constant 4 : i32
    %dma_start3A_617 = arith.constant 0 : i32
    %dma_start3A_618 = arith.constant 0 : i32
    %dma_start3A_619 = arith.constant 0 : i32
    %dma_start3A_620 = tpu.memref_slice %arg6[%dma_start3A_615, %dma_start3A_617, %dma_start3A_618, %dma_start3A_619] : memref<8x2x50x128xf32, #tpu.memory_space<vmem>> -> memref<1x2x50x128xf32, #tpu.memory_space<vmem>>
    %dma_start3A_621 = tpu.memref_squeeze %dma_start3A_620 : memref<1x2x50x128xf32, #tpu.memory_space<vmem>> -> memref<2x50x128xf32, #tpu.memory_space<vmem>>
    %dma_start3A_622 = arith.constant 0 : i32
    %dma_start3A_623 = arith.constant 0 : i32
    %dma_start3A_624 = tpu.memref_slice %arg4[%add3A_614, %dma_start3A_622, %dma_start3A_623] : memref<4096x50x128xf32, #tpu.memory_space<hbm>> -> memref<2x50x128xf32, #tpu.memory_space<hbm>>
    %dma_start3A_625 = tpu.memref_slice %arg8[%dma_start3A_616] : memref<8x!tpu.dma_semaphore, #tpu.memory_space<semaphore_mem>> -> memref<1x!tpu.dma_semaphore, #tpu.memory_space<semaphore_mem>>
    %dma_start3A_626 = tpu.memref_squeeze %dma_start3A_625 : memref<1x!tpu.dma_semaphore, #tpu.memory_space<semaphore_mem>> -> memref<!tpu.dma_semaphore, #tpu.memory_space<semaphore_mem>>
    %dma_start3A_627 = arith.constant 0 : i32
    %dma_start3A_628 = arith.constant 0 : i32
    %dma_start3A_629 = tpu.memref_slice %arg4[%add3A_614, %dma_start3A_627, %dma_start3A_628] : memref<4096x50x128xf32, #tpu.memory_space<hbm>> -> memref<2x50x128xf32, #tpu.memory_space<hbm>>
    %dma_start3A_630 = arith.constant 0 : i32
    %dma_start3A_631 = arith.constant 0 : i32
    %dma_start3A_632 = arith.constant 0 : i32
    %dma_start3A_633 = tpu.memref_slice %arg6[%dma_start3A_615, %dma_start3A_630, %dma_start3A_631, %dma_start3A_632] : memref<8x2x50x128xf32, #tpu.memory_space<vmem>> -> memref<1x2x50x128xf32, #tpu.memory_space<vmem>>
    %dma_start3A_634 = tpu.memref_squeeze %dma_start3A_633 : memref<1x2x50x128xf32, #tpu.memory_space<vmem>> -> memref<2x50x128xf32, #tpu.memory_space<vmem>>
    tpu.enqueue_dma source(%dma_start3A_634 : memref<2x50x128xf32, #tpu.memory_space<vmem>>) target(%dma_start3A_629 : memref<2x50x128xf32, #tpu.memory_space<hbm>>) target_semaphore(%dma_start3A_626 : memref<!tpu.dma_semaphore, #tpu.memory_space<semaphore_mem>>)
    %add3A_635 = arith.constant 4 : i32
    %add3A_636 = arith.addi %mul3A_2, %add3A_635 : i32
    %dma_wait3A_637 = arith.constant 2 : i32
    %dma_wait3A_638 = arith.constant 2 : i32
    %dma_wait3A_639 = arith.constant 0 : i32
    %dma_wait3A_640 = arith.constant 0 : i32
    %dma_wait3A_641 = arith.constant 0 : i32
    %dma_wait3A_642 = tpu.memref_slice %arg6[%dma_wait3A_637, %dma_wait3A_639, %dma_wait3A_640, %dma_wait3A_641] : memref<8x2x50x128xf32, #tpu.memory_space<vmem>> -> memref<1x2x50x128xf32, #tpu.memory_space<vmem>>
    %dma_wait3A_643 = tpu.memref_squeeze %dma_wait3A_642 : memref<1x2x50x128xf32, #tpu.memory_space<vmem>> -> memref<2x50x128xf32, #tpu.memory_space<vmem>>
    %dma_wait3A_644 = arith.constant 0 : i32
    %dma_wait3A_645 = arith.constant 0 : i32
    %dma_wait3A_646 = tpu.memref_slice %arg4[%add3A_636, %dma_wait3A_644, %dma_wait3A_645] : memref<4096x50x128xf32, #tpu.memory_space<hbm>> -> memref<2x50x128xf32, #tpu.memory_space<hbm>>
    %dma_wait3A_647 = tpu.memref_slice %arg8[%dma_wait3A_638] : memref<8x!tpu.dma_semaphore, #tpu.memory_space<semaphore_mem>> -> memref<1x!tpu.dma_semaphore, #tpu.memory_space<semaphore_mem>>
    %dma_wait3A_648 = tpu.memref_squeeze %dma_wait3A_647 : memref<1x!tpu.dma_semaphore, #tpu.memory_space<semaphore_mem>> -> memref<!tpu.dma_semaphore, #tpu.memory_space<semaphore_mem>>
    %dma_wait3A_649 = arith.constant 0 : i32
    %dma_wait3A_650 = arith.constant 0 : i32
    %dma_wait3A_651 = tpu.memref_slice %arg4[%add3A_636, %dma_wait3A_649, %dma_wait3A_650] : memref<4096x50x128xf32, #tpu.memory_space<hbm>> -> memref<2x50x128xf32, #tpu.memory_space<hbm>>
    %dma_wait3A_652 = arith.constant 0 : i32
    %dma_wait3A_653 = arith.constant 0 : i32
    %dma_wait3A_654 = arith.constant 0 : i32
    %dma_wait3A_655 = tpu.memref_slice %arg6[%dma_wait3A_637, %dma_wait3A_652, %dma_wait3A_653, %dma_wait3A_654] : memref<8x2x50x128xf32, #tpu.memory_space<vmem>> -> memref<1x2x50x128xf32, #tpu.memory_space<vmem>>
    %dma_wait3A_656 = tpu.memref_squeeze %dma_wait3A_655 : memref<1x2x50x128xf32, #tpu.memory_space<vmem>> -> memref<2x50x128xf32, #tpu.memory_space<vmem>>
    tpu.wait_dma2 semaphore(%dma_wait3A_648 : memref<!tpu.dma_semaphore, #tpu.memory_space<semaphore_mem>>) src(%dma_wait3A_656 : memref<2x50x128xf32, #tpu.memory_space<vmem>>) dst(%dma_wait3A_651 : memref<2x50x128xf32, #tpu.memory_space<hbm>>)
    %dma_start3A_657 = arith.constant 20 : i32
    %dma_start3A_658 = arith.constant 2 : i32
    %dma_start3A_659 = arith.constant 0 : i32
    %dma_start3A_660 = arith.constant 2 : i32
    %dma_start3A_661 = arith.constant 0 : i32
    %dma_start3A_662 = arith.constant 0 : i32
    %dma_start3A_663 = tpu.memref_slice %arg6[%dma_start3A_658, %dma_start3A_659, %dma_start3A_661, %dma_start3A_662] : memref<8x2x50x128xf32, #tpu.memory_space<vmem>> -> memref<1x1x50x128xf32, #tpu.memory_space<vmem>>
    %dma_start3A_664 = tpu.memref_squeeze %dma_start3A_663 : memref<1x1x50x128xf32, #tpu.memory_space<vmem>> -> memref<50x128xf32, #tpu.memory_space<vmem>>
    %dma_start3A_665 = arith.constant 0 : i32
    %dma_start3A_666 = tpu.memref_slice %arg5[%dma_start3A_657, %dma_start3A_665] : memref<128x50xi32, #tpu.memory_space<vmem>> -> memref<1x50xi32, #tpu.memory_space<vmem>>
    %dma_start3A_667 = tpu.memref_squeeze %dma_start3A_666 : memref<1x50xi32, #tpu.memory_space<vmem>> -> memref<50xi32, #tpu.memory_space<vmem>>
    %dma_start3A_668 = arith.constant 0 : i32
    %dma_start3A_669 = arith.constant 0 : i32
    %dma_start3A_670 = tpu.memref_slice %arg2[%dma_start3A_668, %dma_start3A_669] : memref<100000x128xf32, #tpu.memory_space<hbm>> -> memref<100000x128xf32, #tpu.memory_space<hbm>>
    %dma_start3A_671 = tpu.memref_slice %arg7[%dma_start3A_660] : memref<8x!tpu.dma_semaphore, #tpu.memory_space<semaphore_mem>> -> memref<1x!tpu.dma_semaphore, #tpu.memory_space<semaphore_mem>>
    %dma_start3A_672 = tpu.memref_squeeze %dma_start3A_671 : memref<1x!tpu.dma_semaphore, #tpu.memory_space<semaphore_mem>> -> memref<!tpu.dma_semaphore, #tpu.memory_space<semaphore_mem>>
    tpu.enqueue_indirect_dma source(%dma_start3A_670 : memref<100000x128xf32, #tpu.memory_space<hbm>>) target(%dma_start3A_664 : memref<50x128xf32, #tpu.memory_space<vmem>>) offsets(%dma_start3A_667 : memref<50xi32, #tpu.memory_space<vmem>>) semaphore(%dma_start3A_672 : memref<!tpu.dma_semaphore, #tpu.memory_space<semaphore_mem>>)
    %dma_start3A_673 = arith.constant 21 : i32
    %dma_start3A_674 = arith.constant 2 : i32
    %dma_start3A_675 = arith.constant 1 : i32
    %dma_start3A_676 = arith.constant 2 : i32
    %dma_start3A_677 = arith.constant 0 : i32
    %dma_start3A_678 = arith.constant 0 : i32
    %dma_start3A_679 = tpu.memref_slice %arg6[%dma_start3A_674, %dma_start3A_675, %dma_start3A_677, %dma_start3A_678] : memref<8x2x50x128xf32, #tpu.memory_space<vmem>> -> memref<1x1x50x128xf32, #tpu.memory_space<vmem>>
    %dma_start3A_680 = tpu.memref_squeeze %dma_start3A_679 : memref<1x1x50x128xf32, #tpu.memory_space<vmem>> -> memref<50x128xf32, #tpu.memory_space<vmem>>
    %dma_start3A_681 = arith.constant 0 : i32
    %dma_start3A_682 = tpu.memref_slice %arg5[%dma_start3A_673, %dma_start3A_681] : memref<128x50xi32, #tpu.memory_space<vmem>> -> memref<1x50xi32, #tpu.memory_space<vmem>>
    %dma_start3A_683 = tpu.memref_squeeze %dma_start3A_682 : memref<1x50xi32, #tpu.memory_space<vmem>> -> memref<50xi32, #tpu.memory_space<vmem>>
    %dma_start3A_684 = arith.constant 0 : i32
    %dma_start3A_685 = arith.constant 0 : i32
    %dma_start3A_686 = tpu.memref_slice %arg2[%dma_start3A_684, %dma_start3A_685] : memref<100000x128xf32, #tpu.memory_space<hbm>> -> memref<100000x128xf32, #tpu.memory_space<hbm>>
    %dma_start3A_687 = tpu.memref_slice %arg7[%dma_start3A_676] : memref<8x!tpu.dma_semaphore, #tpu.memory_space<semaphore_mem>> -> memref<1x!tpu.dma_semaphore, #tpu.memory_space<semaphore_mem>>
    %dma_start3A_688 = tpu.memref_squeeze %dma_start3A_687 : memref<1x!tpu.dma_semaphore, #tpu.memory_space<semaphore_mem>> -> memref<!tpu.dma_semaphore, #tpu.memory_space<semaphore_mem>>
    tpu.enqueue_indirect_dma source(%dma_start3A_686 : memref<100000x128xf32, #tpu.memory_space<hbm>>) target(%dma_start3A_680 : memref<50x128xf32, #tpu.memory_space<vmem>>) offsets(%dma_start3A_683 : memref<50xi32, #tpu.memory_space<vmem>>) semaphore(%dma_start3A_688 : memref<!tpu.dma_semaphore, #tpu.memory_space<semaphore_mem>>)
    %dma_wait3A_689 = arith.constant 10 : i32
    %dma_wait3A_690 = arith.constant 5 : i32
    %dma_wait3A_691 = arith.constant 0 : i32
    %dma_wait3A_692 = arith.constant 5 : i32
    %dma_wait3A_693 = arith.constant 0 : i32
    %dma_wait3A_694 = arith.constant 0 : i32
    %dma_wait3A_695 = tpu.memref_slice %arg6[%dma_wait3A_690, %dma_wait3A_691, %dma_wait3A_693, %dma_wait3A_694] : memref<8x2x50x128xf32, #tpu.memory_space<vmem>> -> memref<1x1x50x128xf32, #tpu.memory_space<vmem>>
    %dma_wait3A_696 = tpu.memref_squeeze %dma_wait3A_695 : memref<1x1x50x128xf32, #tpu.memory_space<vmem>> -> memref<50x128xf32, #tpu.memory_space<vmem>>
    %dma_wait3A_697 = arith.constant 0 : i32
    %dma_wait3A_698 = tpu.memref_slice %arg5[%dma_wait3A_689, %dma_wait3A_697] : memref<128x50xi32, #tpu.memory_space<vmem>> -> memref<1x50xi32, #tpu.memory_space<vmem>>
    %dma_wait3A_699 = tpu.memref_squeeze %dma_wait3A_698 : memref<1x50xi32, #tpu.memory_space<vmem>> -> memref<50xi32, #tpu.memory_space<vmem>>
    %dma_wait3A_700 = arith.constant 0 : i32
    %dma_wait3A_701 = arith.constant 0 : i32
    %dma_wait3A_702 = tpu.memref_slice %arg2[%dma_wait3A_700, %dma_wait3A_701] : memref<100000x128xf32, #tpu.memory_space<hbm>> -> memref<100000x128xf32, #tpu.memory_space<hbm>>
    %dma_wait3A_703 = tpu.memref_slice %arg7[%dma_wait3A_692] : memref<8x!tpu.dma_semaphore, #tpu.memory_space<semaphore_mem>> -> memref<1x!tpu.dma_semaphore, #tpu.memory_space<semaphore_mem>>
    %dma_wait3A_704 = tpu.memref_squeeze %dma_wait3A_703 : memref<1x!tpu.dma_semaphore, #tpu.memory_space<semaphore_mem>> -> memref<!tpu.dma_semaphore, #tpu.memory_space<semaphore_mem>>
    tpu.wait_indirect_dma semaphore(%dma_wait3A_704 : memref<!tpu.dma_semaphore, #tpu.memory_space<semaphore_mem>>) src(%dma_wait3A_702 : memref<100000x128xf32, #tpu.memory_space<hbm>>) dst(%dma_wait3A_696 : memref<50x128xf32, #tpu.memory_space<vmem>>)
    %dma_wait3A_705 = arith.constant 11 : i32
    %dma_wait3A_706 = arith.constant 5 : i32
    %dma_wait3A_707 = arith.constant 1 : i32
    %dma_wait3A_708 = arith.constant 5 : i32
    %dma_wait3A_709 = arith.constant 0 : i32
    %dma_wait3A_710 = arith.constant 0 : i32
    %dma_wait3A_711 = tpu.memref_slice %arg6[%dma_wait3A_706, %dma_wait3A_707, %dma_wait3A_709, %dma_wait3A_710] : memref<8x2x50x128xf32, #tpu.memory_space<vmem>> -> memref<1x1x50x128xf32, #tpu.memory_space<vmem>>
    %dma_wait3A_712 = tpu.memref_squeeze %dma_wait3A_711 : memref<1x1x50x128xf32, #tpu.memory_space<vmem>> -> memref<50x128xf32, #tpu.memory_space<vmem>>
    %dma_wait3A_713 = arith.constant 0 : i32
    %dma_wait3A_714 = tpu.memref_slice %arg5[%dma_wait3A_705, %dma_wait3A_713] : memref<128x50xi32, #tpu.memory_space<vmem>> -> memref<1x50xi32, #tpu.memory_space<vmem>>
    %dma_wait3A_715 = tpu.memref_squeeze %dma_wait3A_714 : memref<1x50xi32, #tpu.memory_space<vmem>> -> memref<50xi32, #tpu.memory_space<vmem>>
    %dma_wait3A_716 = arith.constant 0 : i32
    %dma_wait3A_717 = arith.constant 0 : i32
    %dma_wait3A_718 = tpu.memref_slice %arg2[%dma_wait3A_716, %dma_wait3A_717] : memref<100000x128xf32, #tpu.memory_space<hbm>> -> memref<100000x128xf32, #tpu.memory_space<hbm>>
    %dma_wait3A_719 = tpu.memref_slice %arg7[%dma_wait3A_708] : memref<8x!tpu.dma_semaphore, #tpu.memory_space<semaphore_mem>> -> memref<1x!tpu.dma_semaphore, #tpu.memory_space<semaphore_mem>>
    %dma_wait3A_720 = tpu.memref_squeeze %dma_wait3A_719 : memref<1x!tpu.dma_semaphore, #tpu.memory_space<semaphore_mem>> -> memref<!tpu.dma_semaphore, #tpu.memory_space<semaphore_mem>>
    tpu.wait_indirect_dma semaphore(%dma_wait3A_720 : memref<!tpu.dma_semaphore, #tpu.memory_space<semaphore_mem>>) src(%dma_wait3A_718 : memref<100000x128xf32, #tpu.memory_space<hbm>>) dst(%dma_wait3A_712 : memref<50x128xf32, #tpu.memory_space<vmem>>)
    %add3A_721 = arith.constant 10 : i32
    %add3A_722 = arith.addi %mul3A_2, %add3A_721 : i32
    %dma_start3A_723 = arith.constant 5 : i32
    %dma_start3A_724 = arith.constant 5 : i32
    %dma_start3A_725 = arith.constant 0 : i32
    %dma_start3A_726 = arith.constant 0 : i32
    %dma_start3A_727 = arith.constant 0 : i32
    %dma_start3A_728 = tpu.memref_slice %arg6[%dma_start3A_723, %dma_start3A_725, %dma_start3A_726, %dma_start3A_727] : memref<8x2x50x128xf32, #tpu.memory_space<vmem>> -> memref<1x2x50x128xf32, #tpu.memory_space<vmem>>
    %dma_start3A_729 = tpu.memref_squeeze %dma_start3A_728 : memref<1x2x50x128xf32, #tpu.memory_space<vmem>> -> memref<2x50x128xf32, #tpu.memory_space<vmem>>
    %dma_start3A_730 = arith.constant 0 : i32
    %dma_start3A_731 = arith.constant 0 : i32
    %dma_start3A_732 = tpu.memref_slice %arg4[%add3A_722, %dma_start3A_730, %dma_start3A_731] : memref<4096x50x128xf32, #tpu.memory_space<hbm>> -> memref<2x50x128xf32, #tpu.memory_space<hbm>>
    %dma_start3A_733 = tpu.memref_slice %arg8[%dma_start3A_724] : memref<8x!tpu.dma_semaphore, #tpu.memory_space<semaphore_mem>> -> memref<1x!tpu.dma_semaphore, #tpu.memory_space<semaphore_mem>>
    %dma_start3A_734 = tpu.memref_squeeze %dma_start3A_733 : memref<1x!tpu.dma_semaphore, #tpu.memory_space<semaphore_mem>> -> memref<!tpu.dma_semaphore, #tpu.memory_space<semaphore_mem>>
    %dma_start3A_735 = arith.constant 0 : i32
    %dma_start3A_736 = arith.constant 0 : i32
    %dma_start3A_737 = tpu.memref_slice %arg4[%add3A_722, %dma_start3A_735, %dma_start3A_736] : memref<4096x50x128xf32, #tpu.memory_space<hbm>> -> memref<2x50x128xf32, #tpu.memory_space<hbm>>
    %dma_start3A_738 = arith.constant 0 : i32
    %dma_start3A_739 = arith.constant 0 : i32
    %dma_start3A_740 = arith.constant 0 : i32
    %dma_start3A_741 = tpu.memref_slice %arg6[%dma_start3A_723, %dma_start3A_738, %dma_start3A_739, %dma_start3A_740] : memref<8x2x50x128xf32, #tpu.memory_space<vmem>> -> memref<1x2x50x128xf32, #tpu.memory_space<vmem>>
    %dma_start3A_742 = tpu.memref_squeeze %dma_start3A_741 : memref<1x2x50x128xf32, #tpu.memory_space<vmem>> -> memref<2x50x128xf32, #tpu.memory_space<vmem>>
    tpu.enqueue_dma source(%dma_start3A_742 : memref<2x50x128xf32, #tpu.memory_space<vmem>>) target(%dma_start3A_737 : memref<2x50x128xf32, #tpu.memory_space<hbm>>) target_semaphore(%dma_start3A_734 : memref<!tpu.dma_semaphore, #tpu.memory_space<semaphore_mem>>)
    %add3A_743 = arith.constant 6 : i32
    %add3A_744 = arith.addi %mul3A_2, %add3A_743 : i32
    %dma_wait3A_745 = arith.constant 3 : i32
    %dma_wait3A_746 = arith.constant 3 : i32
    %dma_wait3A_747 = arith.constant 0 : i32
    %dma_wait3A_748 = arith.constant 0 : i32
    %dma_wait3A_749 = arith.constant 0 : i32
    %dma_wait3A_750 = tpu.memref_slice %arg6[%dma_wait3A_745, %dma_wait3A_747, %dma_wait3A_748, %dma_wait3A_749] : memref<8x2x50x128xf32, #tpu.memory_space<vmem>> -> memref<1x2x50x128xf32, #tpu.memory_space<vmem>>
    %dma_wait3A_751 = tpu.memref_squeeze %dma_wait3A_750 : memref<1x2x50x128xf32, #tpu.memory_space<vmem>> -> memref<2x50x128xf32, #tpu.memory_space<vmem>>
    %dma_wait3A_752 = arith.constant 0 : i32
    %dma_wait3A_753 = arith.constant 0 : i32
    %dma_wait3A_754 = tpu.memref_slice %arg4[%add3A_744, %dma_wait3A_752, %dma_wait3A_753] : memref<4096x50x128xf32, #tpu.memory_space<hbm>> -> memref<2x50x128xf32, #tpu.memory_space<hbm>>
    %dma_wait3A_755 = tpu.memref_slice %arg8[%dma_wait3A_746] : memref<8x!tpu.dma_semaphore, #tpu.memory_space<semaphore_mem>> -> memref<1x!tpu.dma_semaphore, #tpu.memory_space<semaphore_mem>>
    %dma_wait3A_756 = tpu.memref_squeeze %dma_wait3A_755 : memref<1x!tpu.dma_semaphore, #tpu.memory_space<semaphore_mem>> -> memref<!tpu.dma_semaphore, #tpu.memory_space<semaphore_mem>>
    %dma_wait3A_757 = arith.constant 0 : i32
    %dma_wait3A_758 = arith.constant 0 : i32
    %dma_wait3A_759 = tpu.memref_slice %arg4[%add3A_744, %dma_wait3A_757, %dma_wait3A_758] : memref<4096x50x128xf32, #tpu.memory_space<hbm>> -> memref<2x50x128xf32, #tpu.memory_space<hbm>>
    %dma_wait3A_760 = arith.constant 0 : i32
    %dma_wait3A_761 = arith.constant 0 : i32
    %dma_wait3A_762 = arith.constant 0 : i32
    %dma_wait3A_763 = tpu.memref_slice %arg6[%dma_wait3A_745, %dma_wait3A_760, %dma_wait3A_761, %dma_wait3A_762] : memref<8x2x50x128xf32, #tpu.memory_space<vmem>> -> memref<1x2x50x128xf32, #tpu.memory_space<vmem>>
    %dma_wait3A_764 = tpu.memref_squeeze %dma_wait3A_763 : memref<1x2x50x128xf32, #tpu.memory_space<vmem>> -> memref<2x50x128xf32, #tpu.memory_space<vmem>>
    tpu.wait_dma2 semaphore(%dma_wait3A_756 : memref<!tpu.dma_semaphore, #tpu.memory_space<semaphore_mem>>) src(%dma_wait3A_764 : memref<2x50x128xf32, #tpu.memory_space<vmem>>) dst(%dma_wait3A_759 : memref<2x50x128xf32, #tpu.memory_space<hbm>>)
    %dma_start3A_765 = arith.constant 22 : i32
    %dma_start3A_766 = arith.constant 3 : i32
    %dma_start3A_767 = arith.constant 0 : i32
    %dma_start3A_768 = arith.constant 3 : i32
    %dma_start3A_769 = arith.constant 0 : i32
    %dma_start3A_770 = arith.constant 0 : i32
    %dma_start3A_771 = tpu.memref_slice %arg6[%dma_start3A_766, %dma_start3A_767, %dma_start3A_769, %dma_start3A_770] : memref<8x2x50x128xf32, #tpu.memory_space<vmem>> -> memref<1x1x50x128xf32, #tpu.memory_space<vmem>>
    %dma_start3A_772 = tpu.memref_squeeze %dma_start3A_771 : memref<1x1x50x128xf32, #tpu.memory_space<vmem>> -> memref<50x128xf32, #tpu.memory_space<vmem>>
    %dma_start3A_773 = arith.constant 0 : i32
    %dma_start3A_774 = tpu.memref_slice %arg5[%dma_start3A_765, %dma_start3A_773] : memref<128x50xi32, #tpu.memory_space<vmem>> -> memref<1x50xi32, #tpu.memory_space<vmem>>
    %dma_start3A_775 = tpu.memref_squeeze %dma_start3A_774 : memref<1x50xi32, #tpu.memory_space<vmem>> -> memref<50xi32, #tpu.memory_space<vmem>>
    %dma_start3A_776 = arith.constant 0 : i32
    %dma_start3A_777 = arith.constant 0 : i32
    %dma_start3A_778 = tpu.memref_slice %arg2[%dma_start3A_776, %dma_start3A_777] : memref<100000x128xf32, #tpu.memory_space<hbm>> -> memref<100000x128xf32, #tpu.memory_space<hbm>>
    %dma_start3A_779 = tpu.memref_slice %arg7[%dma_start3A_768] : memref<8x!tpu.dma_semaphore, #tpu.memory_space<semaphore_mem>> -> memref<1x!tpu.dma_semaphore, #tpu.memory_space<semaphore_mem>>
    %dma_start3A_780 = tpu.memref_squeeze %dma_start3A_779 : memref<1x!tpu.dma_semaphore, #tpu.memory_space<semaphore_mem>> -> memref<!tpu.dma_semaphore, #tpu.memory_space<semaphore_mem>>
    tpu.enqueue_indirect_dma source(%dma_start3A_778 : memref<100000x128xf32, #tpu.memory_space<hbm>>) target(%dma_start3A_772 : memref<50x128xf32, #tpu.memory_space<vmem>>) offsets(%dma_start3A_775 : memref<50xi32, #tpu.memory_space<vmem>>) semaphore(%dma_start3A_780 : memref<!tpu.dma_semaphore, #tpu.memory_space<semaphore_mem>>)
    %dma_start3A_781 = arith.constant 23 : i32
    %dma_start3A_782 = arith.constant 3 : i32
    %dma_start3A_783 = arith.constant 1 : i32
    %dma_start3A_784 = arith.constant 3 : i32
    %dma_start3A_785 = arith.constant 0 : i32
    %dma_start3A_786 = arith.constant 0 : i32
    %dma_start3A_787 = tpu.memref_slice %arg6[%dma_start3A_782, %dma_start3A_783, %dma_start3A_785, %dma_start3A_786] : memref<8x2x50x128xf32, #tpu.memory_space<vmem>> -> memref<1x1x50x128xf32, #tpu.memory_space<vmem>>
    %dma_start3A_788 = tpu.memref_squeeze %dma_start3A_787 : memref<1x1x50x128xf32, #tpu.memory_space<vmem>> -> memref<50x128xf32, #tpu.memory_space<vmem>>
    %dma_start3A_789 = arith.constant 0 : i32
    %dma_start3A_790 = tpu.memref_slice %arg5[%dma_start3A_781, %dma_start3A_789] : memref<128x50xi32, #tpu.memory_space<vmem>> -> memref<1x50xi32, #tpu.memory_space<vmem>>
    %dma_start3A_791 = tpu.memref_squeeze %dma_start3A_790 : memref<1x50xi32, #tpu.memory_space<vmem>> -> memref<50xi32, #tpu.memory_space<vmem>>
    %dma_start3A_792 = arith.constant 0 : i32
    %dma_start3A_793 = arith.constant 0 : i32
    %dma_start3A_794 = tpu.memref_slice %arg2[%dma_start3A_792, %dma_start3A_793] : memref<100000x128xf32, #tpu.memory_space<hbm>> -> memref<100000x128xf32, #tpu.memory_space<hbm>>
    %dma_start3A_795 = tpu.memref_slice %arg7[%dma_start3A_784] : memref<8x!tpu.dma_semaphore, #tpu.memory_space<semaphore_mem>> -> memref<1x!tpu.dma_semaphore, #tpu.memory_space<semaphore_mem>>
    %dma_start3A_796 = tpu.memref_squeeze %dma_start3A_795 : memref<1x!tpu.dma_semaphore, #tpu.memory_space<semaphore_mem>> -> memref<!tpu.dma_semaphore, #tpu.memory_space<semaphore_mem>>
    tpu.enqueue_indirect_dma source(%dma_start3A_794 : memref<100000x128xf32, #tpu.memory_space<hbm>>) target(%dma_start3A_788 : memref<50x128xf32, #tpu.memory_space<vmem>>) offsets(%dma_start3A_791 : memref<50xi32, #tpu.memory_space<vmem>>) semaphore(%dma_start3A_796 : memref<!tpu.dma_semaphore, #tpu.memory_space<semaphore_mem>>)
    %dma_wait3A_797 = arith.constant 12 : i32
    %dma_wait3A_798 = arith.constant 6 : i32
    %dma_wait3A_799 = arith.constant 0 : i32
    %dma_wait3A_800 = arith.constant 6 : i32
    %dma_wait3A_801 = arith.constant 0 : i32
    %dma_wait3A_802 = arith.constant 0 : i32
    %dma_wait3A_803 = tpu.memref_slice %arg6[%dma_wait3A_798, %dma_wait3A_799, %dma_wait3A_801, %dma_wait3A_802] : memref<8x2x50x128xf32, #tpu.memory_space<vmem>> -> memref<1x1x50x128xf32, #tpu.memory_space<vmem>>
    %dma_wait3A_804 = tpu.memref_squeeze %dma_wait3A_803 : memref<1x1x50x128xf32, #tpu.memory_space<vmem>> -> memref<50x128xf32, #tpu.memory_space<vmem>>
    %dma_wait3A_805 = arith.constant 0 : i32
    %dma_wait3A_806 = tpu.memref_slice %arg5[%dma_wait3A_797, %dma_wait3A_805] : memref<128x50xi32, #tpu.memory_space<vmem>> -> memref<1x50xi32, #tpu.memory_space<vmem>>
    %dma_wait3A_807 = tpu.memref_squeeze %dma_wait3A_806 : memref<1x50xi32, #tpu.memory_space<vmem>> -> memref<50xi32, #tpu.memory_space<vmem>>
    %dma_wait3A_808 = arith.constant 0 : i32
    %dma_wait3A_809 = arith.constant 0 : i32
    %dma_wait3A_810 = tpu.memref_slice %arg2[%dma_wait3A_808, %dma_wait3A_809] : memref<100000x128xf32, #tpu.memory_space<hbm>> -> memref<100000x128xf32, #tpu.memory_space<hbm>>
    %dma_wait3A_811 = tpu.memref_slice %arg7[%dma_wait3A_800] : memref<8x!tpu.dma_semaphore, #tpu.memory_space<semaphore_mem>> -> memref<1x!tpu.dma_semaphore, #tpu.memory_space<semaphore_mem>>
    %dma_wait3A_812 = tpu.memref_squeeze %dma_wait3A_811 : memref<1x!tpu.dma_semaphore, #tpu.memory_space<semaphore_mem>> -> memref<!tpu.dma_semaphore, #tpu.memory_space<semaphore_mem>>
    tpu.wait_indirect_dma semaphore(%dma_wait3A_812 : memref<!tpu.dma_semaphore, #tpu.memory_space<semaphore_mem>>) src(%dma_wait3A_810 : memref<100000x128xf32, #tpu.memory_space<hbm>>) dst(%dma_wait3A_804 : memref<50x128xf32, #tpu.memory_space<vmem>>)
    %dma_wait3A_813 = arith.constant 13 : i32
    %dma_wait3A_814 = arith.constant 6 : i32
    %dma_wait3A_815 = arith.constant 1 : i32
    %dma_wait3A_816 = arith.constant 6 : i32
    %dma_wait3A_817 = arith.constant 0 : i32
    %dma_wait3A_818 = arith.constant 0 : i32
    %dma_wait3A_819 = tpu.memref_slice %arg6[%dma_wait3A_814, %dma_wait3A_815, %dma_wait3A_817, %dma_wait3A_818] : memref<8x2x50x128xf32, #tpu.memory_space<vmem>> -> memref<1x1x50x128xf32, #tpu.memory_space<vmem>>
    %dma_wait3A_820 = tpu.memref_squeeze %dma_wait3A_819 : memref<1x1x50x128xf32, #tpu.memory_space<vmem>> -> memref<50x128xf32, #tpu.memory_space<vmem>>
    %dma_wait3A_821 = arith.constant 0 : i32
    %dma_wait3A_822 = tpu.memref_slice %arg5[%dma_wait3A_813, %dma_wait3A_821] : memref<128x50xi32, #tpu.memory_space<vmem>> -> memref<1x50xi32, #tpu.memory_space<vmem>>
    %dma_wait3A_823 = tpu.memref_squeeze %dma_wait3A_822 : memref<1x50xi32, #tpu.memory_space<vmem>> -> memref<50xi32, #tpu.memory_space<vmem>>
    %dma_wait3A_824 = arith.constant 0 : i32
    %dma_wait3A_825 = arith.constant 0 : i32
    %dma_wait3A_826 = tpu.memref_slice %arg2[%dma_wait3A_824, %dma_wait3A_825] : memref<100000x128xf32, #tpu.memory_space<hbm>> -> memref<100000x128xf32, #tpu.memory_space<hbm>>
    %dma_wait3A_827 = tpu.memref_slice %arg7[%dma_wait3A_816] : memref<8x!tpu.dma_semaphore, #tpu.memory_space<semaphore_mem>> -> memref<1x!tpu.dma_semaphore, #tpu.memory_space<semaphore_mem>>
    %dma_wait3A_828 = tpu.memref_squeeze %dma_wait3A_827 : memref<1x!tpu.dma_semaphore, #tpu.memory_space<semaphore_mem>> -> memref<!tpu.dma_semaphore, #tpu.memory_space<semaphore_mem>>
    tpu.wait_indirect_dma semaphore(%dma_wait3A_828 : memref<!tpu.dma_semaphore, #tpu.memory_space<semaphore_mem>>) src(%dma_wait3A_826 : memref<100000x128xf32, #tpu.memory_space<hbm>>) dst(%dma_wait3A_820 : memref<50x128xf32, #tpu.memory_space<vmem>>)
    %add3A_829 = arith.constant 12 : i32
    %add3A_830 = arith.addi %mul3A_2, %add3A_829 : i32
    %dma_start3A_831 = arith.constant 6 : i32
    %dma_start3A_832 = arith.constant 6 : i32
    %dma_start3A_833 = arith.constant 0 : i32
    %dma_start3A_834 = arith.constant 0 : i32
    %dma_start3A_835 = arith.constant 0 : i32
    %dma_start3A_836 = tpu.memref_slice %arg6[%dma_start3A_831, %dma_start3A_833, %dma_start3A_834, %dma_start3A_835] : memref<8x2x50x128xf32, #tpu.memory_space<vmem>> -> memref<1x2x50x128xf32, #tpu.memory_space<vmem>>
    %dma_start3A_837 = tpu.memref_squeeze %dma_start3A_836 : memref<1x2x50x128xf32, #tpu.memory_space<vmem>> -> memref<2x50x128xf32, #tpu.memory_space<vmem>>
    %dma_start3A_838 = arith.constant 0 : i32
    %dma_start3A_839 = arith.constant 0 : i32
    %dma_start3A_840 = tpu.memref_slice %arg4[%add3A_830, %dma_start3A_838, %dma_start3A_839] : memref<4096x50x128xf32, #tpu.memory_space<hbm>> -> memref<2x50x128xf32, #tpu.memory_space<hbm>>
    %dma_start3A_841 = tpu.memref_slice %arg8[%dma_start3A_832] : memref<8x!tpu.dma_semaphore, #tpu.memory_space<semaphore_mem>> -> memref<1x!tpu.dma_semaphore, #tpu.memory_space<semaphore_mem>>
    %dma_start3A_842 = tpu.memref_squeeze %dma_start3A_841 : memref<1x!tpu.dma_semaphore, #tpu.memory_space<semaphore_mem>> -> memref<!tpu.dma_semaphore, #tpu.memory_space<semaphore_mem>>
    %dma_start3A_843 = arith.constant 0 : i32
    %dma_start3A_844 = arith.constant 0 : i32
    %dma_start3A_845 = tpu.memref_slice %arg4[%add3A_830, %dma_start3A_843, %dma_start3A_844] : memref<4096x50x128xf32, #tpu.memory_space<hbm>> -> memref<2x50x128xf32, #tpu.memory_space<hbm>>
    %dma_start3A_846 = arith.constant 0 : i32
    %dma_start3A_847 = arith.constant 0 : i32
    %dma_start3A_848 = arith.constant 0 : i32
    %dma_start3A_849 = tpu.memref_slice %arg6[%dma_start3A_831, %dma_start3A_846, %dma_start3A_847, %dma_start3A_848] : memref<8x2x50x128xf32, #tpu.memory_space<vmem>> -> memref<1x2x50x128xf32, #tpu.memory_space<vmem>>
    %dma_start3A_850 = tpu.memref_squeeze %dma_start3A_849 : memref<1x2x50x128xf32, #tpu.memory_space<vmem>> -> memref<2x50x128xf32, #tpu.memory_space<vmem>>
    tpu.enqueue_dma source(%dma_start3A_850 : memref<2x50x128xf32, #tpu.memory_space<vmem>>) target(%dma_start3A_845 : memref<2x50x128xf32, #tpu.memory_space<hbm>>) target_semaphore(%dma_start3A_842 : memref<!tpu.dma_semaphore, #tpu.memory_space<semaphore_mem>>)
    %add3A_851 = arith.constant 8 : i32
    %add3A_852 = arith.addi %mul3A_2, %add3A_851 : i32
    %dma_wait3A_853 = arith.constant 4 : i32
    %dma_wait3A_854 = arith.constant 4 : i32
    %dma_wait3A_855 = arith.constant 0 : i32
    %dma_wait3A_856 = arith.constant 0 : i32
    %dma_wait3A_857 = arith.constant 0 : i32
    %dma_wait3A_858 = tpu.memref_slice %arg6[%dma_wait3A_853, %dma_wait3A_855, %dma_wait3A_856, %dma_wait3A_857] : memref<8x2x50x128xf32, #tpu.memory_space<vmem>> -> memref<1x2x50x128xf32, #tpu.memory_space<vmem>>
    %dma_wait3A_859 = tpu.memref_squeeze %dma_wait3A_858 : memref<1x2x50x128xf32, #tpu.memory_space<vmem>> -> memref<2x50x128xf32, #tpu.memory_space<vmem>>
    %dma_wait3A_860 = arith.constant 0 : i32
    %dma_wait3A_861 = arith.constant 0 : i32
    %dma_wait3A_862 = tpu.memref_slice %arg4[%add3A_852, %dma_wait3A_860, %dma_wait3A_861] : memref<4096x50x128xf32, #tpu.memory_space<hbm>> -> memref<2x50x128xf32, #tpu.memory_space<hbm>>
    %dma_wait3A_863 = tpu.memref_slice %arg8[%dma_wait3A_854] : memref<8x!tpu.dma_semaphore, #tpu.memory_space<semaphore_mem>> -> memref<1x!tpu.dma_semaphore, #tpu.memory_space<semaphore_mem>>
    %dma_wait3A_864 = tpu.memref_squeeze %dma_wait3A_863 : memref<1x!tpu.dma_semaphore, #tpu.memory_space<semaphore_mem>> -> memref<!tpu.dma_semaphore, #tpu.memory_space<semaphore_mem>>
    %dma_wait3A_865 = arith.constant 0 : i32
    %dma_wait3A_866 = arith.constant 0 : i32
    %dma_wait3A_867 = tpu.memref_slice %arg4[%add3A_852, %dma_wait3A_865, %dma_wait3A_866] : memref<4096x50x128xf32, #tpu.memory_space<hbm>> -> memref<2x50x128xf32, #tpu.memory_space<hbm>>
    %dma_wait3A_868 = arith.constant 0 : i32
    %dma_wait3A_869 = arith.constant 0 : i32
    %dma_wait3A_870 = arith.constant 0 : i32
    %dma_wait3A_871 = tpu.memref_slice %arg6[%dma_wait3A_853, %dma_wait3A_868, %dma_wait3A_869, %dma_wait3A_870] : memref<8x2x50x128xf32, #tpu.memory_space<vmem>> -> memref<1x2x50x128xf32, #tpu.memory_space<vmem>>
    %dma_wait3A_872 = tpu.memref_squeeze %dma_wait3A_871 : memref<1x2x50x128xf32, #tpu.memory_space<vmem>> -> memref<2x50x128xf32, #tpu.memory_space<vmem>>
    tpu.wait_dma2 semaphore(%dma_wait3A_864 : memref<!tpu.dma_semaphore, #tpu.memory_space<semaphore_mem>>) src(%dma_wait3A_872 : memref<2x50x128xf32, #tpu.memory_space<vmem>>) dst(%dma_wait3A_867 : memref<2x50x128xf32, #tpu.memory_space<hbm>>)
    %dma_start3A_873 = arith.constant 24 : i32
    %dma_start3A_874 = arith.constant 4 : i32
    %dma_start3A_875 = arith.constant 0 : i32
    %dma_start3A_876 = arith.constant 4 : i32
    %dma_start3A_877 = arith.constant 0 : i32
    %dma_start3A_878 = arith.constant 0 : i32
    %dma_start3A_879 = tpu.memref_slice %arg6[%dma_start3A_874, %dma_start3A_875, %dma_start3A_877, %dma_start3A_878] : memref<8x2x50x128xf32, #tpu.memory_space<vmem>> -> memref<1x1x50x128xf32, #tpu.memory_space<vmem>>
    %dma_start3A_880 = tpu.memref_squeeze %dma_start3A_879 : memref<1x1x50x128xf32, #tpu.memory_space<vmem>> -> memref<50x128xf32, #tpu.memory_space<vmem>>
    %dma_start3A_881 = arith.constant 0 : i32
    %dma_start3A_882 = tpu.memref_slice %arg5[%dma_start3A_873, %dma_start3A_881] : memref<128x50xi32, #tpu.memory_space<vmem>> -> memref<1x50xi32, #tpu.memory_space<vmem>>
    %dma_start3A_883 = tpu.memref_squeeze %dma_start3A_882 : memref<1x50xi32, #tpu.memory_space<vmem>> -> memref<50xi32, #tpu.memory_space<vmem>>
    %dma_start3A_884 = arith.constant 0 : i32
    %dma_start3A_885 = arith.constant 0 : i32
    %dma_start3A_886 = tpu.memref_slice %arg2[%dma_start3A_884, %dma_start3A_885] : memref<100000x128xf32, #tpu.memory_space<hbm>> -> memref<100000x128xf32, #tpu.memory_space<hbm>>
    %dma_start3A_887 = tpu.memref_slice %arg7[%dma_start3A_876] : memref<8x!tpu.dma_semaphore, #tpu.memory_space<semaphore_mem>> -> memref<1x!tpu.dma_semaphore, #tpu.memory_space<semaphore_mem>>
    %dma_start3A_888 = tpu.memref_squeeze %dma_start3A_887 : memref<1x!tpu.dma_semaphore, #tpu.memory_space<semaphore_mem>> -> memref<!tpu.dma_semaphore, #tpu.memory_space<semaphore_mem>>
    tpu.enqueue_indirect_dma source(%dma_start3A_886 : memref<100000x128xf32, #tpu.memory_space<hbm>>) target(%dma_start3A_880 : memref<50x128xf32, #tpu.memory_space<vmem>>) offsets(%dma_start3A_883 : memref<50xi32, #tpu.memory_space<vmem>>) semaphore(%dma_start3A_888 : memref<!tpu.dma_semaphore, #tpu.memory_space<semaphore_mem>>)
    %dma_start3A_889 = arith.constant 25 : i32
    %dma_start3A_890 = arith.constant 4 : i32
    %dma_start3A_891 = arith.constant 1 : i32
    %dma_start3A_892 = arith.constant 4 : i32
    %dma_start3A_893 = arith.constant 0 : i32
    %dma_start3A_894 = arith.constant 0 : i32
    %dma_start3A_895 = tpu.memref_slice %arg6[%dma_start3A_890, %dma_start3A_891, %dma_start3A_893, %dma_start3A_894] : memref<8x2x50x128xf32, #tpu.memory_space<vmem>> -> memref<1x1x50x128xf32, #tpu.memory_space<vmem>>
    %dma_start3A_896 = tpu.memref_squeeze %dma_start3A_895 : memref<1x1x50x128xf32, #tpu.memory_space<vmem>> -> memref<50x128xf32, #tpu.memory_space<vmem>>
    %dma_start3A_897 = arith.constant 0 : i32
    %dma_start3A_898 = tpu.memref_slice %arg5[%dma_start3A_889, %dma_start3A_897] : memref<128x50xi32, #tpu.memory_space<vmem>> -> memref<1x50xi32, #tpu.memory_space<vmem>>
    %dma_start3A_899 = tpu.memref_squeeze %dma_start3A_898 : memref<1x50xi32, #tpu.memory_space<vmem>> -> memref<50xi32, #tpu.memory_space<vmem>>
    %dma_start3A_900 = arith.constant 0 : i32
    %dma_start3A_901 = arith.constant 0 : i32
    %dma_start3A_902 = tpu.memref_slice %arg2[%dma_start3A_900, %dma_start3A_901] : memref<100000x128xf32, #tpu.memory_space<hbm>> -> memref<100000x128xf32, #tpu.memory_space<hbm>>
    %dma_start3A_903 = tpu.memref_slice %arg7[%dma_start3A_892] : memref<8x!tpu.dma_semaphore, #tpu.memory_space<semaphore_mem>> -> memref<1x!tpu.dma_semaphore, #tpu.memory_space<semaphore_mem>>
    %dma_start3A_904 = tpu.memref_squeeze %dma_start3A_903 : memref<1x!tpu.dma_semaphore, #tpu.memory_space<semaphore_mem>> -> memref<!tpu.dma_semaphore, #tpu.memory_space<semaphore_mem>>
    tpu.enqueue_indirect_dma source(%dma_start3A_902 : memref<100000x128xf32, #tpu.memory_space<hbm>>) target(%dma_start3A_896 : memref<50x128xf32, #tpu.memory_space<vmem>>) offsets(%dma_start3A_899 : memref<50xi32, #tpu.memory_space<vmem>>) semaphore(%dma_start3A_904 : memref<!tpu.dma_semaphore, #tpu.memory_space<semaphore_mem>>)
    %dma_wait3A_905 = arith.constant 14 : i32
    %dma_wait3A_906 = arith.constant 7 : i32
    %dma_wait3A_907 = arith.constant 0 : i32
    %dma_wait3A_908 = arith.constant 7 : i32
    %dma_wait3A_909 = arith.constant 0 : i32
    %dma_wait3A_910 = arith.constant 0 : i32
    %dma_wait3A_911 = tpu.memref_slice %arg6[%dma_wait3A_906, %dma_wait3A_907, %dma_wait3A_909, %dma_wait3A_910] : memref<8x2x50x128xf32, #tpu.memory_space<vmem>> -> memref<1x1x50x128xf32, #tpu.memory_space<vmem>>
    %dma_wait3A_912 = tpu.memref_squeeze %dma_wait3A_911 : memref<1x1x50x128xf32, #tpu.memory_space<vmem>> -> memref<50x128xf32, #tpu.memory_space<vmem>>
    %dma_wait3A_913 = arith.constant 0 : i32
    %dma_wait3A_914 = tpu.memref_slice %arg5[%dma_wait3A_905, %dma_wait3A_913] : memref<128x50xi32, #tpu.memory_space<vmem>> -> memref<1x50xi32, #tpu.memory_space<vmem>>
    %dma_wait3A_915 = tpu.memref_squeeze %dma_wait3A_914 : memref<1x50xi32, #tpu.memory_space<vmem>> -> memref<50xi32, #tpu.memory_space<vmem>>
    %dma_wait3A_916 = arith.constant 0 : i32
    %dma_wait3A_917 = arith.constant 0 : i32
    %dma_wait3A_918 = tpu.memref_slice %arg2[%dma_wait3A_916, %dma_wait3A_917] : memref<100000x128xf32, #tpu.memory_space<hbm>> -> memref<100000x128xf32, #tpu.memory_space<hbm>>
    %dma_wait3A_919 = tpu.memref_slice %arg7[%dma_wait3A_908] : memref<8x!tpu.dma_semaphore, #tpu.memory_space<semaphore_mem>> -> memref<1x!tpu.dma_semaphore, #tpu.memory_space<semaphore_mem>>
    %dma_wait3A_920 = tpu.memref_squeeze %dma_wait3A_919 : memref<1x!tpu.dma_semaphore, #tpu.memory_space<semaphore_mem>> -> memref<!tpu.dma_semaphore, #tpu.memory_space<semaphore_mem>>
    tpu.wait_indirect_dma semaphore(%dma_wait3A_920 : memref<!tpu.dma_semaphore, #tpu.memory_space<semaphore_mem>>) src(%dma_wait3A_918 : memref<100000x128xf32, #tpu.memory_space<hbm>>) dst(%dma_wait3A_912 : memref<50x128xf32, #tpu.memory_space<vmem>>)
    %dma_wait3A_921 = arith.constant 15 : i32
    %dma_wait3A_922 = arith.constant 7 : i32
    %dma_wait3A_923 = arith.constant 1 : i32
    %dma_wait3A_924 = arith.constant 7 : i32
    %dma_wait3A_925 = arith.constant 0 : i32
    %dma_wait3A_926 = arith.constant 0 : i32
    %dma_wait3A_927 = tpu.memref_slice %arg6[%dma_wait3A_922, %dma_wait3A_923, %dma_wait3A_925, %dma_wait3A_926] : memref<8x2x50x128xf32, #tpu.memory_space<vmem>> -> memref<1x1x50x128xf32, #tpu.memory_space<vmem>>
    %dma_wait3A_928 = tpu.memref_squeeze %dma_wait3A_927 : memref<1x1x50x128xf32, #tpu.memory_space<vmem>> -> memref<50x128xf32, #tpu.memory_space<vmem>>
    %dma_wait3A_929 = arith.constant 0 : i32
    %dma_wait3A_930 = tpu.memref_slice %arg5[%dma_wait3A_921, %dma_wait3A_929] : memref<128x50xi32, #tpu.memory_space<vmem>> -> memref<1x50xi32, #tpu.memory_space<vmem>>
    %dma_wait3A_931 = tpu.memref_squeeze %dma_wait3A_930 : memref<1x50xi32, #tpu.memory_space<vmem>> -> memref<50xi32, #tpu.memory_space<vmem>>
    %dma_wait3A_932 = arith.constant 0 : i32
    %dma_wait3A_933 = arith.constant 0 : i32
    %dma_wait3A_934 = tpu.memref_slice %arg2[%dma_wait3A_932, %dma_wait3A_933] : memref<100000x128xf32, #tpu.memory_space<hbm>> -> memref<100000x128xf32, #tpu.memory_space<hbm>>
    %dma_wait3A_935 = tpu.memref_slice %arg7[%dma_wait3A_924] : memref<8x!tpu.dma_semaphore, #tpu.memory_space<semaphore_mem>> -> memref<1x!tpu.dma_semaphore, #tpu.memory_space<semaphore_mem>>
    %dma_wait3A_936 = tpu.memref_squeeze %dma_wait3A_935 : memref<1x!tpu.dma_semaphore, #tpu.memory_space<semaphore_mem>> -> memref<!tpu.dma_semaphore, #tpu.memory_space<semaphore_mem>>
    tpu.wait_indirect_dma semaphore(%dma_wait3A_936 : memref<!tpu.dma_semaphore, #tpu.memory_space<semaphore_mem>>) src(%dma_wait3A_934 : memref<100000x128xf32, #tpu.memory_space<hbm>>) dst(%dma_wait3A_928 : memref<50x128xf32, #tpu.memory_space<vmem>>)
    %add3A_937 = arith.constant 14 : i32
    %add3A_938 = arith.addi %mul3A_2, %add3A_937 : i32
    %dma_start3A_939 = arith.constant 7 : i32
    %dma_start3A_940 = arith.constant 7 : i32
    %dma_start3A_941 = arith.constant 0 : i32
    %dma_start3A_942 = arith.constant 0 : i32
    %dma_start3A_943 = arith.constant 0 : i32
    %dma_start3A_944 = tpu.memref_slice %arg6[%dma_start3A_939, %dma_start3A_941, %dma_start3A_942, %dma_start3A_943] : memref<8x2x50x128xf32, #tpu.memory_space<vmem>> -> memref<1x2x50x128xf32, #tpu.memory_space<vmem>>
    %dma_start3A_945 = tpu.memref_squeeze %dma_start3A_944 : memref<1x2x50x128xf32, #tpu.memory_space<vmem>> -> memref<2x50x128xf32, #tpu.memory_space<vmem>>
    %dma_start3A_946 = arith.constant 0 : i32
    %dma_start3A_947 = arith.constant 0 : i32
    %dma_start3A_948 = tpu.memref_slice %arg4[%add3A_938, %dma_start3A_946, %dma_start3A_947] : memref<4096x50x128xf32, #tpu.memory_space<hbm>> -> memref<2x50x128xf32, #tpu.memory_space<hbm>>
    %dma_start3A_949 = tpu.memref_slice %arg8[%dma_start3A_940] : memref<8x!tpu.dma_semaphore, #tpu.memory_space<semaphore_mem>> -> memref<1x!tpu.dma_semaphore, #tpu.memory_space<semaphore_mem>>
    %dma_start3A_950 = tpu.memref_squeeze %dma_start3A_949 : memref<1x!tpu.dma_semaphore, #tpu.memory_space<semaphore_mem>> -> memref<!tpu.dma_semaphore, #tpu.memory_space<semaphore_mem>>
    %dma_start3A_951 = arith.constant 0 : i32
    %dma_start3A_952 = arith.constant 0 : i32
    %dma_start3A_953 = tpu.memref_slice %arg4[%add3A_938, %dma_start3A_951, %dma_start3A_952] : memref<4096x50x128xf32, #tpu.memory_space<hbm>> -> memref<2x50x128xf32, #tpu.memory_space<hbm>>
    %dma_start3A_954 = arith.constant 0 : i32
    %dma_start3A_955 = arith.constant 0 : i32
    %dma_start3A_956 = arith.constant 0 : i32
    %dma_start3A_957 = tpu.memref_slice %arg6[%dma_start3A_939, %dma_start3A_954, %dma_start3A_955, %dma_start3A_956] : memref<8x2x50x128xf32, #tpu.memory_space<vmem>> -> memref<1x2x50x128xf32, #tpu.memory_space<vmem>>
    %dma_start3A_958 = tpu.memref_squeeze %dma_start3A_957 : memref<1x2x50x128xf32, #tpu.memory_space<vmem>> -> memref<2x50x128xf32, #tpu.memory_space<vmem>>
    tpu.enqueue_dma source(%dma_start3A_958 : memref<2x50x128xf32, #tpu.memory_space<vmem>>) target(%dma_start3A_953 : memref<2x50x128xf32, #tpu.memory_space<hbm>>) target_semaphore(%dma_start3A_950 : memref<!tpu.dma_semaphore, #tpu.memory_space<semaphore_mem>>)
    %add3A_959 = arith.constant 10 : i32
    %add3A_960 = arith.addi %mul3A_2, %add3A_959 : i32
    %dma_wait3A_961 = arith.constant 5 : i32
    %dma_wait3A_962 = arith.constant 5 : i32
    %dma_wait3A_963 = arith.constant 0 : i32
    %dma_wait3A_964 = arith.constant 0 : i32
    %dma_wait3A_965 = arith.constant 0 : i32
    %dma_wait3A_966 = tpu.memref_slice %arg6[%dma_wait3A_961, %dma_wait3A_963, %dma_wait3A_964, %dma_wait3A_965] : memref<8x2x50x128xf32, #tpu.memory_space<vmem>> -> memref<1x2x50x128xf32, #tpu.memory_space<vmem>>
    %dma_wait3A_967 = tpu.memref_squeeze %dma_wait3A_966 : memref<1x2x50x128xf32, #tpu.memory_space<vmem>> -> memref<2x50x128xf32, #tpu.memory_space<vmem>>
    %dma_wait3A_968 = arith.constant 0 : i32
    %dma_wait3A_969 = arith.constant 0 : i32
    %dma_wait3A_970 = tpu.memref_slice %arg4[%add3A_960, %dma_wait3A_968, %dma_wait3A_969] : memref<4096x50x128xf32, #tpu.memory_space<hbm>> -> memref<2x50x128xf32, #tpu.memory_space<hbm>>
    %dma_wait3A_971 = tpu.memref_slice %arg8[%dma_wait3A_962] : memref<8x!tpu.dma_semaphore, #tpu.memory_space<semaphore_mem>> -> memref<1x!tpu.dma_semaphore, #tpu.memory_space<semaphore_mem>>
    %dma_wait3A_972 = tpu.memref_squeeze %dma_wait3A_971 : memref<1x!tpu.dma_semaphore, #tpu.memory_space<semaphore_mem>> -> memref<!tpu.dma_semaphore, #tpu.memory_space<semaphore_mem>>
    %dma_wait3A_973 = arith.constant 0 : i32
    %dma_wait3A_974 = arith.constant 0 : i32
    %dma_wait3A_975 = tpu.memref_slice %arg4[%add3A_960, %dma_wait3A_973, %dma_wait3A_974] : memref<4096x50x128xf32, #tpu.memory_space<hbm>> -> memref<2x50x128xf32, #tpu.memory_space<hbm>>
    %dma_wait3A_976 = arith.constant 0 : i32
    %dma_wait3A_977 = arith.constant 0 : i32
    %dma_wait3A_978 = arith.constant 0 : i32
    %dma_wait3A_979 = tpu.memref_slice %arg6[%dma_wait3A_961, %dma_wait3A_976, %dma_wait3A_977, %dma_wait3A_978] : memref<8x2x50x128xf32, #tpu.memory_space<vmem>> -> memref<1x2x50x128xf32, #tpu.memory_space<vmem>>
    %dma_wait3A_980 = tpu.memref_squeeze %dma_wait3A_979 : memref<1x2x50x128xf32, #tpu.memory_space<vmem>> -> memref<2x50x128xf32, #tpu.memory_space<vmem>>
    tpu.wait_dma2 semaphore(%dma_wait3A_972 : memref<!tpu.dma_semaphore, #tpu.memory_space<semaphore_mem>>) src(%dma_wait3A_980 : memref<2x50x128xf32, #tpu.memory_space<vmem>>) dst(%dma_wait3A_975 : memref<2x50x128xf32, #tpu.memory_space<hbm>>)
    %dma_start3A_981 = arith.constant 26 : i32
    %dma_start3A_982 = arith.constant 5 : i32
    %dma_start3A_983 = arith.constant 0 : i32
    %dma_start3A_984 = arith.constant 5 : i32
    %dma_start3A_985 = arith.constant 0 : i32
    %dma_start3A_986 = arith.constant 0 : i32
    %dma_start3A_987 = tpu.memref_slice %arg6[%dma_start3A_982, %dma_start3A_983, %dma_start3A_985, %dma_start3A_986] : memref<8x2x50x128xf32, #tpu.memory_space<vmem>> -> memref<1x1x50x128xf32, #tpu.memory_space<vmem>>
    %dma_start3A_988 = tpu.memref_squeeze %dma_start3A_987 : memref<1x1x50x128xf32, #tpu.memory_space<vmem>> -> memref<50x128xf32, #tpu.memory_space<vmem>>
    %dma_start3A_989 = arith.constant 0 : i32
    %dma_start3A_990 = tpu.memref_slice %arg5[%dma_start3A_981, %dma_start3A_989] : memref<128x50xi32, #tpu.memory_space<vmem>> -> memref<1x50xi32, #tpu.memory_space<vmem>>
    %dma_start3A_991 = tpu.memref_squeeze %dma_start3A_990 : memref<1x50xi32, #tpu.memory_space<vmem>> -> memref<50xi32, #tpu.memory_space<vmem>>
    %dma_start3A_992 = arith.constant 0 : i32
    %dma_start3A_993 = arith.constant 0 : i32
    %dma_start3A_994 = tpu.memref_slice %arg2[%dma_start3A_992, %dma_start3A_993] : memref<100000x128xf32, #tpu.memory_space<hbm>> -> memref<100000x128xf32, #tpu.memory_space<hbm>>
    %dma_start3A_995 = tpu.memref_slice %arg7[%dma_start3A_984] : memref<8x!tpu.dma_semaphore, #tpu.memory_space<semaphore_mem>> -> memref<1x!tpu.dma_semaphore, #tpu.memory_space<semaphore_mem>>
    %dma_start3A_996 = tpu.memref_squeeze %dma_start3A_995 : memref<1x!tpu.dma_semaphore, #tpu.memory_space<semaphore_mem>> -> memref<!tpu.dma_semaphore, #tpu.memory_space<semaphore_mem>>
    tpu.enqueue_indirect_dma source(%dma_start3A_994 : memref<100000x128xf32, #tpu.memory_space<hbm>>) target(%dma_start3A_988 : memref<50x128xf32, #tpu.memory_space<vmem>>) offsets(%dma_start3A_991 : memref<50xi32, #tpu.memory_space<vmem>>) semaphore(%dma_start3A_996 : memref<!tpu.dma_semaphore, #tpu.memory_space<semaphore_mem>>)
    %dma_start3A_997 = arith.constant 27 : i32
    %dma_start3A_998 = arith.constant 5 : i32
    %dma_start3A_999 = arith.constant 1 : i32
    %dma_start3A_1000 = arith.constant 5 : i32
    %dma_start3A_1001 = arith.constant 0 : i32
    %dma_start3A_1002 = arith.constant 0 : i32
    %dma_start3A_1003 = tpu.memref_slice %arg6[%dma_start3A_998, %dma_start3A_999, %dma_start3A_1001, %dma_start3A_1002] : memref<8x2x50x128xf32, #tpu.memory_space<vmem>> -> memref<1x1x50x128xf32, #tpu.memory_space<vmem>>
    %dma_start3A_1004 = tpu.memref_squeeze %dma_start3A_1003 : memref<1x1x50x128xf32, #tpu.memory_space<vmem>> -> memref<50x128xf32, #tpu.memory_space<vmem>>
    %dma_start3A_1005 = arith.constant 0 : i32
    %dma_start3A_1006 = tpu.memref_slice %arg5[%dma_start3A_997, %dma_start3A_1005] : memref<128x50xi32, #tpu.memory_space<vmem>> -> memref<1x50xi32, #tpu.memory_space<vmem>>
    %dma_start3A_1007 = tpu.memref_squeeze %dma_start3A_1006 : memref<1x50xi32, #tpu.memory_space<vmem>> -> memref<50xi32, #tpu.memory_space<vmem>>
    %dma_start3A_1008 = arith.constant 0 : i32
    %dma_start3A_1009 = arith.constant 0 : i32
    %dma_start3A_1010 = tpu.memref_slice %arg2[%dma_start3A_1008, %dma_start3A_1009] : memref<100000x128xf32, #tpu.memory_space<hbm>> -> memref<100000x128xf32, #tpu.memory_space<hbm>>
    %dma_start3A_1011 = tpu.memref_slice %arg7[%dma_start3A_1000] : memref<8x!tpu.dma_semaphore, #tpu.memory_space<semaphore_mem>> -> memref<1x!tpu.dma_semaphore, #tpu.memory_space<semaphore_mem>>
    %dma_start3A_1012 = tpu.memref_squeeze %dma_start3A_1011 : memref<1x!tpu.dma_semaphore, #tpu.memory_space<semaphore_mem>> -> memref<!tpu.dma_semaphore, #tpu.memory_space<semaphore_mem>>
    tpu.enqueue_indirect_dma source(%dma_start3A_1010 : memref<100000x128xf32, #tpu.memory_space<hbm>>) target(%dma_start3A_1004 : memref<50x128xf32, #tpu.memory_space<vmem>>) offsets(%dma_start3A_1007 : memref<50xi32, #tpu.memory_space<vmem>>) semaphore(%dma_start3A_1012 : memref<!tpu.dma_semaphore, #tpu.memory_space<semaphore_mem>>)
    %scan3A = arith.constant 0 : i32
    %scan3A_1013 = arith.constant 1 : i32
    %scan3A_1014 = arith.constant 6 : i32
    %scan3A_1015 = arith.addi %scan3A_1013, %scan3A_1014 : i32
    %scan3A_1016 = arith.constant 1 : i32
    scf.for %scan3A_1734 = %scan3A_1013 to %scan3A_1015 step %scan3A_1016  : i32 {
      %mul3A_1735 = arith.constant 8 : i32
      %mul3A_1736 = arith.muli %scan3A_1734, %mul3A_1735 : i32
      %add3A_1737 = arith.constant 0 : i32
      %add3A_1738 = arith.addi %mul3A_1736, %add3A_1737 : i32
      %add3A_1739 = arith.constant 0 : i32
      %add3A_1740 = arith.addi %mul3A_1736, %add3A_1739 : i32
      %sub3A = arith.constant 2 : i32
      %sub3A_1741 = arith.subi %add3A_1740, %sub3A : i32
      %mul3A_1742 = arith.constant 2 : i32
      %mul3A_1743 = arith.muli %add3A_1738, %mul3A_1742 : i32
      %add3A_1744 = arith.constant 0 : i32
      %add3A_1745 = arith.addi %mul3A_1743, %add3A_1744 : i32
      %mul3A_1746 = arith.constant 2 : i32
      %mul3A_1747 = arith.muli %add3A_1738, %mul3A_1746 : i32
      %add3A_1748 = arith.constant 1 : i32
      %add3A_1749 = arith.addi %mul3A_1747, %add3A_1748 : i32
      %dma_wait3A_1750 = arith.constant 0 : i32
      %dma_wait3A_1751 = arith.constant 0 : i32
      %dma_wait3A_1752 = arith.constant 0 : i32
      %dma_wait3A_1753 = arith.constant 0 : i32
      %dma_wait3A_1754 = arith.constant 0 : i32
      %dma_wait3A_1755 = tpu.memref_slice %arg6[%dma_wait3A_1750, %dma_wait3A_1751, %dma_wait3A_1753, %dma_wait3A_1754] : memref<8x2x50x128xf32, #tpu.memory_space<vmem>> -> memref<1x1x50x128xf32, #tpu.memory_space<vmem>>
      %dma_wait3A_1756 = tpu.memref_squeeze %dma_wait3A_1755 : memref<1x1x50x128xf32, #tpu.memory_space<vmem>> -> memref<50x128xf32, #tpu.memory_space<vmem>>
      %dma_wait3A_1757 = arith.constant 0 : i32
      %dma_wait3A_1758 = tpu.memref_slice %arg5[%add3A_1745, %dma_wait3A_1757] : memref<128x50xi32, #tpu.memory_space<vmem>> -> memref<1x50xi32, #tpu.memory_space<vmem>>
      %dma_wait3A_1759 = tpu.memref_squeeze %dma_wait3A_1758 : memref<1x50xi32, #tpu.memory_space<vmem>> -> memref<50xi32, #tpu.memory_space<vmem>>
      %dma_wait3A_1760 = arith.constant 0 : i32
      %dma_wait3A_1761 = arith.constant 0 : i32
      %dma_wait3A_1762 = tpu.memref_slice %arg2[%dma_wait3A_1760, %dma_wait3A_1761] : memref<100000x128xf32, #tpu.memory_space<hbm>> -> memref<100000x128xf32, #tpu.memory_space<hbm>>
      %dma_wait3A_1763 = tpu.memref_slice %arg7[%dma_wait3A_1752] : memref<8x!tpu.dma_semaphore, #tpu.memory_space<semaphore_mem>> -> memref<1x!tpu.dma_semaphore, #tpu.memory_space<semaphore_mem>>
      %dma_wait3A_1764 = tpu.memref_squeeze %dma_wait3A_1763 : memref<1x!tpu.dma_semaphore, #tpu.memory_space<semaphore_mem>> -> memref<!tpu.dma_semaphore, #tpu.memory_space<semaphore_mem>>
      tpu.wait_indirect_dma semaphore(%dma_wait3A_1764 : memref<!tpu.dma_semaphore, #tpu.memory_space<semaphore_mem>>) src(%dma_wait3A_1762 : memref<100000x128xf32, #tpu.memory_space<hbm>>) dst(%dma_wait3A_1756 : memref<50x128xf32, #tpu.memory_space<vmem>>)
      %dma_wait3A_1765 = arith.constant 0 : i32
      %dma_wait3A_1766 = arith.constant 1 : i32
      %dma_wait3A_1767 = arith.constant 0 : i32
      %dma_wait3A_1768 = arith.constant 0 : i32
      %dma_wait3A_1769 = arith.constant 0 : i32
      %dma_wait3A_1770 = tpu.memref_slice %arg6[%dma_wait3A_1765, %dma_wait3A_1766, %dma_wait3A_1768, %dma_wait3A_1769] : memref<8x2x50x128xf32, #tpu.memory_space<vmem>> -> memref<1x1x50x128xf32, #tpu.memory_space<vmem>>
      %dma_wait3A_1771 = tpu.memref_squeeze %dma_wait3A_1770 : memref<1x1x50x128xf32, #tpu.memory_space<vmem>> -> memref<50x128xf32, #tpu.memory_space<vmem>>
      %dma_wait3A_1772 = arith.constant 0 : i32
      %dma_wait3A_1773 = tpu.memref_slice %arg5[%add3A_1749, %dma_wait3A_1772] : memref<128x50xi32, #tpu.memory_space<vmem>> -> memref<1x50xi32, #tpu.memory_space<vmem>>
      %dma_wait3A_1774 = tpu.memref_squeeze %dma_wait3A_1773 : memref<1x50xi32, #tpu.memory_space<vmem>> -> memref<50xi32, #tpu.memory_space<vmem>>
      %dma_wait3A_1775 = arith.constant 0 : i32
      %dma_wait3A_1776 = arith.constant 0 : i32
      %dma_wait3A_1777 = tpu.memref_slice %arg2[%dma_wait3A_1775, %dma_wait3A_1776] : memref<100000x128xf32, #tpu.memory_space<hbm>> -> memref<100000x128xf32, #tpu.memory_space<hbm>>
      %dma_wait3A_1778 = tpu.memref_slice %arg7[%dma_wait3A_1767] : memref<8x!tpu.dma_semaphore, #tpu.memory_space<semaphore_mem>> -> memref<1x!tpu.dma_semaphore, #tpu.memory_space<semaphore_mem>>
      %dma_wait3A_1779 = tpu.memref_squeeze %dma_wait3A_1778 : memref<1x!tpu.dma_semaphore, #tpu.memory_space<semaphore_mem>> -> memref<!tpu.dma_semaphore, #tpu.memory_space<semaphore_mem>>
      tpu.wait_indirect_dma semaphore(%dma_wait3A_1779 : memref<!tpu.dma_semaphore, #tpu.memory_space<semaphore_mem>>) src(%dma_wait3A_1777 : memref<100000x128xf32, #tpu.memory_space<hbm>>) dst(%dma_wait3A_1771 : memref<50x128xf32, #tpu.memory_space<vmem>>)
      %mul3A_1780 = arith.constant 2 : i32
      %mul3A_1781 = arith.muli %add3A_1738, %mul3A_1780 : i32
      %add3A_1782 = arith.addi %mul3A_2, %mul3A_1781 : i32
      %dma_start3A_1783 = arith.constant 0 : i32
      %dma_start3A_1784 = arith.constant 0 : i32
      %dma_start3A_1785 = arith.constant 0 : i32
      %dma_start3A_1786 = arith.constant 0 : i32
      %dma_start3A_1787 = arith.constant 0 : i32
      %dma_start3A_1788 = tpu.memref_slice %arg6[%dma_start3A_1783, %dma_start3A_1785, %dma_start3A_1786, %dma_start3A_1787] : memref<8x2x50x128xf32, #tpu.memory_space<vmem>> -> memref<1x2x50x128xf32, #tpu.memory_space<vmem>>
      %dma_start3A_1789 = tpu.memref_squeeze %dma_start3A_1788 : memref<1x2x50x128xf32, #tpu.memory_space<vmem>> -> memref<2x50x128xf32, #tpu.memory_space<vmem>>
      %dma_start3A_1790 = arith.constant 0 : i32
      %dma_start3A_1791 = arith.constant 0 : i32
      %dma_start3A_1792 = tpu.memref_slice %arg4[%add3A_1782, %dma_start3A_1790, %dma_start3A_1791] : memref<4096x50x128xf32, #tpu.memory_space<hbm>> -> memref<2x50x128xf32, #tpu.memory_space<hbm>>
      %dma_start3A_1793 = tpu.memref_slice %arg8[%dma_start3A_1784] : memref<8x!tpu.dma_semaphore, #tpu.memory_space<semaphore_mem>> -> memref<1x!tpu.dma_semaphore, #tpu.memory_space<semaphore_mem>>
      %dma_start3A_1794 = tpu.memref_squeeze %dma_start3A_1793 : memref<1x!tpu.dma_semaphore, #tpu.memory_space<semaphore_mem>> -> memref<!tpu.dma_semaphore, #tpu.memory_space<semaphore_mem>>
      %dma_start3A_1795 = arith.constant 0 : i32
      %dma_start3A_1796 = arith.constant 0 : i32
      %dma_start3A_1797 = tpu.memref_slice %arg4[%add3A_1782, %dma_start3A_1795, %dma_start3A_1796] : memref<4096x50x128xf32, #tpu.memory_space<hbm>> -> memref<2x50x128xf32, #tpu.memory_space<hbm>>
      %dma_start3A_1798 = arith.constant 0 : i32
      %dma_start3A_1799 = arith.constant 0 : i32
      %dma_start3A_1800 = arith.constant 0 : i32
      %dma_start3A_1801 = tpu.memref_slice %arg6[%dma_start3A_1783, %dma_start3A_1798, %dma_start3A_1799, %dma_start3A_1800] : memref<8x2x50x128xf32, #tpu.memory_space<vmem>> -> memref<1x2x50x128xf32, #tpu.memory_space<vmem>>
      %dma_start3A_1802 = tpu.memref_squeeze %dma_start3A_1801 : memref<1x2x50x128xf32, #tpu.memory_space<vmem>> -> memref<2x50x128xf32, #tpu.memory_space<vmem>>
      tpu.enqueue_dma source(%dma_start3A_1802 : memref<2x50x128xf32, #tpu.memory_space<vmem>>) target(%dma_start3A_1797 : memref<2x50x128xf32, #tpu.memory_space<hbm>>) target_semaphore(%dma_start3A_1794 : memref<!tpu.dma_semaphore, #tpu.memory_space<semaphore_mem>>)
      %mul3A_1803 = arith.constant 2 : i32
      %mul3A_1804 = arith.muli %sub3A_1741, %mul3A_1803 : i32
      %add3A_1805 = arith.addi %mul3A_2, %mul3A_1804 : i32
      %dma_wait3A_1806 = arith.constant 6 : i32
      %dma_wait3A_1807 = arith.constant 6 : i32
      %dma_wait3A_1808 = arith.constant 0 : i32
      %dma_wait3A_1809 = arith.constant 0 : i32
      %dma_wait3A_1810 = arith.constant 0 : i32
      %dma_wait3A_1811 = tpu.memref_slice %arg6[%dma_wait3A_1806, %dma_wait3A_1808, %dma_wait3A_1809, %dma_wait3A_1810] : memref<8x2x50x128xf32, #tpu.memory_space<vmem>> -> memref<1x2x50x128xf32, #tpu.memory_space<vmem>>
      %dma_wait3A_1812 = tpu.memref_squeeze %dma_wait3A_1811 : memref<1x2x50x128xf32, #tpu.memory_space<vmem>> -> memref<2x50x128xf32, #tpu.memory_space<vmem>>
      %dma_wait3A_1813 = arith.constant 0 : i32
      %dma_wait3A_1814 = arith.constant 0 : i32
      %dma_wait3A_1815 = tpu.memref_slice %arg4[%add3A_1805, %dma_wait3A_1813, %dma_wait3A_1814] : memref<4096x50x128xf32, #tpu.memory_space<hbm>> -> memref<2x50x128xf32, #tpu.memory_space<hbm>>
      %dma_wait3A_1816 = tpu.memref_slice %arg8[%dma_wait3A_1807] : memref<8x!tpu.dma_semaphore, #tpu.memory_space<semaphore_mem>> -> memref<1x!tpu.dma_semaphore, #tpu.memory_space<semaphore_mem>>
      %dma_wait3A_1817 = tpu.memref_squeeze %dma_wait3A_1816 : memref<1x!tpu.dma_semaphore, #tpu.memory_space<semaphore_mem>> -> memref<!tpu.dma_semaphore, #tpu.memory_space<semaphore_mem>>
      %dma_wait3A_1818 = arith.constant 0 : i32
      %dma_wait3A_1819 = arith.constant 0 : i32
      %dma_wait3A_1820 = tpu.memref_slice %arg4[%add3A_1805, %dma_wait3A_1818, %dma_wait3A_1819] : memref<4096x50x128xf32, #tpu.memory_space<hbm>> -> memref<2x50x128xf32, #tpu.memory_space<hbm>>
      %dma_wait3A_1821 = arith.constant 0 : i32
      %dma_wait3A_1822 = arith.constant 0 : i32
      %dma_wait3A_1823 = arith.constant 0 : i32
      %dma_wait3A_1824 = tpu.memref_slice %arg6[%dma_wait3A_1806, %dma_wait3A_1821, %dma_wait3A_1822, %dma_wait3A_1823] : memref<8x2x50x128xf32, #tpu.memory_space<vmem>> -> memref<1x2x50x128xf32, #tpu.memory_space<vmem>>
      %dma_wait3A_1825 = tpu.memref_squeeze %dma_wait3A_1824 : memref<1x2x50x128xf32, #tpu.memory_space<vmem>> -> memref<2x50x128xf32, #tpu.memory_space<vmem>>
      tpu.wait_dma2 semaphore(%dma_wait3A_1817 : memref<!tpu.dma_semaphore, #tpu.memory_space<semaphore_mem>>) src(%dma_wait3A_1825 : memref<2x50x128xf32, #tpu.memory_space<vmem>>) dst(%dma_wait3A_1820 : memref<2x50x128xf32, #tpu.memory_space<hbm>>)
      %add3A_1826 = arith.constant 8 : i32
      %add3A_1827 = arith.addi %sub3A_1741, %add3A_1826 : i32
      %mul3A_1828 = arith.constant 2 : i32
      %mul3A_1829 = arith.muli %add3A_1827, %mul3A_1828 : i32
      %add3A_1830 = arith.constant 0 : i32
      %add3A_1831 = arith.addi %mul3A_1829, %add3A_1830 : i32
      %mul3A_1832 = arith.constant 2 : i32
      %mul3A_1833 = arith.muli %add3A_1827, %mul3A_1832 : i32
      %add3A_1834 = arith.constant 1 : i32
      %add3A_1835 = arith.addi %mul3A_1833, %add3A_1834 : i32
      %dma_start3A_1836 = arith.constant 6 : i32
      %dma_start3A_1837 = arith.constant 0 : i32
      %dma_start3A_1838 = arith.constant 6 : i32
      %dma_start3A_1839 = arith.constant 0 : i32
      %dma_start3A_1840 = arith.constant 0 : i32
      %dma_start3A_1841 = tpu.memref_slice %arg6[%dma_start3A_1836, %dma_start3A_1837, %dma_start3A_1839, %dma_start3A_1840] : memref<8x2x50x128xf32, #tpu.memory_space<vmem>> -> memref<1x1x50x128xf32, #tpu.memory_space<vmem>>
      %dma_start3A_1842 = tpu.memref_squeeze %dma_start3A_1841 : memref<1x1x50x128xf32, #tpu.memory_space<vmem>> -> memref<50x128xf32, #tpu.memory_space<vmem>>
      %dma_start3A_1843 = arith.constant 0 : i32
      %dma_start3A_1844 = tpu.memref_slice %arg5[%add3A_1831, %dma_start3A_1843] : memref<128x50xi32, #tpu.memory_space<vmem>> -> memref<1x50xi32, #tpu.memory_space<vmem>>
      %dma_start3A_1845 = tpu.memref_squeeze %dma_start3A_1844 : memref<1x50xi32, #tpu.memory_space<vmem>> -> memref<50xi32, #tpu.memory_space<vmem>>
      %dma_start3A_1846 = arith.constant 0 : i32
      %dma_start3A_1847 = arith.constant 0 : i32
      %dma_start3A_1848 = tpu.memref_slice %arg2[%dma_start3A_1846, %dma_start3A_1847] : memref<100000x128xf32, #tpu.memory_space<hbm>> -> memref<100000x128xf32, #tpu.memory_space<hbm>>
      %dma_start3A_1849 = tpu.memref_slice %arg7[%dma_start3A_1838] : memref<8x!tpu.dma_semaphore, #tpu.memory_space<semaphore_mem>> -> memref<1x!tpu.dma_semaphore, #tpu.memory_space<semaphore_mem>>
      %dma_start3A_1850 = tpu.memref_squeeze %dma_start3A_1849 : memref<1x!tpu.dma_semaphore, #tpu.memory_space<semaphore_mem>> -> memref<!tpu.dma_semaphore, #tpu.memory_space<semaphore_mem>>
      tpu.enqueue_indirect_dma source(%dma_start3A_1848 : memref<100000x128xf32, #tpu.memory_space<hbm>>) target(%dma_start3A_1842 : memref<50x128xf32, #tpu.memory_space<vmem>>) offsets(%dma_start3A_1845 : memref<50xi32, #tpu.memory_space<vmem>>) semaphore(%dma_start3A_1850 : memref<!tpu.dma_semaphore, #tpu.memory_space<semaphore_mem>>)
      %dma_start3A_1851 = arith.constant 6 : i32
      %dma_start3A_1852 = arith.constant 1 : i32
      %dma_start3A_1853 = arith.constant 6 : i32
      %dma_start3A_1854 = arith.constant 0 : i32
      %dma_start3A_1855 = arith.constant 0 : i32
      %dma_start3A_1856 = tpu.memref_slice %arg6[%dma_start3A_1851, %dma_start3A_1852, %dma_start3A_1854, %dma_start3A_1855] : memref<8x2x50x128xf32, #tpu.memory_space<vmem>> -> memref<1x1x50x128xf32, #tpu.memory_space<vmem>>
      %dma_start3A_1857 = tpu.memref_squeeze %dma_start3A_1856 : memref<1x1x50x128xf32, #tpu.memory_space<vmem>> -> memref<50x128xf32, #tpu.memory_space<vmem>>
      %dma_start3A_1858 = arith.constant 0 : i32
      %dma_start3A_1859 = tpu.memref_slice %arg5[%add3A_1835, %dma_start3A_1858] : memref<128x50xi32, #tpu.memory_space<vmem>> -> memref<1x50xi32, #tpu.memory_space<vmem>>
      %dma_start3A_1860 = tpu.memref_squeeze %dma_start3A_1859 : memref<1x50xi32, #tpu.memory_space<vmem>> -> memref<50xi32, #tpu.memory_space<vmem>>
      %dma_start3A_1861 = arith.constant 0 : i32
      %dma_start3A_1862 = arith.constant 0 : i32
      %dma_start3A_1863 = tpu.memref_slice %arg2[%dma_start3A_1861, %dma_start3A_1862] : memref<100000x128xf32, #tpu.memory_space<hbm>> -> memref<100000x128xf32, #tpu.memory_space<hbm>>
      %dma_start3A_1864 = tpu.memref_slice %arg7[%dma_start3A_1853] : memref<8x!tpu.dma_semaphore, #tpu.memory_space<semaphore_mem>> -> memref<1x!tpu.dma_semaphore, #tpu.memory_space<semaphore_mem>>
      %dma_start3A_1865 = tpu.memref_squeeze %dma_start3A_1864 : memref<1x!tpu.dma_semaphore, #tpu.memory_space<semaphore_mem>> -> memref<!tpu.dma_semaphore, #tpu.memory_space<semaphore_mem>>
      tpu.enqueue_indirect_dma source(%dma_start3A_1863 : memref<100000x128xf32, #tpu.memory_space<hbm>>) target(%dma_start3A_1857 : memref<50x128xf32, #tpu.memory_space<vmem>>) offsets(%dma_start3A_1860 : memref<50xi32, #tpu.memory_space<vmem>>) semaphore(%dma_start3A_1865 : memref<!tpu.dma_semaphore, #tpu.memory_space<semaphore_mem>>)
      %add3A_1866 = arith.constant 1 : i32
      %add3A_1867 = arith.addi %mul3A_1736, %add3A_1866 : i32
      %add3A_1868 = arith.constant 1 : i32
      %add3A_1869 = arith.addi %mul3A_1736, %add3A_1868 : i32
      %sub3A_1870 = arith.constant 2 : i32
      %sub3A_1871 = arith.subi %add3A_1869, %sub3A_1870 : i32
      %mul3A_1872 = arith.constant 2 : i32
      %mul3A_1873 = arith.muli %add3A_1867, %mul3A_1872 : i32
      %add3A_1874 = arith.constant 0 : i32
      %add3A_1875 = arith.addi %mul3A_1873, %add3A_1874 : i32
      %mul3A_1876 = arith.constant 2 : i32
      %mul3A_1877 = arith.muli %add3A_1867, %mul3A_1876 : i32
      %add3A_1878 = arith.constant 1 : i32
      %add3A_1879 = arith.addi %mul3A_1877, %add3A_1878 : i32
      %dma_wait3A_1880 = arith.constant 1 : i32
      %dma_wait3A_1881 = arith.constant 0 : i32
      %dma_wait3A_1882 = arith.constant 1 : i32
      %dma_wait3A_1883 = arith.constant 0 : i32
      %dma_wait3A_1884 = arith.constant 0 : i32
      %dma_wait3A_1885 = tpu.memref_slice %arg6[%dma_wait3A_1880, %dma_wait3A_1881, %dma_wait3A_1883, %dma_wait3A_1884] : memref<8x2x50x128xf32, #tpu.memory_space<vmem>> -> memref<1x1x50x128xf32, #tpu.memory_space<vmem>>
      %dma_wait3A_1886 = tpu.memref_squeeze %dma_wait3A_1885 : memref<1x1x50x128xf32, #tpu.memory_space<vmem>> -> memref<50x128xf32, #tpu.memory_space<vmem>>
      %dma_wait3A_1887 = arith.constant 0 : i32
      %dma_wait3A_1888 = tpu.memref_slice %arg5[%add3A_1875, %dma_wait3A_1887] : memref<128x50xi32, #tpu.memory_space<vmem>> -> memref<1x50xi32, #tpu.memory_space<vmem>>
      %dma_wait3A_1889 = tpu.memref_squeeze %dma_wait3A_1888 : memref<1x50xi32, #tpu.memory_space<vmem>> -> memref<50xi32, #tpu.memory_space<vmem>>
      %dma_wait3A_1890 = arith.constant 0 : i32
      %dma_wait3A_1891 = arith.constant 0 : i32
      %dma_wait3A_1892 = tpu.memref_slice %arg2[%dma_wait3A_1890, %dma_wait3A_1891] : memref<100000x128xf32, #tpu.memory_space<hbm>> -> memref<100000x128xf32, #tpu.memory_space<hbm>>
      %dma_wait3A_1893 = tpu.memref_slice %arg7[%dma_wait3A_1882] : memref<8x!tpu.dma_semaphore, #tpu.memory_space<semaphore_mem>> -> memref<1x!tpu.dma_semaphore, #tpu.memory_space<semaphore_mem>>
      %dma_wait3A_1894 = tpu.memref_squeeze %dma_wait3A_1893 : memref<1x!tpu.dma_semaphore, #tpu.memory_space<semaphore_mem>> -> memref<!tpu.dma_semaphore, #tpu.memory_space<semaphore_mem>>
      tpu.wait_indirect_dma semaphore(%dma_wait3A_1894 : memref<!tpu.dma_semaphore, #tpu.memory_space<semaphore_mem>>) src(%dma_wait3A_1892 : memref<100000x128xf32, #tpu.memory_space<hbm>>) dst(%dma_wait3A_1886 : memref<50x128xf32, #tpu.memory_space<vmem>>)
      %dma_wait3A_1895 = arith.constant 1 : i32
      %dma_wait3A_1896 = arith.constant 1 : i32
      %dma_wait3A_1897 = arith.constant 1 : i32
      %dma_wait3A_1898 = arith.constant 0 : i32
      %dma_wait3A_1899 = arith.constant 0 : i32
      %dma_wait3A_1900 = tpu.memref_slice %arg6[%dma_wait3A_1895, %dma_wait3A_1896, %dma_wait3A_1898, %dma_wait3A_1899] : memref<8x2x50x128xf32, #tpu.memory_space<vmem>> -> memref<1x1x50x128xf32, #tpu.memory_space<vmem>>
      %dma_wait3A_1901 = tpu.memref_squeeze %dma_wait3A_1900 : memref<1x1x50x128xf32, #tpu.memory_space<vmem>> -> memref<50x128xf32, #tpu.memory_space<vmem>>
      %dma_wait3A_1902 = arith.constant 0 : i32
      %dma_wait3A_1903 = tpu.memref_slice %arg5[%add3A_1879, %dma_wait3A_1902] : memref<128x50xi32, #tpu.memory_space<vmem>> -> memref<1x50xi32, #tpu.memory_space<vmem>>
      %dma_wait3A_1904 = tpu.memref_squeeze %dma_wait3A_1903 : memref<1x50xi32, #tpu.memory_space<vmem>> -> memref<50xi32, #tpu.memory_space<vmem>>
      %dma_wait3A_1905 = arith.constant 0 : i32
      %dma_wait3A_1906 = arith.constant 0 : i32
      %dma_wait3A_1907 = tpu.memref_slice %arg2[%dma_wait3A_1905, %dma_wait3A_1906] : memref<100000x128xf32, #tpu.memory_space<hbm>> -> memref<100000x128xf32, #tpu.memory_space<hbm>>
      %dma_wait3A_1908 = tpu.memref_slice %arg7[%dma_wait3A_1897] : memref<8x!tpu.dma_semaphore, #tpu.memory_space<semaphore_mem>> -> memref<1x!tpu.dma_semaphore, #tpu.memory_space<semaphore_mem>>
      %dma_wait3A_1909 = tpu.memref_squeeze %dma_wait3A_1908 : memref<1x!tpu.dma_semaphore, #tpu.memory_space<semaphore_mem>> -> memref<!tpu.dma_semaphore, #tpu.memory_space<semaphore_mem>>
      tpu.wait_indirect_dma semaphore(%dma_wait3A_1909 : memref<!tpu.dma_semaphore, #tpu.memory_space<semaphore_mem>>) src(%dma_wait3A_1907 : memref<100000x128xf32, #tpu.memory_space<hbm>>) dst(%dma_wait3A_1901 : memref<50x128xf32, #tpu.memory_space<vmem>>)
      %mul3A_1910 = arith.constant 2 : i32
      %mul3A_1911 = arith.muli %add3A_1867, %mul3A_1910 : i32
      %add3A_1912 = arith.addi %mul3A_2, %mul3A_1911 : i32
      %dma_start3A_1913 = arith.constant 1 : i32
      %dma_start3A_1914 = arith.constant 1 : i32
      %dma_start3A_1915 = arith.constant 0 : i32
      %dma_start3A_1916 = arith.constant 0 : i32
      %dma_start3A_1917 = arith.constant 0 : i32
      %dma_start3A_1918 = tpu.memref_slice %arg6[%dma_start3A_1913, %dma_start3A_1915, %dma_start3A_1916, %dma_start3A_1917] : memref<8x2x50x128xf32, #tpu.memory_space<vmem>> -> memref<1x2x50x128xf32, #tpu.memory_space<vmem>>
      %dma_start3A_1919 = tpu.memref_squeeze %dma_start3A_1918 : memref<1x2x50x128xf32, #tpu.memory_space<vmem>> -> memref<2x50x128xf32, #tpu.memory_space<vmem>>
      %dma_start3A_1920 = arith.constant 0 : i32
      %dma_start3A_1921 = arith.constant 0 : i32
      %dma_start3A_1922 = tpu.memref_slice %arg4[%add3A_1912, %dma_start3A_1920, %dma_start3A_1921] : memref<4096x50x128xf32, #tpu.memory_space<hbm>> -> memref<2x50x128xf32, #tpu.memory_space<hbm>>
      %dma_start3A_1923 = tpu.memref_slice %arg8[%dma_start3A_1914] : memref<8x!tpu.dma_semaphore, #tpu.memory_space<semaphore_mem>> -> memref<1x!tpu.dma_semaphore, #tpu.memory_space<semaphore_mem>>
      %dma_start3A_1924 = tpu.memref_squeeze %dma_start3A_1923 : memref<1x!tpu.dma_semaphore, #tpu.memory_space<semaphore_mem>> -> memref<!tpu.dma_semaphore, #tpu.memory_space<semaphore_mem>>
      %dma_start3A_1925 = arith.constant 0 : i32
      %dma_start3A_1926 = arith.constant 0 : i32
      %dma_start3A_1927 = tpu.memref_slice %arg4[%add3A_1912, %dma_start3A_1925, %dma_start3A_1926] : memref<4096x50x128xf32, #tpu.memory_space<hbm>> -> memref<2x50x128xf32, #tpu.memory_space<hbm>>
      %dma_start3A_1928 = arith.constant 0 : i32
      %dma_start3A_1929 = arith.constant 0 : i32
      %dma_start3A_1930 = arith.constant 0 : i32
      %dma_start3A_1931 = tpu.memref_slice %arg6[%dma_start3A_1913, %dma_start3A_1928, %dma_start3A_1929, %dma_start3A_1930] : memref<8x2x50x128xf32, #tpu.memory_space<vmem>> -> memref<1x2x50x128xf32, #tpu.memory_space<vmem>>
      %dma_start3A_1932 = tpu.memref_squeeze %dma_start3A_1931 : memref<1x2x50x128xf32, #tpu.memory_space<vmem>> -> memref<2x50x128xf32, #tpu.memory_space<vmem>>
      tpu.enqueue_dma source(%dma_start3A_1932 : memref<2x50x128xf32, #tpu.memory_space<vmem>>) target(%dma_start3A_1927 : memref<2x50x128xf32, #tpu.memory_space<hbm>>) target_semaphore(%dma_start3A_1924 : memref<!tpu.dma_semaphore, #tpu.memory_space<semaphore_mem>>)
      %mul3A_1933 = arith.constant 2 : i32
      %mul3A_1934 = arith.muli %sub3A_1871, %mul3A_1933 : i32
      %add3A_1935 = arith.addi %mul3A_2, %mul3A_1934 : i32
      %dma_wait3A_1936 = arith.constant 7 : i32
      %dma_wait3A_1937 = arith.constant 7 : i32
      %dma_wait3A_1938 = arith.constant 0 : i32
      %dma_wait3A_1939 = arith.constant 0 : i32
      %dma_wait3A_1940 = arith.constant 0 : i32
      %dma_wait3A_1941 = tpu.memref_slice %arg6[%dma_wait3A_1936, %dma_wait3A_1938, %dma_wait3A_1939, %dma_wait3A_1940] : memref<8x2x50x128xf32, #tpu.memory_space<vmem>> -> memref<1x2x50x128xf32, #tpu.memory_space<vmem>>
      %dma_wait3A_1942 = tpu.memref_squeeze %dma_wait3A_1941 : memref<1x2x50x128xf32, #tpu.memory_space<vmem>> -> memref<2x50x128xf32, #tpu.memory_space<vmem>>
      %dma_wait3A_1943 = arith.constant 0 : i32
      %dma_wait3A_1944 = arith.constant 0 : i32
      %dma_wait3A_1945 = tpu.memref_slice %arg4[%add3A_1935, %dma_wait3A_1943, %dma_wait3A_1944] : memref<4096x50x128xf32, #tpu.memory_space<hbm>> -> memref<2x50x128xf32, #tpu.memory_space<hbm>>
      %dma_wait3A_1946 = tpu.memref_slice %arg8[%dma_wait3A_1937] : memref<8x!tpu.dma_semaphore, #tpu.memory_space<semaphore_mem>> -> memref<1x!tpu.dma_semaphore, #tpu.memory_space<semaphore_mem>>
      %dma_wait3A_1947 = tpu.memref_squeeze %dma_wait3A_1946 : memref<1x!tpu.dma_semaphore, #tpu.memory_space<semaphore_mem>> -> memref<!tpu.dma_semaphore, #tpu.memory_space<semaphore_mem>>
      %dma_wait3A_1948 = arith.constant 0 : i32
      %dma_wait3A_1949 = arith.constant 0 : i32
      %dma_wait3A_1950 = tpu.memref_slice %arg4[%add3A_1935, %dma_wait3A_1948, %dma_wait3A_1949] : memref<4096x50x128xf32, #tpu.memory_space<hbm>> -> memref<2x50x128xf32, #tpu.memory_space<hbm>>
      %dma_wait3A_1951 = arith.constant 0 : i32
      %dma_wait3A_1952 = arith.constant 0 : i32
      %dma_wait3A_1953 = arith.constant 0 : i32
      %dma_wait3A_1954 = tpu.memref_slice %arg6[%dma_wait3A_1936, %dma_wait3A_1951, %dma_wait3A_1952, %dma_wait3A_1953] : memref<8x2x50x128xf32, #tpu.memory_space<vmem>> -> memref<1x2x50x128xf32, #tpu.memory_space<vmem>>
      %dma_wait3A_1955 = tpu.memref_squeeze %dma_wait3A_1954 : memref<1x2x50x128xf32, #tpu.memory_space<vmem>> -> memref<2x50x128xf32, #tpu.memory_space<vmem>>
      tpu.wait_dma2 semaphore(%dma_wait3A_1947 : memref<!tpu.dma_semaphore, #tpu.memory_space<semaphore_mem>>) src(%dma_wait3A_1955 : memref<2x50x128xf32, #tpu.memory_space<vmem>>) dst(%dma_wait3A_1950 : memref<2x50x128xf32, #tpu.memory_space<hbm>>)
      %add3A_1956 = arith.constant 8 : i32
      %add3A_1957 = arith.addi %sub3A_1871, %add3A_1956 : i32
      %mul3A_1958 = arith.constant 2 : i32
      %mul3A_1959 = arith.muli %add3A_1957, %mul3A_1958 : i32
      %add3A_1960 = arith.constant 0 : i32
      %add3A_1961 = arith.addi %mul3A_1959, %add3A_1960 : i32
      %mul3A_1962 = arith.constant 2 : i32
      %mul3A_1963 = arith.muli %add3A_1957, %mul3A_1962 : i32
      %add3A_1964 = arith.constant 1 : i32
      %add3A_1965 = arith.addi %mul3A_1963, %add3A_1964 : i32
      %dma_start3A_1966 = arith.constant 7 : i32
      %dma_start3A_1967 = arith.constant 0 : i32
      %dma_start3A_1968 = arith.constant 7 : i32
      %dma_start3A_1969 = arith.constant 0 : i32
      %dma_start3A_1970 = arith.constant 0 : i32
      %dma_start3A_1971 = tpu.memref_slice %arg6[%dma_start3A_1966, %dma_start3A_1967, %dma_start3A_1969, %dma_start3A_1970] : memref<8x2x50x128xf32, #tpu.memory_space<vmem>> -> memref<1x1x50x128xf32, #tpu.memory_space<vmem>>
      %dma_start3A_1972 = tpu.memref_squeeze %dma_start3A_1971 : memref<1x1x50x128xf32, #tpu.memory_space<vmem>> -> memref<50x128xf32, #tpu.memory_space<vmem>>
      %dma_start3A_1973 = arith.constant 0 : i32
      %dma_start3A_1974 = tpu.memref_slice %arg5[%add3A_1961, %dma_start3A_1973] : memref<128x50xi32, #tpu.memory_space<vmem>> -> memref<1x50xi32, #tpu.memory_space<vmem>>
      %dma_start3A_1975 = tpu.memref_squeeze %dma_start3A_1974 : memref<1x50xi32, #tpu.memory_space<vmem>> -> memref<50xi32, #tpu.memory_space<vmem>>
      %dma_start3A_1976 = arith.constant 0 : i32
      %dma_start3A_1977 = arith.constant 0 : i32
      %dma_start3A_1978 = tpu.memref_slice %arg2[%dma_start3A_1976, %dma_start3A_1977] : memref<100000x128xf32, #tpu.memory_space<hbm>> -> memref<100000x128xf32, #tpu.memory_space<hbm>>
      %dma_start3A_1979 = tpu.memref_slice %arg7[%dma_start3A_1968] : memref<8x!tpu.dma_semaphore, #tpu.memory_space<semaphore_mem>> -> memref<1x!tpu.dma_semaphore, #tpu.memory_space<semaphore_mem>>
      %dma_start3A_1980 = tpu.memref_squeeze %dma_start3A_1979 : memref<1x!tpu.dma_semaphore, #tpu.memory_space<semaphore_mem>> -> memref<!tpu.dma_semaphore, #tpu.memory_space<semaphore_mem>>
      tpu.enqueue_indirect_dma source(%dma_start3A_1978 : memref<100000x128xf32, #tpu.memory_space<hbm>>) target(%dma_start3A_1972 : memref<50x128xf32, #tpu.memory_space<vmem>>) offsets(%dma_start3A_1975 : memref<50xi32, #tpu.memory_space<vmem>>) semaphore(%dma_start3A_1980 : memref<!tpu.dma_semaphore, #tpu.memory_space<semaphore_mem>>)
      %dma_start3A_1981 = arith.constant 7 : i32
      %dma_start3A_1982 = arith.constant 1 : i32
      %dma_start3A_1983 = arith.constant 7 : i32
      %dma_start3A_1984 = arith.constant 0 : i32
      %dma_start3A_1985 = arith.constant 0 : i32
      %dma_start3A_1986 = tpu.memref_slice %arg6[%dma_start3A_1981, %dma_start3A_1982, %dma_start3A_1984, %dma_start3A_1985] : memref<8x2x50x128xf32, #tpu.memory_space<vmem>> -> memref<1x1x50x128xf32, #tpu.memory_space<vmem>>
      %dma_start3A_1987 = tpu.memref_squeeze %dma_start3A_1986 : memref<1x1x50x128xf32, #tpu.memory_space<vmem>> -> memref<50x128xf32, #tpu.memory_space<vmem>>
      %dma_start3A_1988 = arith.constant 0 : i32
      %dma_start3A_1989 = tpu.memref_slice %arg5[%add3A_1965, %dma_start3A_1988] : memref<128x50xi32, #tpu.memory_space<vmem>> -> memref<1x50xi32, #tpu.memory_space<vmem>>
      %dma_start3A_1990 = tpu.memref_squeeze %dma_start3A_1989 : memref<1x50xi32, #tpu.memory_space<vmem>> -> memref<50xi32, #tpu.memory_space<vmem>>
      %dma_start3A_1991 = arith.constant 0 : i32
      %dma_start3A_1992 = arith.constant 0 : i32
      %dma_start3A_1993 = tpu.memref_slice %arg2[%dma_start3A_1991, %dma_start3A_1992] : memref<100000x128xf32, #tpu.memory_space<hbm>> -> memref<100000x128xf32, #tpu.memory_space<hbm>>
      %dma_start3A_1994 = tpu.memref_slice %arg7[%dma_start3A_1983] : memref<8x!tpu.dma_semaphore, #tpu.memory_space<semaphore_mem>> -> memref<1x!tpu.dma_semaphore, #tpu.memory_space<semaphore_mem>>
      %dma_start3A_1995 = tpu.memref_squeeze %dma_start3A_1994 : memref<1x!tpu.dma_semaphore, #tpu.memory_space<semaphore_mem>> -> memref<!tpu.dma_semaphore, #tpu.memory_space<semaphore_mem>>
      tpu.enqueue_indirect_dma source(%dma_start3A_1993 : memref<100000x128xf32, #tpu.memory_space<hbm>>) target(%dma_start3A_1987 : memref<50x128xf32, #tpu.memory_space<vmem>>) offsets(%dma_start3A_1990 : memref<50xi32, #tpu.memory_space<vmem>>) semaphore(%dma_start3A_1995 : memref<!tpu.dma_semaphore, #tpu.memory_space<semaphore_mem>>)
      %add3A_1996 = arith.constant 2 : i32
      %add3A_1997 = arith.addi %mul3A_1736, %add3A_1996 : i32
      %add3A_1998 = arith.constant 2 : i32
      %add3A_1999 = arith.addi %mul3A_1736, %add3A_1998 : i32
      %sub3A_2000 = arith.constant 2 : i32
      %sub3A_2001 = arith.subi %add3A_1999, %sub3A_2000 : i32
      %mul3A_2002 = arith.constant 2 : i32
      %mul3A_2003 = arith.muli %add3A_1997, %mul3A_2002 : i32
      %add3A_2004 = arith.constant 0 : i32
      %add3A_2005 = arith.addi %mul3A_2003, %add3A_2004 : i32
      %mul3A_2006 = arith.constant 2 : i32
      %mul3A_2007 = arith.muli %add3A_1997, %mul3A_2006 : i32
      %add3A_2008 = arith.constant 1 : i32
      %add3A_2009 = arith.addi %mul3A_2007, %add3A_2008 : i32
      %dma_wait3A_2010 = arith.constant 2 : i32
      %dma_wait3A_2011 = arith.constant 0 : i32
      %dma_wait3A_2012 = arith.constant 2 : i32
      %dma_wait3A_2013 = arith.constant 0 : i32
      %dma_wait3A_2014 = arith.constant 0 : i32
      %dma_wait3A_2015 = tpu.memref_slice %arg6[%dma_wait3A_2010, %dma_wait3A_2011, %dma_wait3A_2013, %dma_wait3A_2014] : memref<8x2x50x128xf32, #tpu.memory_space<vmem>> -> memref<1x1x50x128xf32, #tpu.memory_space<vmem>>
      %dma_wait3A_2016 = tpu.memref_squeeze %dma_wait3A_2015 : memref<1x1x50x128xf32, #tpu.memory_space<vmem>> -> memref<50x128xf32, #tpu.memory_space<vmem>>
      %dma_wait3A_2017 = arith.constant 0 : i32
      %dma_wait3A_2018 = tpu.memref_slice %arg5[%add3A_2005, %dma_wait3A_2017] : memref<128x50xi32, #tpu.memory_space<vmem>> -> memref<1x50xi32, #tpu.memory_space<vmem>>
      %dma_wait3A_2019 = tpu.memref_squeeze %dma_wait3A_2018 : memref<1x50xi32, #tpu.memory_space<vmem>> -> memref<50xi32, #tpu.memory_space<vmem>>
      %dma_wait3A_2020 = arith.constant 0 : i32
      %dma_wait3A_2021 = arith.constant 0 : i32
      %dma_wait3A_2022 = tpu.memref_slice %arg2[%dma_wait3A_2020, %dma_wait3A_2021] : memref<100000x128xf32, #tpu.memory_space<hbm>> -> memref<100000x128xf32, #tpu.memory_space<hbm>>
      %dma_wait3A_2023 = tpu.memref_slice %arg7[%dma_wait3A_2012] : memref<8x!tpu.dma_semaphore, #tpu.memory_space<semaphore_mem>> -> memref<1x!tpu.dma_semaphore, #tpu.memory_space<semaphore_mem>>
      %dma_wait3A_2024 = tpu.memref_squeeze %dma_wait3A_2023 : memref<1x!tpu.dma_semaphore, #tpu.memory_space<semaphore_mem>> -> memref<!tpu.dma_semaphore, #tpu.memory_space<semaphore_mem>>
      tpu.wait_indirect_dma semaphore(%dma_wait3A_2024 : memref<!tpu.dma_semaphore, #tpu.memory_space<semaphore_mem>>) src(%dma_wait3A_2022 : memref<100000x128xf32, #tpu.memory_space<hbm>>) dst(%dma_wait3A_2016 : memref<50x128xf32, #tpu.memory_space<vmem>>)
      %dma_wait3A_2025 = arith.constant 2 : i32
      %dma_wait3A_2026 = arith.constant 1 : i32
      %dma_wait3A_2027 = arith.constant 2 : i32
      %dma_wait3A_2028 = arith.constant 0 : i32
      %dma_wait3A_2029 = arith.constant 0 : i32
      %dma_wait3A_2030 = tpu.memref_slice %arg6[%dma_wait3A_2025, %dma_wait3A_2026, %dma_wait3A_2028, %dma_wait3A_2029] : memref<8x2x50x128xf32, #tpu.memory_space<vmem>> -> memref<1x1x50x128xf32, #tpu.memory_space<vmem>>
      %dma_wait3A_2031 = tpu.memref_squeeze %dma_wait3A_2030 : memref<1x1x50x128xf32, #tpu.memory_space<vmem>> -> memref<50x128xf32, #tpu.memory_space<vmem>>
      %dma_wait3A_2032 = arith.constant 0 : i32
      %dma_wait3A_2033 = tpu.memref_slice %arg5[%add3A_2009, %dma_wait3A_2032] : memref<128x50xi32, #tpu.memory_space<vmem>> -> memref<1x50xi32, #tpu.memory_space<vmem>>
      %dma_wait3A_2034 = tpu.memref_squeeze %dma_wait3A_2033 : memref<1x50xi32, #tpu.memory_space<vmem>> -> memref<50xi32, #tpu.memory_space<vmem>>
      %dma_wait3A_2035 = arith.constant 0 : i32
      %dma_wait3A_2036 = arith.constant 0 : i32
      %dma_wait3A_2037 = tpu.memref_slice %arg2[%dma_wait3A_2035, %dma_wait3A_2036] : memref<100000x128xf32, #tpu.memory_space<hbm>> -> memref<100000x128xf32, #tpu.memory_space<hbm>>
      %dma_wait3A_2038 = tpu.memref_slice %arg7[%dma_wait3A_2027] : memref<8x!tpu.dma_semaphore, #tpu.memory_space<semaphore_mem>> -> memref<1x!tpu.dma_semaphore, #tpu.memory_space<semaphore_mem>>
      %dma_wait3A_2039 = tpu.memref_squeeze %dma_wait3A_2038 : memref<1x!tpu.dma_semaphore, #tpu.memory_space<semaphore_mem>> -> memref<!tpu.dma_semaphore, #tpu.memory_space<semaphore_mem>>
      tpu.wait_indirect_dma semaphore(%dma_wait3A_2039 : memref<!tpu.dma_semaphore, #tpu.memory_space<semaphore_mem>>) src(%dma_wait3A_2037 : memref<100000x128xf32, #tpu.memory_space<hbm>>) dst(%dma_wait3A_2031 : memref<50x128xf32, #tpu.memory_space<vmem>>)
      %mul3A_2040 = arith.constant 2 : i32
      %mul3A_2041 = arith.muli %add3A_1997, %mul3A_2040 : i32
      %add3A_2042 = arith.addi %mul3A_2, %mul3A_2041 : i32
      %dma_start3A_2043 = arith.constant 2 : i32
      %dma_start3A_2044 = arith.constant 2 : i32
      %dma_start3A_2045 = arith.constant 0 : i32
      %dma_start3A_2046 = arith.constant 0 : i32
      %dma_start3A_2047 = arith.constant 0 : i32
      %dma_start3A_2048 = tpu.memref_slice %arg6[%dma_start3A_2043, %dma_start3A_2045, %dma_start3A_2046, %dma_start3A_2047] : memref<8x2x50x128xf32, #tpu.memory_space<vmem>> -> memref<1x2x50x128xf32, #tpu.memory_space<vmem>>
      %dma_start3A_2049 = tpu.memref_squeeze %dma_start3A_2048 : memref<1x2x50x128xf32, #tpu.memory_space<vmem>> -> memref<2x50x128xf32, #tpu.memory_space<vmem>>
      %dma_start3A_2050 = arith.constant 0 : i32
      %dma_start3A_2051 = arith.constant 0 : i32
      %dma_start3A_2052 = tpu.memref_slice %arg4[%add3A_2042, %dma_start3A_2050, %dma_start3A_2051] : memref<4096x50x128xf32, #tpu.memory_space<hbm>> -> memref<2x50x128xf32, #tpu.memory_space<hbm>>
      %dma_start3A_2053 = tpu.memref_slice %arg8[%dma_start3A_2044] : memref<8x!tpu.dma_semaphore, #tpu.memory_space<semaphore_mem>> -> memref<1x!tpu.dma_semaphore, #tpu.memory_space<semaphore_mem>>
      %dma_start3A_2054 = tpu.memref_squeeze %dma_start3A_2053 : memref<1x!tpu.dma_semaphore, #tpu.memory_space<semaphore_mem>> -> memref<!tpu.dma_semaphore, #tpu.memory_space<semaphore_mem>>
      %dma_start3A_2055 = arith.constant 0 : i32
      %dma_start3A_2056 = arith.constant 0 : i32
      %dma_start3A_2057 = tpu.memref_slice %arg4[%add3A_2042, %dma_start3A_2055, %dma_start3A_2056] : memref<4096x50x128xf32, #tpu.memory_space<hbm>> -> memref<2x50x128xf32, #tpu.memory_space<hbm>>
      %dma_start3A_2058 = arith.constant 0 : i32
      %dma_start3A_2059 = arith.constant 0 : i32
      %dma_start3A_2060 = arith.constant 0 : i32
      %dma_start3A_2061 = tpu.memref_slice %arg6[%dma_start3A_2043, %dma_start3A_2058, %dma_start3A_2059, %dma_start3A_2060] : memref<8x2x50x128xf32, #tpu.memory_space<vmem>> -> memref<1x2x50x128xf32, #tpu.memory_space<vmem>>
      %dma_start3A_2062 = tpu.memref_squeeze %dma_start3A_2061 : memref<1x2x50x128xf32, #tpu.memory_space<vmem>> -> memref<2x50x128xf32, #tpu.memory_space<vmem>>
      tpu.enqueue_dma source(%dma_start3A_2062 : memref<2x50x128xf32, #tpu.memory_space<vmem>>) target(%dma_start3A_2057 : memref<2x50x128xf32, #tpu.memory_space<hbm>>) target_semaphore(%dma_start3A_2054 : memref<!tpu.dma_semaphore, #tpu.memory_space<semaphore_mem>>)
      %mul3A_2063 = arith.constant 2 : i32
      %mul3A_2064 = arith.muli %sub3A_2001, %mul3A_2063 : i32
      %add3A_2065 = arith.addi %mul3A_2, %mul3A_2064 : i32
      %dma_wait3A_2066 = arith.constant 0 : i32
      %dma_wait3A_2067 = arith.constant 0 : i32
      %dma_wait3A_2068 = arith.constant 0 : i32
      %dma_wait3A_2069 = arith.constant 0 : i32
      %dma_wait3A_2070 = arith.constant 0 : i32
      %dma_wait3A_2071 = tpu.memref_slice %arg6[%dma_wait3A_2066, %dma_wait3A_2068, %dma_wait3A_2069, %dma_wait3A_2070] : memref<8x2x50x128xf32, #tpu.memory_space<vmem>> -> memref<1x2x50x128xf32, #tpu.memory_space<vmem>>
      %dma_wait3A_2072 = tpu.memref_squeeze %dma_wait3A_2071 : memref<1x2x50x128xf32, #tpu.memory_space<vmem>> -> memref<2x50x128xf32, #tpu.memory_space<vmem>>
      %dma_wait3A_2073 = arith.constant 0 : i32
      %dma_wait3A_2074 = arith.constant 0 : i32
      %dma_wait3A_2075 = tpu.memref_slice %arg4[%add3A_2065, %dma_wait3A_2073, %dma_wait3A_2074] : memref<4096x50x128xf32, #tpu.memory_space<hbm>> -> memref<2x50x128xf32, #tpu.memory_space<hbm>>
      %dma_wait3A_2076 = tpu.memref_slice %arg8[%dma_wait3A_2067] : memref<8x!tpu.dma_semaphore, #tpu.memory_space<semaphore_mem>> -> memref<1x!tpu.dma_semaphore, #tpu.memory_space<semaphore_mem>>
      %dma_wait3A_2077 = tpu.memref_squeeze %dma_wait3A_2076 : memref<1x!tpu.dma_semaphore, #tpu.memory_space<semaphore_mem>> -> memref<!tpu.dma_semaphore, #tpu.memory_space<semaphore_mem>>
      %dma_wait3A_2078 = arith.constant 0 : i32
      %dma_wait3A_2079 = arith.constant 0 : i32
      %dma_wait3A_2080 = tpu.memref_slice %arg4[%add3A_2065, %dma_wait3A_2078, %dma_wait3A_2079] : memref<4096x50x128xf32, #tpu.memory_space<hbm>> -> memref<2x50x128xf32, #tpu.memory_space<hbm>>
      %dma_wait3A_2081 = arith.constant 0 : i32
      %dma_wait3A_2082 = arith.constant 0 : i32
      %dma_wait3A_2083 = arith.constant 0 : i32
      %dma_wait3A_2084 = tpu.memref_slice %arg6[%dma_wait3A_2066, %dma_wait3A_2081, %dma_wait3A_2082, %dma_wait3A_2083] : memref<8x2x50x128xf32, #tpu.memory_space<vmem>> -> memref<1x2x50x128xf32, #tpu.memory_space<vmem>>
      %dma_wait3A_2085 = tpu.memref_squeeze %dma_wait3A_2084 : memref<1x2x50x128xf32, #tpu.memory_space<vmem>> -> memref<2x50x128xf32, #tpu.memory_space<vmem>>
      tpu.wait_dma2 semaphore(%dma_wait3A_2077 : memref<!tpu.dma_semaphore, #tpu.memory_space<semaphore_mem>>) src(%dma_wait3A_2085 : memref<2x50x128xf32, #tpu.memory_space<vmem>>) dst(%dma_wait3A_2080 : memref<2x50x128xf32, #tpu.memory_space<hbm>>)
      %add3A_2086 = arith.constant 8 : i32
      %add3A_2087 = arith.addi %sub3A_2001, %add3A_2086 : i32
      %mul3A_2088 = arith.constant 2 : i32
      %mul3A_2089 = arith.muli %add3A_2087, %mul3A_2088 : i32
      %add3A_2090 = arith.constant 0 : i32
      %add3A_2091 = arith.addi %mul3A_2089, %add3A_2090 : i32
      %mul3A_2092 = arith.constant 2 : i32
      %mul3A_2093 = arith.muli %add3A_2087, %mul3A_2092 : i32
      %add3A_2094 = arith.constant 1 : i32
      %add3A_2095 = arith.addi %mul3A_2093, %add3A_2094 : i32
      %dma_start3A_2096 = arith.constant 0 : i32
      %dma_start3A_2097 = arith.constant 0 : i32
      %dma_start3A_2098 = arith.constant 0 : i32
      %dma_start3A_2099 = arith.constant 0 : i32
      %dma_start3A_2100 = arith.constant 0 : i32
      %dma_start3A_2101 = tpu.memref_slice %arg6[%dma_start3A_2096, %dma_start3A_2097, %dma_start3A_2099, %dma_start3A_2100] : memref<8x2x50x128xf32, #tpu.memory_space<vmem>> -> memref<1x1x50x128xf32, #tpu.memory_space<vmem>>
      %dma_start3A_2102 = tpu.memref_squeeze %dma_start3A_2101 : memref<1x1x50x128xf32, #tpu.memory_space<vmem>> -> memref<50x128xf32, #tpu.memory_space<vmem>>
      %dma_start3A_2103 = arith.constant 0 : i32
      %dma_start3A_2104 = tpu.memref_slice %arg5[%add3A_2091, %dma_start3A_2103] : memref<128x50xi32, #tpu.memory_space<vmem>> -> memref<1x50xi32, #tpu.memory_space<vmem>>
      %dma_start3A_2105 = tpu.memref_squeeze %dma_start3A_2104 : memref<1x50xi32, #tpu.memory_space<vmem>> -> memref<50xi32, #tpu.memory_space<vmem>>
      %dma_start3A_2106 = arith.constant 0 : i32
      %dma_start3A_2107 = arith.constant 0 : i32
      %dma_start3A_2108 = tpu.memref_slice %arg2[%dma_start3A_2106, %dma_start3A_2107] : memref<100000x128xf32, #tpu.memory_space<hbm>> -> memref<100000x128xf32, #tpu.memory_space<hbm>>
      %dma_start3A_2109 = tpu.memref_slice %arg7[%dma_start3A_2098] : memref<8x!tpu.dma_semaphore, #tpu.memory_space<semaphore_mem>> -> memref<1x!tpu.dma_semaphore, #tpu.memory_space<semaphore_mem>>
      %dma_start3A_2110 = tpu.memref_squeeze %dma_start3A_2109 : memref<1x!tpu.dma_semaphore, #tpu.memory_space<semaphore_mem>> -> memref<!tpu.dma_semaphore, #tpu.memory_space<semaphore_mem>>
      tpu.enqueue_indirect_dma source(%dma_start3A_2108 : memref<100000x128xf32, #tpu.memory_space<hbm>>) target(%dma_start3A_2102 : memref<50x128xf32, #tpu.memory_space<vmem>>) offsets(%dma_start3A_2105 : memref<50xi32, #tpu.memory_space<vmem>>) semaphore(%dma_start3A_2110 : memref<!tpu.dma_semaphore, #tpu.memory_space<semaphore_mem>>)
      %dma_start3A_2111 = arith.constant 0 : i32
      %dma_start3A_2112 = arith.constant 1 : i32
      %dma_start3A_2113 = arith.constant 0 : i32
      %dma_start3A_2114 = arith.constant 0 : i32
      %dma_start3A_2115 = arith.constant 0 : i32
      %dma_start3A_2116 = tpu.memref_slice %arg6[%dma_start3A_2111, %dma_start3A_2112, %dma_start3A_2114, %dma_start3A_2115] : memref<8x2x50x128xf32, #tpu.memory_space<vmem>> -> memref<1x1x50x128xf32, #tpu.memory_space<vmem>>
      %dma_start3A_2117 = tpu.memref_squeeze %dma_start3A_2116 : memref<1x1x50x128xf32, #tpu.memory_space<vmem>> -> memref<50x128xf32, #tpu.memory_space<vmem>>
      %dma_start3A_2118 = arith.constant 0 : i32
      %dma_start3A_2119 = tpu.memref_slice %arg5[%add3A_2095, %dma_start3A_2118] : memref<128x50xi32, #tpu.memory_space<vmem>> -> memref<1x50xi32, #tpu.memory_space<vmem>>
      %dma_start3A_2120 = tpu.memref_squeeze %dma_start3A_2119 : memref<1x50xi32, #tpu.memory_space<vmem>> -> memref<50xi32, #tpu.memory_space<vmem>>
      %dma_start3A_2121 = arith.constant 0 : i32
      %dma_start3A_2122 = arith.constant 0 : i32
      %dma_start3A_2123 = tpu.memref_slice %arg2[%dma_start3A_2121, %dma_start3A_2122] : memref<100000x128xf32, #tpu.memory_space<hbm>> -> memref<100000x128xf32, #tpu.memory_space<hbm>>
      %dma_start3A_2124 = tpu.memref_slice %arg7[%dma_start3A_2113] : memref<8x!tpu.dma_semaphore, #tpu.memory_space<semaphore_mem>> -> memref<1x!tpu.dma_semaphore, #tpu.memory_space<semaphore_mem>>
      %dma_start3A_2125 = tpu.memref_squeeze %dma_start3A_2124 : memref<1x!tpu.dma_semaphore, #tpu.memory_space<semaphore_mem>> -> memref<!tpu.dma_semaphore, #tpu.memory_space<semaphore_mem>>
      tpu.enqueue_indirect_dma source(%dma_start3A_2123 : memref<100000x128xf32, #tpu.memory_space<hbm>>) target(%dma_start3A_2117 : memref<50x128xf32, #tpu.memory_space<vmem>>) offsets(%dma_start3A_2120 : memref<50xi32, #tpu.memory_space<vmem>>) semaphore(%dma_start3A_2125 : memref<!tpu.dma_semaphore, #tpu.memory_space<semaphore_mem>>)
      %add3A_2126 = arith.constant 3 : i32
      %add3A_2127 = arith.addi %mul3A_1736, %add3A_2126 : i32
      %add3A_2128 = arith.constant 3 : i32
      %add3A_2129 = arith.addi %mul3A_1736, %add3A_2128 : i32
      %sub3A_2130 = arith.constant 2 : i32
      %sub3A_2131 = arith.subi %add3A_2129, %sub3A_2130 : i32
      %mul3A_2132 = arith.constant 2 : i32
      %mul3A_2133 = arith.muli %add3A_2127, %mul3A_2132 : i32
      %add3A_2134 = arith.constant 0 : i32
      %add3A_2135 = arith.addi %mul3A_2133, %add3A_2134 : i32
      %mul3A_2136 = arith.constant 2 : i32
      %mul3A_2137 = arith.muli %add3A_2127, %mul3A_2136 : i32
      %add3A_2138 = arith.constant 1 : i32
      %add3A_2139 = arith.addi %mul3A_2137, %add3A_2138 : i32
      %dma_wait3A_2140 = arith.constant 3 : i32
      %dma_wait3A_2141 = arith.constant 0 : i32
      %dma_wait3A_2142 = arith.constant 3 : i32
      %dma_wait3A_2143 = arith.constant 0 : i32
      %dma_wait3A_2144 = arith.constant 0 : i32
      %dma_wait3A_2145 = tpu.memref_slice %arg6[%dma_wait3A_2140, %dma_wait3A_2141, %dma_wait3A_2143, %dma_wait3A_2144] : memref<8x2x50x128xf32, #tpu.memory_space<vmem>> -> memref<1x1x50x128xf32, #tpu.memory_space<vmem>>
      %dma_wait3A_2146 = tpu.memref_squeeze %dma_wait3A_2145 : memref<1x1x50x128xf32, #tpu.memory_space<vmem>> -> memref<50x128xf32, #tpu.memory_space<vmem>>
      %dma_wait3A_2147 = arith.constant 0 : i32
      %dma_wait3A_2148 = tpu.memref_slice %arg5[%add3A_2135, %dma_wait3A_2147] : memref<128x50xi32, #tpu.memory_space<vmem>> -> memref<1x50xi32, #tpu.memory_space<vmem>>
      %dma_wait3A_2149 = tpu.memref_squeeze %dma_wait3A_2148 : memref<1x50xi32, #tpu.memory_space<vmem>> -> memref<50xi32, #tpu.memory_space<vmem>>
      %dma_wait3A_2150 = arith.constant 0 : i32
      %dma_wait3A_2151 = arith.constant 0 : i32
      %dma_wait3A_2152 = tpu.memref_slice %arg2[%dma_wait3A_2150, %dma_wait3A_2151] : memref<100000x128xf32, #tpu.memory_space<hbm>> -> memref<100000x128xf32, #tpu.memory_space<hbm>>
      %dma_wait3A_2153 = tpu.memref_slice %arg7[%dma_wait3A_2142] : memref<8x!tpu.dma_semaphore, #tpu.memory_space<semaphore_mem>> -> memref<1x!tpu.dma_semaphore, #tpu.memory_space<semaphore_mem>>
      %dma_wait3A_2154 = tpu.memref_squeeze %dma_wait3A_2153 : memref<1x!tpu.dma_semaphore, #tpu.memory_space<semaphore_mem>> -> memref<!tpu.dma_semaphore, #tpu.memory_space<semaphore_mem>>
      tpu.wait_indirect_dma semaphore(%dma_wait3A_2154 : memref<!tpu.dma_semaphore, #tpu.memory_space<semaphore_mem>>) src(%dma_wait3A_2152 : memref<100000x128xf32, #tpu.memory_space<hbm>>) dst(%dma_wait3A_2146 : memref<50x128xf32, #tpu.memory_space<vmem>>)
      %dma_wait3A_2155 = arith.constant 3 : i32
      %dma_wait3A_2156 = arith.constant 1 : i32
      %dma_wait3A_2157 = arith.constant 3 : i32
      %dma_wait3A_2158 = arith.constant 0 : i32
      %dma_wait3A_2159 = arith.constant 0 : i32
      %dma_wait3A_2160 = tpu.memref_slice %arg6[%dma_wait3A_2155, %dma_wait3A_2156, %dma_wait3A_2158, %dma_wait3A_2159] : memref<8x2x50x128xf32, #tpu.memory_space<vmem>> -> memref<1x1x50x128xf32, #tpu.memory_space<vmem>>
      %dma_wait3A_2161 = tpu.memref_squeeze %dma_wait3A_2160 : memref<1x1x50x128xf32, #tpu.memory_space<vmem>> -> memref<50x128xf32, #tpu.memory_space<vmem>>
      %dma_wait3A_2162 = arith.constant 0 : i32
      %dma_wait3A_2163 = tpu.memref_slice %arg5[%add3A_2139, %dma_wait3A_2162] : memref<128x50xi32, #tpu.memory_space<vmem>> -> memref<1x50xi32, #tpu.memory_space<vmem>>
      %dma_wait3A_2164 = tpu.memref_squeeze %dma_wait3A_2163 : memref<1x50xi32, #tpu.memory_space<vmem>> -> memref<50xi32, #tpu.memory_space<vmem>>
      %dma_wait3A_2165 = arith.constant 0 : i32
      %dma_wait3A_2166 = arith.constant 0 : i32
      %dma_wait3A_2167 = tpu.memref_slice %arg2[%dma_wait3A_2165, %dma_wait3A_2166] : memref<100000x128xf32, #tpu.memory_space<hbm>> -> memref<100000x128xf32, #tpu.memory_space<hbm>>
      %dma_wait3A_2168 = tpu.memref_slice %arg7[%dma_wait3A_2157] : memref<8x!tpu.dma_semaphore, #tpu.memory_space<semaphore_mem>> -> memref<1x!tpu.dma_semaphore, #tpu.memory_space<semaphore_mem>>
      %dma_wait3A_2169 = tpu.memref_squeeze %dma_wait3A_2168 : memref<1x!tpu.dma_semaphore, #tpu.memory_space<semaphore_mem>> -> memref<!tpu.dma_semaphore, #tpu.memory_space<semaphore_mem>>
      tpu.wait_indirect_dma semaphore(%dma_wait3A_2169 : memref<!tpu.dma_semaphore, #tpu.memory_space<semaphore_mem>>) src(%dma_wait3A_2167 : memref<100000x128xf32, #tpu.memory_space<hbm>>) dst(%dma_wait3A_2161 : memref<50x128xf32, #tpu.memory_space<vmem>>)
      %mul3A_2170 = arith.constant 2 : i32
      %mul3A_2171 = arith.muli %add3A_2127, %mul3A_2170 : i32
      %add3A_2172 = arith.addi %mul3A_2, %mul3A_2171 : i32
      %dma_start3A_2173 = arith.constant 3 : i32
      %dma_start3A_2174 = arith.constant 3 : i32
      %dma_start3A_2175 = arith.constant 0 : i32
      %dma_start3A_2176 = arith.constant 0 : i32
      %dma_start3A_2177 = arith.constant 0 : i32
      %dma_start3A_2178 = tpu.memref_slice %arg6[%dma_start3A_2173, %dma_start3A_2175, %dma_start3A_2176, %dma_start3A_2177] : memref<8x2x50x128xf32, #tpu.memory_space<vmem>> -> memref<1x2x50x128xf32, #tpu.memory_space<vmem>>
      %dma_start3A_2179 = tpu.memref_squeeze %dma_start3A_2178 : memref<1x2x50x128xf32, #tpu.memory_space<vmem>> -> memref<2x50x128xf32, #tpu.memory_space<vmem>>
      %dma_start3A_2180 = arith.constant 0 : i32
      %dma_start3A_2181 = arith.constant 0 : i32
      %dma_start3A_2182 = tpu.memref_slice %arg4[%add3A_2172, %dma_start3A_2180, %dma_start3A_2181] : memref<4096x50x128xf32, #tpu.memory_space<hbm>> -> memref<2x50x128xf32, #tpu.memory_space<hbm>>
      %dma_start3A_2183 = tpu.memref_slice %arg8[%dma_start3A_2174] : memref<8x!tpu.dma_semaphore, #tpu.memory_space<semaphore_mem>> -> memref<1x!tpu.dma_semaphore, #tpu.memory_space<semaphore_mem>>
      %dma_start3A_2184 = tpu.memref_squeeze %dma_start3A_2183 : memref<1x!tpu.dma_semaphore, #tpu.memory_space<semaphore_mem>> -> memref<!tpu.dma_semaphore, #tpu.memory_space<semaphore_mem>>
      %dma_start3A_2185 = arith.constant 0 : i32
      %dma_start3A_2186 = arith.constant 0 : i32
      %dma_start3A_2187 = tpu.memref_slice %arg4[%add3A_2172, %dma_start3A_2185, %dma_start3A_2186] : memref<4096x50x128xf32, #tpu.memory_space<hbm>> -> memref<2x50x128xf32, #tpu.memory_space<hbm>>
      %dma_start3A_2188 = arith.constant 0 : i32
      %dma_start3A_2189 = arith.constant 0 : i32
      %dma_start3A_2190 = arith.constant 0 : i32
      %dma_start3A_2191 = tpu.memref_slice %arg6[%dma_start3A_2173, %dma_start3A_2188, %dma_start3A_2189, %dma_start3A_2190] : memref<8x2x50x128xf32, #tpu.memory_space<vmem>> -> memref<1x2x50x128xf32, #tpu.memory_space<vmem>>
      %dma_start3A_2192 = tpu.memref_squeeze %dma_start3A_2191 : memref<1x2x50x128xf32, #tpu.memory_space<vmem>> -> memref<2x50x128xf32, #tpu.memory_space<vmem>>
      tpu.enqueue_dma source(%dma_start3A_2192 : memref<2x50x128xf32, #tpu.memory_space<vmem>>) target(%dma_start3A_2187 : memref<2x50x128xf32, #tpu.memory_space<hbm>>) target_semaphore(%dma_start3A_2184 : memref<!tpu.dma_semaphore, #tpu.memory_space<semaphore_mem>>)
      %mul3A_2193 = arith.constant 2 : i32
      %mul3A_2194 = arith.muli %sub3A_2131, %mul3A_2193 : i32
      %add3A_2195 = arith.addi %mul3A_2, %mul3A_2194 : i32
      %dma_wait3A_2196 = arith.constant 1 : i32
      %dma_wait3A_2197 = arith.constant 1 : i32
      %dma_wait3A_2198 = arith.constant 0 : i32
      %dma_wait3A_2199 = arith.constant 0 : i32
      %dma_wait3A_2200 = arith.constant 0 : i32
      %dma_wait3A_2201 = tpu.memref_slice %arg6[%dma_wait3A_2196, %dma_wait3A_2198, %dma_wait3A_2199, %dma_wait3A_2200] : memref<8x2x50x128xf32, #tpu.memory_space<vmem>> -> memref<1x2x50x128xf32, #tpu.memory_space<vmem>>
      %dma_wait3A_2202 = tpu.memref_squeeze %dma_wait3A_2201 : memref<1x2x50x128xf32, #tpu.memory_space<vmem>> -> memref<2x50x128xf32, #tpu.memory_space<vmem>>
      %dma_wait3A_2203 = arith.constant 0 : i32
      %dma_wait3A_2204 = arith.constant 0 : i32
      %dma_wait3A_2205 = tpu.memref_slice %arg4[%add3A_2195, %dma_wait3A_2203, %dma_wait3A_2204] : memref<4096x50x128xf32, #tpu.memory_space<hbm>> -> memref<2x50x128xf32, #tpu.memory_space<hbm>>
      %dma_wait3A_2206 = tpu.memref_slice %arg8[%dma_wait3A_2197] : memref<8x!tpu.dma_semaphore, #tpu.memory_space<semaphore_mem>> -> memref<1x!tpu.dma_semaphore, #tpu.memory_space<semaphore_mem>>
      %dma_wait3A_2207 = tpu.memref_squeeze %dma_wait3A_2206 : memref<1x!tpu.dma_semaphore, #tpu.memory_space<semaphore_mem>> -> memref<!tpu.dma_semaphore, #tpu.memory_space<semaphore_mem>>
      %dma_wait3A_2208 = arith.constant 0 : i32
      %dma_wait3A_2209 = arith.constant 0 : i32
      %dma_wait3A_2210 = tpu.memref_slice %arg4[%add3A_2195, %dma_wait3A_2208, %dma_wait3A_2209] : memref<4096x50x128xf32, #tpu.memory_space<hbm>> -> memref<2x50x128xf32, #tpu.memory_space<hbm>>
      %dma_wait3A_2211 = arith.constant 0 : i32
      %dma_wait3A_2212 = arith.constant 0 : i32
      %dma_wait3A_2213 = arith.constant 0 : i32
      %dma_wait3A_2214 = tpu.memref_slice %arg6[%dma_wait3A_2196, %dma_wait3A_2211, %dma_wait3A_2212, %dma_wait3A_2213] : memref<8x2x50x128xf32, #tpu.memory_space<vmem>> -> memref<1x2x50x128xf32, #tpu.memory_space<vmem>>
      %dma_wait3A_2215 = tpu.memref_squeeze %dma_wait3A_2214 : memref<1x2x50x128xf32, #tpu.memory_space<vmem>> -> memref<2x50x128xf32, #tpu.memory_space<vmem>>
      tpu.wait_dma2 semaphore(%dma_wait3A_2207 : memref<!tpu.dma_semaphore, #tpu.memory_space<semaphore_mem>>) src(%dma_wait3A_2215 : memref<2x50x128xf32, #tpu.memory_space<vmem>>) dst(%dma_wait3A_2210 : memref<2x50x128xf32, #tpu.memory_space<hbm>>)
      %add3A_2216 = arith.constant 8 : i32
      %add3A_2217 = arith.addi %sub3A_2131, %add3A_2216 : i32
      %mul3A_2218 = arith.constant 2 : i32
      %mul3A_2219 = arith.muli %add3A_2217, %mul3A_2218 : i32
      %add3A_2220 = arith.constant 0 : i32
      %add3A_2221 = arith.addi %mul3A_2219, %add3A_2220 : i32
      %mul3A_2222 = arith.constant 2 : i32
      %mul3A_2223 = arith.muli %add3A_2217, %mul3A_2222 : i32
      %add3A_2224 = arith.constant 1 : i32
      %add3A_2225 = arith.addi %mul3A_2223, %add3A_2224 : i32
      %dma_start3A_2226 = arith.constant 1 : i32
      %dma_start3A_2227 = arith.constant 0 : i32
      %dma_start3A_2228 = arith.constant 1 : i32
      %dma_start3A_2229 = arith.constant 0 : i32
      %dma_start3A_2230 = arith.constant 0 : i32
      %dma_start3A_2231 = tpu.memref_slice %arg6[%dma_start3A_2226, %dma_start3A_2227, %dma_start3A_2229, %dma_start3A_2230] : memref<8x2x50x128xf32, #tpu.memory_space<vmem>> -> memref<1x1x50x128xf32, #tpu.memory_space<vmem>>
      %dma_start3A_2232 = tpu.memref_squeeze %dma_start3A_2231 : memref<1x1x50x128xf32, #tpu.memory_space<vmem>> -> memref<50x128xf32, #tpu.memory_space<vmem>>
      %dma_start3A_2233 = arith.constant 0 : i32
      %dma_start3A_2234 = tpu.memref_slice %arg5[%add3A_2221, %dma_start3A_2233] : memref<128x50xi32, #tpu.memory_space<vmem>> -> memref<1x50xi32, #tpu.memory_space<vmem>>
      %dma_start3A_2235 = tpu.memref_squeeze %dma_start3A_2234 : memref<1x50xi32, #tpu.memory_space<vmem>> -> memref<50xi32, #tpu.memory_space<vmem>>
      %dma_start3A_2236 = arith.constant 0 : i32
      %dma_start3A_2237 = arith.constant 0 : i32
      %dma_start3A_2238 = tpu.memref_slice %arg2[%dma_start3A_2236, %dma_start3A_2237] : memref<100000x128xf32, #tpu.memory_space<hbm>> -> memref<100000x128xf32, #tpu.memory_space<hbm>>
      %dma_start3A_2239 = tpu.memref_slice %arg7[%dma_start3A_2228] : memref<8x!tpu.dma_semaphore, #tpu.memory_space<semaphore_mem>> -> memref<1x!tpu.dma_semaphore, #tpu.memory_space<semaphore_mem>>
      %dma_start3A_2240 = tpu.memref_squeeze %dma_start3A_2239 : memref<1x!tpu.dma_semaphore, #tpu.memory_space<semaphore_mem>> -> memref<!tpu.dma_semaphore, #tpu.memory_space<semaphore_mem>>
      tpu.enqueue_indirect_dma source(%dma_start3A_2238 : memref<100000x128xf32, #tpu.memory_space<hbm>>) target(%dma_start3A_2232 : memref<50x128xf32, #tpu.memory_space<vmem>>) offsets(%dma_start3A_2235 : memref<50xi32, #tpu.memory_space<vmem>>) semaphore(%dma_start3A_2240 : memref<!tpu.dma_semaphore, #tpu.memory_space<semaphore_mem>>)
      %dma_start3A_2241 = arith.constant 1 : i32
      %dma_start3A_2242 = arith.constant 1 : i32
      %dma_start3A_2243 = arith.constant 1 : i32
      %dma_start3A_2244 = arith.constant 0 : i32
      %dma_start3A_2245 = arith.constant 0 : i32
      %dma_start3A_2246 = tpu.memref_slice %arg6[%dma_start3A_2241, %dma_start3A_2242, %dma_start3A_2244, %dma_start3A_2245] : memref<8x2x50x128xf32, #tpu.memory_space<vmem>> -> memref<1x1x50x128xf32, #tpu.memory_space<vmem>>
      %dma_start3A_2247 = tpu.memref_squeeze %dma_start3A_2246 : memref<1x1x50x128xf32, #tpu.memory_space<vmem>> -> memref<50x128xf32, #tpu.memory_space<vmem>>
      %dma_start3A_2248 = arith.constant 0 : i32
      %dma_start3A_2249 = tpu.memref_slice %arg5[%add3A_2225, %dma_start3A_2248] : memref<128x50xi32, #tpu.memory_space<vmem>> -> memref<1x50xi32, #tpu.memory_space<vmem>>
      %dma_start3A_2250 = tpu.memref_squeeze %dma_start3A_2249 : memref<1x50xi32, #tpu.memory_space<vmem>> -> memref<50xi32, #tpu.memory_space<vmem>>
      %dma_start3A_2251 = arith.constant 0 : i32
      %dma_start3A_2252 = arith.constant 0 : i32
      %dma_start3A_2253 = tpu.memref_slice %arg2[%dma_start3A_2251, %dma_start3A_2252] : memref<100000x128xf32, #tpu.memory_space<hbm>> -> memref<100000x128xf32, #tpu.memory_space<hbm>>
      %dma_start3A_2254 = tpu.memref_slice %arg7[%dma_start3A_2243] : memref<8x!tpu.dma_semaphore, #tpu.memory_space<semaphore_mem>> -> memref<1x!tpu.dma_semaphore, #tpu.memory_space<semaphore_mem>>
      %dma_start3A_2255 = tpu.memref_squeeze %dma_start3A_2254 : memref<1x!tpu.dma_semaphore, #tpu.memory_space<semaphore_mem>> -> memref<!tpu.dma_semaphore, #tpu.memory_space<semaphore_mem>>
      tpu.enqueue_indirect_dma source(%dma_start3A_2253 : memref<100000x128xf32, #tpu.memory_space<hbm>>) target(%dma_start3A_2247 : memref<50x128xf32, #tpu.memory_space<vmem>>) offsets(%dma_start3A_2250 : memref<50xi32, #tpu.memory_space<vmem>>) semaphore(%dma_start3A_2255 : memref<!tpu.dma_semaphore, #tpu.memory_space<semaphore_mem>>)
      %add3A_2256 = arith.constant 4 : i32
      %add3A_2257 = arith.addi %mul3A_1736, %add3A_2256 : i32
      %add3A_2258 = arith.constant 4 : i32
      %add3A_2259 = arith.addi %mul3A_1736, %add3A_2258 : i32
      %sub3A_2260 = arith.constant 2 : i32
      %sub3A_2261 = arith.subi %add3A_2259, %sub3A_2260 : i32
      %mul3A_2262 = arith.constant 2 : i32
      %mul3A_2263 = arith.muli %add3A_2257, %mul3A_2262 : i32
      %add3A_2264 = arith.constant 0 : i32
      %add3A_2265 = arith.addi %mul3A_2263, %add3A_2264 : i32
      %mul3A_2266 = arith.constant 2 : i32
      %mul3A_2267 = arith.muli %add3A_2257, %mul3A_2266 : i32
      %add3A_2268 = arith.constant 1 : i32
      %add3A_2269 = arith.addi %mul3A_2267, %add3A_2268 : i32
      %dma_wait3A_2270 = arith.constant 4 : i32
      %dma_wait3A_2271 = arith.constant 0 : i32
      %dma_wait3A_2272 = arith.constant 4 : i32
      %dma_wait3A_2273 = arith.constant 0 : i32
      %dma_wait3A_2274 = arith.constant 0 : i32
      %dma_wait3A_2275 = tpu.memref_slice %arg6[%dma_wait3A_2270, %dma_wait3A_2271, %dma_wait3A_2273, %dma_wait3A_2274] : memref<8x2x50x128xf32, #tpu.memory_space<vmem>> -> memref<1x1x50x128xf32, #tpu.memory_space<vmem>>
      %dma_wait3A_2276 = tpu.memref_squeeze %dma_wait3A_2275 : memref<1x1x50x128xf32, #tpu.memory_space<vmem>> -> memref<50x128xf32, #tpu.memory_space<vmem>>
      %dma_wait3A_2277 = arith.constant 0 : i32
      %dma_wait3A_2278 = tpu.memref_slice %arg5[%add3A_2265, %dma_wait3A_2277] : memref<128x50xi32, #tpu.memory_space<vmem>> -> memref<1x50xi32, #tpu.memory_space<vmem>>
      %dma_wait3A_2279 = tpu.memref_squeeze %dma_wait3A_2278 : memref<1x50xi32, #tpu.memory_space<vmem>> -> memref<50xi32, #tpu.memory_space<vmem>>
      %dma_wait3A_2280 = arith.constant 0 : i32
      %dma_wait3A_2281 = arith.constant 0 : i32
      %dma_wait3A_2282 = tpu.memref_slice %arg2[%dma_wait3A_2280, %dma_wait3A_2281] : memref<100000x128xf32, #tpu.memory_space<hbm>> -> memref<100000x128xf32, #tpu.memory_space<hbm>>
      %dma_wait3A_2283 = tpu.memref_slice %arg7[%dma_wait3A_2272] : memref<8x!tpu.dma_semaphore, #tpu.memory_space<semaphore_mem>> -> memref<1x!tpu.dma_semaphore, #tpu.memory_space<semaphore_mem>>
      %dma_wait3A_2284 = tpu.memref_squeeze %dma_wait3A_2283 : memref<1x!tpu.dma_semaphore, #tpu.memory_space<semaphore_mem>> -> memref<!tpu.dma_semaphore, #tpu.memory_space<semaphore_mem>>
      tpu.wait_indirect_dma semaphore(%dma_wait3A_2284 : memref<!tpu.dma_semaphore, #tpu.memory_space<semaphore_mem>>) src(%dma_wait3A_2282 : memref<100000x128xf32, #tpu.memory_space<hbm>>) dst(%dma_wait3A_2276 : memref<50x128xf32, #tpu.memory_space<vmem>>)
      %dma_wait3A_2285 = arith.constant 4 : i32
      %dma_wait3A_2286 = arith.constant 1 : i32
      %dma_wait3A_2287 = arith.constant 4 : i32
      %dma_wait3A_2288 = arith.constant 0 : i32
      %dma_wait3A_2289 = arith.constant 0 : i32
      %dma_wait3A_2290 = tpu.memref_slice %arg6[%dma_wait3A_2285, %dma_wait3A_2286, %dma_wait3A_2288, %dma_wait3A_2289] : memref<8x2x50x128xf32, #tpu.memory_space<vmem>> -> memref<1x1x50x128xf32, #tpu.memory_space<vmem>>
      %dma_wait3A_2291 = tpu.memref_squeeze %dma_wait3A_2290 : memref<1x1x50x128xf32, #tpu.memory_space<vmem>> -> memref<50x128xf32, #tpu.memory_space<vmem>>
      %dma_wait3A_2292 = arith.constant 0 : i32
      %dma_wait3A_2293 = tpu.memref_slice %arg5[%add3A_2269, %dma_wait3A_2292] : memref<128x50xi32, #tpu.memory_space<vmem>> -> memref<1x50xi32, #tpu.memory_space<vmem>>
      %dma_wait3A_2294 = tpu.memref_squeeze %dma_wait3A_2293 : memref<1x50xi32, #tpu.memory_space<vmem>> -> memref<50xi32, #tpu.memory_space<vmem>>
      %dma_wait3A_2295 = arith.constant 0 : i32
      %dma_wait3A_2296 = arith.constant 0 : i32
      %dma_wait3A_2297 = tpu.memref_slice %arg2[%dma_wait3A_2295, %dma_wait3A_2296] : memref<100000x128xf32, #tpu.memory_space<hbm>> -> memref<100000x128xf32, #tpu.memory_space<hbm>>
      %dma_wait3A_2298 = tpu.memref_slice %arg7[%dma_wait3A_2287] : memref<8x!tpu.dma_semaphore, #tpu.memory_space<semaphore_mem>> -> memref<1x!tpu.dma_semaphore, #tpu.memory_space<semaphore_mem>>
      %dma_wait3A_2299 = tpu.memref_squeeze %dma_wait3A_2298 : memref<1x!tpu.dma_semaphore, #tpu.memory_space<semaphore_mem>> -> memref<!tpu.dma_semaphore, #tpu.memory_space<semaphore_mem>>
      tpu.wait_indirect_dma semaphore(%dma_wait3A_2299 : memref<!tpu.dma_semaphore, #tpu.memory_space<semaphore_mem>>) src(%dma_wait3A_2297 : memref<100000x128xf32, #tpu.memory_space<hbm>>) dst(%dma_wait3A_2291 : memref<50x128xf32, #tpu.memory_space<vmem>>)
      %mul3A_2300 = arith.constant 2 : i32
      %mul3A_2301 = arith.muli %add3A_2257, %mul3A_2300 : i32
      %add3A_2302 = arith.addi %mul3A_2, %mul3A_2301 : i32
      %dma_start3A_2303 = arith.constant 4 : i32
      %dma_start3A_2304 = arith.constant 4 : i32
      %dma_start3A_2305 = arith.constant 0 : i32
      %dma_start3A_2306 = arith.constant 0 : i32
      %dma_start3A_2307 = arith.constant 0 : i32
      %dma_start3A_2308 = tpu.memref_slice %arg6[%dma_start3A_2303, %dma_start3A_2305, %dma_start3A_2306, %dma_start3A_2307] : memref<8x2x50x128xf32, #tpu.memory_space<vmem>> -> memref<1x2x50x128xf32, #tpu.memory_space<vmem>>
      %dma_start3A_2309 = tpu.memref_squeeze %dma_start3A_2308 : memref<1x2x50x128xf32, #tpu.memory_space<vmem>> -> memref<2x50x128xf32, #tpu.memory_space<vmem>>
      %dma_start3A_2310 = arith.constant 0 : i32
      %dma_start3A_2311 = arith.constant 0 : i32
      %dma_start3A_2312 = tpu.memref_slice %arg4[%add3A_2302, %dma_start3A_2310, %dma_start3A_2311] : memref<4096x50x128xf32, #tpu.memory_space<hbm>> -> memref<2x50x128xf32, #tpu.memory_space<hbm>>
      %dma_start3A_2313 = tpu.memref_slice %arg8[%dma_start3A_2304] : memref<8x!tpu.dma_semaphore, #tpu.memory_space<semaphore_mem>> -> memref<1x!tpu.dma_semaphore, #tpu.memory_space<semaphore_mem>>
      %dma_start3A_2314 = tpu.memref_squeeze %dma_start3A_2313 : memref<1x!tpu.dma_semaphore, #tpu.memory_space<semaphore_mem>> -> memref<!tpu.dma_semaphore, #tpu.memory_space<semaphore_mem>>
      %dma_start3A_2315 = arith.constant 0 : i32
      %dma_start3A_2316 = arith.constant 0 : i32
      %dma_start3A_2317 = tpu.memref_slice %arg4[%add3A_2302, %dma_start3A_2315, %dma_start3A_2316] : memref<4096x50x128xf32, #tpu.memory_space<hbm>> -> memref<2x50x128xf32, #tpu.memory_space<hbm>>
      %dma_start3A_2318 = arith.constant 0 : i32
      %dma_start3A_2319 = arith.constant 0 : i32
      %dma_start3A_2320 = arith.constant 0 : i32
      %dma_start3A_2321 = tpu.memref_slice %arg6[%dma_start3A_2303, %dma_start3A_2318, %dma_start3A_2319, %dma_start3A_2320] : memref<8x2x50x128xf32, #tpu.memory_space<vmem>> -> memref<1x2x50x128xf32, #tpu.memory_space<vmem>>
      %dma_start3A_2322 = tpu.memref_squeeze %dma_start3A_2321 : memref<1x2x50x128xf32, #tpu.memory_space<vmem>> -> memref<2x50x128xf32, #tpu.memory_space<vmem>>
      tpu.enqueue_dma source(%dma_start3A_2322 : memref<2x50x128xf32, #tpu.memory_space<vmem>>) target(%dma_start3A_2317 : memref<2x50x128xf32, #tpu.memory_space<hbm>>) target_semaphore(%dma_start3A_2314 : memref<!tpu.dma_semaphore, #tpu.memory_space<semaphore_mem>>)
      %mul3A_2323 = arith.constant 2 : i32
      %mul3A_2324 = arith.muli %sub3A_2261, %mul3A_2323 : i32
      %add3A_2325 = arith.addi %mul3A_2, %mul3A_2324 : i32
      %dma_wait3A_2326 = arith.constant 2 : i32
      %dma_wait3A_2327 = arith.constant 2 : i32
      %dma_wait3A_2328 = arith.constant 0 : i32
      %dma_wait3A_2329 = arith.constant 0 : i32
      %dma_wait3A_2330 = arith.constant 0 : i32
      %dma_wait3A_2331 = tpu.memref_slice %arg6[%dma_wait3A_2326, %dma_wait3A_2328, %dma_wait3A_2329, %dma_wait3A_2330] : memref<8x2x50x128xf32, #tpu.memory_space<vmem>> -> memref<1x2x50x128xf32, #tpu.memory_space<vmem>>
      %dma_wait3A_2332 = tpu.memref_squeeze %dma_wait3A_2331 : memref<1x2x50x128xf32, #tpu.memory_space<vmem>> -> memref<2x50x128xf32, #tpu.memory_space<vmem>>
      %dma_wait3A_2333 = arith.constant 0 : i32
      %dma_wait3A_2334 = arith.constant 0 : i32
      %dma_wait3A_2335 = tpu.memref_slice %arg4[%add3A_2325, %dma_wait3A_2333, %dma_wait3A_2334] : memref<4096x50x128xf32, #tpu.memory_space<hbm>> -> memref<2x50x128xf32, #tpu.memory_space<hbm>>
      %dma_wait3A_2336 = tpu.memref_slice %arg8[%dma_wait3A_2327] : memref<8x!tpu.dma_semaphore, #tpu.memory_space<semaphore_mem>> -> memref<1x!tpu.dma_semaphore, #tpu.memory_space<semaphore_mem>>
      %dma_wait3A_2337 = tpu.memref_squeeze %dma_wait3A_2336 : memref<1x!tpu.dma_semaphore, #tpu.memory_space<semaphore_mem>> -> memref<!tpu.dma_semaphore, #tpu.memory_space<semaphore_mem>>
      %dma_wait3A_2338 = arith.constant 0 : i32
      %dma_wait3A_2339 = arith.constant 0 : i32
      %dma_wait3A_2340 = tpu.memref_slice %arg4[%add3A_2325, %dma_wait3A_2338, %dma_wait3A_2339] : memref<4096x50x128xf32, #tpu.memory_space<hbm>> -> memref<2x50x128xf32, #tpu.memory_space<hbm>>
      %dma_wait3A_2341 = arith.constant 0 : i32
      %dma_wait3A_2342 = arith.constant 0 : i32
      %dma_wait3A_2343 = arith.constant 0 : i32
      %dma_wait3A_2344 = tpu.memref_slice %arg6[%dma_wait3A_2326, %dma_wait3A_2341, %dma_wait3A_2342, %dma_wait3A_2343] : memref<8x2x50x128xf32, #tpu.memory_space<vmem>> -> memref<1x2x50x128xf32, #tpu.memory_space<vmem>>
      %dma_wait3A_2345 = tpu.memref_squeeze %dma_wait3A_2344 : memref<1x2x50x128xf32, #tpu.memory_space<vmem>> -> memref<2x50x128xf32, #tpu.memory_space<vmem>>
      tpu.wait_dma2 semaphore(%dma_wait3A_2337 : memref<!tpu.dma_semaphore, #tpu.memory_space<semaphore_mem>>) src(%dma_wait3A_2345 : memref<2x50x128xf32, #tpu.memory_space<vmem>>) dst(%dma_wait3A_2340 : memref<2x50x128xf32, #tpu.memory_space<hbm>>)
      %add3A_2346 = arith.constant 8 : i32
      %add3A_2347 = arith.addi %sub3A_2261, %add3A_2346 : i32
      %mul3A_2348 = arith.constant 2 : i32
      %mul3A_2349 = arith.muli %add3A_2347, %mul3A_2348 : i32
      %add3A_2350 = arith.constant 0 : i32
      %add3A_2351 = arith.addi %mul3A_2349, %add3A_2350 : i32
      %mul3A_2352 = arith.constant 2 : i32
      %mul3A_2353 = arith.muli %add3A_2347, %mul3A_2352 : i32
      %add3A_2354 = arith.constant 1 : i32
      %add3A_2355 = arith.addi %mul3A_2353, %add3A_2354 : i32
      %dma_start3A_2356 = arith.constant 2 : i32
      %dma_start3A_2357 = arith.constant 0 : i32
      %dma_start3A_2358 = arith.constant 2 : i32
      %dma_start3A_2359 = arith.constant 0 : i32
      %dma_start3A_2360 = arith.constant 0 : i32
      %dma_start3A_2361 = tpu.memref_slice %arg6[%dma_start3A_2356, %dma_start3A_2357, %dma_start3A_2359, %dma_start3A_2360] : memref<8x2x50x128xf32, #tpu.memory_space<vmem>> -> memref<1x1x50x128xf32, #tpu.memory_space<vmem>>
      %dma_start3A_2362 = tpu.memref_squeeze %dma_start3A_2361 : memref<1x1x50x128xf32, #tpu.memory_space<vmem>> -> memref<50x128xf32, #tpu.memory_space<vmem>>
      %dma_start3A_2363 = arith.constant 0 : i32
      %dma_start3A_2364 = tpu.memref_slice %arg5[%add3A_2351, %dma_start3A_2363] : memref<128x50xi32, #tpu.memory_space<vmem>> -> memref<1x50xi32, #tpu.memory_space<vmem>>
      %dma_start3A_2365 = tpu.memref_squeeze %dma_start3A_2364 : memref<1x50xi32, #tpu.memory_space<vmem>> -> memref<50xi32, #tpu.memory_space<vmem>>
      %dma_start3A_2366 = arith.constant 0 : i32
      %dma_start3A_2367 = arith.constant 0 : i32
      %dma_start3A_2368 = tpu.memref_slice %arg2[%dma_start3A_2366, %dma_start3A_2367] : memref<100000x128xf32, #tpu.memory_space<hbm>> -> memref<100000x128xf32, #tpu.memory_space<hbm>>
      %dma_start3A_2369 = tpu.memref_slice %arg7[%dma_start3A_2358] : memref<8x!tpu.dma_semaphore, #tpu.memory_space<semaphore_mem>> -> memref<1x!tpu.dma_semaphore, #tpu.memory_space<semaphore_mem>>
      %dma_start3A_2370 = tpu.memref_squeeze %dma_start3A_2369 : memref<1x!tpu.dma_semaphore, #tpu.memory_space<semaphore_mem>> -> memref<!tpu.dma_semaphore, #tpu.memory_space<semaphore_mem>>
      tpu.enqueue_indirect_dma source(%dma_start3A_2368 : memref<100000x128xf32, #tpu.memory_space<hbm>>) target(%dma_start3A_2362 : memref<50x128xf32, #tpu.memory_space<vmem>>) offsets(%dma_start3A_2365 : memref<50xi32, #tpu.memory_space<vmem>>) semaphore(%dma_start3A_2370 : memref<!tpu.dma_semaphore, #tpu.memory_space<semaphore_mem>>)
      %dma_start3A_2371 = arith.constant 2 : i32
      %dma_start3A_2372 = arith.constant 1 : i32
      %dma_start3A_2373 = arith.constant 2 : i32
      %dma_start3A_2374 = arith.constant 0 : i32
      %dma_start3A_2375 = arith.constant 0 : i32
      %dma_start3A_2376 = tpu.memref_slice %arg6[%dma_start3A_2371, %dma_start3A_2372, %dma_start3A_2374, %dma_start3A_2375] : memref<8x2x50x128xf32, #tpu.memory_space<vmem>> -> memref<1x1x50x128xf32, #tpu.memory_space<vmem>>
      %dma_start3A_2377 = tpu.memref_squeeze %dma_start3A_2376 : memref<1x1x50x128xf32, #tpu.memory_space<vmem>> -> memref<50x128xf32, #tpu.memory_space<vmem>>
      %dma_start3A_2378 = arith.constant 0 : i32
      %dma_start3A_2379 = tpu.memref_slice %arg5[%add3A_2355, %dma_start3A_2378] : memref<128x50xi32, #tpu.memory_space<vmem>> -> memref<1x50xi32, #tpu.memory_space<vmem>>
      %dma_start3A_2380 = tpu.memref_squeeze %dma_start3A_2379 : memref<1x50xi32, #tpu.memory_space<vmem>> -> memref<50xi32, #tpu.memory_space<vmem>>
      %dma_start3A_2381 = arith.constant 0 : i32
      %dma_start3A_2382 = arith.constant 0 : i32
      %dma_start3A_2383 = tpu.memref_slice %arg2[%dma_start3A_2381, %dma_start3A_2382] : memref<100000x128xf32, #tpu.memory_space<hbm>> -> memref<100000x128xf32, #tpu.memory_space<hbm>>
      %dma_start3A_2384 = tpu.memref_slice %arg7[%dma_start3A_2373] : memref<8x!tpu.dma_semaphore, #tpu.memory_space<semaphore_mem>> -> memref<1x!tpu.dma_semaphore, #tpu.memory_space<semaphore_mem>>
      %dma_start3A_2385 = tpu.memref_squeeze %dma_start3A_2384 : memref<1x!tpu.dma_semaphore, #tpu.memory_space<semaphore_mem>> -> memref<!tpu.dma_semaphore, #tpu.memory_space<semaphore_mem>>
      tpu.enqueue_indirect_dma source(%dma_start3A_2383 : memref<100000x128xf32, #tpu.memory_space<hbm>>) target(%dma_start3A_2377 : memref<50x128xf32, #tpu.memory_space<vmem>>) offsets(%dma_start3A_2380 : memref<50xi32, #tpu.memory_space<vmem>>) semaphore(%dma_start3A_2385 : memref<!tpu.dma_semaphore, #tpu.memory_space<semaphore_mem>>)
      %add3A_2386 = arith.constant 5 : i32
      %add3A_2387 = arith.addi %mul3A_1736, %add3A_2386 : i32
      %add3A_2388 = arith.constant 5 : i32
      %add3A_2389 = arith.addi %mul3A_1736, %add3A_2388 : i32
      %sub3A_2390 = arith.constant 2 : i32
      %sub3A_2391 = arith.subi %add3A_2389, %sub3A_2390 : i32
      %mul3A_2392 = arith.constant 2 : i32
      %mul3A_2393 = arith.muli %add3A_2387, %mul3A_2392 : i32
      %add3A_2394 = arith.constant 0 : i32
      %add3A_2395 = arith.addi %mul3A_2393, %add3A_2394 : i32
      %mul3A_2396 = arith.constant 2 : i32
      %mul3A_2397 = arith.muli %add3A_2387, %mul3A_2396 : i32
      %add3A_2398 = arith.constant 1 : i32
      %add3A_2399 = arith.addi %mul3A_2397, %add3A_2398 : i32
      %dma_wait3A_2400 = arith.constant 5 : i32
      %dma_wait3A_2401 = arith.constant 0 : i32
      %dma_wait3A_2402 = arith.constant 5 : i32
      %dma_wait3A_2403 = arith.constant 0 : i32
      %dma_wait3A_2404 = arith.constant 0 : i32
      %dma_wait3A_2405 = tpu.memref_slice %arg6[%dma_wait3A_2400, %dma_wait3A_2401, %dma_wait3A_2403, %dma_wait3A_2404] : memref<8x2x50x128xf32, #tpu.memory_space<vmem>> -> memref<1x1x50x128xf32, #tpu.memory_space<vmem>>
      %dma_wait3A_2406 = tpu.memref_squeeze %dma_wait3A_2405 : memref<1x1x50x128xf32, #tpu.memory_space<vmem>> -> memref<50x128xf32, #tpu.memory_space<vmem>>
      %dma_wait3A_2407 = arith.constant 0 : i32
      %dma_wait3A_2408 = tpu.memref_slice %arg5[%add3A_2395, %dma_wait3A_2407] : memref<128x50xi32, #tpu.memory_space<vmem>> -> memref<1x50xi32, #tpu.memory_space<vmem>>
      %dma_wait3A_2409 = tpu.memref_squeeze %dma_wait3A_2408 : memref<1x50xi32, #tpu.memory_space<vmem>> -> memref<50xi32, #tpu.memory_space<vmem>>
      %dma_wait3A_2410 = arith.constant 0 : i32
      %dma_wait3A_2411 = arith.constant 0 : i32
      %dma_wait3A_2412 = tpu.memref_slice %arg2[%dma_wait3A_2410, %dma_wait3A_2411] : memref<100000x128xf32, #tpu.memory_space<hbm>> -> memref<100000x128xf32, #tpu.memory_space<hbm>>
      %dma_wait3A_2413 = tpu.memref_slice %arg7[%dma_wait3A_2402] : memref<8x!tpu.dma_semaphore, #tpu.memory_space<semaphore_mem>> -> memref<1x!tpu.dma_semaphore, #tpu.memory_space<semaphore_mem>>
      %dma_wait3A_2414 = tpu.memref_squeeze %dma_wait3A_2413 : memref<1x!tpu.dma_semaphore, #tpu.memory_space<semaphore_mem>> -> memref<!tpu.dma_semaphore, #tpu.memory_space<semaphore_mem>>
      tpu.wait_indirect_dma semaphore(%dma_wait3A_2414 : memref<!tpu.dma_semaphore, #tpu.memory_space<semaphore_mem>>) src(%dma_wait3A_2412 : memref<100000x128xf32, #tpu.memory_space<hbm>>) dst(%dma_wait3A_2406 : memref<50x128xf32, #tpu.memory_space<vmem>>)
      %dma_wait3A_2415 = arith.constant 5 : i32
      %dma_wait3A_2416 = arith.constant 1 : i32
      %dma_wait3A_2417 = arith.constant 5 : i32
      %dma_wait3A_2418 = arith.constant 0 : i32
      %dma_wait3A_2419 = arith.constant 0 : i32
      %dma_wait3A_2420 = tpu.memref_slice %arg6[%dma_wait3A_2415, %dma_wait3A_2416, %dma_wait3A_2418, %dma_wait3A_2419] : memref<8x2x50x128xf32, #tpu.memory_space<vmem>> -> memref<1x1x50x128xf32, #tpu.memory_space<vmem>>
      %dma_wait3A_2421 = tpu.memref_squeeze %dma_wait3A_2420 : memref<1x1x50x128xf32, #tpu.memory_space<vmem>> -> memref<50x128xf32, #tpu.memory_space<vmem>>
      %dma_wait3A_2422 = arith.constant 0 : i32
      %dma_wait3A_2423 = tpu.memref_slice %arg5[%add3A_2399, %dma_wait3A_2422] : memref<128x50xi32, #tpu.memory_space<vmem>> -> memref<1x50xi32, #tpu.memory_space<vmem>>
      %dma_wait3A_2424 = tpu.memref_squeeze %dma_wait3A_2423 : memref<1x50xi32, #tpu.memory_space<vmem>> -> memref<50xi32, #tpu.memory_space<vmem>>
      %dma_wait3A_2425 = arith.constant 0 : i32
      %dma_wait3A_2426 = arith.constant 0 : i32
      %dma_wait3A_2427 = tpu.memref_slice %arg2[%dma_wait3A_2425, %dma_wait3A_2426] : memref<100000x128xf32, #tpu.memory_space<hbm>> -> memref<100000x128xf32, #tpu.memory_space<hbm>>
      %dma_wait3A_2428 = tpu.memref_slice %arg7[%dma_wait3A_2417] : memref<8x!tpu.dma_semaphore, #tpu.memory_space<semaphore_mem>> -> memref<1x!tpu.dma_semaphore, #tpu.memory_space<semaphore_mem>>
      %dma_wait3A_2429 = tpu.memref_squeeze %dma_wait3A_2428 : memref<1x!tpu.dma_semaphore, #tpu.memory_space<semaphore_mem>> -> memref<!tpu.dma_semaphore, #tpu.memory_space<semaphore_mem>>
      tpu.wait_indirect_dma semaphore(%dma_wait3A_2429 : memref<!tpu.dma_semaphore, #tpu.memory_space<semaphore_mem>>) src(%dma_wait3A_2427 : memref<100000x128xf32, #tpu.memory_space<hbm>>) dst(%dma_wait3A_2421 : memref<50x128xf32, #tpu.memory_space<vmem>>)
      %mul3A_2430 = arith.constant 2 : i32
      %mul3A_2431 = arith.muli %add3A_2387, %mul3A_2430 : i32
      %add3A_2432 = arith.addi %mul3A_2, %mul3A_2431 : i32
      %dma_start3A_2433 = arith.constant 5 : i32
      %dma_start3A_2434 = arith.constant 5 : i32
      %dma_start3A_2435 = arith.constant 0 : i32
      %dma_start3A_2436 = arith.constant 0 : i32
      %dma_start3A_2437 = arith.constant 0 : i32
      %dma_start3A_2438 = tpu.memref_slice %arg6[%dma_start3A_2433, %dma_start3A_2435, %dma_start3A_2436, %dma_start3A_2437] : memref<8x2x50x128xf32, #tpu.memory_space<vmem>> -> memref<1x2x50x128xf32, #tpu.memory_space<vmem>>
      %dma_start3A_2439 = tpu.memref_squeeze %dma_start3A_2438 : memref<1x2x50x128xf32, #tpu.memory_space<vmem>> -> memref<2x50x128xf32, #tpu.memory_space<vmem>>
      %dma_start3A_2440 = arith.constant 0 : i32
      %dma_start3A_2441 = arith.constant 0 : i32
      %dma_start3A_2442 = tpu.memref_slice %arg4[%add3A_2432, %dma_start3A_2440, %dma_start3A_2441] : memref<4096x50x128xf32, #tpu.memory_space<hbm>> -> memref<2x50x128xf32, #tpu.memory_space<hbm>>
      %dma_start3A_2443 = tpu.memref_slice %arg8[%dma_start3A_2434] : memref<8x!tpu.dma_semaphore, #tpu.memory_space<semaphore_mem>> -> memref<1x!tpu.dma_semaphore, #tpu.memory_space<semaphore_mem>>
      %dma_start3A_2444 = tpu.memref_squeeze %dma_start3A_2443 : memref<1x!tpu.dma_semaphore, #tpu.memory_space<semaphore_mem>> -> memref<!tpu.dma_semaphore, #tpu.memory_space<semaphore_mem>>
      %dma_start3A_2445 = arith.constant 0 : i32
      %dma_start3A_2446 = arith.constant 0 : i32
      %dma_start3A_2447 = tpu.memref_slice %arg4[%add3A_2432, %dma_start3A_2445, %dma_start3A_2446] : memref<4096x50x128xf32, #tpu.memory_space<hbm>> -> memref<2x50x128xf32, #tpu.memory_space<hbm>>
      %dma_start3A_2448 = arith.constant 0 : i32
      %dma_start3A_2449 = arith.constant 0 : i32
      %dma_start3A_2450 = arith.constant 0 : i32
      %dma_start3A_2451 = tpu.memref_slice %arg6[%dma_start3A_2433, %dma_start3A_2448, %dma_start3A_2449, %dma_start3A_2450] : memref<8x2x50x128xf32, #tpu.memory_space<vmem>> -> memref<1x2x50x128xf32, #tpu.memory_space<vmem>>
      %dma_start3A_2452 = tpu.memref_squeeze %dma_start3A_2451 : memref<1x2x50x128xf32, #tpu.memory_space<vmem>> -> memref<2x50x128xf32, #tpu.memory_space<vmem>>
      tpu.enqueue_dma source(%dma_start3A_2452 : memref<2x50x128xf32, #tpu.memory_space<vmem>>) target(%dma_start3A_2447 : memref<2x50x128xf32, #tpu.memory_space<hbm>>) target_semaphore(%dma_start3A_2444 : memref<!tpu.dma_semaphore, #tpu.memory_space<semaphore_mem>>)
      %mul3A_2453 = arith.constant 2 : i32
      %mul3A_2454 = arith.muli %sub3A_2391, %mul3A_2453 : i32
      %add3A_2455 = arith.addi %mul3A_2, %mul3A_2454 : i32
      %dma_wait3A_2456 = arith.constant 3 : i32
      %dma_wait3A_2457 = arith.constant 3 : i32
      %dma_wait3A_2458 = arith.constant 0 : i32
      %dma_wait3A_2459 = arith.constant 0 : i32
      %dma_wait3A_2460 = arith.constant 0 : i32
      %dma_wait3A_2461 = tpu.memref_slice %arg6[%dma_wait3A_2456, %dma_wait3A_2458, %dma_wait3A_2459, %dma_wait3A_2460] : memref<8x2x50x128xf32, #tpu.memory_space<vmem>> -> memref<1x2x50x128xf32, #tpu.memory_space<vmem>>
      %dma_wait3A_2462 = tpu.memref_squeeze %dma_wait3A_2461 : memref<1x2x50x128xf32, #tpu.memory_space<vmem>> -> memref<2x50x128xf32, #tpu.memory_space<vmem>>
      %dma_wait3A_2463 = arith.constant 0 : i32
      %dma_wait3A_2464 = arith.constant 0 : i32
      %dma_wait3A_2465 = tpu.memref_slice %arg4[%add3A_2455, %dma_wait3A_2463, %dma_wait3A_2464] : memref<4096x50x128xf32, #tpu.memory_space<hbm>> -> memref<2x50x128xf32, #tpu.memory_space<hbm>>
      %dma_wait3A_2466 = tpu.memref_slice %arg8[%dma_wait3A_2457] : memref<8x!tpu.dma_semaphore, #tpu.memory_space<semaphore_mem>> -> memref<1x!tpu.dma_semaphore, #tpu.memory_space<semaphore_mem>>
      %dma_wait3A_2467 = tpu.memref_squeeze %dma_wait3A_2466 : memref<1x!tpu.dma_semaphore, #tpu.memory_space<semaphore_mem>> -> memref<!tpu.dma_semaphore, #tpu.memory_space<semaphore_mem>>
      %dma_wait3A_2468 = arith.constant 0 : i32
      %dma_wait3A_2469 = arith.constant 0 : i32
      %dma_wait3A_2470 = tpu.memref_slice %arg4[%add3A_2455, %dma_wait3A_2468, %dma_wait3A_2469] : memref<4096x50x128xf32, #tpu.memory_space<hbm>> -> memref<2x50x128xf32, #tpu.memory_space<hbm>>
      %dma_wait3A_2471 = arith.constant 0 : i32
      %dma_wait3A_2472 = arith.constant 0 : i32
      %dma_wait3A_2473 = arith.constant 0 : i32
      %dma_wait3A_2474 = tpu.memref_slice %arg6[%dma_wait3A_2456, %dma_wait3A_2471, %dma_wait3A_2472, %dma_wait3A_2473] : memref<8x2x50x128xf32, #tpu.memory_space<vmem>> -> memref<1x2x50x128xf32, #tpu.memory_space<vmem>>
      %dma_wait3A_2475 = tpu.memref_squeeze %dma_wait3A_2474 : memref<1x2x50x128xf32, #tpu.memory_space<vmem>> -> memref<2x50x128xf32, #tpu.memory_space<vmem>>
      tpu.wait_dma2 semaphore(%dma_wait3A_2467 : memref<!tpu.dma_semaphore, #tpu.memory_space<semaphore_mem>>) src(%dma_wait3A_2475 : memref<2x50x128xf32, #tpu.memory_space<vmem>>) dst(%dma_wait3A_2470 : memref<2x50x128xf32, #tpu.memory_space<hbm>>)
      %add3A_2476 = arith.constant 8 : i32
      %add3A_2477 = arith.addi %sub3A_2391, %add3A_2476 : i32
      %mul3A_2478 = arith.constant 2 : i32
      %mul3A_2479 = arith.muli %add3A_2477, %mul3A_2478 : i32
      %add3A_2480 = arith.constant 0 : i32
      %add3A_2481 = arith.addi %mul3A_2479, %add3A_2480 : i32
      %mul3A_2482 = arith.constant 2 : i32
      %mul3A_2483 = arith.muli %add3A_2477, %mul3A_2482 : i32
      %add3A_2484 = arith.constant 1 : i32
      %add3A_2485 = arith.addi %mul3A_2483, %add3A_2484 : i32
      %dma_start3A_2486 = arith.constant 3 : i32
      %dma_start3A_2487 = arith.constant 0 : i32
      %dma_start3A_2488 = arith.constant 3 : i32
      %dma_start3A_2489 = arith.constant 0 : i32
      %dma_start3A_2490 = arith.constant 0 : i32
      %dma_start3A_2491 = tpu.memref_slice %arg6[%dma_start3A_2486, %dma_start3A_2487, %dma_start3A_2489, %dma_start3A_2490] : memref<8x2x50x128xf32, #tpu.memory_space<vmem>> -> memref<1x1x50x128xf32, #tpu.memory_space<vmem>>
      %dma_start3A_2492 = tpu.memref_squeeze %dma_start3A_2491 : memref<1x1x50x128xf32, #tpu.memory_space<vmem>> -> memref<50x128xf32, #tpu.memory_space<vmem>>
      %dma_start3A_2493 = arith.constant 0 : i32
      %dma_start3A_2494 = tpu.memref_slice %arg5[%add3A_2481, %dma_start3A_2493] : memref<128x50xi32, #tpu.memory_space<vmem>> -> memref<1x50xi32, #tpu.memory_space<vmem>>
      %dma_start3A_2495 = tpu.memref_squeeze %dma_start3A_2494 : memref<1x50xi32, #tpu.memory_space<vmem>> -> memref<50xi32, #tpu.memory_space<vmem>>
      %dma_start3A_2496 = arith.constant 0 : i32
      %dma_start3A_2497 = arith.constant 0 : i32
      %dma_start3A_2498 = tpu.memref_slice %arg2[%dma_start3A_2496, %dma_start3A_2497] : memref<100000x128xf32, #tpu.memory_space<hbm>> -> memref<100000x128xf32, #tpu.memory_space<hbm>>
      %dma_start3A_2499 = tpu.memref_slice %arg7[%dma_start3A_2488] : memref<8x!tpu.dma_semaphore, #tpu.memory_space<semaphore_mem>> -> memref<1x!tpu.dma_semaphore, #tpu.memory_space<semaphore_mem>>
      %dma_start3A_2500 = tpu.memref_squeeze %dma_start3A_2499 : memref<1x!tpu.dma_semaphore, #tpu.memory_space<semaphore_mem>> -> memref<!tpu.dma_semaphore, #tpu.memory_space<semaphore_mem>>
      tpu.enqueue_indirect_dma source(%dma_start3A_2498 : memref<100000x128xf32, #tpu.memory_space<hbm>>) target(%dma_start3A_2492 : memref<50x128xf32, #tpu.memory_space<vmem>>) offsets(%dma_start3A_2495 : memref<50xi32, #tpu.memory_space<vmem>>) semaphore(%dma_start3A_2500 : memref<!tpu.dma_semaphore, #tpu.memory_space<semaphore_mem>>)
      %dma_start3A_2501 = arith.constant 3 : i32
      %dma_start3A_2502 = arith.constant 1 : i32
      %dma_start3A_2503 = arith.constant 3 : i32
      %dma_start3A_2504 = arith.constant 0 : i32
      %dma_start3A_2505 = arith.constant 0 : i32
      %dma_start3A_2506 = tpu.memref_slice %arg6[%dma_start3A_2501, %dma_start3A_2502, %dma_start3A_2504, %dma_start3A_2505] : memref<8x2x50x128xf32, #tpu.memory_space<vmem>> -> memref<1x1x50x128xf32, #tpu.memory_space<vmem>>
      %dma_start3A_2507 = tpu.memref_squeeze %dma_start3A_2506 : memref<1x1x50x128xf32, #tpu.memory_space<vmem>> -> memref<50x128xf32, #tpu.memory_space<vmem>>
      %dma_start3A_2508 = arith.constant 0 : i32
      %dma_start3A_2509 = tpu.memref_slice %arg5[%add3A_2485, %dma_start3A_2508] : memref<128x50xi32, #tpu.memory_space<vmem>> -> memref<1x50xi32, #tpu.memory_space<vmem>>
      %dma_start3A_2510 = tpu.memref_squeeze %dma_start3A_2509 : memref<1x50xi32, #tpu.memory_space<vmem>> -> memref<50xi32, #tpu.memory_space<vmem>>
      %dma_start3A_2511 = arith.constant 0 : i32
      %dma_start3A_2512 = arith.constant 0 : i32
      %dma_start3A_2513 = tpu.memref_slice %arg2[%dma_start3A_2511, %dma_start3A_2512] : memref<100000x128xf32, #tpu.memory_space<hbm>> -> memref<100000x128xf32, #tpu.memory_space<hbm>>
      %dma_start3A_2514 = tpu.memref_slice %arg7[%dma_start3A_2503] : memref<8x!tpu.dma_semaphore, #tpu.memory_space<semaphore_mem>> -> memref<1x!tpu.dma_semaphore, #tpu.memory_space<semaphore_mem>>
      %dma_start3A_2515 = tpu.memref_squeeze %dma_start3A_2514 : memref<1x!tpu.dma_semaphore, #tpu.memory_space<semaphore_mem>> -> memref<!tpu.dma_semaphore, #tpu.memory_space<semaphore_mem>>
      tpu.enqueue_indirect_dma source(%dma_start3A_2513 : memref<100000x128xf32, #tpu.memory_space<hbm>>) target(%dma_start3A_2507 : memref<50x128xf32, #tpu.memory_space<vmem>>) offsets(%dma_start3A_2510 : memref<50xi32, #tpu.memory_space<vmem>>) semaphore(%dma_start3A_2515 : memref<!tpu.dma_semaphore, #tpu.memory_space<semaphore_mem>>)
      %add3A_2516 = arith.constant 6 : i32
      %add3A_2517 = arith.addi %mul3A_1736, %add3A_2516 : i32
      %add3A_2518 = arith.constant 6 : i32
      %add3A_2519 = arith.addi %mul3A_1736, %add3A_2518 : i32
      %sub3A_2520 = arith.constant 2 : i32
      %sub3A_2521 = arith.subi %add3A_2519, %sub3A_2520 : i32
      %mul3A_2522 = arith.constant 2 : i32
      %mul3A_2523 = arith.muli %add3A_2517, %mul3A_2522 : i32
      %add3A_2524 = arith.constant 0 : i32
      %add3A_2525 = arith.addi %mul3A_2523, %add3A_2524 : i32
      %mul3A_2526 = arith.constant 2 : i32
      %mul3A_2527 = arith.muli %add3A_2517, %mul3A_2526 : i32
      %add3A_2528 = arith.constant 1 : i32
      %add3A_2529 = arith.addi %mul3A_2527, %add3A_2528 : i32
      %dma_wait3A_2530 = arith.constant 6 : i32
      %dma_wait3A_2531 = arith.constant 0 : i32
      %dma_wait3A_2532 = arith.constant 6 : i32
      %dma_wait3A_2533 = arith.constant 0 : i32
      %dma_wait3A_2534 = arith.constant 0 : i32
      %dma_wait3A_2535 = tpu.memref_slice %arg6[%dma_wait3A_2530, %dma_wait3A_2531, %dma_wait3A_2533, %dma_wait3A_2534] : memref<8x2x50x128xf32, #tpu.memory_space<vmem>> -> memref<1x1x50x128xf32, #tpu.memory_space<vmem>>
      %dma_wait3A_2536 = tpu.memref_squeeze %dma_wait3A_2535 : memref<1x1x50x128xf32, #tpu.memory_space<vmem>> -> memref<50x128xf32, #tpu.memory_space<vmem>>
      %dma_wait3A_2537 = arith.constant 0 : i32
      %dma_wait3A_2538 = tpu.memref_slice %arg5[%add3A_2525, %dma_wait3A_2537] : memref<128x50xi32, #tpu.memory_space<vmem>> -> memref<1x50xi32, #tpu.memory_space<vmem>>
      %dma_wait3A_2539 = tpu.memref_squeeze %dma_wait3A_2538 : memref<1x50xi32, #tpu.memory_space<vmem>> -> memref<50xi32, #tpu.memory_space<vmem>>
      %dma_wait3A_2540 = arith.constant 0 : i32
      %dma_wait3A_2541 = arith.constant 0 : i32
      %dma_wait3A_2542 = tpu.memref_slice %arg2[%dma_wait3A_2540, %dma_wait3A_2541] : memref<100000x128xf32, #tpu.memory_space<hbm>> -> memref<100000x128xf32, #tpu.memory_space<hbm>>
      %dma_wait3A_2543 = tpu.memref_slice %arg7[%dma_wait3A_2532] : memref<8x!tpu.dma_semaphore, #tpu.memory_space<semaphore_mem>> -> memref<1x!tpu.dma_semaphore, #tpu.memory_space<semaphore_mem>>
      %dma_wait3A_2544 = tpu.memref_squeeze %dma_wait3A_2543 : memref<1x!tpu.dma_semaphore, #tpu.memory_space<semaphore_mem>> -> memref<!tpu.dma_semaphore, #tpu.memory_space<semaphore_mem>>
      tpu.wait_indirect_dma semaphore(%dma_wait3A_2544 : memref<!tpu.dma_semaphore, #tpu.memory_space<semaphore_mem>>) src(%dma_wait3A_2542 : memref<100000x128xf32, #tpu.memory_space<hbm>>) dst(%dma_wait3A_2536 : memref<50x128xf32, #tpu.memory_space<vmem>>)
      %dma_wait3A_2545 = arith.constant 6 : i32
      %dma_wait3A_2546 = arith.constant 1 : i32
      %dma_wait3A_2547 = arith.constant 6 : i32
      %dma_wait3A_2548 = arith.constant 0 : i32
      %dma_wait3A_2549 = arith.constant 0 : i32
      %dma_wait3A_2550 = tpu.memref_slice %arg6[%dma_wait3A_2545, %dma_wait3A_2546, %dma_wait3A_2548, %dma_wait3A_2549] : memref<8x2x50x128xf32, #tpu.memory_space<vmem>> -> memref<1x1x50x128xf32, #tpu.memory_space<vmem>>
      %dma_wait3A_2551 = tpu.memref_squeeze %dma_wait3A_2550 : memref<1x1x50x128xf32, #tpu.memory_space<vmem>> -> memref<50x128xf32, #tpu.memory_space<vmem>>
      %dma_wait3A_2552 = arith.constant 0 : i32
      %dma_wait3A_2553 = tpu.memref_slice %arg5[%add3A_2529, %dma_wait3A_2552] : memref<128x50xi32, #tpu.memory_space<vmem>> -> memref<1x50xi32, #tpu.memory_space<vmem>>
      %dma_wait3A_2554 = tpu.memref_squeeze %dma_wait3A_2553 : memref<1x50xi32, #tpu.memory_space<vmem>> -> memref<50xi32, #tpu.memory_space<vmem>>
      %dma_wait3A_2555 = arith.constant 0 : i32
      %dma_wait3A_2556 = arith.constant 0 : i32
      %dma_wait3A_2557 = tpu.memref_slice %arg2[%dma_wait3A_2555, %dma_wait3A_2556] : memref<100000x128xf32, #tpu.memory_space<hbm>> -> memref<100000x128xf32, #tpu.memory_space<hbm>>
      %dma_wait3A_2558 = tpu.memref_slice %arg7[%dma_wait3A_2547] : memref<8x!tpu.dma_semaphore, #tpu.memory_space<semaphore_mem>> -> memref<1x!tpu.dma_semaphore, #tpu.memory_space<semaphore_mem>>
      %dma_wait3A_2559 = tpu.memref_squeeze %dma_wait3A_2558 : memref<1x!tpu.dma_semaphore, #tpu.memory_space<semaphore_mem>> -> memref<!tpu.dma_semaphore, #tpu.memory_space<semaphore_mem>>
      tpu.wait_indirect_dma semaphore(%dma_wait3A_2559 : memref<!tpu.dma_semaphore, #tpu.memory_space<semaphore_mem>>) src(%dma_wait3A_2557 : memref<100000x128xf32, #tpu.memory_space<hbm>>) dst(%dma_wait3A_2551 : memref<50x128xf32, #tpu.memory_space<vmem>>)
      %mul3A_2560 = arith.constant 2 : i32
      %mul3A_2561 = arith.muli %add3A_2517, %mul3A_2560 : i32
      %add3A_2562 = arith.addi %mul3A_2, %mul3A_2561 : i32
      %dma_start3A_2563 = arith.constant 6 : i32
      %dma_start3A_2564 = arith.constant 6 : i32
      %dma_start3A_2565 = arith.constant 0 : i32
      %dma_start3A_2566 = arith.constant 0 : i32
      %dma_start3A_2567 = arith.constant 0 : i32
      %dma_start3A_2568 = tpu.memref_slice %arg6[%dma_start3A_2563, %dma_start3A_2565, %dma_start3A_2566, %dma_start3A_2567] : memref<8x2x50x128xf32, #tpu.memory_space<vmem>> -> memref<1x2x50x128xf32, #tpu.memory_space<vmem>>
      %dma_start3A_2569 = tpu.memref_squeeze %dma_start3A_2568 : memref<1x2x50x128xf32, #tpu.memory_space<vmem>> -> memref<2x50x128xf32, #tpu.memory_space<vmem>>
      %dma_start3A_2570 = arith.constant 0 : i32
      %dma_start3A_2571 = arith.constant 0 : i32
      %dma_start3A_2572 = tpu.memref_slice %arg4[%add3A_2562, %dma_start3A_2570, %dma_start3A_2571] : memref<4096x50x128xf32, #tpu.memory_space<hbm>> -> memref<2x50x128xf32, #tpu.memory_space<hbm>>
      %dma_start3A_2573 = tpu.memref_slice %arg8[%dma_start3A_2564] : memref<8x!tpu.dma_semaphore, #tpu.memory_space<semaphore_mem>> -> memref<1x!tpu.dma_semaphore, #tpu.memory_space<semaphore_mem>>
      %dma_start3A_2574 = tpu.memref_squeeze %dma_start3A_2573 : memref<1x!tpu.dma_semaphore, #tpu.memory_space<semaphore_mem>> -> memref<!tpu.dma_semaphore, #tpu.memory_space<semaphore_mem>>
      %dma_start3A_2575 = arith.constant 0 : i32
      %dma_start3A_2576 = arith.constant 0 : i32
      %dma_start3A_2577 = tpu.memref_slice %arg4[%add3A_2562, %dma_start3A_2575, %dma_start3A_2576] : memref<4096x50x128xf32, #tpu.memory_space<hbm>> -> memref<2x50x128xf32, #tpu.memory_space<hbm>>
      %dma_start3A_2578 = arith.constant 0 : i32
      %dma_start3A_2579 = arith.constant 0 : i32
      %dma_start3A_2580 = arith.constant 0 : i32
      %dma_start3A_2581 = tpu.memref_slice %arg6[%dma_start3A_2563, %dma_start3A_2578, %dma_start3A_2579, %dma_start3A_2580] : memref<8x2x50x128xf32, #tpu.memory_space<vmem>> -> memref<1x2x50x128xf32, #tpu.memory_space<vmem>>
      %dma_start3A_2582 = tpu.memref_squeeze %dma_start3A_2581 : memref<1x2x50x128xf32, #tpu.memory_space<vmem>> -> memref<2x50x128xf32, #tpu.memory_space<vmem>>
      tpu.enqueue_dma source(%dma_start3A_2582 : memref<2x50x128xf32, #tpu.memory_space<vmem>>) target(%dma_start3A_2577 : memref<2x50x128xf32, #tpu.memory_space<hbm>>) target_semaphore(%dma_start3A_2574 : memref<!tpu.dma_semaphore, #tpu.memory_space<semaphore_mem>>)
      %mul3A_2583 = arith.constant 2 : i32
      %mul3A_2584 = arith.muli %sub3A_2521, %mul3A_2583 : i32
      %add3A_2585 = arith.addi %mul3A_2, %mul3A_2584 : i32
      %dma_wait3A_2586 = arith.constant 4 : i32
      %dma_wait3A_2587 = arith.constant 4 : i32
      %dma_wait3A_2588 = arith.constant 0 : i32
      %dma_wait3A_2589 = arith.constant 0 : i32
      %dma_wait3A_2590 = arith.constant 0 : i32
      %dma_wait3A_2591 = tpu.memref_slice %arg6[%dma_wait3A_2586, %dma_wait3A_2588, %dma_wait3A_2589, %dma_wait3A_2590] : memref<8x2x50x128xf32, #tpu.memory_space<vmem>> -> memref<1x2x50x128xf32, #tpu.memory_space<vmem>>
      %dma_wait3A_2592 = tpu.memref_squeeze %dma_wait3A_2591 : memref<1x2x50x128xf32, #tpu.memory_space<vmem>> -> memref<2x50x128xf32, #tpu.memory_space<vmem>>
      %dma_wait3A_2593 = arith.constant 0 : i32
      %dma_wait3A_2594 = arith.constant 0 : i32
      %dma_wait3A_2595 = tpu.memref_slice %arg4[%add3A_2585, %dma_wait3A_2593, %dma_wait3A_2594] : memref<4096x50x128xf32, #tpu.memory_space<hbm>> -> memref<2x50x128xf32, #tpu.memory_space<hbm>>
      %dma_wait3A_2596 = tpu.memref_slice %arg8[%dma_wait3A_2587] : memref<8x!tpu.dma_semaphore, #tpu.memory_space<semaphore_mem>> -> memref<1x!tpu.dma_semaphore, #tpu.memory_space<semaphore_mem>>
      %dma_wait3A_2597 = tpu.memref_squeeze %dma_wait3A_2596 : memref<1x!tpu.dma_semaphore, #tpu.memory_space<semaphore_mem>> -> memref<!tpu.dma_semaphore, #tpu.memory_space<semaphore_mem>>
      %dma_wait3A_2598 = arith.constant 0 : i32
      %dma_wait3A_2599 = arith.constant 0 : i32
      %dma_wait3A_2600 = tpu.memref_slice %arg4[%add3A_2585, %dma_wait3A_2598, %dma_wait3A_2599] : memref<4096x50x128xf32, #tpu.memory_space<hbm>> -> memref<2x50x128xf32, #tpu.memory_space<hbm>>
      %dma_wait3A_2601 = arith.constant 0 : i32
      %dma_wait3A_2602 = arith.constant 0 : i32
      %dma_wait3A_2603 = arith.constant 0 : i32
      %dma_wait3A_2604 = tpu.memref_slice %arg6[%dma_wait3A_2586, %dma_wait3A_2601, %dma_wait3A_2602, %dma_wait3A_2603] : memref<8x2x50x128xf32, #tpu.memory_space<vmem>> -> memref<1x2x50x128xf32, #tpu.memory_space<vmem>>
      %dma_wait3A_2605 = tpu.memref_squeeze %dma_wait3A_2604 : memref<1x2x50x128xf32, #tpu.memory_space<vmem>> -> memref<2x50x128xf32, #tpu.memory_space<vmem>>
      tpu.wait_dma2 semaphore(%dma_wait3A_2597 : memref<!tpu.dma_semaphore, #tpu.memory_space<semaphore_mem>>) src(%dma_wait3A_2605 : memref<2x50x128xf32, #tpu.memory_space<vmem>>) dst(%dma_wait3A_2600 : memref<2x50x128xf32, #tpu.memory_space<hbm>>)
      %add3A_2606 = arith.constant 8 : i32
      %add3A_2607 = arith.addi %sub3A_2521, %add3A_2606 : i32
      %mul3A_2608 = arith.constant 2 : i32
      %mul3A_2609 = arith.muli %add3A_2607, %mul3A_2608 : i32
      %add3A_2610 = arith.constant 0 : i32
      %add3A_2611 = arith.addi %mul3A_2609, %add3A_2610 : i32
      %mul3A_2612 = arith.constant 2 : i32
      %mul3A_2613 = arith.muli %add3A_2607, %mul3A_2612 : i32
      %add3A_2614 = arith.constant 1 : i32
      %add3A_2615 = arith.addi %mul3A_2613, %add3A_2614 : i32
      %dma_start3A_2616 = arith.constant 4 : i32
      %dma_start3A_2617 = arith.constant 0 : i32
      %dma_start3A_2618 = arith.constant 4 : i32
      %dma_start3A_2619 = arith.constant 0 : i32
      %dma_start3A_2620 = arith.constant 0 : i32
      %dma_start3A_2621 = tpu.memref_slice %arg6[%dma_start3A_2616, %dma_start3A_2617, %dma_start3A_2619, %dma_start3A_2620] : memref<8x2x50x128xf32, #tpu.memory_space<vmem>> -> memref<1x1x50x128xf32, #tpu.memory_space<vmem>>
      %dma_start3A_2622 = tpu.memref_squeeze %dma_start3A_2621 : memref<1x1x50x128xf32, #tpu.memory_space<vmem>> -> memref<50x128xf32, #tpu.memory_space<vmem>>
      %dma_start3A_2623 = arith.constant 0 : i32
      %dma_start3A_2624 = tpu.memref_slice %arg5[%add3A_2611, %dma_start3A_2623] : memref<128x50xi32, #tpu.memory_space<vmem>> -> memref<1x50xi32, #tpu.memory_space<vmem>>
      %dma_start3A_2625 = tpu.memref_squeeze %dma_start3A_2624 : memref<1x50xi32, #tpu.memory_space<vmem>> -> memref<50xi32, #tpu.memory_space<vmem>>
      %dma_start3A_2626 = arith.constant 0 : i32
      %dma_start3A_2627 = arith.constant 0 : i32
      %dma_start3A_2628 = tpu.memref_slice %arg2[%dma_start3A_2626, %dma_start3A_2627] : memref<100000x128xf32, #tpu.memory_space<hbm>> -> memref<100000x128xf32, #tpu.memory_space<hbm>>
      %dma_start3A_2629 = tpu.memref_slice %arg7[%dma_start3A_2618] : memref<8x!tpu.dma_semaphore, #tpu.memory_space<semaphore_mem>> -> memref<1x!tpu.dma_semaphore, #tpu.memory_space<semaphore_mem>>
      %dma_start3A_2630 = tpu.memref_squeeze %dma_start3A_2629 : memref<1x!tpu.dma_semaphore, #tpu.memory_space<semaphore_mem>> -> memref<!tpu.dma_semaphore, #tpu.memory_space<semaphore_mem>>
      tpu.enqueue_indirect_dma source(%dma_start3A_2628 : memref<100000x128xf32, #tpu.memory_space<hbm>>) target(%dma_start3A_2622 : memref<50x128xf32, #tpu.memory_space<vmem>>) offsets(%dma_start3A_2625 : memref<50xi32, #tpu.memory_space<vmem>>) semaphore(%dma_start3A_2630 : memref<!tpu.dma_semaphore, #tpu.memory_space<semaphore_mem>>)
      %dma_start3A_2631 = arith.constant 4 : i32
      %dma_start3A_2632 = arith.constant 1 : i32
      %dma_start3A_2633 = arith.constant 4 : i32
      %dma_start3A_2634 = arith.constant 0 : i32
      %dma_start3A_2635 = arith.constant 0 : i32
      %dma_start3A_2636 = tpu.memref_slice %arg6[%dma_start3A_2631, %dma_start3A_2632, %dma_start3A_2634, %dma_start3A_2635] : memref<8x2x50x128xf32, #tpu.memory_space<vmem>> -> memref<1x1x50x128xf32, #tpu.memory_space<vmem>>
      %dma_start3A_2637 = tpu.memref_squeeze %dma_start3A_2636 : memref<1x1x50x128xf32, #tpu.memory_space<vmem>> -> memref<50x128xf32, #tpu.memory_space<vmem>>
      %dma_start3A_2638 = arith.constant 0 : i32
      %dma_start3A_2639 = tpu.memref_slice %arg5[%add3A_2615, %dma_start3A_2638] : memref<128x50xi32, #tpu.memory_space<vmem>> -> memref<1x50xi32, #tpu.memory_space<vmem>>
      %dma_start3A_2640 = tpu.memref_squeeze %dma_start3A_2639 : memref<1x50xi32, #tpu.memory_space<vmem>> -> memref<50xi32, #tpu.memory_space<vmem>>
      %dma_start3A_2641 = arith.constant 0 : i32
      %dma_start3A_2642 = arith.constant 0 : i32
      %dma_start3A_2643 = tpu.memref_slice %arg2[%dma_start3A_2641, %dma_start3A_2642] : memref<100000x128xf32, #tpu.memory_space<hbm>> -> memref<100000x128xf32, #tpu.memory_space<hbm>>
      %dma_start3A_2644 = tpu.memref_slice %arg7[%dma_start3A_2633] : memref<8x!tpu.dma_semaphore, #tpu.memory_space<semaphore_mem>> -> memref<1x!tpu.dma_semaphore, #tpu.memory_space<semaphore_mem>>
      %dma_start3A_2645 = tpu.memref_squeeze %dma_start3A_2644 : memref<1x!tpu.dma_semaphore, #tpu.memory_space<semaphore_mem>> -> memref<!tpu.dma_semaphore, #tpu.memory_space<semaphore_mem>>
      tpu.enqueue_indirect_dma source(%dma_start3A_2643 : memref<100000x128xf32, #tpu.memory_space<hbm>>) target(%dma_start3A_2637 : memref<50x128xf32, #tpu.memory_space<vmem>>) offsets(%dma_start3A_2640 : memref<50xi32, #tpu.memory_space<vmem>>) semaphore(%dma_start3A_2645 : memref<!tpu.dma_semaphore, #tpu.memory_space<semaphore_mem>>)
      %add3A_2646 = arith.constant 7 : i32
      %add3A_2647 = arith.addi %mul3A_1736, %add3A_2646 : i32
      %add3A_2648 = arith.constant 7 : i32
      %add3A_2649 = arith.addi %mul3A_1736, %add3A_2648 : i32
      %sub3A_2650 = arith.constant 2 : i32
      %sub3A_2651 = arith.subi %add3A_2649, %sub3A_2650 : i32
      %mul3A_2652 = arith.constant 2 : i32
      %mul3A_2653 = arith.muli %add3A_2647, %mul3A_2652 : i32
      %add3A_2654 = arith.constant 0 : i32
      %add3A_2655 = arith.addi %mul3A_2653, %add3A_2654 : i32
      %mul3A_2656 = arith.constant 2 : i32
      %mul3A_2657 = arith.muli %add3A_2647, %mul3A_2656 : i32
      %add3A_2658 = arith.constant 1 : i32
      %add3A_2659 = arith.addi %mul3A_2657, %add3A_2658 : i32
      %dma_wait3A_2660 = arith.constant 7 : i32
      %dma_wait3A_2661 = arith.constant 0 : i32
      %dma_wait3A_2662 = arith.constant 7 : i32
      %dma_wait3A_2663 = arith.constant 0 : i32
      %dma_wait3A_2664 = arith.constant 0 : i32
      %dma_wait3A_2665 = tpu.memref_slice %arg6[%dma_wait3A_2660, %dma_wait3A_2661, %dma_wait3A_2663, %dma_wait3A_2664] : memref<8x2x50x128xf32, #tpu.memory_space<vmem>> -> memref<1x1x50x128xf32, #tpu.memory_space<vmem>>
      %dma_wait3A_2666 = tpu.memref_squeeze %dma_wait3A_2665 : memref<1x1x50x128xf32, #tpu.memory_space<vmem>> -> memref<50x128xf32, #tpu.memory_space<vmem>>
      %dma_wait3A_2667 = arith.constant 0 : i32
      %dma_wait3A_2668 = tpu.memref_slice %arg5[%add3A_2655, %dma_wait3A_2667] : memref<128x50xi32, #tpu.memory_space<vmem>> -> memref<1x50xi32, #tpu.memory_space<vmem>>
      %dma_wait3A_2669 = tpu.memref_squeeze %dma_wait3A_2668 : memref<1x50xi32, #tpu.memory_space<vmem>> -> memref<50xi32, #tpu.memory_space<vmem>>
      %dma_wait3A_2670 = arith.constant 0 : i32
      %dma_wait3A_2671 = arith.constant 0 : i32
      %dma_wait3A_2672 = tpu.memref_slice %arg2[%dma_wait3A_2670, %dma_wait3A_2671] : memref<100000x128xf32, #tpu.memory_space<hbm>> -> memref<100000x128xf32, #tpu.memory_space<hbm>>
      %dma_wait3A_2673 = tpu.memref_slice %arg7[%dma_wait3A_2662] : memref<8x!tpu.dma_semaphore, #tpu.memory_space<semaphore_mem>> -> memref<1x!tpu.dma_semaphore, #tpu.memory_space<semaphore_mem>>
      %dma_wait3A_2674 = tpu.memref_squeeze %dma_wait3A_2673 : memref<1x!tpu.dma_semaphore, #tpu.memory_space<semaphore_mem>> -> memref<!tpu.dma_semaphore, #tpu.memory_space<semaphore_mem>>
      tpu.wait_indirect_dma semaphore(%dma_wait3A_2674 : memref<!tpu.dma_semaphore, #tpu.memory_space<semaphore_mem>>) src(%dma_wait3A_2672 : memref<100000x128xf32, #tpu.memory_space<hbm>>) dst(%dma_wait3A_2666 : memref<50x128xf32, #tpu.memory_space<vmem>>)
      %dma_wait3A_2675 = arith.constant 7 : i32
      %dma_wait3A_2676 = arith.constant 1 : i32
      %dma_wait3A_2677 = arith.constant 7 : i32
      %dma_wait3A_2678 = arith.constant 0 : i32
      %dma_wait3A_2679 = arith.constant 0 : i32
      %dma_wait3A_2680 = tpu.memref_slice %arg6[%dma_wait3A_2675, %dma_wait3A_2676, %dma_wait3A_2678, %dma_wait3A_2679] : memref<8x2x50x128xf32, #tpu.memory_space<vmem>> -> memref<1x1x50x128xf32, #tpu.memory_space<vmem>>
      %dma_wait3A_2681 = tpu.memref_squeeze %dma_wait3A_2680 : memref<1x1x50x128xf32, #tpu.memory_space<vmem>> -> memref<50x128xf32, #tpu.memory_space<vmem>>
      %dma_wait3A_2682 = arith.constant 0 : i32
      %dma_wait3A_2683 = tpu.memref_slice %arg5[%add3A_2659, %dma_wait3A_2682] : memref<128x50xi32, #tpu.memory_space<vmem>> -> memref<1x50xi32, #tpu.memory_space<vmem>>
      %dma_wait3A_2684 = tpu.memref_squeeze %dma_wait3A_2683 : memref<1x50xi32, #tpu.memory_space<vmem>> -> memref<50xi32, #tpu.memory_space<vmem>>
      %dma_wait3A_2685 = arith.constant 0 : i32
      %dma_wait3A_2686 = arith.constant 0 : i32
      %dma_wait3A_2687 = tpu.memref_slice %arg2[%dma_wait3A_2685, %dma_wait3A_2686] : memref<100000x128xf32, #tpu.memory_space<hbm>> -> memref<100000x128xf32, #tpu.memory_space<hbm>>
      %dma_wait3A_2688 = tpu.memref_slice %arg7[%dma_wait3A_2677] : memref<8x!tpu.dma_semaphore, #tpu.memory_space<semaphore_mem>> -> memref<1x!tpu.dma_semaphore, #tpu.memory_space<semaphore_mem>>
      %dma_wait3A_2689 = tpu.memref_squeeze %dma_wait3A_2688 : memref<1x!tpu.dma_semaphore, #tpu.memory_space<semaphore_mem>> -> memref<!tpu.dma_semaphore, #tpu.memory_space<semaphore_mem>>
      tpu.wait_indirect_dma semaphore(%dma_wait3A_2689 : memref<!tpu.dma_semaphore, #tpu.memory_space<semaphore_mem>>) src(%dma_wait3A_2687 : memref<100000x128xf32, #tpu.memory_space<hbm>>) dst(%dma_wait3A_2681 : memref<50x128xf32, #tpu.memory_space<vmem>>)
      %mul3A_2690 = arith.constant 2 : i32
      %mul3A_2691 = arith.muli %add3A_2647, %mul3A_2690 : i32
      %add3A_2692 = arith.addi %mul3A_2, %mul3A_2691 : i32
      %dma_start3A_2693 = arith.constant 7 : i32
      %dma_start3A_2694 = arith.constant 7 : i32
      %dma_start3A_2695 = arith.constant 0 : i32
      %dma_start3A_2696 = arith.constant 0 : i32
      %dma_start3A_2697 = arith.constant 0 : i32
      %dma_start3A_2698 = tpu.memref_slice %arg6[%dma_start3A_2693, %dma_start3A_2695, %dma_start3A_2696, %dma_start3A_2697] : memref<8x2x50x128xf32, #tpu.memory_space<vmem>> -> memref<1x2x50x128xf32, #tpu.memory_space<vmem>>
      %dma_start3A_2699 = tpu.memref_squeeze %dma_start3A_2698 : memref<1x2x50x128xf32, #tpu.memory_space<vmem>> -> memref<2x50x128xf32, #tpu.memory_space<vmem>>
      %dma_start3A_2700 = arith.constant 0 : i32
      %dma_start3A_2701 = arith.constant 0 : i32
      %dma_start3A_2702 = tpu.memref_slice %arg4[%add3A_2692, %dma_start3A_2700, %dma_start3A_2701] : memref<4096x50x128xf32, #tpu.memory_space<hbm>> -> memref<2x50x128xf32, #tpu.memory_space<hbm>>
      %dma_start3A_2703 = tpu.memref_slice %arg8[%dma_start3A_2694] : memref<8x!tpu.dma_semaphore, #tpu.memory_space<semaphore_mem>> -> memref<1x!tpu.dma_semaphore, #tpu.memory_space<semaphore_mem>>
      %dma_start3A_2704 = tpu.memref_squeeze %dma_start3A_2703 : memref<1x!tpu.dma_semaphore, #tpu.memory_space<semaphore_mem>> -> memref<!tpu.dma_semaphore, #tpu.memory_space<semaphore_mem>>
      %dma_start3A_2705 = arith.constant 0 : i32
      %dma_start3A_2706 = arith.constant 0 : i32
      %dma_start3A_2707 = tpu.memref_slice %arg4[%add3A_2692, %dma_start3A_2705, %dma_start3A_2706] : memref<4096x50x128xf32, #tpu.memory_space<hbm>> -> memref<2x50x128xf32, #tpu.memory_space<hbm>>
      %dma_start3A_2708 = arith.constant 0 : i32
      %dma_start3A_2709 = arith.constant 0 : i32
      %dma_start3A_2710 = arith.constant 0 : i32
      %dma_start3A_2711 = tpu.memref_slice %arg6[%dma_start3A_2693, %dma_start3A_2708, %dma_start3A_2709, %dma_start3A_2710] : memref<8x2x50x128xf32, #tpu.memory_space<vmem>> -> memref<1x2x50x128xf32, #tpu.memory_space<vmem>>
      %dma_start3A_2712 = tpu.memref_squeeze %dma_start3A_2711 : memref<1x2x50x128xf32, #tpu.memory_space<vmem>> -> memref<2x50x128xf32, #tpu.memory_space<vmem>>
      tpu.enqueue_dma source(%dma_start3A_2712 : memref<2x50x128xf32, #tpu.memory_space<vmem>>) target(%dma_start3A_2707 : memref<2x50x128xf32, #tpu.memory_space<hbm>>) target_semaphore(%dma_start3A_2704 : memref<!tpu.dma_semaphore, #tpu.memory_space<semaphore_mem>>)
      %mul3A_2713 = arith.constant 2 : i32
      %mul3A_2714 = arith.muli %sub3A_2651, %mul3A_2713 : i32
      %add3A_2715 = arith.addi %mul3A_2, %mul3A_2714 : i32
      %dma_wait3A_2716 = arith.constant 5 : i32
      %dma_wait3A_2717 = arith.constant 5 : i32
      %dma_wait3A_2718 = arith.constant 0 : i32
      %dma_wait3A_2719 = arith.constant 0 : i32
      %dma_wait3A_2720 = arith.constant 0 : i32
      %dma_wait3A_2721 = tpu.memref_slice %arg6[%dma_wait3A_2716, %dma_wait3A_2718, %dma_wait3A_2719, %dma_wait3A_2720] : memref<8x2x50x128xf32, #tpu.memory_space<vmem>> -> memref<1x2x50x128xf32, #tpu.memory_space<vmem>>
      %dma_wait3A_2722 = tpu.memref_squeeze %dma_wait3A_2721 : memref<1x2x50x128xf32, #tpu.memory_space<vmem>> -> memref<2x50x128xf32, #tpu.memory_space<vmem>>
      %dma_wait3A_2723 = arith.constant 0 : i32
      %dma_wait3A_2724 = arith.constant 0 : i32
      %dma_wait3A_2725 = tpu.memref_slice %arg4[%add3A_2715, %dma_wait3A_2723, %dma_wait3A_2724] : memref<4096x50x128xf32, #tpu.memory_space<hbm>> -> memref<2x50x128xf32, #tpu.memory_space<hbm>>
      %dma_wait3A_2726 = tpu.memref_slice %arg8[%dma_wait3A_2717] : memref<8x!tpu.dma_semaphore, #tpu.memory_space<semaphore_mem>> -> memref<1x!tpu.dma_semaphore, #tpu.memory_space<semaphore_mem>>
      %dma_wait3A_2727 = tpu.memref_squeeze %dma_wait3A_2726 : memref<1x!tpu.dma_semaphore, #tpu.memory_space<semaphore_mem>> -> memref<!tpu.dma_semaphore, #tpu.memory_space<semaphore_mem>>
      %dma_wait3A_2728 = arith.constant 0 : i32
      %dma_wait3A_2729 = arith.constant 0 : i32
      %dma_wait3A_2730 = tpu.memref_slice %arg4[%add3A_2715, %dma_wait3A_2728, %dma_wait3A_2729] : memref<4096x50x128xf32, #tpu.memory_space<hbm>> -> memref<2x50x128xf32, #tpu.memory_space<hbm>>
      %dma_wait3A_2731 = arith.constant 0 : i32
      %dma_wait3A_2732 = arith.constant 0 : i32
      %dma_wait3A_2733 = arith.constant 0 : i32
      %dma_wait3A_2734 = tpu.memref_slice %arg6[%dma_wait3A_2716, %dma_wait3A_2731, %dma_wait3A_2732, %dma_wait3A_2733] : memref<8x2x50x128xf32, #tpu.memory_space<vmem>> -> memref<1x2x50x128xf32, #tpu.memory_space<vmem>>
      %dma_wait3A_2735 = tpu.memref_squeeze %dma_wait3A_2734 : memref<1x2x50x128xf32, #tpu.memory_space<vmem>> -> memref<2x50x128xf32, #tpu.memory_space<vmem>>
      tpu.wait_dma2 semaphore(%dma_wait3A_2727 : memref<!tpu.dma_semaphore, #tpu.memory_space<semaphore_mem>>) src(%dma_wait3A_2735 : memref<2x50x128xf32, #tpu.memory_space<vmem>>) dst(%dma_wait3A_2730 : memref<2x50x128xf32, #tpu.memory_space<hbm>>)
      %add3A_2736 = arith.constant 8 : i32
      %add3A_2737 = arith.addi %sub3A_2651, %add3A_2736 : i32
      %mul3A_2738 = arith.constant 2 : i32
      %mul3A_2739 = arith.muli %add3A_2737, %mul3A_2738 : i32
      %add3A_2740 = arith.constant 0 : i32
      %add3A_2741 = arith.addi %mul3A_2739, %add3A_2740 : i32
      %mul3A_2742 = arith.constant 2 : i32
      %mul3A_2743 = arith.muli %add3A_2737, %mul3A_2742 : i32
      %add3A_2744 = arith.constant 1 : i32
      %add3A_2745 = arith.addi %mul3A_2743, %add3A_2744 : i32
      %dma_start3A_2746 = arith.constant 5 : i32
      %dma_start3A_2747 = arith.constant 0 : i32
      %dma_start3A_2748 = arith.constant 5 : i32
      %dma_start3A_2749 = arith.constant 0 : i32
      %dma_start3A_2750 = arith.constant 0 : i32
      %dma_start3A_2751 = tpu.memref_slice %arg6[%dma_start3A_2746, %dma_start3A_2747, %dma_start3A_2749, %dma_start3A_2750] : memref<8x2x50x128xf32, #tpu.memory_space<vmem>> -> memref<1x1x50x128xf32, #tpu.memory_space<vmem>>
      %dma_start3A_2752 = tpu.memref_squeeze %dma_start3A_2751 : memref<1x1x50x128xf32, #tpu.memory_space<vmem>> -> memref<50x128xf32, #tpu.memory_space<vmem>>
      %dma_start3A_2753 = arith.constant 0 : i32
      %dma_start3A_2754 = tpu.memref_slice %arg5[%add3A_2741, %dma_start3A_2753] : memref<128x50xi32, #tpu.memory_space<vmem>> -> memref<1x50xi32, #tpu.memory_space<vmem>>
      %dma_start3A_2755 = tpu.memref_squeeze %dma_start3A_2754 : memref<1x50xi32, #tpu.memory_space<vmem>> -> memref<50xi32, #tpu.memory_space<vmem>>
      %dma_start3A_2756 = arith.constant 0 : i32
      %dma_start3A_2757 = arith.constant 0 : i32
      %dma_start3A_2758 = tpu.memref_slice %arg2[%dma_start3A_2756, %dma_start3A_2757] : memref<100000x128xf32, #tpu.memory_space<hbm>> -> memref<100000x128xf32, #tpu.memory_space<hbm>>
      %dma_start3A_2759 = tpu.memref_slice %arg7[%dma_start3A_2748] : memref<8x!tpu.dma_semaphore, #tpu.memory_space<semaphore_mem>> -> memref<1x!tpu.dma_semaphore, #tpu.memory_space<semaphore_mem>>
      %dma_start3A_2760 = tpu.memref_squeeze %dma_start3A_2759 : memref<1x!tpu.dma_semaphore, #tpu.memory_space<semaphore_mem>> -> memref<!tpu.dma_semaphore, #tpu.memory_space<semaphore_mem>>
      tpu.enqueue_indirect_dma source(%dma_start3A_2758 : memref<100000x128xf32, #tpu.memory_space<hbm>>) target(%dma_start3A_2752 : memref<50x128xf32, #tpu.memory_space<vmem>>) offsets(%dma_start3A_2755 : memref<50xi32, #tpu.memory_space<vmem>>) semaphore(%dma_start3A_2760 : memref<!tpu.dma_semaphore, #tpu.memory_space<semaphore_mem>>)
      %dma_start3A_2761 = arith.constant 5 : i32
      %dma_start3A_2762 = arith.constant 1 : i32
      %dma_start3A_2763 = arith.constant 5 : i32
      %dma_start3A_2764 = arith.constant 0 : i32
      %dma_start3A_2765 = arith.constant 0 : i32
      %dma_start3A_2766 = tpu.memref_slice %arg6[%dma_start3A_2761, %dma_start3A_2762, %dma_start3A_2764, %dma_start3A_2765] : memref<8x2x50x128xf32, #tpu.memory_space<vmem>> -> memref<1x1x50x128xf32, #tpu.memory_space<vmem>>
      %dma_start3A_2767 = tpu.memref_squeeze %dma_start3A_2766 : memref<1x1x50x128xf32, #tpu.memory_space<vmem>> -> memref<50x128xf32, #tpu.memory_space<vmem>>
      %dma_start3A_2768 = arith.constant 0 : i32
      %dma_start3A_2769 = tpu.memref_slice %arg5[%add3A_2745, %dma_start3A_2768] : memref<128x50xi32, #tpu.memory_space<vmem>> -> memref<1x50xi32, #tpu.memory_space<vmem>>
      %dma_start3A_2770 = tpu.memref_squeeze %dma_start3A_2769 : memref<1x50xi32, #tpu.memory_space<vmem>> -> memref<50xi32, #tpu.memory_space<vmem>>
      %dma_start3A_2771 = arith.constant 0 : i32
      %dma_start3A_2772 = arith.constant 0 : i32
      %dma_start3A_2773 = tpu.memref_slice %arg2[%dma_start3A_2771, %dma_start3A_2772] : memref<100000x128xf32, #tpu.memory_space<hbm>> -> memref<100000x128xf32, #tpu.memory_space<hbm>>
      %dma_start3A_2774 = tpu.memref_slice %arg7[%dma_start3A_2763] : memref<8x!tpu.dma_semaphore, #tpu.memory_space<semaphore_mem>> -> memref<1x!tpu.dma_semaphore, #tpu.memory_space<semaphore_mem>>
      %dma_start3A_2775 = tpu.memref_squeeze %dma_start3A_2774 : memref<1x!tpu.dma_semaphore, #tpu.memory_space<semaphore_mem>> -> memref<!tpu.dma_semaphore, #tpu.memory_space<semaphore_mem>>
      tpu.enqueue_indirect_dma source(%dma_start3A_2773 : memref<100000x128xf32, #tpu.memory_space<hbm>>) target(%dma_start3A_2767 : memref<50x128xf32, #tpu.memory_space<vmem>>) offsets(%dma_start3A_2770 : memref<50xi32, #tpu.memory_space<vmem>>) semaphore(%dma_start3A_2775 : memref<!tpu.dma_semaphore, #tpu.memory_space<semaphore_mem>>)
    }
    %scan3A_1017 = arith.constant 6 : i32
    %dma_wait3A_1018 = arith.constant 112 : i32
    %dma_wait3A_1019 = arith.constant 0 : i32
    %dma_wait3A_1020 = arith.constant 0 : i32
    %dma_wait3A_1021 = arith.constant 0 : i32
    %dma_wait3A_1022 = arith.constant 0 : i32
    %dma_wait3A_1023 = arith.constant 0 : i32
    %dma_wait3A_1024 = tpu.memref_slice %arg6[%dma_wait3A_1019, %dma_wait3A_1020, %dma_wait3A_1022, %dma_wait3A_1023] : memref<8x2x50x128xf32, #tpu.memory_space<vmem>> -> memref<1x1x50x128xf32, #tpu.memory_space<vmem>>
    %dma_wait3A_1025 = tpu.memref_squeeze %dma_wait3A_1024 : memref<1x1x50x128xf32, #tpu.memory_space<vmem>> -> memref<50x128xf32, #tpu.memory_space<vmem>>
    %dma_wait3A_1026 = arith.constant 0 : i32
    %dma_wait3A_1027 = tpu.memref_slice %arg5[%dma_wait3A_1018, %dma_wait3A_1026] : memref<128x50xi32, #tpu.memory_space<vmem>> -> memref<1x50xi32, #tpu.memory_space<vmem>>
    %dma_wait3A_1028 = tpu.memref_squeeze %dma_wait3A_1027 : memref<1x50xi32, #tpu.memory_space<vmem>> -> memref<50xi32, #tpu.memory_space<vmem>>
    %dma_wait3A_1029 = arith.constant 0 : i32
    %dma_wait3A_1030 = arith.constant 0 : i32
    %dma_wait3A_1031 = tpu.memref_slice %arg2[%dma_wait3A_1029, %dma_wait3A_1030] : memref<100000x128xf32, #tpu.memory_space<hbm>> -> memref<100000x128xf32, #tpu.memory_space<hbm>>
    %dma_wait3A_1032 = tpu.memref_slice %arg7[%dma_wait3A_1021] : memref<8x!tpu.dma_semaphore, #tpu.memory_space<semaphore_mem>> -> memref<1x!tpu.dma_semaphore, #tpu.memory_space<semaphore_mem>>
    %dma_wait3A_1033 = tpu.memref_squeeze %dma_wait3A_1032 : memref<1x!tpu.dma_semaphore, #tpu.memory_space<semaphore_mem>> -> memref<!tpu.dma_semaphore, #tpu.memory_space<semaphore_mem>>
    tpu.wait_indirect_dma semaphore(%dma_wait3A_1033 : memref<!tpu.dma_semaphore, #tpu.memory_space<semaphore_mem>>) src(%dma_wait3A_1031 : memref<100000x128xf32, #tpu.memory_space<hbm>>) dst(%dma_wait3A_1025 : memref<50x128xf32, #tpu.memory_space<vmem>>)
    %dma_wait3A_1034 = arith.constant 113 : i32
    %dma_wait3A_1035 = arith.constant 0 : i32
    %dma_wait3A_1036 = arith.constant 1 : i32
    %dma_wait3A_1037 = arith.constant 0 : i32
    %dma_wait3A_1038 = arith.constant 0 : i32
    %dma_wait3A_1039 = arith.constant 0 : i32
    %dma_wait3A_1040 = tpu.memref_slice %arg6[%dma_wait3A_1035, %dma_wait3A_1036, %dma_wait3A_1038, %dma_wait3A_1039] : memref<8x2x50x128xf32, #tpu.memory_space<vmem>> -> memref<1x1x50x128xf32, #tpu.memory_space<vmem>>
    %dma_wait3A_1041 = tpu.memref_squeeze %dma_wait3A_1040 : memref<1x1x50x128xf32, #tpu.memory_space<vmem>> -> memref<50x128xf32, #tpu.memory_space<vmem>>
    %dma_wait3A_1042 = arith.constant 0 : i32
    %dma_wait3A_1043 = tpu.memref_slice %arg5[%dma_wait3A_1034, %dma_wait3A_1042] : memref<128x50xi32, #tpu.memory_space<vmem>> -> memref<1x50xi32, #tpu.memory_space<vmem>>
    %dma_wait3A_1044 = tpu.memref_squeeze %dma_wait3A_1043 : memref<1x50xi32, #tpu.memory_space<vmem>> -> memref<50xi32, #tpu.memory_space<vmem>>
    %dma_wait3A_1045 = arith.constant 0 : i32
    %dma_wait3A_1046 = arith.constant 0 : i32
    %dma_wait3A_1047 = tpu.memref_slice %arg2[%dma_wait3A_1045, %dma_wait3A_1046] : memref<100000x128xf32, #tpu.memory_space<hbm>> -> memref<100000x128xf32, #tpu.memory_space<hbm>>
    %dma_wait3A_1048 = tpu.memref_slice %arg7[%dma_wait3A_1037] : memref<8x!tpu.dma_semaphore, #tpu.memory_space<semaphore_mem>> -> memref<1x!tpu.dma_semaphore, #tpu.memory_space<semaphore_mem>>
    %dma_wait3A_1049 = tpu.memref_squeeze %dma_wait3A_1048 : memref<1x!tpu.dma_semaphore, #tpu.memory_space<semaphore_mem>> -> memref<!tpu.dma_semaphore, #tpu.memory_space<semaphore_mem>>
    tpu.wait_indirect_dma semaphore(%dma_wait3A_1049 : memref<!tpu.dma_semaphore, #tpu.memory_space<semaphore_mem>>) src(%dma_wait3A_1047 : memref<100000x128xf32, #tpu.memory_space<hbm>>) dst(%dma_wait3A_1041 : memref<50x128xf32, #tpu.memory_space<vmem>>)
    %add3A_1050 = arith.constant 112 : i32
    %add3A_1051 = arith.addi %mul3A_2, %add3A_1050 : i32
    %dma_start3A_1052 = arith.constant 0 : i32
    %dma_start3A_1053 = arith.constant 0 : i32
    %dma_start3A_1054 = arith.constant 0 : i32
    %dma_start3A_1055 = arith.constant 0 : i32
    %dma_start3A_1056 = arith.constant 0 : i32
    %dma_start3A_1057 = tpu.memref_slice %arg6[%dma_start3A_1052, %dma_start3A_1054, %dma_start3A_1055, %dma_start3A_1056] : memref<8x2x50x128xf32, #tpu.memory_space<vmem>> -> memref<1x2x50x128xf32, #tpu.memory_space<vmem>>
    %dma_start3A_1058 = tpu.memref_squeeze %dma_start3A_1057 : memref<1x2x50x128xf32, #tpu.memory_space<vmem>> -> memref<2x50x128xf32, #tpu.memory_space<vmem>>
    %dma_start3A_1059 = arith.constant 0 : i32
    %dma_start3A_1060 = arith.constant 0 : i32
    %dma_start3A_1061 = tpu.memref_slice %arg4[%add3A_1051, %dma_start3A_1059, %dma_start3A_1060] : memref<4096x50x128xf32, #tpu.memory_space<hbm>> -> memref<2x50x128xf32, #tpu.memory_space<hbm>>
    %dma_start3A_1062 = tpu.memref_slice %arg8[%dma_start3A_1053] : memref<8x!tpu.dma_semaphore, #tpu.memory_space<semaphore_mem>> -> memref<1x!tpu.dma_semaphore, #tpu.memory_space<semaphore_mem>>
    %dma_start3A_1063 = tpu.memref_squeeze %dma_start3A_1062 : memref<1x!tpu.dma_semaphore, #tpu.memory_space<semaphore_mem>> -> memref<!tpu.dma_semaphore, #tpu.memory_space<semaphore_mem>>
    %dma_start3A_1064 = arith.constant 0 : i32
    %dma_start3A_1065 = arith.constant 0 : i32
    %dma_start3A_1066 = tpu.memref_slice %arg4[%add3A_1051, %dma_start3A_1064, %dma_start3A_1065] : memref<4096x50x128xf32, #tpu.memory_space<hbm>> -> memref<2x50x128xf32, #tpu.memory_space<hbm>>
    %dma_start3A_1067 = arith.constant 0 : i32
    %dma_start3A_1068 = arith.constant 0 : i32
    %dma_start3A_1069 = arith.constant 0 : i32
    %dma_start3A_1070 = tpu.memref_slice %arg6[%dma_start3A_1052, %dma_start3A_1067, %dma_start3A_1068, %dma_start3A_1069] : memref<8x2x50x128xf32, #tpu.memory_space<vmem>> -> memref<1x2x50x128xf32, #tpu.memory_space<vmem>>
    %dma_start3A_1071 = tpu.memref_squeeze %dma_start3A_1070 : memref<1x2x50x128xf32, #tpu.memory_space<vmem>> -> memref<2x50x128xf32, #tpu.memory_space<vmem>>
    tpu.enqueue_dma source(%dma_start3A_1071 : memref<2x50x128xf32, #tpu.memory_space<vmem>>) target(%dma_start3A_1066 : memref<2x50x128xf32, #tpu.memory_space<hbm>>) target_semaphore(%dma_start3A_1063 : memref<!tpu.dma_semaphore, #tpu.memory_space<semaphore_mem>>)
    %add3A_1072 = arith.constant 108 : i32
    %add3A_1073 = arith.addi %mul3A_2, %add3A_1072 : i32
    %dma_wait3A_1074 = arith.constant 6 : i32
    %dma_wait3A_1075 = arith.constant 6 : i32
    %dma_wait3A_1076 = arith.constant 0 : i32
    %dma_wait3A_1077 = arith.constant 0 : i32
    %dma_wait3A_1078 = arith.constant 0 : i32
    %dma_wait3A_1079 = tpu.memref_slice %arg6[%dma_wait3A_1074, %dma_wait3A_1076, %dma_wait3A_1077, %dma_wait3A_1078] : memref<8x2x50x128xf32, #tpu.memory_space<vmem>> -> memref<1x2x50x128xf32, #tpu.memory_space<vmem>>
    %dma_wait3A_1080 = tpu.memref_squeeze %dma_wait3A_1079 : memref<1x2x50x128xf32, #tpu.memory_space<vmem>> -> memref<2x50x128xf32, #tpu.memory_space<vmem>>
    %dma_wait3A_1081 = arith.constant 0 : i32
    %dma_wait3A_1082 = arith.constant 0 : i32
    %dma_wait3A_1083 = tpu.memref_slice %arg4[%add3A_1073, %dma_wait3A_1081, %dma_wait3A_1082] : memref<4096x50x128xf32, #tpu.memory_space<hbm>> -> memref<2x50x128xf32, #tpu.memory_space<hbm>>
    %dma_wait3A_1084 = tpu.memref_slice %arg8[%dma_wait3A_1075] : memref<8x!tpu.dma_semaphore, #tpu.memory_space<semaphore_mem>> -> memref<1x!tpu.dma_semaphore, #tpu.memory_space<semaphore_mem>>
    %dma_wait3A_1085 = tpu.memref_squeeze %dma_wait3A_1084 : memref<1x!tpu.dma_semaphore, #tpu.memory_space<semaphore_mem>> -> memref<!tpu.dma_semaphore, #tpu.memory_space<semaphore_mem>>
    %dma_wait3A_1086 = arith.constant 0 : i32
    %dma_wait3A_1087 = arith.constant 0 : i32
    %dma_wait3A_1088 = tpu.memref_slice %arg4[%add3A_1073, %dma_wait3A_1086, %dma_wait3A_1087] : memref<4096x50x128xf32, #tpu.memory_space<hbm>> -> memref<2x50x128xf32, #tpu.memory_space<hbm>>
    %dma_wait3A_1089 = arith.constant 0 : i32
    %dma_wait3A_1090 = arith.constant 0 : i32
    %dma_wait3A_1091 = arith.constant 0 : i32
    %dma_wait3A_1092 = tpu.memref_slice %arg6[%dma_wait3A_1074, %dma_wait3A_1089, %dma_wait3A_1090, %dma_wait3A_1091] : memref<8x2x50x128xf32, #tpu.memory_space<vmem>> -> memref<1x2x50x128xf32, #tpu.memory_space<vmem>>
    %dma_wait3A_1093 = tpu.memref_squeeze %dma_wait3A_1092 : memref<1x2x50x128xf32, #tpu.memory_space<vmem>> -> memref<2x50x128xf32, #tpu.memory_space<vmem>>
    tpu.wait_dma2 semaphore(%dma_wait3A_1085 : memref<!tpu.dma_semaphore, #tpu.memory_space<semaphore_mem>>) src(%dma_wait3A_1093 : memref<2x50x128xf32, #tpu.memory_space<vmem>>) dst(%dma_wait3A_1088 : memref<2x50x128xf32, #tpu.memory_space<hbm>>)
    %dma_start3A_1094 = arith.constant 124 : i32
    %dma_start3A_1095 = arith.constant 6 : i32
    %dma_start3A_1096 = arith.constant 0 : i32
    %dma_start3A_1097 = arith.constant 6 : i32
    %dma_start3A_1098 = arith.constant 0 : i32
    %dma_start3A_1099 = arith.constant 0 : i32
    %dma_start3A_1100 = tpu.memref_slice %arg6[%dma_start3A_1095, %dma_start3A_1096, %dma_start3A_1098, %dma_start3A_1099] : memref<8x2x50x128xf32, #tpu.memory_space<vmem>> -> memref<1x1x50x128xf32, #tpu.memory_space<vmem>>
    %dma_start3A_1101 = tpu.memref_squeeze %dma_start3A_1100 : memref<1x1x50x128xf32, #tpu.memory_space<vmem>> -> memref<50x128xf32, #tpu.memory_space<vmem>>
    %dma_start3A_1102 = arith.constant 0 : i32
    %dma_start3A_1103 = tpu.memref_slice %arg5[%dma_start3A_1094, %dma_start3A_1102] : memref<128x50xi32, #tpu.memory_space<vmem>> -> memref<1x50xi32, #tpu.memory_space<vmem>>
    %dma_start3A_1104 = tpu.memref_squeeze %dma_start3A_1103 : memref<1x50xi32, #tpu.memory_space<vmem>> -> memref<50xi32, #tpu.memory_space<vmem>>
    %dma_start3A_1105 = arith.constant 0 : i32
    %dma_start3A_1106 = arith.constant 0 : i32
    %dma_start3A_1107 = tpu.memref_slice %arg2[%dma_start3A_1105, %dma_start3A_1106] : memref<100000x128xf32, #tpu.memory_space<hbm>> -> memref<100000x128xf32, #tpu.memory_space<hbm>>
    %dma_start3A_1108 = tpu.memref_slice %arg7[%dma_start3A_1097] : memref<8x!tpu.dma_semaphore, #tpu.memory_space<semaphore_mem>> -> memref<1x!tpu.dma_semaphore, #tpu.memory_space<semaphore_mem>>
    %dma_start3A_1109 = tpu.memref_squeeze %dma_start3A_1108 : memref<1x!tpu.dma_semaphore, #tpu.memory_space<semaphore_mem>> -> memref<!tpu.dma_semaphore, #tpu.memory_space<semaphore_mem>>
    tpu.enqueue_indirect_dma source(%dma_start3A_1107 : memref<100000x128xf32, #tpu.memory_space<hbm>>) target(%dma_start3A_1101 : memref<50x128xf32, #tpu.memory_space<vmem>>) offsets(%dma_start3A_1104 : memref<50xi32, #tpu.memory_space<vmem>>) semaphore(%dma_start3A_1109 : memref<!tpu.dma_semaphore, #tpu.memory_space<semaphore_mem>>)
    %dma_start3A_1110 = arith.constant 125 : i32
    %dma_start3A_1111 = arith.constant 6 : i32
    %dma_start3A_1112 = arith.constant 1 : i32
    %dma_start3A_1113 = arith.constant 6 : i32
    %dma_start3A_1114 = arith.constant 0 : i32
    %dma_start3A_1115 = arith.constant 0 : i32
    %dma_start3A_1116 = tpu.memref_slice %arg6[%dma_start3A_1111, %dma_start3A_1112, %dma_start3A_1114, %dma_start3A_1115] : memref<8x2x50x128xf32, #tpu.memory_space<vmem>> -> memref<1x1x50x128xf32, #tpu.memory_space<vmem>>
    %dma_start3A_1117 = tpu.memref_squeeze %dma_start3A_1116 : memref<1x1x50x128xf32, #tpu.memory_space<vmem>> -> memref<50x128xf32, #tpu.memory_space<vmem>>
    %dma_start3A_1118 = arith.constant 0 : i32
    %dma_start3A_1119 = tpu.memref_slice %arg5[%dma_start3A_1110, %dma_start3A_1118] : memref<128x50xi32, #tpu.memory_space<vmem>> -> memref<1x50xi32, #tpu.memory_space<vmem>>
    %dma_start3A_1120 = tpu.memref_squeeze %dma_start3A_1119 : memref<1x50xi32, #tpu.memory_space<vmem>> -> memref<50xi32, #tpu.memory_space<vmem>>
    %dma_start3A_1121 = arith.constant 0 : i32
    %dma_start3A_1122 = arith.constant 0 : i32
    %dma_start3A_1123 = tpu.memref_slice %arg2[%dma_start3A_1121, %dma_start3A_1122] : memref<100000x128xf32, #tpu.memory_space<hbm>> -> memref<100000x128xf32, #tpu.memory_space<hbm>>
    %dma_start3A_1124 = tpu.memref_slice %arg7[%dma_start3A_1113] : memref<8x!tpu.dma_semaphore, #tpu.memory_space<semaphore_mem>> -> memref<1x!tpu.dma_semaphore, #tpu.memory_space<semaphore_mem>>
    %dma_start3A_1125 = tpu.memref_squeeze %dma_start3A_1124 : memref<1x!tpu.dma_semaphore, #tpu.memory_space<semaphore_mem>> -> memref<!tpu.dma_semaphore, #tpu.memory_space<semaphore_mem>>
    tpu.enqueue_indirect_dma source(%dma_start3A_1123 : memref<100000x128xf32, #tpu.memory_space<hbm>>) target(%dma_start3A_1117 : memref<50x128xf32, #tpu.memory_space<vmem>>) offsets(%dma_start3A_1120 : memref<50xi32, #tpu.memory_space<vmem>>) semaphore(%dma_start3A_1125 : memref<!tpu.dma_semaphore, #tpu.memory_space<semaphore_mem>>)
    %dma_wait3A_1126 = arith.constant 114 : i32
    %dma_wait3A_1127 = arith.constant 1 : i32
    %dma_wait3A_1128 = arith.constant 0 : i32
    %dma_wait3A_1129 = arith.constant 1 : i32
    %dma_wait3A_1130 = arith.constant 0 : i32
    %dma_wait3A_1131 = arith.constant 0 : i32
    %dma_wait3A_1132 = tpu.memref_slice %arg6[%dma_wait3A_1127, %dma_wait3A_1128, %dma_wait3A_1130, %dma_wait3A_1131] : memref<8x2x50x128xf32, #tpu.memory_space<vmem>> -> memref<1x1x50x128xf32, #tpu.memory_space<vmem>>
    %dma_wait3A_1133 = tpu.memref_squeeze %dma_wait3A_1132 : memref<1x1x50x128xf32, #tpu.memory_space<vmem>> -> memref<50x128xf32, #tpu.memory_space<vmem>>
    %dma_wait3A_1134 = arith.constant 0 : i32
    %dma_wait3A_1135 = tpu.memref_slice %arg5[%dma_wait3A_1126, %dma_wait3A_1134] : memref<128x50xi32, #tpu.memory_space<vmem>> -> memref<1x50xi32, #tpu.memory_space<vmem>>
    %dma_wait3A_1136 = tpu.memref_squeeze %dma_wait3A_1135 : memref<1x50xi32, #tpu.memory_space<vmem>> -> memref<50xi32, #tpu.memory_space<vmem>>
    %dma_wait3A_1137 = arith.constant 0 : i32
    %dma_wait3A_1138 = arith.constant 0 : i32
    %dma_wait3A_1139 = tpu.memref_slice %arg2[%dma_wait3A_1137, %dma_wait3A_1138] : memref<100000x128xf32, #tpu.memory_space<hbm>> -> memref<100000x128xf32, #tpu.memory_space<hbm>>
    %dma_wait3A_1140 = tpu.memref_slice %arg7[%dma_wait3A_1129] : memref<8x!tpu.dma_semaphore, #tpu.memory_space<semaphore_mem>> -> memref<1x!tpu.dma_semaphore, #tpu.memory_space<semaphore_mem>>
    %dma_wait3A_1141 = tpu.memref_squeeze %dma_wait3A_1140 : memref<1x!tpu.dma_semaphore, #tpu.memory_space<semaphore_mem>> -> memref<!tpu.dma_semaphore, #tpu.memory_space<semaphore_mem>>
    tpu.wait_indirect_dma semaphore(%dma_wait3A_1141 : memref<!tpu.dma_semaphore, #tpu.memory_space<semaphore_mem>>) src(%dma_wait3A_1139 : memref<100000x128xf32, #tpu.memory_space<hbm>>) dst(%dma_wait3A_1133 : memref<50x128xf32, #tpu.memory_space<vmem>>)
    %dma_wait3A_1142 = arith.constant 115 : i32
    %dma_wait3A_1143 = arith.constant 1 : i32
    %dma_wait3A_1144 = arith.constant 1 : i32
    %dma_wait3A_1145 = arith.constant 1 : i32
    %dma_wait3A_1146 = arith.constant 0 : i32
    %dma_wait3A_1147 = arith.constant 0 : i32
    %dma_wait3A_1148 = tpu.memref_slice %arg6[%dma_wait3A_1143, %dma_wait3A_1144, %dma_wait3A_1146, %dma_wait3A_1147] : memref<8x2x50x128xf32, #tpu.memory_space<vmem>> -> memref<1x1x50x128xf32, #tpu.memory_space<vmem>>
    %dma_wait3A_1149 = tpu.memref_squeeze %dma_wait3A_1148 : memref<1x1x50x128xf32, #tpu.memory_space<vmem>> -> memref<50x128xf32, #tpu.memory_space<vmem>>
    %dma_wait3A_1150 = arith.constant 0 : i32
    %dma_wait3A_1151 = tpu.memref_slice %arg5[%dma_wait3A_1142, %dma_wait3A_1150] : memref<128x50xi32, #tpu.memory_space<vmem>> -> memref<1x50xi32, #tpu.memory_space<vmem>>
    %dma_wait3A_1152 = tpu.memref_squeeze %dma_wait3A_1151 : memref<1x50xi32, #tpu.memory_space<vmem>> -> memref<50xi32, #tpu.memory_space<vmem>>
    %dma_wait3A_1153 = arith.constant 0 : i32
    %dma_wait3A_1154 = arith.constant 0 : i32
    %dma_wait3A_1155 = tpu.memref_slice %arg2[%dma_wait3A_1153, %dma_wait3A_1154] : memref<100000x128xf32, #tpu.memory_space<hbm>> -> memref<100000x128xf32, #tpu.memory_space<hbm>>
    %dma_wait3A_1156 = tpu.memref_slice %arg7[%dma_wait3A_1145] : memref<8x!tpu.dma_semaphore, #tpu.memory_space<semaphore_mem>> -> memref<1x!tpu.dma_semaphore, #tpu.memory_space<semaphore_mem>>
    %dma_wait3A_1157 = tpu.memref_squeeze %dma_wait3A_1156 : memref<1x!tpu.dma_semaphore, #tpu.memory_space<semaphore_mem>> -> memref<!tpu.dma_semaphore, #tpu.memory_space<semaphore_mem>>
    tpu.wait_indirect_dma semaphore(%dma_wait3A_1157 : memref<!tpu.dma_semaphore, #tpu.memory_space<semaphore_mem>>) src(%dma_wait3A_1155 : memref<100000x128xf32, #tpu.memory_space<hbm>>) dst(%dma_wait3A_1149 : memref<50x128xf32, #tpu.memory_space<vmem>>)
    %add3A_1158 = arith.constant 114 : i32
    %add3A_1159 = arith.addi %mul3A_2, %add3A_1158 : i32
    %dma_start3A_1160 = arith.constant 1 : i32
    %dma_start3A_1161 = arith.constant 1 : i32
    %dma_start3A_1162 = arith.constant 0 : i32
    %dma_start3A_1163 = arith.constant 0 : i32
    %dma_start3A_1164 = arith.constant 0 : i32
    %dma_start3A_1165 = tpu.memref_slice %arg6[%dma_start3A_1160, %dma_start3A_1162, %dma_start3A_1163, %dma_start3A_1164] : memref<8x2x50x128xf32, #tpu.memory_space<vmem>> -> memref<1x2x50x128xf32, #tpu.memory_space<vmem>>
    %dma_start3A_1166 = tpu.memref_squeeze %dma_start3A_1165 : memref<1x2x50x128xf32, #tpu.memory_space<vmem>> -> memref<2x50x128xf32, #tpu.memory_space<vmem>>
    %dma_start3A_1167 = arith.constant 0 : i32
    %dma_start3A_1168 = arith.constant 0 : i32
    %dma_start3A_1169 = tpu.memref_slice %arg4[%add3A_1159, %dma_start3A_1167, %dma_start3A_1168] : memref<4096x50x128xf32, #tpu.memory_space<hbm>> -> memref<2x50x128xf32, #tpu.memory_space<hbm>>
    %dma_start3A_1170 = tpu.memref_slice %arg8[%dma_start3A_1161] : memref<8x!tpu.dma_semaphore, #tpu.memory_space<semaphore_mem>> -> memref<1x!tpu.dma_semaphore, #tpu.memory_space<semaphore_mem>>
    %dma_start3A_1171 = tpu.memref_squeeze %dma_start3A_1170 : memref<1x!tpu.dma_semaphore, #tpu.memory_space<semaphore_mem>> -> memref<!tpu.dma_semaphore, #tpu.memory_space<semaphore_mem>>
    %dma_start3A_1172 = arith.constant 0 : i32
    %dma_start3A_1173 = arith.constant 0 : i32
    %dma_start3A_1174 = tpu.memref_slice %arg4[%add3A_1159, %dma_start3A_1172, %dma_start3A_1173] : memref<4096x50x128xf32, #tpu.memory_space<hbm>> -> memref<2x50x128xf32, #tpu.memory_space<hbm>>
    %dma_start3A_1175 = arith.constant 0 : i32
    %dma_start3A_1176 = arith.constant 0 : i32
    %dma_start3A_1177 = arith.constant 0 : i32
    %dma_start3A_1178 = tpu.memref_slice %arg6[%dma_start3A_1160, %dma_start3A_1175, %dma_start3A_1176, %dma_start3A_1177] : memref<8x2x50x128xf32, #tpu.memory_space<vmem>> -> memref<1x2x50x128xf32, #tpu.memory_space<vmem>>
    %dma_start3A_1179 = tpu.memref_squeeze %dma_start3A_1178 : memref<1x2x50x128xf32, #tpu.memory_space<vmem>> -> memref<2x50x128xf32, #tpu.memory_space<vmem>>
    tpu.enqueue_dma source(%dma_start3A_1179 : memref<2x50x128xf32, #tpu.memory_space<vmem>>) target(%dma_start3A_1174 : memref<2x50x128xf32, #tpu.memory_space<hbm>>) target_semaphore(%dma_start3A_1171 : memref<!tpu.dma_semaphore, #tpu.memory_space<semaphore_mem>>)
    %add3A_1180 = arith.constant 110 : i32
    %add3A_1181 = arith.addi %mul3A_2, %add3A_1180 : i32
    %dma_wait3A_1182 = arith.constant 7 : i32
    %dma_wait3A_1183 = arith.constant 7 : i32
    %dma_wait3A_1184 = arith.constant 0 : i32
    %dma_wait3A_1185 = arith.constant 0 : i32
    %dma_wait3A_1186 = arith.constant 0 : i32
    %dma_wait3A_1187 = tpu.memref_slice %arg6[%dma_wait3A_1182, %dma_wait3A_1184, %dma_wait3A_1185, %dma_wait3A_1186] : memref<8x2x50x128xf32, #tpu.memory_space<vmem>> -> memref<1x2x50x128xf32, #tpu.memory_space<vmem>>
    %dma_wait3A_1188 = tpu.memref_squeeze %dma_wait3A_1187 : memref<1x2x50x128xf32, #tpu.memory_space<vmem>> -> memref<2x50x128xf32, #tpu.memory_space<vmem>>
    %dma_wait3A_1189 = arith.constant 0 : i32
    %dma_wait3A_1190 = arith.constant 0 : i32
    %dma_wait3A_1191 = tpu.memref_slice %arg4[%add3A_1181, %dma_wait3A_1189, %dma_wait3A_1190] : memref<4096x50x128xf32, #tpu.memory_space<hbm>> -> memref<2x50x128xf32, #tpu.memory_space<hbm>>
    %dma_wait3A_1192 = tpu.memref_slice %arg8[%dma_wait3A_1183] : memref<8x!tpu.dma_semaphore, #tpu.memory_space<semaphore_mem>> -> memref<1x!tpu.dma_semaphore, #tpu.memory_space<semaphore_mem>>
    %dma_wait3A_1193 = tpu.memref_squeeze %dma_wait3A_1192 : memref<1x!tpu.dma_semaphore, #tpu.memory_space<semaphore_mem>> -> memref<!tpu.dma_semaphore, #tpu.memory_space<semaphore_mem>>
    %dma_wait3A_1194 = arith.constant 0 : i32
    %dma_wait3A_1195 = arith.constant 0 : i32
    %dma_wait3A_1196 = tpu.memref_slice %arg4[%add3A_1181, %dma_wait3A_1194, %dma_wait3A_1195] : memref<4096x50x128xf32, #tpu.memory_space<hbm>> -> memref<2x50x128xf32, #tpu.memory_space<hbm>>
    %dma_wait3A_1197 = arith.constant 0 : i32
    %dma_wait3A_1198 = arith.constant 0 : i32
    %dma_wait3A_1199 = arith.constant 0 : i32
    %dma_wait3A_1200 = tpu.memref_slice %arg6[%dma_wait3A_1182, %dma_wait3A_1197, %dma_wait3A_1198, %dma_wait3A_1199] : memref<8x2x50x128xf32, #tpu.memory_space<vmem>> -> memref<1x2x50x128xf32, #tpu.memory_space<vmem>>
    %dma_wait3A_1201 = tpu.memref_squeeze %dma_wait3A_1200 : memref<1x2x50x128xf32, #tpu.memory_space<vmem>> -> memref<2x50x128xf32, #tpu.memory_space<vmem>>
    tpu.wait_dma2 semaphore(%dma_wait3A_1193 : memref<!tpu.dma_semaphore, #tpu.memory_space<semaphore_mem>>) src(%dma_wait3A_1201 : memref<2x50x128xf32, #tpu.memory_space<vmem>>) dst(%dma_wait3A_1196 : memref<2x50x128xf32, #tpu.memory_space<hbm>>)
    %dma_start3A_1202 = arith.constant 126 : i32
    %dma_start3A_1203 = arith.constant 7 : i32
    %dma_start3A_1204 = arith.constant 0 : i32
    %dma_start3A_1205 = arith.constant 7 : i32
    %dma_start3A_1206 = arith.constant 0 : i32
    %dma_start3A_1207 = arith.constant 0 : i32
    %dma_start3A_1208 = tpu.memref_slice %arg6[%dma_start3A_1203, %dma_start3A_1204, %dma_start3A_1206, %dma_start3A_1207] : memref<8x2x50x128xf32, #tpu.memory_space<vmem>> -> memref<1x1x50x128xf32, #tpu.memory_space<vmem>>
    %dma_start3A_1209 = tpu.memref_squeeze %dma_start3A_1208 : memref<1x1x50x128xf32, #tpu.memory_space<vmem>> -> memref<50x128xf32, #tpu.memory_space<vmem>>
    %dma_start3A_1210 = arith.constant 0 : i32
    %dma_start3A_1211 = tpu.memref_slice %arg5[%dma_start3A_1202, %dma_start3A_1210] : memref<128x50xi32, #tpu.memory_space<vmem>> -> memref<1x50xi32, #tpu.memory_space<vmem>>
    %dma_start3A_1212 = tpu.memref_squeeze %dma_start3A_1211 : memref<1x50xi32, #tpu.memory_space<vmem>> -> memref<50xi32, #tpu.memory_space<vmem>>
    %dma_start3A_1213 = arith.constant 0 : i32
    %dma_start3A_1214 = arith.constant 0 : i32
    %dma_start3A_1215 = tpu.memref_slice %arg2[%dma_start3A_1213, %dma_start3A_1214] : memref<100000x128xf32, #tpu.memory_space<hbm>> -> memref<100000x128xf32, #tpu.memory_space<hbm>>
    %dma_start3A_1216 = tpu.memref_slice %arg7[%dma_start3A_1205] : memref<8x!tpu.dma_semaphore, #tpu.memory_space<semaphore_mem>> -> memref<1x!tpu.dma_semaphore, #tpu.memory_space<semaphore_mem>>
    %dma_start3A_1217 = tpu.memref_squeeze %dma_start3A_1216 : memref<1x!tpu.dma_semaphore, #tpu.memory_space<semaphore_mem>> -> memref<!tpu.dma_semaphore, #tpu.memory_space<semaphore_mem>>
    tpu.enqueue_indirect_dma source(%dma_start3A_1215 : memref<100000x128xf32, #tpu.memory_space<hbm>>) target(%dma_start3A_1209 : memref<50x128xf32, #tpu.memory_space<vmem>>) offsets(%dma_start3A_1212 : memref<50xi32, #tpu.memory_space<vmem>>) semaphore(%dma_start3A_1217 : memref<!tpu.dma_semaphore, #tpu.memory_space<semaphore_mem>>)
    %dma_start3A_1218 = arith.constant 127 : i32
    %dma_start3A_1219 = arith.constant 7 : i32
    %dma_start3A_1220 = arith.constant 1 : i32
    %dma_start3A_1221 = arith.constant 7 : i32
    %dma_start3A_1222 = arith.constant 0 : i32
    %dma_start3A_1223 = arith.constant 0 : i32
    %dma_start3A_1224 = tpu.memref_slice %arg6[%dma_start3A_1219, %dma_start3A_1220, %dma_start3A_1222, %dma_start3A_1223] : memref<8x2x50x128xf32, #tpu.memory_space<vmem>> -> memref<1x1x50x128xf32, #tpu.memory_space<vmem>>
    %dma_start3A_1225 = tpu.memref_squeeze %dma_start3A_1224 : memref<1x1x50x128xf32, #tpu.memory_space<vmem>> -> memref<50x128xf32, #tpu.memory_space<vmem>>
    %dma_start3A_1226 = arith.constant 0 : i32
    %dma_start3A_1227 = tpu.memref_slice %arg5[%dma_start3A_1218, %dma_start3A_1226] : memref<128x50xi32, #tpu.memory_space<vmem>> -> memref<1x50xi32, #tpu.memory_space<vmem>>
    %dma_start3A_1228 = tpu.memref_squeeze %dma_start3A_1227 : memref<1x50xi32, #tpu.memory_space<vmem>> -> memref<50xi32, #tpu.memory_space<vmem>>
    %dma_start3A_1229 = arith.constant 0 : i32
    %dma_start3A_1230 = arith.constant 0 : i32
    %dma_start3A_1231 = tpu.memref_slice %arg2[%dma_start3A_1229, %dma_start3A_1230] : memref<100000x128xf32, #tpu.memory_space<hbm>> -> memref<100000x128xf32, #tpu.memory_space<hbm>>
    %dma_start3A_1232 = tpu.memref_slice %arg7[%dma_start3A_1221] : memref<8x!tpu.dma_semaphore, #tpu.memory_space<semaphore_mem>> -> memref<1x!tpu.dma_semaphore, #tpu.memory_space<semaphore_mem>>
    %dma_start3A_1233 = tpu.memref_squeeze %dma_start3A_1232 : memref<1x!tpu.dma_semaphore, #tpu.memory_space<semaphore_mem>> -> memref<!tpu.dma_semaphore, #tpu.memory_space<semaphore_mem>>
    tpu.enqueue_indirect_dma source(%dma_start3A_1231 : memref<100000x128xf32, #tpu.memory_space<hbm>>) target(%dma_start3A_1225 : memref<50x128xf32, #tpu.memory_space<vmem>>) offsets(%dma_start3A_1228 : memref<50xi32, #tpu.memory_space<vmem>>) semaphore(%dma_start3A_1233 : memref<!tpu.dma_semaphore, #tpu.memory_space<semaphore_mem>>)
    %dma_wait3A_1234 = arith.constant 116 : i32
    %dma_wait3A_1235 = arith.constant 2 : i32
    %dma_wait3A_1236 = arith.constant 0 : i32
    %dma_wait3A_1237 = arith.constant 2 : i32
    %dma_wait3A_1238 = arith.constant 0 : i32
    %dma_wait3A_1239 = arith.constant 0 : i32
    %dma_wait3A_1240 = tpu.memref_slice %arg6[%dma_wait3A_1235, %dma_wait3A_1236, %dma_wait3A_1238, %dma_wait3A_1239] : memref<8x2x50x128xf32, #tpu.memory_space<vmem>> -> memref<1x1x50x128xf32, #tpu.memory_space<vmem>>
    %dma_wait3A_1241 = tpu.memref_squeeze %dma_wait3A_1240 : memref<1x1x50x128xf32, #tpu.memory_space<vmem>> -> memref<50x128xf32, #tpu.memory_space<vmem>>
    %dma_wait3A_1242 = arith.constant 0 : i32
    %dma_wait3A_1243 = tpu.memref_slice %arg5[%dma_wait3A_1234, %dma_wait3A_1242] : memref<128x50xi32, #tpu.memory_space<vmem>> -> memref<1x50xi32, #tpu.memory_space<vmem>>
    %dma_wait3A_1244 = tpu.memref_squeeze %dma_wait3A_1243 : memref<1x50xi32, #tpu.memory_space<vmem>> -> memref<50xi32, #tpu.memory_space<vmem>>
    %dma_wait3A_1245 = arith.constant 0 : i32
    %dma_wait3A_1246 = arith.constant 0 : i32
    %dma_wait3A_1247 = tpu.memref_slice %arg2[%dma_wait3A_1245, %dma_wait3A_1246] : memref<100000x128xf32, #tpu.memory_space<hbm>> -> memref<100000x128xf32, #tpu.memory_space<hbm>>
    %dma_wait3A_1248 = tpu.memref_slice %arg7[%dma_wait3A_1237] : memref<8x!tpu.dma_semaphore, #tpu.memory_space<semaphore_mem>> -> memref<1x!tpu.dma_semaphore, #tpu.memory_space<semaphore_mem>>
    %dma_wait3A_1249 = tpu.memref_squeeze %dma_wait3A_1248 : memref<1x!tpu.dma_semaphore, #tpu.memory_space<semaphore_mem>> -> memref<!tpu.dma_semaphore, #tpu.memory_space<semaphore_mem>>
    tpu.wait_indirect_dma semaphore(%dma_wait3A_1249 : memref<!tpu.dma_semaphore, #tpu.memory_space<semaphore_mem>>) src(%dma_wait3A_1247 : memref<100000x128xf32, #tpu.memory_space<hbm>>) dst(%dma_wait3A_1241 : memref<50x128xf32, #tpu.memory_space<vmem>>)
    %dma_wait3A_1250 = arith.constant 117 : i32
    %dma_wait3A_1251 = arith.constant 2 : i32
    %dma_wait3A_1252 = arith.constant 1 : i32
    %dma_wait3A_1253 = arith.constant 2 : i32
    %dma_wait3A_1254 = arith.constant 0 : i32
    %dma_wait3A_1255 = arith.constant 0 : i32
    %dma_wait3A_1256 = tpu.memref_slice %arg6[%dma_wait3A_1251, %dma_wait3A_1252, %dma_wait3A_1254, %dma_wait3A_1255] : memref<8x2x50x128xf32, #tpu.memory_space<vmem>> -> memref<1x1x50x128xf32, #tpu.memory_space<vmem>>
    %dma_wait3A_1257 = tpu.memref_squeeze %dma_wait3A_1256 : memref<1x1x50x128xf32, #tpu.memory_space<vmem>> -> memref<50x128xf32, #tpu.memory_space<vmem>>
    %dma_wait3A_1258 = arith.constant 0 : i32
    %dma_wait3A_1259 = tpu.memref_slice %arg5[%dma_wait3A_1250, %dma_wait3A_1258] : memref<128x50xi32, #tpu.memory_space<vmem>> -> memref<1x50xi32, #tpu.memory_space<vmem>>
    %dma_wait3A_1260 = tpu.memref_squeeze %dma_wait3A_1259 : memref<1x50xi32, #tpu.memory_space<vmem>> -> memref<50xi32, #tpu.memory_space<vmem>>
    %dma_wait3A_1261 = arith.constant 0 : i32
    %dma_wait3A_1262 = arith.constant 0 : i32
    %dma_wait3A_1263 = tpu.memref_slice %arg2[%dma_wait3A_1261, %dma_wait3A_1262] : memref<100000x128xf32, #tpu.memory_space<hbm>> -> memref<100000x128xf32, #tpu.memory_space<hbm>>
    %dma_wait3A_1264 = tpu.memref_slice %arg7[%dma_wait3A_1253] : memref<8x!tpu.dma_semaphore, #tpu.memory_space<semaphore_mem>> -> memref<1x!tpu.dma_semaphore, #tpu.memory_space<semaphore_mem>>
    %dma_wait3A_1265 = tpu.memref_squeeze %dma_wait3A_1264 : memref<1x!tpu.dma_semaphore, #tpu.memory_space<semaphore_mem>> -> memref<!tpu.dma_semaphore, #tpu.memory_space<semaphore_mem>>
    tpu.wait_indirect_dma semaphore(%dma_wait3A_1265 : memref<!tpu.dma_semaphore, #tpu.memory_space<semaphore_mem>>) src(%dma_wait3A_1263 : memref<100000x128xf32, #tpu.memory_space<hbm>>) dst(%dma_wait3A_1257 : memref<50x128xf32, #tpu.memory_space<vmem>>)
    %add3A_1266 = arith.constant 116 : i32
    %add3A_1267 = arith.addi %mul3A_2, %add3A_1266 : i32
    %dma_start3A_1268 = arith.constant 2 : i32
    %dma_start3A_1269 = arith.constant 2 : i32
    %dma_start3A_1270 = arith.constant 0 : i32
    %dma_start3A_1271 = arith.constant 0 : i32
    %dma_start3A_1272 = arith.constant 0 : i32
    %dma_start3A_1273 = tpu.memref_slice %arg6[%dma_start3A_1268, %dma_start3A_1270, %dma_start3A_1271, %dma_start3A_1272] : memref<8x2x50x128xf32, #tpu.memory_space<vmem>> -> memref<1x2x50x128xf32, #tpu.memory_space<vmem>>
    %dma_start3A_1274 = tpu.memref_squeeze %dma_start3A_1273 : memref<1x2x50x128xf32, #tpu.memory_space<vmem>> -> memref<2x50x128xf32, #tpu.memory_space<vmem>>
    %dma_start3A_1275 = arith.constant 0 : i32
    %dma_start3A_1276 = arith.constant 0 : i32
    %dma_start3A_1277 = tpu.memref_slice %arg4[%add3A_1267, %dma_start3A_1275, %dma_start3A_1276] : memref<4096x50x128xf32, #tpu.memory_space<hbm>> -> memref<2x50x128xf32, #tpu.memory_space<hbm>>
    %dma_start3A_1278 = tpu.memref_slice %arg8[%dma_start3A_1269] : memref<8x!tpu.dma_semaphore, #tpu.memory_space<semaphore_mem>> -> memref<1x!tpu.dma_semaphore, #tpu.memory_space<semaphore_mem>>
    %dma_start3A_1279 = tpu.memref_squeeze %dma_start3A_1278 : memref<1x!tpu.dma_semaphore, #tpu.memory_space<semaphore_mem>> -> memref<!tpu.dma_semaphore, #tpu.memory_space<semaphore_mem>>
    %dma_start3A_1280 = arith.constant 0 : i32
    %dma_start3A_1281 = arith.constant 0 : i32
    %dma_start3A_1282 = tpu.memref_slice %arg4[%add3A_1267, %dma_start3A_1280, %dma_start3A_1281] : memref<4096x50x128xf32, #tpu.memory_space<hbm>> -> memref<2x50x128xf32, #tpu.memory_space<hbm>>
    %dma_start3A_1283 = arith.constant 0 : i32
    %dma_start3A_1284 = arith.constant 0 : i32
    %dma_start3A_1285 = arith.constant 0 : i32
    %dma_start3A_1286 = tpu.memref_slice %arg6[%dma_start3A_1268, %dma_start3A_1283, %dma_start3A_1284, %dma_start3A_1285] : memref<8x2x50x128xf32, #tpu.memory_space<vmem>> -> memref<1x2x50x128xf32, #tpu.memory_space<vmem>>
    %dma_start3A_1287 = tpu.memref_squeeze %dma_start3A_1286 : memref<1x2x50x128xf32, #tpu.memory_space<vmem>> -> memref<2x50x128xf32, #tpu.memory_space<vmem>>
    tpu.enqueue_dma source(%dma_start3A_1287 : memref<2x50x128xf32, #tpu.memory_space<vmem>>) target(%dma_start3A_1282 : memref<2x50x128xf32, #tpu.memory_space<hbm>>) target_semaphore(%dma_start3A_1279 : memref<!tpu.dma_semaphore, #tpu.memory_space<semaphore_mem>>)
    %add3A_1288 = arith.constant 112 : i32
    %add3A_1289 = arith.addi %mul3A_2, %add3A_1288 : i32
    %dma_wait3A_1290 = arith.constant 0 : i32
    %dma_wait3A_1291 = arith.constant 0 : i32
    %dma_wait3A_1292 = arith.constant 0 : i32
    %dma_wait3A_1293 = arith.constant 0 : i32
    %dma_wait3A_1294 = arith.constant 0 : i32
    %dma_wait3A_1295 = tpu.memref_slice %arg6[%dma_wait3A_1290, %dma_wait3A_1292, %dma_wait3A_1293, %dma_wait3A_1294] : memref<8x2x50x128xf32, #tpu.memory_space<vmem>> -> memref<1x2x50x128xf32, #tpu.memory_space<vmem>>
    %dma_wait3A_1296 = tpu.memref_squeeze %dma_wait3A_1295 : memref<1x2x50x128xf32, #tpu.memory_space<vmem>> -> memref<2x50x128xf32, #tpu.memory_space<vmem>>
    %dma_wait3A_1297 = arith.constant 0 : i32
    %dma_wait3A_1298 = arith.constant 0 : i32
    %dma_wait3A_1299 = tpu.memref_slice %arg4[%add3A_1289, %dma_wait3A_1297, %dma_wait3A_1298] : memref<4096x50x128xf32, #tpu.memory_space<hbm>> -> memref<2x50x128xf32, #tpu.memory_space<hbm>>
    %dma_wait3A_1300 = tpu.memref_slice %arg8[%dma_wait3A_1291] : memref<8x!tpu.dma_semaphore, #tpu.memory_space<semaphore_mem>> -> memref<1x!tpu.dma_semaphore, #tpu.memory_space<semaphore_mem>>
    %dma_wait3A_1301 = tpu.memref_squeeze %dma_wait3A_1300 : memref<1x!tpu.dma_semaphore, #tpu.memory_space<semaphore_mem>> -> memref<!tpu.dma_semaphore, #tpu.memory_space<semaphore_mem>>
    %dma_wait3A_1302 = arith.constant 0 : i32
    %dma_wait3A_1303 = arith.constant 0 : i32
    %dma_wait3A_1304 = tpu.memref_slice %arg4[%add3A_1289, %dma_wait3A_1302, %dma_wait3A_1303] : memref<4096x50x128xf32, #tpu.memory_space<hbm>> -> memref<2x50x128xf32, #tpu.memory_space<hbm>>
    %dma_wait3A_1305 = arith.constant 0 : i32
    %dma_wait3A_1306 = arith.constant 0 : i32
    %dma_wait3A_1307 = arith.constant 0 : i32
    %dma_wait3A_1308 = tpu.memref_slice %arg6[%dma_wait3A_1290, %dma_wait3A_1305, %dma_wait3A_1306, %dma_wait3A_1307] : memref<8x2x50x128xf32, #tpu.memory_space<vmem>> -> memref<1x2x50x128xf32, #tpu.memory_space<vmem>>
    %dma_wait3A_1309 = tpu.memref_squeeze %dma_wait3A_1308 : memref<1x2x50x128xf32, #tpu.memory_space<vmem>> -> memref<2x50x128xf32, #tpu.memory_space<vmem>>
    tpu.wait_dma2 semaphore(%dma_wait3A_1301 : memref<!tpu.dma_semaphore, #tpu.memory_space<semaphore_mem>>) src(%dma_wait3A_1309 : memref<2x50x128xf32, #tpu.memory_space<vmem>>) dst(%dma_wait3A_1304 : memref<2x50x128xf32, #tpu.memory_space<hbm>>)
    %dma_wait3A_1310 = arith.constant 118 : i32
    %dma_wait3A_1311 = arith.constant 3 : i32
    %dma_wait3A_1312 = arith.constant 0 : i32
    %dma_wait3A_1313 = arith.constant 3 : i32
    %dma_wait3A_1314 = arith.constant 0 : i32
    %dma_wait3A_1315 = arith.constant 0 : i32
    %dma_wait3A_1316 = tpu.memref_slice %arg6[%dma_wait3A_1311, %dma_wait3A_1312, %dma_wait3A_1314, %dma_wait3A_1315] : memref<8x2x50x128xf32, #tpu.memory_space<vmem>> -> memref<1x1x50x128xf32, #tpu.memory_space<vmem>>
    %dma_wait3A_1317 = tpu.memref_squeeze %dma_wait3A_1316 : memref<1x1x50x128xf32, #tpu.memory_space<vmem>> -> memref<50x128xf32, #tpu.memory_space<vmem>>
    %dma_wait3A_1318 = arith.constant 0 : i32
    %dma_wait3A_1319 = tpu.memref_slice %arg5[%dma_wait3A_1310, %dma_wait3A_1318] : memref<128x50xi32, #tpu.memory_space<vmem>> -> memref<1x50xi32, #tpu.memory_space<vmem>>
    %dma_wait3A_1320 = tpu.memref_squeeze %dma_wait3A_1319 : memref<1x50xi32, #tpu.memory_space<vmem>> -> memref<50xi32, #tpu.memory_space<vmem>>
    %dma_wait3A_1321 = arith.constant 0 : i32
    %dma_wait3A_1322 = arith.constant 0 : i32
    %dma_wait3A_1323 = tpu.memref_slice %arg2[%dma_wait3A_1321, %dma_wait3A_1322] : memref<100000x128xf32, #tpu.memory_space<hbm>> -> memref<100000x128xf32, #tpu.memory_space<hbm>>
    %dma_wait3A_1324 = tpu.memref_slice %arg7[%dma_wait3A_1313] : memref<8x!tpu.dma_semaphore, #tpu.memory_space<semaphore_mem>> -> memref<1x!tpu.dma_semaphore, #tpu.memory_space<semaphore_mem>>
    %dma_wait3A_1325 = tpu.memref_squeeze %dma_wait3A_1324 : memref<1x!tpu.dma_semaphore, #tpu.memory_space<semaphore_mem>> -> memref<!tpu.dma_semaphore, #tpu.memory_space<semaphore_mem>>
    tpu.wait_indirect_dma semaphore(%dma_wait3A_1325 : memref<!tpu.dma_semaphore, #tpu.memory_space<semaphore_mem>>) src(%dma_wait3A_1323 : memref<100000x128xf32, #tpu.memory_space<hbm>>) dst(%dma_wait3A_1317 : memref<50x128xf32, #tpu.memory_space<vmem>>)
    %dma_wait3A_1326 = arith.constant 119 : i32
    %dma_wait3A_1327 = arith.constant 3 : i32
    %dma_wait3A_1328 = arith.constant 1 : i32
    %dma_wait3A_1329 = arith.constant 3 : i32
    %dma_wait3A_1330 = arith.constant 0 : i32
    %dma_wait3A_1331 = arith.constant 0 : i32
    %dma_wait3A_1332 = tpu.memref_slice %arg6[%dma_wait3A_1327, %dma_wait3A_1328, %dma_wait3A_1330, %dma_wait3A_1331] : memref<8x2x50x128xf32, #tpu.memory_space<vmem>> -> memref<1x1x50x128xf32, #tpu.memory_space<vmem>>
    %dma_wait3A_1333 = tpu.memref_squeeze %dma_wait3A_1332 : memref<1x1x50x128xf32, #tpu.memory_space<vmem>> -> memref<50x128xf32, #tpu.memory_space<vmem>>
    %dma_wait3A_1334 = arith.constant 0 : i32
    %dma_wait3A_1335 = tpu.memref_slice %arg5[%dma_wait3A_1326, %dma_wait3A_1334] : memref<128x50xi32, #tpu.memory_space<vmem>> -> memref<1x50xi32, #tpu.memory_space<vmem>>
    %dma_wait3A_1336 = tpu.memref_squeeze %dma_wait3A_1335 : memref<1x50xi32, #tpu.memory_space<vmem>> -> memref<50xi32, #tpu.memory_space<vmem>>
    %dma_wait3A_1337 = arith.constant 0 : i32
    %dma_wait3A_1338 = arith.constant 0 : i32
    %dma_wait3A_1339 = tpu.memref_slice %arg2[%dma_wait3A_1337, %dma_wait3A_1338] : memref<100000x128xf32, #tpu.memory_space<hbm>> -> memref<100000x128xf32, #tpu.memory_space<hbm>>
    %dma_wait3A_1340 = tpu.memref_slice %arg7[%dma_wait3A_1329] : memref<8x!tpu.dma_semaphore, #tpu.memory_space<semaphore_mem>> -> memref<1x!tpu.dma_semaphore, #tpu.memory_space<semaphore_mem>>
    %dma_wait3A_1341 = tpu.memref_squeeze %dma_wait3A_1340 : memref<1x!tpu.dma_semaphore, #tpu.memory_space<semaphore_mem>> -> memref<!tpu.dma_semaphore, #tpu.memory_space<semaphore_mem>>
    tpu.wait_indirect_dma semaphore(%dma_wait3A_1341 : memref<!tpu.dma_semaphore, #tpu.memory_space<semaphore_mem>>) src(%dma_wait3A_1339 : memref<100000x128xf32, #tpu.memory_space<hbm>>) dst(%dma_wait3A_1333 : memref<50x128xf32, #tpu.memory_space<vmem>>)
    %add3A_1342 = arith.constant 118 : i32
    %add3A_1343 = arith.addi %mul3A_2, %add3A_1342 : i32
    %dma_start3A_1344 = arith.constant 3 : i32
    %dma_start3A_1345 = arith.constant 3 : i32
    %dma_start3A_1346 = arith.constant 0 : i32
    %dma_start3A_1347 = arith.constant 0 : i32
    %dma_start3A_1348 = arith.constant 0 : i32
    %dma_start3A_1349 = tpu.memref_slice %arg6[%dma_start3A_1344, %dma_start3A_1346, %dma_start3A_1347, %dma_start3A_1348] : memref<8x2x50x128xf32, #tpu.memory_space<vmem>> -> memref<1x2x50x128xf32, #tpu.memory_space<vmem>>
    %dma_start3A_1350 = tpu.memref_squeeze %dma_start3A_1349 : memref<1x2x50x128xf32, #tpu.memory_space<vmem>> -> memref<2x50x128xf32, #tpu.memory_space<vmem>>
    %dma_start3A_1351 = arith.constant 0 : i32
    %dma_start3A_1352 = arith.constant 0 : i32
    %dma_start3A_1353 = tpu.memref_slice %arg4[%add3A_1343, %dma_start3A_1351, %dma_start3A_1352] : memref<4096x50x128xf32, #tpu.memory_space<hbm>> -> memref<2x50x128xf32, #tpu.memory_space<hbm>>
    %dma_start3A_1354 = tpu.memref_slice %arg8[%dma_start3A_1345] : memref<8x!tpu.dma_semaphore, #tpu.memory_space<semaphore_mem>> -> memref<1x!tpu.dma_semaphore, #tpu.memory_space<semaphore_mem>>
    %dma_start3A_1355 = tpu.memref_squeeze %dma_start3A_1354 : memref<1x!tpu.dma_semaphore, #tpu.memory_space<semaphore_mem>> -> memref<!tpu.dma_semaphore, #tpu.memory_space<semaphore_mem>>
    %dma_start3A_1356 = arith.constant 0 : i32
    %dma_start3A_1357 = arith.constant 0 : i32
    %dma_start3A_1358 = tpu.memref_slice %arg4[%add3A_1343, %dma_start3A_1356, %dma_start3A_1357] : memref<4096x50x128xf32, #tpu.memory_space<hbm>> -> memref<2x50x128xf32, #tpu.memory_space<hbm>>
    %dma_start3A_1359 = arith.constant 0 : i32
    %dma_start3A_1360 = arith.constant 0 : i32
    %dma_start3A_1361 = arith.constant 0 : i32
    %dma_start3A_1362 = tpu.memref_slice %arg6[%dma_start3A_1344, %dma_start3A_1359, %dma_start3A_1360, %dma_start3A_1361] : memref<8x2x50x128xf32, #tpu.memory_space<vmem>> -> memref<1x2x50x128xf32, #tpu.memory_space<vmem>>
    %dma_start3A_1363 = tpu.memref_squeeze %dma_start3A_1362 : memref<1x2x50x128xf32, #tpu.memory_space<vmem>> -> memref<2x50x128xf32, #tpu.memory_space<vmem>>
    tpu.enqueue_dma source(%dma_start3A_1363 : memref<2x50x128xf32, #tpu.memory_space<vmem>>) target(%dma_start3A_1358 : memref<2x50x128xf32, #tpu.memory_space<hbm>>) target_semaphore(%dma_start3A_1355 : memref<!tpu.dma_semaphore, #tpu.memory_space<semaphore_mem>>)
    %add3A_1364 = arith.constant 114 : i32
    %add3A_1365 = arith.addi %mul3A_2, %add3A_1364 : i32
    %dma_wait3A_1366 = arith.constant 1 : i32
    %dma_wait3A_1367 = arith.constant 1 : i32
    %dma_wait3A_1368 = arith.constant 0 : i32
    %dma_wait3A_1369 = arith.constant 0 : i32
    %dma_wait3A_1370 = arith.constant 0 : i32
    %dma_wait3A_1371 = tpu.memref_slice %arg6[%dma_wait3A_1366, %dma_wait3A_1368, %dma_wait3A_1369, %dma_wait3A_1370] : memref<8x2x50x128xf32, #tpu.memory_space<vmem>> -> memref<1x2x50x128xf32, #tpu.memory_space<vmem>>
    %dma_wait3A_1372 = tpu.memref_squeeze %dma_wait3A_1371 : memref<1x2x50x128xf32, #tpu.memory_space<vmem>> -> memref<2x50x128xf32, #tpu.memory_space<vmem>>
    %dma_wait3A_1373 = arith.constant 0 : i32
    %dma_wait3A_1374 = arith.constant 0 : i32
    %dma_wait3A_1375 = tpu.memref_slice %arg4[%add3A_1365, %dma_wait3A_1373, %dma_wait3A_1374] : memref<4096x50x128xf32, #tpu.memory_space<hbm>> -> memref<2x50x128xf32, #tpu.memory_space<hbm>>
    %dma_wait3A_1376 = tpu.memref_slice %arg8[%dma_wait3A_1367] : memref<8x!tpu.dma_semaphore, #tpu.memory_space<semaphore_mem>> -> memref<1x!tpu.dma_semaphore, #tpu.memory_space<semaphore_mem>>
    %dma_wait3A_1377 = tpu.memref_squeeze %dma_wait3A_1376 : memref<1x!tpu.dma_semaphore, #tpu.memory_space<semaphore_mem>> -> memref<!tpu.dma_semaphore, #tpu.memory_space<semaphore_mem>>
    %dma_wait3A_1378 = arith.constant 0 : i32
    %dma_wait3A_1379 = arith.constant 0 : i32
    %dma_wait3A_1380 = tpu.memref_slice %arg4[%add3A_1365, %dma_wait3A_1378, %dma_wait3A_1379] : memref<4096x50x128xf32, #tpu.memory_space<hbm>> -> memref<2x50x128xf32, #tpu.memory_space<hbm>>
    %dma_wait3A_1381 = arith.constant 0 : i32
    %dma_wait3A_1382 = arith.constant 0 : i32
    %dma_wait3A_1383 = arith.constant 0 : i32
    %dma_wait3A_1384 = tpu.memref_slice %arg6[%dma_wait3A_1366, %dma_wait3A_1381, %dma_wait3A_1382, %dma_wait3A_1383] : memref<8x2x50x128xf32, #tpu.memory_space<vmem>> -> memref<1x2x50x128xf32, #tpu.memory_space<vmem>>
    %dma_wait3A_1385 = tpu.memref_squeeze %dma_wait3A_1384 : memref<1x2x50x128xf32, #tpu.memory_space<vmem>> -> memref<2x50x128xf32, #tpu.memory_space<vmem>>
    tpu.wait_dma2 semaphore(%dma_wait3A_1377 : memref<!tpu.dma_semaphore, #tpu.memory_space<semaphore_mem>>) src(%dma_wait3A_1385 : memref<2x50x128xf32, #tpu.memory_space<vmem>>) dst(%dma_wait3A_1380 : memref<2x50x128xf32, #tpu.memory_space<hbm>>)
    %dma_wait3A_1386 = arith.constant 120 : i32
    %dma_wait3A_1387 = arith.constant 4 : i32
    %dma_wait3A_1388 = arith.constant 0 : i32
    %dma_wait3A_1389 = arith.constant 4 : i32
    %dma_wait3A_1390 = arith.constant 0 : i32
    %dma_wait3A_1391 = arith.constant 0 : i32
    %dma_wait3A_1392 = tpu.memref_slice %arg6[%dma_wait3A_1387, %dma_wait3A_1388, %dma_wait3A_1390, %dma_wait3A_1391] : memref<8x2x50x128xf32, #tpu.memory_space<vmem>> -> memref<1x1x50x128xf32, #tpu.memory_space<vmem>>
    %dma_wait3A_1393 = tpu.memref_squeeze %dma_wait3A_1392 : memref<1x1x50x128xf32, #tpu.memory_space<vmem>> -> memref<50x128xf32, #tpu.memory_space<vmem>>
    %dma_wait3A_1394 = arith.constant 0 : i32
    %dma_wait3A_1395 = tpu.memref_slice %arg5[%dma_wait3A_1386, %dma_wait3A_1394] : memref<128x50xi32, #tpu.memory_space<vmem>> -> memref<1x50xi32, #tpu.memory_space<vmem>>
    %dma_wait3A_1396 = tpu.memref_squeeze %dma_wait3A_1395 : memref<1x50xi32, #tpu.memory_space<vmem>> -> memref<50xi32, #tpu.memory_space<vmem>>
    %dma_wait3A_1397 = arith.constant 0 : i32
    %dma_wait3A_1398 = arith.constant 0 : i32
    %dma_wait3A_1399 = tpu.memref_slice %arg2[%dma_wait3A_1397, %dma_wait3A_1398] : memref<100000x128xf32, #tpu.memory_space<hbm>> -> memref<100000x128xf32, #tpu.memory_space<hbm>>
    %dma_wait3A_1400 = tpu.memref_slice %arg7[%dma_wait3A_1389] : memref<8x!tpu.dma_semaphore, #tpu.memory_space<semaphore_mem>> -> memref<1x!tpu.dma_semaphore, #tpu.memory_space<semaphore_mem>>
    %dma_wait3A_1401 = tpu.memref_squeeze %dma_wait3A_1400 : memref<1x!tpu.dma_semaphore, #tpu.memory_space<semaphore_mem>> -> memref<!tpu.dma_semaphore, #tpu.memory_space<semaphore_mem>>
    tpu.wait_indirect_dma semaphore(%dma_wait3A_1401 : memref<!tpu.dma_semaphore, #tpu.memory_space<semaphore_mem>>) src(%dma_wait3A_1399 : memref<100000x128xf32, #tpu.memory_space<hbm>>) dst(%dma_wait3A_1393 : memref<50x128xf32, #tpu.memory_space<vmem>>)
    %dma_wait3A_1402 = arith.constant 121 : i32
    %dma_wait3A_1403 = arith.constant 4 : i32
    %dma_wait3A_1404 = arith.constant 1 : i32
    %dma_wait3A_1405 = arith.constant 4 : i32
    %dma_wait3A_1406 = arith.constant 0 : i32
    %dma_wait3A_1407 = arith.constant 0 : i32
    %dma_wait3A_1408 = tpu.memref_slice %arg6[%dma_wait3A_1403, %dma_wait3A_1404, %dma_wait3A_1406, %dma_wait3A_1407] : memref<8x2x50x128xf32, #tpu.memory_space<vmem>> -> memref<1x1x50x128xf32, #tpu.memory_space<vmem>>
    %dma_wait3A_1409 = tpu.memref_squeeze %dma_wait3A_1408 : memref<1x1x50x128xf32, #tpu.memory_space<vmem>> -> memref<50x128xf32, #tpu.memory_space<vmem>>
    %dma_wait3A_1410 = arith.constant 0 : i32
    %dma_wait3A_1411 = tpu.memref_slice %arg5[%dma_wait3A_1402, %dma_wait3A_1410] : memref<128x50xi32, #tpu.memory_space<vmem>> -> memref<1x50xi32, #tpu.memory_space<vmem>>
    %dma_wait3A_1412 = tpu.memref_squeeze %dma_wait3A_1411 : memref<1x50xi32, #tpu.memory_space<vmem>> -> memref<50xi32, #tpu.memory_space<vmem>>
    %dma_wait3A_1413 = arith.constant 0 : i32
    %dma_wait3A_1414 = arith.constant 0 : i32
    %dma_wait3A_1415 = tpu.memref_slice %arg2[%dma_wait3A_1413, %dma_wait3A_1414] : memref<100000x128xf32, #tpu.memory_space<hbm>> -> memref<100000x128xf32, #tpu.memory_space<hbm>>
    %dma_wait3A_1416 = tpu.memref_slice %arg7[%dma_wait3A_1405] : memref<8x!tpu.dma_semaphore, #tpu.memory_space<semaphore_mem>> -> memref<1x!tpu.dma_semaphore, #tpu.memory_space<semaphore_mem>>
    %dma_wait3A_1417 = tpu.memref_squeeze %dma_wait3A_1416 : memref<1x!tpu.dma_semaphore, #tpu.memory_space<semaphore_mem>> -> memref<!tpu.dma_semaphore, #tpu.memory_space<semaphore_mem>>
    tpu.wait_indirect_dma semaphore(%dma_wait3A_1417 : memref<!tpu.dma_semaphore, #tpu.memory_space<semaphore_mem>>) src(%dma_wait3A_1415 : memref<100000x128xf32, #tpu.memory_space<hbm>>) dst(%dma_wait3A_1409 : memref<50x128xf32, #tpu.memory_space<vmem>>)
    %add3A_1418 = arith.constant 120 : i32
    %add3A_1419 = arith.addi %mul3A_2, %add3A_1418 : i32
    %dma_start3A_1420 = arith.constant 4 : i32
    %dma_start3A_1421 = arith.constant 4 : i32
    %dma_start3A_1422 = arith.constant 0 : i32
    %dma_start3A_1423 = arith.constant 0 : i32
    %dma_start3A_1424 = arith.constant 0 : i32
    %dma_start3A_1425 = tpu.memref_slice %arg6[%dma_start3A_1420, %dma_start3A_1422, %dma_start3A_1423, %dma_start3A_1424] : memref<8x2x50x128xf32, #tpu.memory_space<vmem>> -> memref<1x2x50x128xf32, #tpu.memory_space<vmem>>
    %dma_start3A_1426 = tpu.memref_squeeze %dma_start3A_1425 : memref<1x2x50x128xf32, #tpu.memory_space<vmem>> -> memref<2x50x128xf32, #tpu.memory_space<vmem>>
    %dma_start3A_1427 = arith.constant 0 : i32
    %dma_start3A_1428 = arith.constant 0 : i32
    %dma_start3A_1429 = tpu.memref_slice %arg4[%add3A_1419, %dma_start3A_1427, %dma_start3A_1428] : memref<4096x50x128xf32, #tpu.memory_space<hbm>> -> memref<2x50x128xf32, #tpu.memory_space<hbm>>
    %dma_start3A_1430 = tpu.memref_slice %arg8[%dma_start3A_1421] : memref<8x!tpu.dma_semaphore, #tpu.memory_space<semaphore_mem>> -> memref<1x!tpu.dma_semaphore, #tpu.memory_space<semaphore_mem>>
    %dma_start3A_1431 = tpu.memref_squeeze %dma_start3A_1430 : memref<1x!tpu.dma_semaphore, #tpu.memory_space<semaphore_mem>> -> memref<!tpu.dma_semaphore, #tpu.memory_space<semaphore_mem>>
    %dma_start3A_1432 = arith.constant 0 : i32
    %dma_start3A_1433 = arith.constant 0 : i32
    %dma_start3A_1434 = tpu.memref_slice %arg4[%add3A_1419, %dma_start3A_1432, %dma_start3A_1433] : memref<4096x50x128xf32, #tpu.memory_space<hbm>> -> memref<2x50x128xf32, #tpu.memory_space<hbm>>
    %dma_start3A_1435 = arith.constant 0 : i32
    %dma_start3A_1436 = arith.constant 0 : i32
    %dma_start3A_1437 = arith.constant 0 : i32
    %dma_start3A_1438 = tpu.memref_slice %arg6[%dma_start3A_1420, %dma_start3A_1435, %dma_start3A_1436, %dma_start3A_1437] : memref<8x2x50x128xf32, #tpu.memory_space<vmem>> -> memref<1x2x50x128xf32, #tpu.memory_space<vmem>>
    %dma_start3A_1439 = tpu.memref_squeeze %dma_start3A_1438 : memref<1x2x50x128xf32, #tpu.memory_space<vmem>> -> memref<2x50x128xf32, #tpu.memory_space<vmem>>
    tpu.enqueue_dma source(%dma_start3A_1439 : memref<2x50x128xf32, #tpu.memory_space<vmem>>) target(%dma_start3A_1434 : memref<2x50x128xf32, #tpu.memory_space<hbm>>) target_semaphore(%dma_start3A_1431 : memref<!tpu.dma_semaphore, #tpu.memory_space<semaphore_mem>>)
    %add3A_1440 = arith.constant 116 : i32
    %add3A_1441 = arith.addi %mul3A_2, %add3A_1440 : i32
    %dma_wait3A_1442 = arith.constant 2 : i32
    %dma_wait3A_1443 = arith.constant 2 : i32
    %dma_wait3A_1444 = arith.constant 0 : i32
    %dma_wait3A_1445 = arith.constant 0 : i32
    %dma_wait3A_1446 = arith.constant 0 : i32
    %dma_wait3A_1447 = tpu.memref_slice %arg6[%dma_wait3A_1442, %dma_wait3A_1444, %dma_wait3A_1445, %dma_wait3A_1446] : memref<8x2x50x128xf32, #tpu.memory_space<vmem>> -> memref<1x2x50x128xf32, #tpu.memory_space<vmem>>
    %dma_wait3A_1448 = tpu.memref_squeeze %dma_wait3A_1447 : memref<1x2x50x128xf32, #tpu.memory_space<vmem>> -> memref<2x50x128xf32, #tpu.memory_space<vmem>>
    %dma_wait3A_1449 = arith.constant 0 : i32
    %dma_wait3A_1450 = arith.constant 0 : i32
    %dma_wait3A_1451 = tpu.memref_slice %arg4[%add3A_1441, %dma_wait3A_1449, %dma_wait3A_1450] : memref<4096x50x128xf32, #tpu.memory_space<hbm>> -> memref<2x50x128xf32, #tpu.memory_space<hbm>>
    %dma_wait3A_1452 = tpu.memref_slice %arg8[%dma_wait3A_1443] : memref<8x!tpu.dma_semaphore, #tpu.memory_space<semaphore_mem>> -> memref<1x!tpu.dma_semaphore, #tpu.memory_space<semaphore_mem>>
    %dma_wait3A_1453 = tpu.memref_squeeze %dma_wait3A_1452 : memref<1x!tpu.dma_semaphore, #tpu.memory_space<semaphore_mem>> -> memref<!tpu.dma_semaphore, #tpu.memory_space<semaphore_mem>>
    %dma_wait3A_1454 = arith.constant 0 : i32
    %dma_wait3A_1455 = arith.constant 0 : i32
    %dma_wait3A_1456 = tpu.memref_slice %arg4[%add3A_1441, %dma_wait3A_1454, %dma_wait3A_1455] : memref<4096x50x128xf32, #tpu.memory_space<hbm>> -> memref<2x50x128xf32, #tpu.memory_space<hbm>>
    %dma_wait3A_1457 = arith.constant 0 : i32
    %dma_wait3A_1458 = arith.constant 0 : i32
    %dma_wait3A_1459 = arith.constant 0 : i32
    %dma_wait3A_1460 = tpu.memref_slice %arg6[%dma_wait3A_1442, %dma_wait3A_1457, %dma_wait3A_1458, %dma_wait3A_1459] : memref<8x2x50x128xf32, #tpu.memory_space<vmem>> -> memref<1x2x50x128xf32, #tpu.memory_space<vmem>>
    %dma_wait3A_1461 = tpu.memref_squeeze %dma_wait3A_1460 : memref<1x2x50x128xf32, #tpu.memory_space<vmem>> -> memref<2x50x128xf32, #tpu.memory_space<vmem>>
    tpu.wait_dma2 semaphore(%dma_wait3A_1453 : memref<!tpu.dma_semaphore, #tpu.memory_space<semaphore_mem>>) src(%dma_wait3A_1461 : memref<2x50x128xf32, #tpu.memory_space<vmem>>) dst(%dma_wait3A_1456 : memref<2x50x128xf32, #tpu.memory_space<hbm>>)
    %dma_wait3A_1462 = arith.constant 122 : i32
    %dma_wait3A_1463 = arith.constant 5 : i32
    %dma_wait3A_1464 = arith.constant 0 : i32
    %dma_wait3A_1465 = arith.constant 5 : i32
    %dma_wait3A_1466 = arith.constant 0 : i32
    %dma_wait3A_1467 = arith.constant 0 : i32
    %dma_wait3A_1468 = tpu.memref_slice %arg6[%dma_wait3A_1463, %dma_wait3A_1464, %dma_wait3A_1466, %dma_wait3A_1467] : memref<8x2x50x128xf32, #tpu.memory_space<vmem>> -> memref<1x1x50x128xf32, #tpu.memory_space<vmem>>
    %dma_wait3A_1469 = tpu.memref_squeeze %dma_wait3A_1468 : memref<1x1x50x128xf32, #tpu.memory_space<vmem>> -> memref<50x128xf32, #tpu.memory_space<vmem>>
    %dma_wait3A_1470 = arith.constant 0 : i32
    %dma_wait3A_1471 = tpu.memref_slice %arg5[%dma_wait3A_1462, %dma_wait3A_1470] : memref<128x50xi32, #tpu.memory_space<vmem>> -> memref<1x50xi32, #tpu.memory_space<vmem>>
    %dma_wait3A_1472 = tpu.memref_squeeze %dma_wait3A_1471 : memref<1x50xi32, #tpu.memory_space<vmem>> -> memref<50xi32, #tpu.memory_space<vmem>>
    %dma_wait3A_1473 = arith.constant 0 : i32
    %dma_wait3A_1474 = arith.constant 0 : i32
    %dma_wait3A_1475 = tpu.memref_slice %arg2[%dma_wait3A_1473, %dma_wait3A_1474] : memref<100000x128xf32, #tpu.memory_space<hbm>> -> memref<100000x128xf32, #tpu.memory_space<hbm>>
    %dma_wait3A_1476 = tpu.memref_slice %arg7[%dma_wait3A_1465] : memref<8x!tpu.dma_semaphore, #tpu.memory_space<semaphore_mem>> -> memref<1x!tpu.dma_semaphore, #tpu.memory_space<semaphore_mem>>
    %dma_wait3A_1477 = tpu.memref_squeeze %dma_wait3A_1476 : memref<1x!tpu.dma_semaphore, #tpu.memory_space<semaphore_mem>> -> memref<!tpu.dma_semaphore, #tpu.memory_space<semaphore_mem>>
    tpu.wait_indirect_dma semaphore(%dma_wait3A_1477 : memref<!tpu.dma_semaphore, #tpu.memory_space<semaphore_mem>>) src(%dma_wait3A_1475 : memref<100000x128xf32, #tpu.memory_space<hbm>>) dst(%dma_wait3A_1469 : memref<50x128xf32, #tpu.memory_space<vmem>>)
    %dma_wait3A_1478 = arith.constant 123 : i32
    %dma_wait3A_1479 = arith.constant 5 : i32
    %dma_wait3A_1480 = arith.constant 1 : i32
    %dma_wait3A_1481 = arith.constant 5 : i32
    %dma_wait3A_1482 = arith.constant 0 : i32
    %dma_wait3A_1483 = arith.constant 0 : i32
    %dma_wait3A_1484 = tpu.memref_slice %arg6[%dma_wait3A_1479, %dma_wait3A_1480, %dma_wait3A_1482, %dma_wait3A_1483] : memref<8x2x50x128xf32, #tpu.memory_space<vmem>> -> memref<1x1x50x128xf32, #tpu.memory_space<vmem>>
    %dma_wait3A_1485 = tpu.memref_squeeze %dma_wait3A_1484 : memref<1x1x50x128xf32, #tpu.memory_space<vmem>> -> memref<50x128xf32, #tpu.memory_space<vmem>>
    %dma_wait3A_1486 = arith.constant 0 : i32
    %dma_wait3A_1487 = tpu.memref_slice %arg5[%dma_wait3A_1478, %dma_wait3A_1486] : memref<128x50xi32, #tpu.memory_space<vmem>> -> memref<1x50xi32, #tpu.memory_space<vmem>>
    %dma_wait3A_1488 = tpu.memref_squeeze %dma_wait3A_1487 : memref<1x50xi32, #tpu.memory_space<vmem>> -> memref<50xi32, #tpu.memory_space<vmem>>
    %dma_wait3A_1489 = arith.constant 0 : i32
    %dma_wait3A_1490 = arith.constant 0 : i32
    %dma_wait3A_1491 = tpu.memref_slice %arg2[%dma_wait3A_1489, %dma_wait3A_1490] : memref<100000x128xf32, #tpu.memory_space<hbm>> -> memref<100000x128xf32, #tpu.memory_space<hbm>>
    %dma_wait3A_1492 = tpu.memref_slice %arg7[%dma_wait3A_1481] : memref<8x!tpu.dma_semaphore, #tpu.memory_space<semaphore_mem>> -> memref<1x!tpu.dma_semaphore, #tpu.memory_space<semaphore_mem>>
    %dma_wait3A_1493 = tpu.memref_squeeze %dma_wait3A_1492 : memref<1x!tpu.dma_semaphore, #tpu.memory_space<semaphore_mem>> -> memref<!tpu.dma_semaphore, #tpu.memory_space<semaphore_mem>>
    tpu.wait_indirect_dma semaphore(%dma_wait3A_1493 : memref<!tpu.dma_semaphore, #tpu.memory_space<semaphore_mem>>) src(%dma_wait3A_1491 : memref<100000x128xf32, #tpu.memory_space<hbm>>) dst(%dma_wait3A_1485 : memref<50x128xf32, #tpu.memory_space<vmem>>)
    %add3A_1494 = arith.constant 122 : i32
    %add3A_1495 = arith.addi %mul3A_2, %add3A_1494 : i32
    %dma_start3A_1496 = arith.constant 5 : i32
    %dma_start3A_1497 = arith.constant 5 : i32
    %dma_start3A_1498 = arith.constant 0 : i32
    %dma_start3A_1499 = arith.constant 0 : i32
    %dma_start3A_1500 = arith.constant 0 : i32
    %dma_start3A_1501 = tpu.memref_slice %arg6[%dma_start3A_1496, %dma_start3A_1498, %dma_start3A_1499, %dma_start3A_1500] : memref<8x2x50x128xf32, #tpu.memory_space<vmem>> -> memref<1x2x50x128xf32, #tpu.memory_space<vmem>>
    %dma_start3A_1502 = tpu.memref_squeeze %dma_start3A_1501 : memref<1x2x50x128xf32, #tpu.memory_space<vmem>> -> memref<2x50x128xf32, #tpu.memory_space<vmem>>
    %dma_start3A_1503 = arith.constant 0 : i32
    %dma_start3A_1504 = arith.constant 0 : i32
    %dma_start3A_1505 = tpu.memref_slice %arg4[%add3A_1495, %dma_start3A_1503, %dma_start3A_1504] : memref<4096x50x128xf32, #tpu.memory_space<hbm>> -> memref<2x50x128xf32, #tpu.memory_space<hbm>>
    %dma_start3A_1506 = tpu.memref_slice %arg8[%dma_start3A_1497] : memref<8x!tpu.dma_semaphore, #tpu.memory_space<semaphore_mem>> -> memref<1x!tpu.dma_semaphore, #tpu.memory_space<semaphore_mem>>
    %dma_start3A_1507 = tpu.memref_squeeze %dma_start3A_1506 : memref<1x!tpu.dma_semaphore, #tpu.memory_space<semaphore_mem>> -> memref<!tpu.dma_semaphore, #tpu.memory_space<semaphore_mem>>
    %dma_start3A_1508 = arith.constant 0 : i32
    %dma_start3A_1509 = arith.constant 0 : i32
    %dma_start3A_1510 = tpu.memref_slice %arg4[%add3A_1495, %dma_start3A_1508, %dma_start3A_1509] : memref<4096x50x128xf32, #tpu.memory_space<hbm>> -> memref<2x50x128xf32, #tpu.memory_space<hbm>>
    %dma_start3A_1511 = arith.constant 0 : i32
    %dma_start3A_1512 = arith.constant 0 : i32
    %dma_start3A_1513 = arith.constant 0 : i32
    %dma_start3A_1514 = tpu.memref_slice %arg6[%dma_start3A_1496, %dma_start3A_1511, %dma_start3A_1512, %dma_start3A_1513] : memref<8x2x50x128xf32, #tpu.memory_space<vmem>> -> memref<1x2x50x128xf32, #tpu.memory_space<vmem>>
    %dma_start3A_1515 = tpu.memref_squeeze %dma_start3A_1514 : memref<1x2x50x128xf32, #tpu.memory_space<vmem>> -> memref<2x50x128xf32, #tpu.memory_space<vmem>>
    tpu.enqueue_dma source(%dma_start3A_1515 : memref<2x50x128xf32, #tpu.memory_space<vmem>>) target(%dma_start3A_1510 : memref<2x50x128xf32, #tpu.memory_space<hbm>>) target_semaphore(%dma_start3A_1507 : memref<!tpu.dma_semaphore, #tpu.memory_space<semaphore_mem>>)
    %add3A_1516 = arith.constant 118 : i32
    %add3A_1517 = arith.addi %mul3A_2, %add3A_1516 : i32
    %dma_wait3A_1518 = arith.constant 3 : i32
    %dma_wait3A_1519 = arith.constant 3 : i32
    %dma_wait3A_1520 = arith.constant 0 : i32
    %dma_wait3A_1521 = arith.constant 0 : i32
    %dma_wait3A_1522 = arith.constant 0 : i32
    %dma_wait3A_1523 = tpu.memref_slice %arg6[%dma_wait3A_1518, %dma_wait3A_1520, %dma_wait3A_1521, %dma_wait3A_1522] : memref<8x2x50x128xf32, #tpu.memory_space<vmem>> -> memref<1x2x50x128xf32, #tpu.memory_space<vmem>>
    %dma_wait3A_1524 = tpu.memref_squeeze %dma_wait3A_1523 : memref<1x2x50x128xf32, #tpu.memory_space<vmem>> -> memref<2x50x128xf32, #tpu.memory_space<vmem>>
    %dma_wait3A_1525 = arith.constant 0 : i32
    %dma_wait3A_1526 = arith.constant 0 : i32
    %dma_wait3A_1527 = tpu.memref_slice %arg4[%add3A_1517, %dma_wait3A_1525, %dma_wait3A_1526] : memref<4096x50x128xf32, #tpu.memory_space<hbm>> -> memref<2x50x128xf32, #tpu.memory_space<hbm>>
    %dma_wait3A_1528 = tpu.memref_slice %arg8[%dma_wait3A_1519] : memref<8x!tpu.dma_semaphore, #tpu.memory_space<semaphore_mem>> -> memref<1x!tpu.dma_semaphore, #tpu.memory_space<semaphore_mem>>
    %dma_wait3A_1529 = tpu.memref_squeeze %dma_wait3A_1528 : memref<1x!tpu.dma_semaphore, #tpu.memory_space<semaphore_mem>> -> memref<!tpu.dma_semaphore, #tpu.memory_space<semaphore_mem>>
    %dma_wait3A_1530 = arith.constant 0 : i32
    %dma_wait3A_1531 = arith.constant 0 : i32
    %dma_wait3A_1532 = tpu.memref_slice %arg4[%add3A_1517, %dma_wait3A_1530, %dma_wait3A_1531] : memref<4096x50x128xf32, #tpu.memory_space<hbm>> -> memref<2x50x128xf32, #tpu.memory_space<hbm>>
    %dma_wait3A_1533 = arith.constant 0 : i32
    %dma_wait3A_1534 = arith.constant 0 : i32
    %dma_wait3A_1535 = arith.constant 0 : i32
    %dma_wait3A_1536 = tpu.memref_slice %arg6[%dma_wait3A_1518, %dma_wait3A_1533, %dma_wait3A_1534, %dma_wait3A_1535] : memref<8x2x50x128xf32, #tpu.memory_space<vmem>> -> memref<1x2x50x128xf32, #tpu.memory_space<vmem>>
    %dma_wait3A_1537 = tpu.memref_squeeze %dma_wait3A_1536 : memref<1x2x50x128xf32, #tpu.memory_space<vmem>> -> memref<2x50x128xf32, #tpu.memory_space<vmem>>
    tpu.wait_dma2 semaphore(%dma_wait3A_1529 : memref<!tpu.dma_semaphore, #tpu.memory_space<semaphore_mem>>) src(%dma_wait3A_1537 : memref<2x50x128xf32, #tpu.memory_space<vmem>>) dst(%dma_wait3A_1532 : memref<2x50x128xf32, #tpu.memory_space<hbm>>)
    %dma_wait3A_1538 = arith.constant 124 : i32
    %dma_wait3A_1539 = arith.constant 6 : i32
    %dma_wait3A_1540 = arith.constant 0 : i32
    %dma_wait3A_1541 = arith.constant 6 : i32
    %dma_wait3A_1542 = arith.constant 0 : i32
    %dma_wait3A_1543 = arith.constant 0 : i32
    %dma_wait3A_1544 = tpu.memref_slice %arg6[%dma_wait3A_1539, %dma_wait3A_1540, %dma_wait3A_1542, %dma_wait3A_1543] : memref<8x2x50x128xf32, #tpu.memory_space<vmem>> -> memref<1x1x50x128xf32, #tpu.memory_space<vmem>>
    %dma_wait3A_1545 = tpu.memref_squeeze %dma_wait3A_1544 : memref<1x1x50x128xf32, #tpu.memory_space<vmem>> -> memref<50x128xf32, #tpu.memory_space<vmem>>
    %dma_wait3A_1546 = arith.constant 0 : i32
    %dma_wait3A_1547 = tpu.memref_slice %arg5[%dma_wait3A_1538, %dma_wait3A_1546] : memref<128x50xi32, #tpu.memory_space<vmem>> -> memref<1x50xi32, #tpu.memory_space<vmem>>
    %dma_wait3A_1548 = tpu.memref_squeeze %dma_wait3A_1547 : memref<1x50xi32, #tpu.memory_space<vmem>> -> memref<50xi32, #tpu.memory_space<vmem>>
    %dma_wait3A_1549 = arith.constant 0 : i32
    %dma_wait3A_1550 = arith.constant 0 : i32
    %dma_wait3A_1551 = tpu.memref_slice %arg2[%dma_wait3A_1549, %dma_wait3A_1550] : memref<100000x128xf32, #tpu.memory_space<hbm>> -> memref<100000x128xf32, #tpu.memory_space<hbm>>
    %dma_wait3A_1552 = tpu.memref_slice %arg7[%dma_wait3A_1541] : memref<8x!tpu.dma_semaphore, #tpu.memory_space<semaphore_mem>> -> memref<1x!tpu.dma_semaphore, #tpu.memory_space<semaphore_mem>>
    %dma_wait3A_1553 = tpu.memref_squeeze %dma_wait3A_1552 : memref<1x!tpu.dma_semaphore, #tpu.memory_space<semaphore_mem>> -> memref<!tpu.dma_semaphore, #tpu.memory_space<semaphore_mem>>
    tpu.wait_indirect_dma semaphore(%dma_wait3A_1553 : memref<!tpu.dma_semaphore, #tpu.memory_space<semaphore_mem>>) src(%dma_wait3A_1551 : memref<100000x128xf32, #tpu.memory_space<hbm>>) dst(%dma_wait3A_1545 : memref<50x128xf32, #tpu.memory_space<vmem>>)
    %dma_wait3A_1554 = arith.constant 125 : i32
    %dma_wait3A_1555 = arith.constant 6 : i32
    %dma_wait3A_1556 = arith.constant 1 : i32
    %dma_wait3A_1557 = arith.constant 6 : i32
    %dma_wait3A_1558 = arith.constant 0 : i32
    %dma_wait3A_1559 = arith.constant 0 : i32
    %dma_wait3A_1560 = tpu.memref_slice %arg6[%dma_wait3A_1555, %dma_wait3A_1556, %dma_wait3A_1558, %dma_wait3A_1559] : memref<8x2x50x128xf32, #tpu.memory_space<vmem>> -> memref<1x1x50x128xf32, #tpu.memory_space<vmem>>
    %dma_wait3A_1561 = tpu.memref_squeeze %dma_wait3A_1560 : memref<1x1x50x128xf32, #tpu.memory_space<vmem>> -> memref<50x128xf32, #tpu.memory_space<vmem>>
    %dma_wait3A_1562 = arith.constant 0 : i32
    %dma_wait3A_1563 = tpu.memref_slice %arg5[%dma_wait3A_1554, %dma_wait3A_1562] : memref<128x50xi32, #tpu.memory_space<vmem>> -> memref<1x50xi32, #tpu.memory_space<vmem>>
    %dma_wait3A_1564 = tpu.memref_squeeze %dma_wait3A_1563 : memref<1x50xi32, #tpu.memory_space<vmem>> -> memref<50xi32, #tpu.memory_space<vmem>>
    %dma_wait3A_1565 = arith.constant 0 : i32
    %dma_wait3A_1566 = arith.constant 0 : i32
    %dma_wait3A_1567 = tpu.memref_slice %arg2[%dma_wait3A_1565, %dma_wait3A_1566] : memref<100000x128xf32, #tpu.memory_space<hbm>> -> memref<100000x128xf32, #tpu.memory_space<hbm>>
    %dma_wait3A_1568 = tpu.memref_slice %arg7[%dma_wait3A_1557] : memref<8x!tpu.dma_semaphore, #tpu.memory_space<semaphore_mem>> -> memref<1x!tpu.dma_semaphore, #tpu.memory_space<semaphore_mem>>
    %dma_wait3A_1569 = tpu.memref_squeeze %dma_wait3A_1568 : memref<1x!tpu.dma_semaphore, #tpu.memory_space<semaphore_mem>> -> memref<!tpu.dma_semaphore, #tpu.memory_space<semaphore_mem>>
    tpu.wait_indirect_dma semaphore(%dma_wait3A_1569 : memref<!tpu.dma_semaphore, #tpu.memory_space<semaphore_mem>>) src(%dma_wait3A_1567 : memref<100000x128xf32, #tpu.memory_space<hbm>>) dst(%dma_wait3A_1561 : memref<50x128xf32, #tpu.memory_space<vmem>>)
    %add3A_1570 = arith.constant 124 : i32
    %add3A_1571 = arith.addi %mul3A_2, %add3A_1570 : i32
    %dma_start3A_1572 = arith.constant 6 : i32
    %dma_start3A_1573 = arith.constant 6 : i32
    %dma_start3A_1574 = arith.constant 0 : i32
    %dma_start3A_1575 = arith.constant 0 : i32
    %dma_start3A_1576 = arith.constant 0 : i32
    %dma_start3A_1577 = tpu.memref_slice %arg6[%dma_start3A_1572, %dma_start3A_1574, %dma_start3A_1575, %dma_start3A_1576] : memref<8x2x50x128xf32, #tpu.memory_space<vmem>> -> memref<1x2x50x128xf32, #tpu.memory_space<vmem>>
    %dma_start3A_1578 = tpu.memref_squeeze %dma_start3A_1577 : memref<1x2x50x128xf32, #tpu.memory_space<vmem>> -> memref<2x50x128xf32, #tpu.memory_space<vmem>>
    %dma_start3A_1579 = arith.constant 0 : i32
    %dma_start3A_1580 = arith.constant 0 : i32
    %dma_start3A_1581 = tpu.memref_slice %arg4[%add3A_1571, %dma_start3A_1579, %dma_start3A_1580] : memref<4096x50x128xf32, #tpu.memory_space<hbm>> -> memref<2x50x128xf32, #tpu.memory_space<hbm>>
    %dma_start3A_1582 = tpu.memref_slice %arg8[%dma_start3A_1573] : memref<8x!tpu.dma_semaphore, #tpu.memory_space<semaphore_mem>> -> memref<1x!tpu.dma_semaphore, #tpu.memory_space<semaphore_mem>>
    %dma_start3A_1583 = tpu.memref_squeeze %dma_start3A_1582 : memref<1x!tpu.dma_semaphore, #tpu.memory_space<semaphore_mem>> -> memref<!tpu.dma_semaphore, #tpu.memory_space<semaphore_mem>>
    %dma_start3A_1584 = arith.constant 0 : i32
    %dma_start3A_1585 = arith.constant 0 : i32
    %dma_start3A_1586 = tpu.memref_slice %arg4[%add3A_1571, %dma_start3A_1584, %dma_start3A_1585] : memref<4096x50x128xf32, #tpu.memory_space<hbm>> -> memref<2x50x128xf32, #tpu.memory_space<hbm>>
    %dma_start3A_1587 = arith.constant 0 : i32
    %dma_start3A_1588 = arith.constant 0 : i32
    %dma_start3A_1589 = arith.constant 0 : i32
    %dma_start3A_1590 = tpu.memref_slice %arg6[%dma_start3A_1572, %dma_start3A_1587, %dma_start3A_1588, %dma_start3A_1589] : memref<8x2x50x128xf32, #tpu.memory_space<vmem>> -> memref<1x2x50x128xf32, #tpu.memory_space<vmem>>
    %dma_start3A_1591 = tpu.memref_squeeze %dma_start3A_1590 : memref<1x2x50x128xf32, #tpu.memory_space<vmem>> -> memref<2x50x128xf32, #tpu.memory_space<vmem>>
    tpu.enqueue_dma source(%dma_start3A_1591 : memref<2x50x128xf32, #tpu.memory_space<vmem>>) target(%dma_start3A_1586 : memref<2x50x128xf32, #tpu.memory_space<hbm>>) target_semaphore(%dma_start3A_1583 : memref<!tpu.dma_semaphore, #tpu.memory_space<semaphore_mem>>)
    %add3A_1592 = arith.constant 120 : i32
    %add3A_1593 = arith.addi %mul3A_2, %add3A_1592 : i32
    %dma_wait3A_1594 = arith.constant 4 : i32
    %dma_wait3A_1595 = arith.constant 4 : i32
    %dma_wait3A_1596 = arith.constant 0 : i32
    %dma_wait3A_1597 = arith.constant 0 : i32
    %dma_wait3A_1598 = arith.constant 0 : i32
    %dma_wait3A_1599 = tpu.memref_slice %arg6[%dma_wait3A_1594, %dma_wait3A_1596, %dma_wait3A_1597, %dma_wait3A_1598] : memref<8x2x50x128xf32, #tpu.memory_space<vmem>> -> memref<1x2x50x128xf32, #tpu.memory_space<vmem>>
    %dma_wait3A_1600 = tpu.memref_squeeze %dma_wait3A_1599 : memref<1x2x50x128xf32, #tpu.memory_space<vmem>> -> memref<2x50x128xf32, #tpu.memory_space<vmem>>
    %dma_wait3A_1601 = arith.constant 0 : i32
    %dma_wait3A_1602 = arith.constant 0 : i32
    %dma_wait3A_1603 = tpu.memref_slice %arg4[%add3A_1593, %dma_wait3A_1601, %dma_wait3A_1602] : memref<4096x50x128xf32, #tpu.memory_space<hbm>> -> memref<2x50x128xf32, #tpu.memory_space<hbm>>
    %dma_wait3A_1604 = tpu.memref_slice %arg8[%dma_wait3A_1595] : memref<8x!tpu.dma_semaphore, #tpu.memory_space<semaphore_mem>> -> memref<1x!tpu.dma_semaphore, #tpu.memory_space<semaphore_mem>>
    %dma_wait3A_1605 = tpu.memref_squeeze %dma_wait3A_1604 : memref<1x!tpu.dma_semaphore, #tpu.memory_space<semaphore_mem>> -> memref<!tpu.dma_semaphore, #tpu.memory_space<semaphore_mem>>
    %dma_wait3A_1606 = arith.constant 0 : i32
    %dma_wait3A_1607 = arith.constant 0 : i32
    %dma_wait3A_1608 = tpu.memref_slice %arg4[%add3A_1593, %dma_wait3A_1606, %dma_wait3A_1607] : memref<4096x50x128xf32, #tpu.memory_space<hbm>> -> memref<2x50x128xf32, #tpu.memory_space<hbm>>
    %dma_wait3A_1609 = arith.constant 0 : i32
    %dma_wait3A_1610 = arith.constant 0 : i32
    %dma_wait3A_1611 = arith.constant 0 : i32
    %dma_wait3A_1612 = tpu.memref_slice %arg6[%dma_wait3A_1594, %dma_wait3A_1609, %dma_wait3A_1610, %dma_wait3A_1611] : memref<8x2x50x128xf32, #tpu.memory_space<vmem>> -> memref<1x2x50x128xf32, #tpu.memory_space<vmem>>
    %dma_wait3A_1613 = tpu.memref_squeeze %dma_wait3A_1612 : memref<1x2x50x128xf32, #tpu.memory_space<vmem>> -> memref<2x50x128xf32, #tpu.memory_space<vmem>>
    tpu.wait_dma2 semaphore(%dma_wait3A_1605 : memref<!tpu.dma_semaphore, #tpu.memory_space<semaphore_mem>>) src(%dma_wait3A_1613 : memref<2x50x128xf32, #tpu.memory_space<vmem>>) dst(%dma_wait3A_1608 : memref<2x50x128xf32, #tpu.memory_space<hbm>>)
    %dma_wait3A_1614 = arith.constant 126 : i32
    %dma_wait3A_1615 = arith.constant 7 : i32
    %dma_wait3A_1616 = arith.constant 0 : i32
    %dma_wait3A_1617 = arith.constant 7 : i32
    %dma_wait3A_1618 = arith.constant 0 : i32
    %dma_wait3A_1619 = arith.constant 0 : i32
    %dma_wait3A_1620 = tpu.memref_slice %arg6[%dma_wait3A_1615, %dma_wait3A_1616, %dma_wait3A_1618, %dma_wait3A_1619] : memref<8x2x50x128xf32, #tpu.memory_space<vmem>> -> memref<1x1x50x128xf32, #tpu.memory_space<vmem>>
    %dma_wait3A_1621 = tpu.memref_squeeze %dma_wait3A_1620 : memref<1x1x50x128xf32, #tpu.memory_space<vmem>> -> memref<50x128xf32, #tpu.memory_space<vmem>>
    %dma_wait3A_1622 = arith.constant 0 : i32
    %dma_wait3A_1623 = tpu.memref_slice %arg5[%dma_wait3A_1614, %dma_wait3A_1622] : memref<128x50xi32, #tpu.memory_space<vmem>> -> memref<1x50xi32, #tpu.memory_space<vmem>>
    %dma_wait3A_1624 = tpu.memref_squeeze %dma_wait3A_1623 : memref<1x50xi32, #tpu.memory_space<vmem>> -> memref<50xi32, #tpu.memory_space<vmem>>
    %dma_wait3A_1625 = arith.constant 0 : i32
    %dma_wait3A_1626 = arith.constant 0 : i32
    %dma_wait3A_1627 = tpu.memref_slice %arg2[%dma_wait3A_1625, %dma_wait3A_1626] : memref<100000x128xf32, #tpu.memory_space<hbm>> -> memref<100000x128xf32, #tpu.memory_space<hbm>>
    %dma_wait3A_1628 = tpu.memref_slice %arg7[%dma_wait3A_1617] : memref<8x!tpu.dma_semaphore, #tpu.memory_space<semaphore_mem>> -> memref<1x!tpu.dma_semaphore, #tpu.memory_space<semaphore_mem>>
    %dma_wait3A_1629 = tpu.memref_squeeze %dma_wait3A_1628 : memref<1x!tpu.dma_semaphore, #tpu.memory_space<semaphore_mem>> -> memref<!tpu.dma_semaphore, #tpu.memory_space<semaphore_mem>>
    tpu.wait_indirect_dma semaphore(%dma_wait3A_1629 : memref<!tpu.dma_semaphore, #tpu.memory_space<semaphore_mem>>) src(%dma_wait3A_1627 : memref<100000x128xf32, #tpu.memory_space<hbm>>) dst(%dma_wait3A_1621 : memref<50x128xf32, #tpu.memory_space<vmem>>)
    %dma_wait3A_1630 = arith.constant 127 : i32
    %dma_wait3A_1631 = arith.constant 7 : i32
    %dma_wait3A_1632 = arith.constant 1 : i32
    %dma_wait3A_1633 = arith.constant 7 : i32
    %dma_wait3A_1634 = arith.constant 0 : i32
    %dma_wait3A_1635 = arith.constant 0 : i32
    %dma_wait3A_1636 = tpu.memref_slice %arg6[%dma_wait3A_1631, %dma_wait3A_1632, %dma_wait3A_1634, %dma_wait3A_1635] : memref<8x2x50x128xf32, #tpu.memory_space<vmem>> -> memref<1x1x50x128xf32, #tpu.memory_space<vmem>>
    %dma_wait3A_1637 = tpu.memref_squeeze %dma_wait3A_1636 : memref<1x1x50x128xf32, #tpu.memory_space<vmem>> -> memref<50x128xf32, #tpu.memory_space<vmem>>
    %dma_wait3A_1638 = arith.constant 0 : i32
    %dma_wait3A_1639 = tpu.memref_slice %arg5[%dma_wait3A_1630, %dma_wait3A_1638] : memref<128x50xi32, #tpu.memory_space<vmem>> -> memref<1x50xi32, #tpu.memory_space<vmem>>
    %dma_wait3A_1640 = tpu.memref_squeeze %dma_wait3A_1639 : memref<1x50xi32, #tpu.memory_space<vmem>> -> memref<50xi32, #tpu.memory_space<vmem>>
    %dma_wait3A_1641 = arith.constant 0 : i32
    %dma_wait3A_1642 = arith.constant 0 : i32
    %dma_wait3A_1643 = tpu.memref_slice %arg2[%dma_wait3A_1641, %dma_wait3A_1642] : memref<100000x128xf32, #tpu.memory_space<hbm>> -> memref<100000x128xf32, #tpu.memory_space<hbm>>
    %dma_wait3A_1644 = tpu.memref_slice %arg7[%dma_wait3A_1633] : memref<8x!tpu.dma_semaphore, #tpu.memory_space<semaphore_mem>> -> memref<1x!tpu.dma_semaphore, #tpu.memory_space<semaphore_mem>>
    %dma_wait3A_1645 = tpu.memref_squeeze %dma_wait3A_1644 : memref<1x!tpu.dma_semaphore, #tpu.memory_space<semaphore_mem>> -> memref<!tpu.dma_semaphore, #tpu.memory_space<semaphore_mem>>
    tpu.wait_indirect_dma semaphore(%dma_wait3A_1645 : memref<!tpu.dma_semaphore, #tpu.memory_space<semaphore_mem>>) src(%dma_wait3A_1643 : memref<100000x128xf32, #tpu.memory_space<hbm>>) dst(%dma_wait3A_1637 : memref<50x128xf32, #tpu.memory_space<vmem>>)
    %add3A_1646 = arith.constant 126 : i32
    %add3A_1647 = arith.addi %mul3A_2, %add3A_1646 : i32
    %dma_start3A_1648 = arith.constant 7 : i32
    %dma_start3A_1649 = arith.constant 7 : i32
    %dma_start3A_1650 = arith.constant 0 : i32
    %dma_start3A_1651 = arith.constant 0 : i32
    %dma_start3A_1652 = arith.constant 0 : i32
    %dma_start3A_1653 = tpu.memref_slice %arg6[%dma_start3A_1648, %dma_start3A_1650, %dma_start3A_1651, %dma_start3A_1652] : memref<8x2x50x128xf32, #tpu.memory_space<vmem>> -> memref<1x2x50x128xf32, #tpu.memory_space<vmem>>
    %dma_start3A_1654 = tpu.memref_squeeze %dma_start3A_1653 : memref<1x2x50x128xf32, #tpu.memory_space<vmem>> -> memref<2x50x128xf32, #tpu.memory_space<vmem>>
    %dma_start3A_1655 = arith.constant 0 : i32
    %dma_start3A_1656 = arith.constant 0 : i32
    %dma_start3A_1657 = tpu.memref_slice %arg4[%add3A_1647, %dma_start3A_1655, %dma_start3A_1656] : memref<4096x50x128xf32, #tpu.memory_space<hbm>> -> memref<2x50x128xf32, #tpu.memory_space<hbm>>
    %dma_start3A_1658 = tpu.memref_slice %arg8[%dma_start3A_1649] : memref<8x!tpu.dma_semaphore, #tpu.memory_space<semaphore_mem>> -> memref<1x!tpu.dma_semaphore, #tpu.memory_space<semaphore_mem>>
    %dma_start3A_1659 = tpu.memref_squeeze %dma_start3A_1658 : memref<1x!tpu.dma_semaphore, #tpu.memory_space<semaphore_mem>> -> memref<!tpu.dma_semaphore, #tpu.memory_space<semaphore_mem>>
    %dma_start3A_1660 = arith.constant 0 : i32
    %dma_start3A_1661 = arith.constant 0 : i32
    %dma_start3A_1662 = tpu.memref_slice %arg4[%add3A_1647, %dma_start3A_1660, %dma_start3A_1661] : memref<4096x50x128xf32, #tpu.memory_space<hbm>> -> memref<2x50x128xf32, #tpu.memory_space<hbm>>
    %dma_start3A_1663 = arith.constant 0 : i32
    %dma_start3A_1664 = arith.constant 0 : i32
    %dma_start3A_1665 = arith.constant 0 : i32
    %dma_start3A_1666 = tpu.memref_slice %arg6[%dma_start3A_1648, %dma_start3A_1663, %dma_start3A_1664, %dma_start3A_1665] : memref<8x2x50x128xf32, #tpu.memory_space<vmem>> -> memref<1x2x50x128xf32, #tpu.memory_space<vmem>>
    %dma_start3A_1667 = tpu.memref_squeeze %dma_start3A_1666 : memref<1x2x50x128xf32, #tpu.memory_space<vmem>> -> memref<2x50x128xf32, #tpu.memory_space<vmem>>
    tpu.enqueue_dma source(%dma_start3A_1667 : memref<2x50x128xf32, #tpu.memory_space<vmem>>) target(%dma_start3A_1662 : memref<2x50x128xf32, #tpu.memory_space<hbm>>) target_semaphore(%dma_start3A_1659 : memref<!tpu.dma_semaphore, #tpu.memory_space<semaphore_mem>>)
    %add3A_1668 = arith.constant 122 : i32
    %add3A_1669 = arith.addi %mul3A_2, %add3A_1668 : i32
    %dma_wait3A_1670 = arith.constant 5 : i32
    %dma_wait3A_1671 = arith.constant 5 : i32
    %dma_wait3A_1672 = arith.constant 0 : i32
    %dma_wait3A_1673 = arith.constant 0 : i32
    %dma_wait3A_1674 = arith.constant 0 : i32
    %dma_wait3A_1675 = tpu.memref_slice %arg6[%dma_wait3A_1670, %dma_wait3A_1672, %dma_wait3A_1673, %dma_wait3A_1674] : memref<8x2x50x128xf32, #tpu.memory_space<vmem>> -> memref<1x2x50x128xf32, #tpu.memory_space<vmem>>
    %dma_wait3A_1676 = tpu.memref_squeeze %dma_wait3A_1675 : memref<1x2x50x128xf32, #tpu.memory_space<vmem>> -> memref<2x50x128xf32, #tpu.memory_space<vmem>>
    %dma_wait3A_1677 = arith.constant 0 : i32
    %dma_wait3A_1678 = arith.constant 0 : i32
    %dma_wait3A_1679 = tpu.memref_slice %arg4[%add3A_1669, %dma_wait3A_1677, %dma_wait3A_1678] : memref<4096x50x128xf32, #tpu.memory_space<hbm>> -> memref<2x50x128xf32, #tpu.memory_space<hbm>>
    %dma_wait3A_1680 = tpu.memref_slice %arg8[%dma_wait3A_1671] : memref<8x!tpu.dma_semaphore, #tpu.memory_space<semaphore_mem>> -> memref<1x!tpu.dma_semaphore, #tpu.memory_space<semaphore_mem>>
    %dma_wait3A_1681 = tpu.memref_squeeze %dma_wait3A_1680 : memref<1x!tpu.dma_semaphore, #tpu.memory_space<semaphore_mem>> -> memref<!tpu.dma_semaphore, #tpu.memory_space<semaphore_mem>>
    %dma_wait3A_1682 = arith.constant 0 : i32
    %dma_wait3A_1683 = arith.constant 0 : i32
    %dma_wait3A_1684 = tpu.memref_slice %arg4[%add3A_1669, %dma_wait3A_1682, %dma_wait3A_1683] : memref<4096x50x128xf32, #tpu.memory_space<hbm>> -> memref<2x50x128xf32, #tpu.memory_space<hbm>>
    %dma_wait3A_1685 = arith.constant 0 : i32
    %dma_wait3A_1686 = arith.constant 0 : i32
    %dma_wait3A_1687 = arith.constant 0 : i32
    %dma_wait3A_1688 = tpu.memref_slice %arg6[%dma_wait3A_1670, %dma_wait3A_1685, %dma_wait3A_1686, %dma_wait3A_1687] : memref<8x2x50x128xf32, #tpu.memory_space<vmem>> -> memref<1x2x50x128xf32, #tpu.memory_space<vmem>>
    %dma_wait3A_1689 = tpu.memref_squeeze %dma_wait3A_1688 : memref<1x2x50x128xf32, #tpu.memory_space<vmem>> -> memref<2x50x128xf32, #tpu.memory_space<vmem>>
    tpu.wait_dma2 semaphore(%dma_wait3A_1681 : memref<!tpu.dma_semaphore, #tpu.memory_space<semaphore_mem>>) src(%dma_wait3A_1689 : memref<2x50x128xf32, #tpu.memory_space<vmem>>) dst(%dma_wait3A_1684 : memref<2x50x128xf32, #tpu.memory_space<hbm>>)
    %add3A_1690 = arith.constant 124 : i32
    %add3A_1691 = arith.addi %mul3A_2, %add3A_1690 : i32
    %dma_wait3A_1692 = arith.constant 6 : i32
    %dma_wait3A_1693 = arith.constant 6 : i32
    %dma_wait3A_1694 = arith.constant 0 : i32
    %dma_wait3A_1695 = arith.constant 0 : i32
    %dma_wait3A_1696 = arith.constant 0 : i32
    %dma_wait3A_1697 = tpu.memref_slice %arg6[%dma_wait3A_1692, %dma_wait3A_1694, %dma_wait3A_1695, %dma_wait3A_1696] : memref<8x2x50x128xf32, #tpu.memory_space<vmem>> -> memref<1x2x50x128xf32, #tpu.memory_space<vmem>>
    %dma_wait3A_1698 = tpu.memref_squeeze %dma_wait3A_1697 : memref<1x2x50x128xf32, #tpu.memory_space<vmem>> -> memref<2x50x128xf32, #tpu.memory_space<vmem>>
    %dma_wait3A_1699 = arith.constant 0 : i32
    %dma_wait3A_1700 = arith.constant 0 : i32
    %dma_wait3A_1701 = tpu.memref_slice %arg4[%add3A_1691, %dma_wait3A_1699, %dma_wait3A_1700] : memref<4096x50x128xf32, #tpu.memory_space<hbm>> -> memref<2x50x128xf32, #tpu.memory_space<hbm>>
    %dma_wait3A_1702 = tpu.memref_slice %arg8[%dma_wait3A_1693] : memref<8x!tpu.dma_semaphore, #tpu.memory_space<semaphore_mem>> -> memref<1x!tpu.dma_semaphore, #tpu.memory_space<semaphore_mem>>
    %dma_wait3A_1703 = tpu.memref_squeeze %dma_wait3A_1702 : memref<1x!tpu.dma_semaphore, #tpu.memory_space<semaphore_mem>> -> memref<!tpu.dma_semaphore, #tpu.memory_space<semaphore_mem>>
    %dma_wait3A_1704 = arith.constant 0 : i32
    %dma_wait3A_1705 = arith.constant 0 : i32
    %dma_wait3A_1706 = tpu.memref_slice %arg4[%add3A_1691, %dma_wait3A_1704, %dma_wait3A_1705] : memref<4096x50x128xf32, #tpu.memory_space<hbm>> -> memref<2x50x128xf32, #tpu.memory_space<hbm>>
    %dma_wait3A_1707 = arith.constant 0 : i32
    %dma_wait3A_1708 = arith.constant 0 : i32
    %dma_wait3A_1709 = arith.constant 0 : i32
    %dma_wait3A_1710 = tpu.memref_slice %arg6[%dma_wait3A_1692, %dma_wait3A_1707, %dma_wait3A_1708, %dma_wait3A_1709] : memref<8x2x50x128xf32, #tpu.memory_space<vmem>> -> memref<1x2x50x128xf32, #tpu.memory_space<vmem>>
    %dma_wait3A_1711 = tpu.memref_squeeze %dma_wait3A_1710 : memref<1x2x50x128xf32, #tpu.memory_space<vmem>> -> memref<2x50x128xf32, #tpu.memory_space<vmem>>
    tpu.wait_dma2 semaphore(%dma_wait3A_1703 : memref<!tpu.dma_semaphore, #tpu.memory_space<semaphore_mem>>) src(%dma_wait3A_1711 : memref<2x50x128xf32, #tpu.memory_space<vmem>>) dst(%dma_wait3A_1706 : memref<2x50x128xf32, #tpu.memory_space<hbm>>)
    %add3A_1712 = arith.constant 126 : i32
    %add3A_1713 = arith.addi %mul3A_2, %add3A_1712 : i32
    %dma_wait3A_1714 = arith.constant 7 : i32
    %dma_wait3A_1715 = arith.constant 7 : i32
    %dma_wait3A_1716 = arith.constant 0 : i32
    %dma_wait3A_1717 = arith.constant 0 : i32
    %dma_wait3A_1718 = arith.constant 0 : i32
    %dma_wait3A_1719 = tpu.memref_slice %arg6[%dma_wait3A_1714, %dma_wait3A_1716, %dma_wait3A_1717, %dma_wait3A_1718] : memref<8x2x50x128xf32, #tpu.memory_space<vmem>> -> memref<1x2x50x128xf32, #tpu.memory_space<vmem>>
    %dma_wait3A_1720 = tpu.memref_squeeze %dma_wait3A_1719 : memref<1x2x50x128xf32, #tpu.memory_space<vmem>> -> memref<2x50x128xf32, #tpu.memory_space<vmem>>
    %dma_wait3A_1721 = arith.constant 0 : i32
    %dma_wait3A_1722 = arith.constant 0 : i32
    %dma_wait3A_1723 = tpu.memref_slice %arg4[%add3A_1713, %dma_wait3A_1721, %dma_wait3A_1722] : memref<4096x50x128xf32, #tpu.memory_space<hbm>> -> memref<2x50x128xf32, #tpu.memory_space<hbm>>
    %dma_wait3A_1724 = tpu.memref_slice %arg8[%dma_wait3A_1715] : memref<8x!tpu.dma_semaphore, #tpu.memory_space<semaphore_mem>> -> memref<1x!tpu.dma_semaphore, #tpu.memory_space<semaphore_mem>>
    %dma_wait3A_1725 = tpu.memref_squeeze %dma_wait3A_1724 : memref<1x!tpu.dma_semaphore, #tpu.memory_space<semaphore_mem>> -> memref<!tpu.dma_semaphore, #tpu.memory_space<semaphore_mem>>
    %dma_wait3A_1726 = arith.constant 0 : i32
    %dma_wait3A_1727 = arith.constant 0 : i32
    %dma_wait3A_1728 = tpu.memref_slice %arg4[%add3A_1713, %dma_wait3A_1726, %dma_wait3A_1727] : memref<4096x50x128xf32, #tpu.memory_space<hbm>> -> memref<2x50x128xf32, #tpu.memory_space<hbm>>
    %dma_wait3A_1729 = arith.constant 0 : i32
    %dma_wait3A_1730 = arith.constant 0 : i32
    %dma_wait3A_1731 = arith.constant 0 : i32
    %dma_wait3A_1732 = tpu.memref_slice %arg6[%dma_wait3A_1714, %dma_wait3A_1729, %dma_wait3A_1730, %dma_wait3A_1731] : memref<8x2x50x128xf32, #tpu.memory_space<vmem>> -> memref<1x2x50x128xf32, #tpu.memory_space<vmem>>
    %dma_wait3A_1733 = tpu.memref_squeeze %dma_wait3A_1732 : memref<1x2x50x128xf32, #tpu.memory_space<vmem>> -> memref<2x50x128xf32, #tpu.memory_space<vmem>>
    tpu.wait_dma2 semaphore(%dma_wait3A_1725 : memref<!tpu.dma_semaphore, #tpu.memory_space<semaphore_mem>>) src(%dma_wait3A_1733 : memref<2x50x128xf32, #tpu.memory_space<vmem>>) dst(%dma_wait3A_1728 : memref<2x50x128xf32, #tpu.memory_space<hbm>>)
    return
  }
}

</mosaic_0001>

<sc_bundles>
// kernel: _embedding_lookup.3.cloned.1.call-start
scs
__scs_entry_jumppad:
0x0: {  	(pc) =	sbr.rel $0x88, $3  }
0x1: {  	(tag) =	ssettag $0x0;
	lr =	simm.s32 $0x1  }
0x2: {  	[smem:$0x3F9F] =	sst lr;
	_ =	strace $0xD0000000  }
0x3: {  	_ = 	snop  }
0x4: {  	_ = 	snop  }
0x5: {  	_ = 	snop  }
0x6: {  	_ = 	snop  }
0x7: {  	_ = 	snop  }
__scs_overlays_trampoline_lowered:
0x8: {  	[smem:$0x3FAE] =	sst s0  }
0x9: {  	[smem:$0x3FAF] =	sst s1  }
0xa: {  	[smem:$0x3FB0] =	sst s2  }
0xb: {  	[smem:$0x3FB1] =	sst s3  }
0xc: {  	[smem:$0x3FB2] =	sst s4  }
0xd: {  	[smem:$0x3FB3] =	sst s5  }
0xe: {  	[smem:$0x3FB4] =	sst s6  }
0xf: {  	[smem:$0x3FB5] =	sst s7  }
0x10: {  	[smem:$0x3FB6] =	sst s8  }
0x11: {  	[smem:$0x3FB7] =	sst s9;
	s0 =	simm.s32 @!p0 $0x0  }
0x12: {  	s1 =	sld [smem:$0x3F9D];
	s0 =	simm.s32 @p0 $0x1  }
0x13: {  	[smem:$0x3FB8] =	sst s0;
	s0 =	simm.s32 @!p1 $0x0  }
0x14: {  	s2 =	sld [smem:$0x3F9C];
	s0 =	simm.s32 @p1 $0x1  }
0x15: {  	[smem:$0x3FB9] =	sst s0;
	s0 =	simm.s32 @!p2 $0x0  }
0x16: {  	s3 =	sld [smem:$0x3FDB];
	s0 =	simm.s32 @p2 $0x1  }
0x17: {  	s4 =	simm.s32 $0x1BF5;
	[smem:$0x3FBB] =	sst s0  }
0x18: {  	s0 =	sld [smem:$0x3F9E];
	_ =	swait.ge [sflag:s4], $0x0  }
0x19: {  	s7 =	sld [smem:$0x3F9F]  }
0x1a: {  	s8 =	sadd.s32 $0xFFFFE003, lr  }
0x1b: {  	s9 =	sadd.s32 $0xFFFFFEF7, lr;
	s5 =	simm.s32 $0xFFFFFFFF;
	p2 =	slt.u32 s8, $0xFFFFF086  }
0x1c: {  	p1 =	slt.u32 s9, $0xF7A;
	s5 =	simm.s32 @!p2 $0x0  }
0x1d: {  	s5 =	simm.s32 @p1 $0x1;
	p0 =	seq.s32 s7, s2  }
0x1e: {  	s7 =	smul.u32 @!p0 $0xF7A, s2;
	p2 =	seq.s32 @!p0 s5, $0x0  }
0x1f: {  	s9 =	smul.u32 $0xF7A, s1;
	s8 =	simm.s32 @!p0 $0x1BF5;
	p2 =	por !p2, p0  }
0x20: {  	[sflag:s8] =	ssyncset.s32 @!p0 $0xFFFFF086;
	s6 =	sadd.s32 @!p0 s3, s7;
	s7 =	simm.s32 @!p0 $0x108  }
0x21: {  	s3 =	sadd.s32 s3, s9;
	s6 =	sadd.s32 @!p0 $0x88, s6;
	s7 =	simm.s32 @p2 $0x1082  }
0x22: {  	[simem:s7], [sflag:s8] =	dma.local @!p0 [hbm:s6], $0xF7A  }
0x23: {  	s9 =	sor.u32 $0xD0000000, s2;
	s6 =	simm.s32 $0x108;
	_ =	swait.ge @!p0 [sflag:s8], $0x0  }
0x24: {  	s3 =	sadd.s32 $0x88, s3;
	s6 =	simm.s32 @!p1 $0x1082;
	[sflag:s4] =	ssyncset.s32 $0xFFFFF086  }
0x25: {  	[simem:s6], [sflag:s4] =	dma.local [hbm:s3], $0xF7A  }
0x26: {  	[smem:$0x3F9F] =	sst s1;
	(tag) =	ssettag s2;
	_ =	strace s9  }
0x27: {  	s1 =	sld [smem:$0x3FAF]  }
0x28: {  	s2 =	sld [smem:$0x3FB0]  }
0x29: {  	s4 =	sld [smem:$0x3FB2]  }
0x2a: {  	p0 =	seq.s32 s5, $0x0;
	s5 =	sld [smem:$0x3FB3]  }
0x2b: {  	s6 =	sld [smem:$0x3FB4]  }
0x2c: {  	s7 =	sld [smem:$0x3FB5]  }
0x2d: {  	s3 =	simm.s32 $0x108;
	s8 =	sld [smem:$0x3FB6]  }
0x2e: {  	s3 =	simm.s32 @!p0 $0x1082;
	s9 =	sld [smem:$0x3FB7]  }
0x2f: {  	lr =	sadd.s32 s0, s3;
	s0 =	sld [smem:$0x3FAE]  }
0x30: {  	s3 =	sld [smem:$0x3FB1]  }
0x31: {  	[smem:$0x3FBA] =	sst s10  }
0x32: {  	s10 =	sld [smem:$0x3FB8];
	_ =	sdelay $0x3  }
0x33: {  	p0 =	seq.s32 s10, $0x1;
	s10 =	sld [smem:$0x3FBA];
	_ =	sdelay $0x3  }
0x34: {  	[smem:$0x3FBA] =	sst s10  }
0x35: {  	s10 =	sld [smem:$0x3FB9];
	_ =	sdelay $0x3  }
0x36: {  	p1 =	seq.s32 s10, $0x1;
	s10 =	sld [smem:$0x3FBA];
	_ =	sdelay $0x3  }
0x37: {  	[smem:$0x3FBA] =	sst s10  }
0x38: {  	s10 =	sld [smem:$0x3FBB]  }
0x39: {  	_ = 	snop;
	(pc) =	sbr.ind lr, $3  }
0x3a: {  	_ = 	snop  }
0x3b: {  	_ = 	snop  }
0x3c: {  	p2 =	seq.s32 s10, $0x1;
	s10 =	sld [smem:$0x3FBA]  }
0x3d: {  	_ =	shalt  }
0x3e: {  	_ =	shalt  }
0x3f: {  	_ =	shalt  }
0x40: {  	_ =	shalt  }
0x41: {  	_ =	shalt  }
0x42: {  	_ =	shalt  }
0x43: {  	_ =	shalt  }
0x44: {  	_ =	shalt  }
0x45: {  	_ =	shalt  }
0x46: {  	_ =	shalt  }
0x47: {  	_ =	shalt  }
0x48: {  	_ =	shalt  }
0x49: {  	_ =	shalt  }
0x4a: {  	_ =	shalt  }
0x4b: {  	_ =	shalt  }
0x4c: {  	_ =	shalt  }
0x4d: {  	_ =	shalt  }
0x4e: {  	_ =	shalt  }
0x4f: {  	_ =	shalt  }
0x50: {  	_ =	shalt  }
0x51: {  	_ =	shalt  }
0x52: {  	_ =	shalt  }
0x53: {  	_ =	shalt  }
0x54: {  	_ =	shalt  }
0x55: {  	_ =	shalt  }
0x56: {  	_ =	shalt  }
0x57: {  	_ =	shalt  }
0x58: {  	_ =	shalt  }
0x59: {  	_ =	shalt  }
0x5a: {  	_ =	shalt  }
0x5b: {  	_ =	shalt  }
0x5c: {  	_ =	shalt  }
0x5d: {  	_ =	shalt  }
0x5e: {  	_ =	shalt  }
0x5f: {  	_ =	shalt  }
0x60: {  	_ =	shalt  }
0x61: {  	_ =	shalt  }
0x62: {  	_ =	shalt  }
0x63: {  	_ =	shalt  }
0x64: {  	_ =	shalt  }
0x65: {  	_ =	shalt  }
0x66: {  	_ =	shalt  }
0x67: {  	_ =	shalt  }
0x68: {  	_ =	shalt  }
0x69: {  	_ =	shalt  }
0x6a: {  	_ =	shalt  }
0x6b: {  	_ =	shalt  }
0x6c: {  	_ =	shalt  }
0x6d: {  	_ =	shalt  }
0x6e: {  	_ =	shalt  }
0x6f: {  	_ =	shalt  }
0x70: {  	_ =	shalt  }
0x71: {  	_ =	shalt  }
0x72: {  	_ =	shalt  }
0x73: {  	_ =	shalt  }
0x74: {  	_ =	shalt  }
0x75: {  	_ =	shalt  }
0x76: {  	_ =	shalt  }
0x77: {  	_ =	shalt  }
0x78: {  	_ =	shalt  }
0x79: {  	_ =	shalt  }
0x7a: {  	_ =	shalt  }
0x7b: {  	_ =	shalt  }
0x7c: {  	_ =	shalt  }
0x7d: {  	_ =	shalt  }
0x7e: {  	_ =	shalt  }
0x7f: {  	_ =	shalt  }
0x80: {  	_ =	shalt  }
0x81: {  	_ =	shalt  }
0x82: {  	_ =	shalt  }
0x83: {  	_ =	shalt  }
0x84: {  	_ =	shalt  }
0x85: {  	_ =	shalt  }
0x86: {  	_ =	shalt  }
0x87: {  	_ =	shalt  }
.Lfunc_end0:
.L_simem_size_0:
called_computation_lowered:
.L_overlay_start_0:
0x88: {  	s2 =	sld [smem:$0x3FD9]  }
0x89: {  	s3 =	sld [smem:$0x3FFE];
	_ =	sdelay $0x1  }
0x8a: {  	s1 =	srdreg.scid  }
0x8b: {  	s0 =	sand.u32 $0x1, s1  }
0x8c: {  	s17 =	sshll.u32 s0, $0xA;
	s2 =	sadd.s32 s3, s2  }
0x8d: {  	s2 =	sadd.s32 s2, s17  }
0x8e: {  	[smem:$0x3FC6] =	sst s2  }
0x8f: {  	_ = 	snop  }
0x90: {  	s2 =	sld [smem:$0x3FC9]  }
0x91: {  	s18 =	sld [smem:$0x3FD0];
	(tm) =	ssettm $0x1  }
0x92: {  	s4 =	sld [smem:$0x3FFB];
	_ =	sdelay $0x3  }
0x93: {  	_ =	strace s4  }
0x94: {  	s4 =	sld [smem:$0x3FFC];
	_ =	sdelay $0x3  }
0x95: {  	_ =	strace s4  }
0x96: {  	s4 =	sld [smem:$0x3FFD];
	_ =	sdelay $0x3  }
0x97: {  	_ =	strace s4  }
0x98: {  	_ =	strace $0x8FFFFFFF  }
0x99: {  	s19 =	sld [smem:$0x3FDB];
	_ =	sdelay $0x1  }
0x9a: {  	s5 =	simm.s32 $_scs_section_size  }
0x9b: {  	s6 =	simm.s32 $_size__tile_overlayer_lowered;
	s7 =	simm.s32 $_tile_overlayer_lowered  }
0x9c: {  	s22 =	simm.s32 $0x1BFF;
	s21 =	sshll.u32 s7, $0x1;
	s4 =	sadd.s32 s5, s19  }
0x9d: {  	s8 =	simm.s32 $0x0;
	s20 =	sshll.u32 s6, $0x1;
	s6 =	sadd.s32 s21, s4  }
0x9e: {  	[timem:s8], [sflag:s22] =	dma.local [hbm:s6], s20  }
0x9f: {  	_ =	swait.ge [sflag:s22], s20  }
0xa0: {  	s5 =	ssub.s32 $0x0, s20;
	[sflag:s22] =	ssyncset.done $0x0  }
0xa1: {  	[sflag:s22] =	ssyncadd.s32 s5;
	_ =	sdelay $0x1  }
0xa2: {  	s23 =	simm.s32 $0x1B8B  }
0xa3: {  	_ =	swait.ge [sflag:s23], $0x1  }
0xa4: {  	[sflag:s23] =	ssyncset.done $0x0  }
0xa5: {  	s25 =	simm.s32 $0x1B8E;
	s24 =	sld [smem:$0x3FFE];
	[sflag:s23] =	ssyncadd.s32 $0xFFFFFFFF  }
0xa6: {  	s26 =	simm.s32 $execute0_lowered;
	[smem:$0x3FD2] =	sst s25  }
0xa7: {  	s6 =	sshll.u32 s26, $0x1;
	_ =	strace $0x80000046;
	[dreg:$0x1] =	wrdreg $0xFFFFFFFF  }
0xa8: {  	s28 =	simm.s32 $_size_execute0_lowered;
	s4 =	sadd.s32 s4, s6;
	[dreg:$0x0] =	wrdreg $0x0  }
0xa9: {  	s6 =	sshll.u32 s28, $0x1;
	[dreg:$0x2] =	wrdreg s4  }
0xaa: {  	[dreg:$0x3] =	wrdreg s6  }
0xab: {  	[dreg:$0x4] =	wrdreg $0xC0  }
0xac: {  	_ =	task [dreg:s8], $0x5FFFF  }
0xad: {  	[dreg:$0x1] =	wrdreg $0xFFFFFFFF  }
0xae: {  	[dreg:$0x0] =	wrdreg $0x60  }
0xaf: {  	[dreg:$0x2] =	wrdreg s2  }
0xb0: {  	[dreg:$0x3] =	wrdreg s18  }
0xb1: {  	[dreg:$0x4] =	wrdreg s24  }
0xb2: {  	[dreg:$0x5] =	wrdreg $0x9  }
0xb3: {  	_ =	task.clear_ibuf [dreg:s8], $0x6FFFF;
	_ =	strace $0x90000046  }
0xb4: {  	s29 =	simm.s32 $0x9;
	_ =	strace $0x80000048  }
0xb5: {  	_ =	swait.ge [sflag:s29], $0x1  }
0xb6: {  	[sflag:s29] =	ssyncadd.s32 $0xFFFFFFFF  }
0xb7: {  	_ =	strace $0x90000048  }
0xb8: {  	_ =	sfence  }
0xb9: {  	s30 =	sld [smem:$0x0];
	_ =	sdelay $0x2  }
0xba: {  	s31 =	sshll.u32 s1, $0xD;
	s1 =	sshrl.u32 s1, $0x2  }
0xbb: {  	s3 =	sand.u32 $0x4000, s31;
	s1 =	sadd.s32 s1, s30  }
0xbc: {  	s0 =	sor.u32 s3, s0;
	s1 =	sshll.u32 s1, $0x11  }
0xbd: {  	s0 =	sor.u32 s1, s0  }
0xbe: {  	s0 =	sadd.s32 $0x8F2B, s0  }
0xbf: {  	[sflag:s0] =	ssyncadd.remote.s32 $0x1  }
0xc0: {  	_ =	sfence.sel $0xFFFF  }
0xc1: {  	[dreg:$0x0] =	wrdreg $0xFFFFFFFF;
	(pc) =	sbr.abs _section_cstart, $3  }
0xc2: {  	[dreg:$0x1] =	wrdreg $0xFFFFFFFF  }
0xc3: {  	_ =	task.clear_ibuf [dreg:s8], $0x2FFFF;
	_ =	strace $0x9FFFFFFF  }
0xc4: {  	(tm) =	ssettm $0x7FFFFFFF  }
0xc5: {  	_ =	shalt  }
tec
execute0_lowered:
.L_overlay_start_1:
0x0: {  	(tag) =	ssettag $0x1  }
0x1: {  	s2 =	rddreg [dreg:$0x0]  }
0x2: {  	s0 =	rddreg [dreg:$0x1];
	s1 =	srdreg.scid  }
0x3: {  	s4 =	rddreg [dreg:$0x2];
	s9 =	stileid.u32;
	s1 =	sand.u32 $0x1, s1  }
0x4: {  	s3 =	simm.s32 $0x0;
	s5 =	sshll.u32 s9, $0x8;
	s6 =	sshll.u32 s1, $0x7  }
0x5: {  	[smem:$0x7FF] =	sst s3;
	s7 =	ssub.s32 $0x2, s1;
	s5 =	sor.u32 s6, s5  }
0x6: {  	s4 =	sadd.s32 $0x400, s4;
	s11 =	sshrl.u32 s7, $0x1;
	s12 =	sshll.u32 s5, $0x4  }
0x7: {  	s8 =	smul.u32 $0x380, s5;
	s6 =	ssub.s32 s7, s11;
	s0 =	sadd.s32 s0, s12  }
0x8: {  	_ =	strace $0x80000047;
	s30 =	smax.u32 s6, $0x1;
	[dreg:$0x5] =	wrdreg s0  }
0x9: {  	s8 =	sadd.s32 s4, s8;
	[dreg:$0x15] =	wrdreg s30  }
0xa: {  	s13 =	sadd.s32 $0x700, s8;
	[dreg:$0x4] =	wrdreg s8  }
0xb: {  	s14 =	sadd.s32 $0xE00, s8;
	[dreg:$0x6] =	wrdreg s13  }
0xc: {  	s22 =	smul.u32 $0x38000, s9;
	s15 =	sadd.s32 $0x1500, s8;
	[dreg:$0x7] =	wrdreg s14  }
0xd: {  	s5 =	smul.u32 $0x1C00, s5;
	s16 =	sadd.s32 $0x1C00, s8;
	[dreg:$0x8] =	wrdreg s15  }
0xe: {  	s1 =	smul.u32 $0x1C000, s1;
	s18 =	sadd.s32 $0x2300, s8;
	[dreg:$0x9] =	wrdreg s16  }
0xf: {  	s17 =	sshrl.u32 s5, $0x3;
	s19 =	sadd.s32 $0x2A00, s8;
	[dreg:$0xa] =	wrdreg s18  }
0x10: {  	s0 =	sadd.s32 s4, s17;
	s20 =	sadd.s32 $0x3100, s8;
	[dreg:$0xb] =	wrdreg s19  }
0x11: {  	s12 =	simm.s32 $0x2;
	[dreg:$0xc] =	wrdreg s20;
	s21 =	sadd.s32 $0x18800, s0  }
0x12: {  	s4 =	sadd.s32 s22, s4;
	s23 =	sadd.s32 $0x18F00, s0;
	[dreg:$0xd] =	wrdreg s21  }
0x13: {  	s17 =	simm.s32 $0x5;
	s24 =	sadd.s32 $0x19600, s0;
	[dreg:$0xe] =	wrdreg s23  }
0x14: {  	s25 =	sadd.s32 $0x19D00, s0;
	s26 =	sadd.s32 $0x1A400, s0;
	[dreg:$0xf] =	wrdreg s24  }
0x15: {  	s28 =	sadd.s32 $0x1AB00, s0;
	s29 =	sadd.s32 $0x1B200, s0;
	[dreg:$0x10] =	wrdreg s25  }
0x16: {  	s1 =	sadd.s32 s1, s4;
	s0 =	sadd.s32 $0x1B900, s0;
	[dreg:$0x11] =	wrdreg s26  }
0x17: {  	s13 =	simm.s32 $0x3;
	s15 =	simm.s32 $0x4;
	[dreg:$0x12] =	wrdreg s28  }
0x18: {  	s19 =	simm.s32 $0x6;
	s4 =	simm.s32 $0x7;
	[dreg:$0x13] =	wrdreg s29  }
0x19: {  	[dreg:$0x14] =	wrdreg s0;
	s31 =	sadd.s32 $0x3800, s1;
	s24 =	simm.s32 $0x32  }
0x1a: {  	s25 =	simm.s32 $0x8;
	s0 =	simm.s32 $0x0;
	[dreg:$0x16] =	wrdreg s31  }
.LBB2_1:
0x1b: {  	[dreg:$0x17] =	wrdreg s0  }
0x1c: {  	s1 =	rddreg [dreg:$0x5];
	s30 =	simm.s32 $0x11  }
0x1d: {  	[tilespmem:s3], [sflag:$0x11] =	stream.linear.gather [hbm4b:s1+s3], $0x4000, $0x38;
	v63 =	vld [tilespmem:$0x0]  }
0x1e: {  	_ =	swait.ge [sflag:s30], $0x4000  }
0x1f: {  	[sflag:s30] =	ssyncset.done $0x0  }
0x20: {  	s20 =	simm.s32 $0x4000;
	[sflag:s30] =	ssyncadd.s32 $0xFFFFC000  }
0x21: {  	[tilespmem:s20], [sflag:$0x1] =	stream.indirect.gather [hbm4b:s2+s24], $0x80, s3, s24, $0xb8;
	v63 =	vld [tilespmem:$0x0]  }
0x22: {  	s0 =	simm.s32 $0x80;
	s21 =	simm.s32 $0x5C00  }
0x23: {  	[tilespmem:s21], [sflag:$0x1] =	stream.indirect.gather [hbm4b:s2+s24], $0x80, s0, s24, $0xb8;
	v63 =	vld [tilespmem:$0x0]  }
0x24: {  	s5 =	simm.s32 $0x100;
	s23 =	simm.s32 $0x7800  }
0x25: {  	[tilespmem:s23], [sflag:$0x2] =	stream.indirect.gather [hbm4b:s2+s24], $0x80, s5, s24, $0xb8;
	v63 =	vld [tilespmem:$0x0]  }
0x26: {  	s6 =	simm.s32 $0x180;
	s22 =	simm.s32 $0x9400  }
0x27: {  	[tilespmem:s22], [sflag:$0x2] =	stream.indirect.gather [hbm4b:s2+s24], $0x80, s6, s24, $0xb8;
	v63 =	vld [tilespmem:$0x0]  }
0x28: {  	s7 =	simm.s32 $0x200;
	s28 =	simm.s32 $0xB000  }
0x29: {  	[tilespmem:s28], [sflag:$0x3] =	stream.indirect.gather [hbm4b:s2+s24], $0x80, s7, s24, $0xb8;
	v63 =	vld [tilespmem:$0x0]  }
0x2a: {  	s8 =	simm.s32 $0x280;
	s29 =	simm.s32 $0xCC00  }
0x2b: {  	[tilespmem:s29], [sflag:$0x3] =	stream.indirect.gather [hbm4b:s2+s24], $0x80, s8, s24, $0xb8;
	v63 =	vld [tilespmem:$0x0]  }
0x2c: {  	s9 =	simm.s32 $0x300;
	s30 =	simm.s32 $0xE800  }
0x2d: {  	[tilespmem:s30], [sflag:$0x4] =	stream.indirect.gather [hbm4b:s2+s24], $0x80, s9, s24, $0xb8;
	v63 =	vld [tilespmem:$0x0]  }
0x2e: {  	s10 =	simm.s32 $0x380;
	s11 =	simm.s32 $0x10400  }
0x2f: {  	[tilespmem:s11], [sflag:$0x4] =	stream.indirect.gather [hbm4b:s2+s24], $0x80, s10, s24, $0xb8;
	v63 =	vld [tilespmem:$0x0]  }
0x30: {  	s14 =	simm.s32 $0x400;
	s16 =	simm.s32 $0x12000  }
0x31: {  	[tilespmem:s16], [sflag:$0x5] =	stream.indirect.gather [hbm4b:s2+s24], $0x80, s14, s24, $0xb8;
	v63 =	vld [tilespmem:$0x0]  }
0x32: {  	s18 =	simm.s32 $0x480;
	s26 =	simm.s32 $0x13C00  }
0x33: {  	[tilespmem:s26], [sflag:$0x5] =	stream.indirect.gather [hbm4b:s2+s24], $0x80, s18, s24, $0xb8;
	v63 =	vld [tilespmem:$0x0]  }
0x34: {  	s0 =	simm.s32 $0x500;
	s6 =	simm.s32 $0x15800  }
0x35: {  	[tilespmem:s6], [sflag:$0x6] =	stream.indirect.gather [hbm4b:s2+s24], $0x80, s0, s24, $0xb8;
	v63 =	vld [tilespmem:$0x0]  }
0x36: {  	s7 =	simm.s32 $0x580;
	s11 =	simm.s32 $0x17400  }
0x37: {  	[tilespmem:s11], [sflag:$0x6] =	stream.indirect.gather [hbm4b:s2+s24], $0x80, s7, s24, $0xb8;
	v63 =	vld [tilespmem:$0x0]  }
0x38: {  	s14 =	simm.s32 $0x600;
	s16 =	simm.s32 $0x19000  }
0x39: {  	[tilespmem:s16], [sflag:$0x7] =	stream.indirect.gather [hbm4b:s2+s24], $0x80, s14, s24, $0xb8;
	v63 =	vld [tilespmem:$0x0]  }
0x3a: {  	s18 =	simm.s32 $0x680;
	s26 =	simm.s32 $0x1AC00  }
0x3b: {  	[tilespmem:s26], [sflag:$0x7] =	stream.indirect.gather [hbm4b:s2+s24], $0x80, s18, s24, $0xb8;
	v63 =	vld [tilespmem:$0x0]  }
0x3c: {  	s11 =	simm.s32 $0x700;
	s14 =	simm.s32 $0x1C800  }
0x3d: {  	[tilespmem:s14], [sflag:$0x8] =	stream.indirect.gather [hbm4b:s2+s24], $0x80, s11, s24, $0xb8;
	v63 =	vld [tilespmem:$0x0]  }
0x3e: {  	s0 =	simm.s32 $0x1;
	s16 =	simm.s32 $0x780;
	s26 =	simm.s32 $0x1E400  }
0x3f: {  	[tilespmem:s26], [sflag:$0x8] =	stream.indirect.gather [hbm4b:s2+s24], $0x80, s16, s24, $0xb8;
	v63 =	vld [tilespmem:$0x0]  }
0x40: {  	_ =	swait.ge [sflag:s0], $0x1900  }
0x41: {  	[sflag:s0] =	ssyncset.done $0x0  }
0x42: {  	[sflag:s0] =	ssyncadd.s32 $0xFFFFE700  }
0x43: {  	_ =	swait.ge [sflag:s0], $0x1900  }
0x44: {  	[sflag:s0] =	ssyncset.done $0x0  }
0x45: {  	s11 =	rddreg [dreg:$0x4];
	[sflag:s0] =	ssyncadd.s32 $0xFFFFE700  }
0x46: {  	[hbm4b:s11+s3] =	stream.linear.scatter [tilespmem:s20], [sflag:$0x9], $0x1900, $0x38;
	v63 =	vld [tilespmem:$0x0]  }
0x47: {  	s26 =	sadd.s32 $0x380, s11  }
0x48: {  	[hbm4b:s26+s3] =	stream.linear.scatter [tilespmem:s21], [sflag:$0x9], $0x1900, $0x38;
	v63 =	vld [tilespmem:$0x0]  }
0x49: {  	_ =	swait.ge [sflag:s12], $0x1900  }
0x4a: {  	[sflag:s12] =	ssyncset.done $0x0  }
0x4b: {  	[sflag:s12] =	ssyncadd.s32 $0xFFFFE700  }
0x4c: {  	_ =	swait.ge [sflag:s12], $0x1900  }
0x4d: {  	[sflag:s12] =	ssyncset.done $0x0  }
0x4e: {  	s14 =	rddreg [dreg:$0x6];
	[sflag:s12] =	ssyncadd.s32 $0xFFFFE700  }
0x4f: {  	[hbm4b:s14+s3] =	stream.linear.scatter [tilespmem:s23], [sflag:$0xA], $0x1900, $0x38;
	v63 =	vld [tilespmem:$0x0]  }
0x50: {  	s16 =	sadd.s32 $0x380, s14  }
0x51: {  	[hbm4b:s16+s3] =	stream.linear.scatter [tilespmem:s22], [sflag:$0xA], $0x1900, $0x38;
	v63 =	vld [tilespmem:$0x0]  }
0x52: {  	_ =	swait.ge [sflag:s13], $0x1900  }
0x53: {  	[sflag:s13] =	ssyncset.done $0x0  }
0x54: {  	[sflag:s13] =	ssyncadd.s32 $0xFFFFE700  }
0x55: {  	_ =	swait.ge [sflag:s13], $0x1900  }
0x56: {  	[sflag:s13] =	ssyncset.done $0x0  }
0x57: {  	s26 =	rddreg [dreg:$0x7];
	[sflag:s13] =	ssyncadd.s32 $0xFFFFE700  }
0x58: {  	[hbm4b:s26+s3] =	stream.linear.scatter [tilespmem:s28], [sflag:$0xB], $0x1900, $0x38;
	v63 =	vld [tilespmem:$0x0]  }
0x59: {  	s11 =	sadd.s32 $0x380, s26  }
0x5a: {  	[hbm4b:s11+s3] =	stream.linear.scatter [tilespmem:s29], [sflag:$0xB], $0x1900, $0x38;
	v63 =	vld [tilespmem:$0x0]  }
0x5b: {  	s11 =	simm.s32 $0x9  }
0x5c: {  	_ =	swait.ge [sflag:s11], $0x3200  }
0x5d: {  	[sflag:s11] =	ssyncset.done $0x0  }
0x5e: {  	s14 =	simm.s32 $0x800;
	[sflag:s11] =	ssyncadd.s32 $0xFFFFCE00  }
0x5f: {  	[tilespmem:s20], [sflag:$0x1] =	stream.indirect.gather [hbm4b:s2+s24], $0x80, s14, s24, $0xb8;
	v63 =	vld [tilespmem:$0x0]  }
0x60: {  	s16 =	simm.s32 $0x880  }
0x61: {  	[tilespmem:s21], [sflag:$0x1] =	stream.indirect.gather [hbm4b:s2+s24], $0x80, s16, s24, $0xb8;
	v63 =	vld [tilespmem:$0x0]  }
0x62: {  	_ =	swait.ge [sflag:s15], $0x1900  }
0x63: {  	[sflag:s15] =	ssyncset.done $0x0  }
0x64: {  	[sflag:s15] =	ssyncadd.s32 $0xFFFFE700  }
0x65: {  	_ =	swait.ge [sflag:s15], $0x1900  }
0x66: {  	[sflag:s15] =	ssyncset.done $0x0  }
0x67: {  	s26 =	rddreg [dreg:$0x8];
	[sflag:s15] =	ssyncadd.s32 $0xFFFFE700  }
0x68: {  	[hbm4b:s26+s3] =	stream.linear.scatter [tilespmem:s30], [sflag:$0xC], $0x1900, $0x38;
	v63 =	vld [tilespmem:$0x0]  }
0x69: {  	s31 =	simm.s32 $0xA;
	s8 =	simm.s32 $0x10400;
	s1 =	sadd.s32 $0x380, s26  }
0x6a: {  	[hbm4b:s1+s3] =	stream.linear.scatter [tilespmem:s8], [sflag:$0xC], $0x1900, $0x38;
	v63 =	vld [tilespmem:$0x0]  }
0x6b: {  	_ =	swait.ge [sflag:s31], $0x3200  }
0x6c: {  	[sflag:s31] =	ssyncset.done $0x0  }
0x6d: {  	s8 =	simm.s32 $0x900;
	[sflag:s31] =	ssyncadd.s32 $0xFFFFCE00  }
0x6e: {  	[tilespmem:s23], [sflag:$0x2] =	stream.indirect.gather [hbm4b:s2+s24], $0x80, s8, s24, $0xb8;
	v63 =	vld [tilespmem:$0x0]  }
0x6f: {  	s14 =	simm.s32 $0x980  }
0x70: {  	[tilespmem:s22], [sflag:$0x2] =	stream.indirect.gather [hbm4b:s2+s24], $0x80, s14, s24, $0xb8;
	v63 =	vld [tilespmem:$0x0]  }
0x71: {  	_ =	swait.ge [sflag:s17], $0x1900  }
0x72: {  	[sflag:s17] =	ssyncset.done $0x0  }
0x73: {  	[sflag:s17] =	ssyncadd.s32 $0xFFFFE700  }
0x74: {  	_ =	swait.ge [sflag:s17], $0x1900  }
0x75: {  	[sflag:s17] =	ssyncset.done $0x0  }
0x76: {  	s10 =	simm.s32 $0x12000;
	s26 =	rddreg [dreg:$0x9];
	[sflag:s17] =	ssyncadd.s32 $0xFFFFE700  }
0x77: {  	[hbm4b:s26+s3] =	stream.linear.scatter [tilespmem:s10], [sflag:$0xD], $0x1900, $0x38;
	v63 =	vld [tilespmem:$0x0]  }
0x78: {  	s5 =	simm.s32 $0x13C00;
	s14 =	sadd.s32 $0x380, s26  }
0x79: {  	[hbm4b:s14+s3] =	stream.linear.scatter [tilespmem:s5], [sflag:$0xD], $0x1900, $0x38;
	v63 =	vld [tilespmem:$0x0]  }
0x7a: {  	s5 =	simm.s32 $0xB  }
0x7b: {  	_ =	swait.ge [sflag:s5], $0x3200  }
0x7c: {  	[sflag:s5] =	ssyncset.done $0x0  }
0x7d: {  	s26 =	simm.s32 $0xA00;
	[sflag:s5] =	ssyncadd.s32 $0xFFFFCE00  }
0x7e: {  	[tilespmem:s28], [sflag:$0x3] =	stream.indirect.gather [hbm4b:s2+s24], $0x80, s26, s24, $0xb8;
	v63 =	vld [tilespmem:$0x0]  }
0x7f: {  	s10 =	simm.s32 $0xA80  }
0x80: {  	[tilespmem:s29], [sflag:$0x3] =	stream.indirect.gather [hbm4b:s2+s24], $0x80, s10, s24, $0xb8;
	v63 =	vld [tilespmem:$0x0]  }
0x81: {  	_ =	swait.ge [sflag:s19], $0x1900  }
0x82: {  	[sflag:s19] =	ssyncset.done $0x0  }
0x83: {  	[sflag:s19] =	ssyncadd.s32 $0xFFFFE700  }
0x84: {  	_ =	swait.ge [sflag:s19], $0x1900  }
0x85: {  	[sflag:s19] =	ssyncset.done $0x0  }
0x86: {  	s9 =	simm.s32 $0x15800;
	s26 =	rddreg [dreg:$0xa];
	[sflag:s19] =	ssyncadd.s32 $0xFFFFE700  }
0x87: {  	[hbm4b:s26+s3] =	stream.linear.scatter [tilespmem:s9], [sflag:$0xE], $0x1900, $0x38;
	v63 =	vld [tilespmem:$0x0]  }
0x88: {  	s6 =	simm.s32 $0x17400;
	s9 =	sadd.s32 $0x380, s26  }
0x89: {  	[hbm4b:s9+s3] =	stream.linear.scatter [tilespmem:s6], [sflag:$0xE], $0x1900, $0x38;
	v63 =	vld [tilespmem:$0x0]  }
0x8a: {  	s6 =	simm.s32 $0xC  }
0x8b: {  	_ =	swait.ge [sflag:s6], $0x3200  }
0x8c: {  	[sflag:s6] =	ssyncset.done $0x0  }
0x8d: {  	s26 =	simm.s32 $0xB00;
	[sflag:s6] =	ssyncadd.s32 $0xFFFFCE00  }
0x8e: {  	[tilespmem:s30], [sflag:$0x4] =	stream.indirect.gather [hbm4b:s2+s24], $0x80, s26, s24, $0xb8;
	v63 =	vld [tilespmem:$0x0]  }
0x8f: {  	s16 =	simm.s32 $0x10400;
	s26 =	simm.s32 $0xB80  }
0x90: {  	[tilespmem:s16], [sflag:$0x4] =	stream.indirect.gather [hbm4b:s2+s24], $0x80, s26, s24, $0xb8;
	v63 =	vld [tilespmem:$0x0]  }
0x91: {  	_ =	swait.ge [sflag:s4], $0x1900  }
0x92: {  	[sflag:s4] =	ssyncset.done $0x0  }
0x93: {  	[sflag:s4] =	ssyncadd.s32 $0xFFFFE700  }
0x94: {  	_ =	swait.ge [sflag:s4], $0x1900  }
0x95: {  	[sflag:s4] =	ssyncset.done $0x0  }
0x96: {  	s7 =	simm.s32 $0x19000;
	s26 =	rddreg [dreg:$0xb];
	[sflag:s4] =	ssyncadd.s32 $0xFFFFE700  }
0x97: {  	[hbm4b:s26+s3] =	stream.linear.scatter [tilespmem:s7], [sflag:$0xF], $0x1900, $0x38;
	v63 =	vld [tilespmem:$0x0]  }
0x98: {  	s18 =	simm.s32 $0x1AC00;
	s7 =	sadd.s32 $0x380, s26  }
0x99: {  	[hbm4b:s7+s3] =	stream.linear.scatter [tilespmem:s18], [sflag:$0xF], $0x1900, $0x38;
	v63 =	vld [tilespmem:$0x0]  }
0x9a: {  	s7 =	simm.s32 $0xD  }
0x9b: {  	_ =	swait.ge [sflag:s7], $0x3200  }
0x9c: {  	[sflag:s7] =	ssyncset.done $0x0  }
0x9d: {  	s8 =	simm.s32 $0x12000;
	s26 =	simm.s32 $0xC00;
	[sflag:s7] =	ssyncadd.s32 $0xFFFFCE00  }
0x9e: {  	[tilespmem:s8], [sflag:$0x5] =	stream.indirect.gather [hbm4b:s2+s24], $0x80, s26, s24, $0xb8;
	v63 =	vld [tilespmem:$0x0]  }
0x9f: {  	s14 =	simm.s32 $0x13C00;
	s8 =	simm.s32 $0xC80  }
0xa0: {  	[tilespmem:s14], [sflag:$0x5] =	stream.indirect.gather [hbm4b:s2+s24], $0x80, s8, s24, $0xb8;
	v63 =	vld [tilespmem:$0x0]  }
0xa1: {  	_ =	swait.ge [sflag:s25], $0x1900  }
0xa2: {  	[sflag:s25] =	ssyncset.done $0x0  }
0xa3: {  	[sflag:s25] =	ssyncadd.s32 $0xFFFFE700  }
0xa4: {  	_ =	swait.ge [sflag:s25], $0x1900  }
0xa5: {  	[sflag:s25] =	ssyncset.done $0x0  }
0xa6: {  	s26 =	simm.s32 $0x1C800;
	s14 =	rddreg [dreg:$0xc];
	[sflag:s25] =	ssyncadd.s32 $0xFFFFE700  }
0xa7: {  	[hbm4b:s14+s3] =	stream.linear.scatter [tilespmem:s26], [sflag:$0x10], $0x1900, $0x38;
	v63 =	vld [tilespmem:$0x0]  }
0xa8: {  	s8 =	sadd.s32 $0x380, s14;
	s14 =	simm.s32 $0x1E400  }
0xa9: {  	[hbm4b:s8+s3] =	stream.linear.scatter [tilespmem:s14], [sflag:$0x10], $0x1900, $0x38;
	v63 =	vld [tilespmem:$0x0]  }
0xaa: {  	s8 =	simm.s32 $0xE  }
0xab: {  	_ =	swait.ge [sflag:s8], $0x3200  }
0xac: {  	[sflag:s8] =	ssyncset.done $0x0  }
0xad: {  	s10 =	simm.s32 $0x15800;
	s26 =	simm.s32 $0xD00;
	[sflag:s8] =	ssyncadd.s32 $0xFFFFCE00  }
0xae: {  	[tilespmem:s10], [sflag:$0x6] =	stream.indirect.gather [hbm4b:s2+s24], $0x80, s26, s24, $0xb8;
	v63 =	vld [tilespmem:$0x0]  }
0xaf: {  	s9 =	simm.s32 $0x17400;
	s26 =	simm.s32 $0xD80  }
0xb0: {  	[tilespmem:s9], [sflag:$0x6] =	stream.indirect.gather [hbm4b:s2+s24], $0x80, s26, s24, $0xb8;
	v63 =	vld [tilespmem:$0x0]  }
0xb1: {  	_ =	swait.ge [sflag:s0], $0x1900  }
0xb2: {  	[sflag:s0] =	ssyncset.done $0x0  }
0xb3: {  	[sflag:s0] =	ssyncadd.s32 $0xFFFFE700  }
0xb4: {  	_ =	swait.ge [sflag:s0], $0x1900  }
0xb5: {  	[sflag:s0] =	ssyncset.done $0x0  }
0xb6: {  	s1 =	rddreg [dreg:$0x16];
	[sflag:s0] =	ssyncadd.s32 $0xFFFFE700  }
0xb7: {  	[hbm4b:s1+s3] =	stream.linear.scatter [tilespmem:s20], [sflag:$0x9], $0x1900, $0x38;
	v63 =	vld [tilespmem:$0x0]  }
0xb8: {  	s9 =	simm.s32 $0xF;
	s0 =	sadd.s32 $0x380, s1  }
0xb9: {  	[hbm4b:s0+s3] =	stream.linear.scatter [tilespmem:s21], [sflag:$0x9], $0x1900, $0x38;
	v63 =	vld [tilespmem:$0x0]  }
0xba: {  	_ =	swait.ge [sflag:s9], $0x3200  }
0xbb: {  	[sflag:s9] =	ssyncset.done $0x0  }
0xbc: {  	s16 =	simm.s32 $0x19000;
	s10 =	simm.s32 $0xE00;
	[sflag:s9] =	ssyncadd.s32 $0xFFFFCE00  }
0xbd: {  	[tilespmem:s16], [sflag:$0x7] =	stream.indirect.gather [hbm4b:s2+s24], $0x80, s10, s24, $0xb8;
	v63 =	vld [tilespmem:$0x0]  }
0xbe: {  	s18 =	simm.s32 $0x1AC00;
	s16 =	simm.s32 $0xE80  }
0xbf: {  	[tilespmem:s18], [sflag:$0x7] =	stream.indirect.gather [hbm4b:s2+s24], $0x80, s16, s24, $0xb8;
	v63 =	vld [tilespmem:$0x0]  }
0xc0: {  	_ =	swait.ge [sflag:s12], $0x1900  }
0xc1: {  	[sflag:s12] =	ssyncset.done $0x0  }
0xc2: {  	[sflag:s12] =	ssyncadd.s32 $0xFFFFE700  }
0xc3: {  	_ =	swait.ge [sflag:s12], $0x1900  }
0xc4: {  	[sflag:s12] =	ssyncset.done $0x0  }
0xc5: {  	s0 =	sadd.s32 $0x700, s1;
	[sflag:s12] =	ssyncadd.s32 $0xFFFFE700  }
0xc6: {  	[hbm4b:s0+s3] =	stream.linear.scatter [tilespmem:s23], [sflag:$0xA], $0x1900, $0x38;
	v63 =	vld [tilespmem:$0x0]  }
0xc7: {  	s9 =	sadd.s32 $0xA80, s1;
	s10 =	simm.s32 $0x10  }
0xc8: {  	[hbm4b:s9+s3] =	stream.linear.scatter [tilespmem:s22], [sflag:$0xA], $0x1900, $0x38;
	v63 =	vld [tilespmem:$0x0]  }
0xc9: {  	_ =	swait.ge [sflag:s10], $0x3200  }
0xca: {  	[sflag:s10] =	ssyncset.done $0x0  }
0xcb: {  	s18 =	simm.s32 $0xF00;
	s0 =	simm.s32 $0x1C800;
	[sflag:s10] =	ssyncadd.s32 $0xFFFFCE00  }
0xcc: {  	[tilespmem:s0], [sflag:$0x8] =	stream.indirect.gather [hbm4b:s2+s24], $0x80, s18, s24, $0xb8;
	v63 =	vld [tilespmem:$0x0]  }
0xcd: {  	s14 =	simm.s32 $0x1E400;
	s9 =	simm.s32 $0xF80  }
0xce: {  	[tilespmem:s14], [sflag:$0x8] =	stream.indirect.gather [hbm4b:s2+s24], $0x80, s9, s24, $0xb8;
	v63 =	vld [tilespmem:$0x0]  }
0xcf: {  	_ =	swait.ge [sflag:s13], $0x1900  }
0xd0: {  	[sflag:s13] =	ssyncset.done $0x0  }
0xd1: {  	[sflag:s13] =	ssyncadd.s32 $0xFFFFE700  }
0xd2: {  	_ =	swait.ge [sflag:s13], $0x1900  }
0xd3: {  	[sflag:s13] =	ssyncset.done $0x0  }
0xd4: {  	s10 =	sadd.s32 $0xE00, s1;
	[sflag:s13] =	ssyncadd.s32 $0xFFFFE700  }
0xd5: {  	[hbm4b:s10+s3] =	stream.linear.scatter [tilespmem:s28], [sflag:$0xB], $0x1900, $0x38;
	v63 =	vld [tilespmem:$0x0]  }
0xd6: {  	s18 =	sadd.s32 $0x1180, s1  }
0xd7: {  	[hbm4b:s18+s3] =	stream.linear.scatter [tilespmem:s29], [sflag:$0xB], $0x1900, $0x38;
	v63 =	vld [tilespmem:$0x0]  }
0xd8: {  	_ =	swait.ge [sflag:s11], $0x3200  }
0xd9: {  	[sflag:s11] =	ssyncset.done $0x0  }
0xda: {  	s9 =	simm.s32 $0x1000;
	[sflag:s11] =	ssyncadd.s32 $0xFFFFCE00  }
0xdb: {  	[tilespmem:s20], [sflag:$0x1] =	stream.indirect.gather [hbm4b:s2+s24], $0x80, s9, s24, $0xb8;
	v63 =	vld [tilespmem:$0x0]  }
0xdc: {  	s10 =	simm.s32 $0x1080  }
0xdd: {  	[tilespmem:s21], [sflag:$0x1] =	stream.indirect.gather [hbm4b:s2+s24], $0x80, s10, s24, $0xb8;
	v63 =	vld [tilespmem:$0x0]  }
0xde: {  	_ =	swait.ge [sflag:s15], $0x1900  }
0xdf: {  	[sflag:s15] =	ssyncset.done $0x0  }
0xe0: {  	[sflag:s15] =	ssyncadd.s32 $0xFFFFE700  }
0xe1: {  	_ =	swait.ge [sflag:s15], $0x1900  }
0xe2: {  	[sflag:s15] =	ssyncset.done $0x0  }
0xe3: {  	s11 =	sadd.s32 $0x1500, s1;
	[sflag:s15] =	ssyncadd.s32 $0xFFFFE700  }
0xe4: {  	[hbm4b:s11+s3] =	stream.linear.scatter [tilespmem:s30], [sflag:$0xC], $0x1900, $0x38;
	v63 =	vld [tilespmem:$0x0]  }
0xe5: {  	s18 =	sadd.s32 $0x1880, s1;
	s9 =	simm.s32 $0x10400  }
0xe6: {  	[hbm4b:s18+s3] =	stream.linear.scatter [tilespmem:s9], [sflag:$0xC], $0x1900, $0x38;
	v63 =	vld [tilespmem:$0x0]  }
0xe7: {  	_ =	swait.ge [sflag:s31], $0x3200  }
0xe8: {  	[sflag:s31] =	ssyncset.done $0x0  }
0xe9: {  	s20 =	simm.s32 $0x1100;
	[sflag:s31] =	ssyncadd.s32 $0xFFFFCE00  }
0xea: {  	[tilespmem:s23], [sflag:$0x2] =	stream.indirect.gather [hbm4b:s2+s24], $0x80, s20, s24, $0xb8;
	v63 =	vld [tilespmem:$0x0]  }
0xeb: {  	s21 =	simm.s32 $0x1180  }
0xec: {  	[tilespmem:s22], [sflag:$0x2] =	stream.indirect.gather [hbm4b:s2+s24], $0x80, s21, s24, $0xb8;
	v63 =	vld [tilespmem:$0x0]  }
0xed: {  	_ =	swait.ge [sflag:s17], $0x1900  }
0xee: {  	[sflag:s17] =	ssyncset.done $0x0  }
0xef: {  	[sflag:s17] =	ssyncadd.s32 $0xFFFFE700  }
0xf0: {  	_ =	swait.ge [sflag:s17], $0x1900  }
0xf1: {  	[sflag:s17] =	ssyncset.done $0x0  }
0xf2: {  	s11 =	simm.s32 $0x12000;
	s22 =	sadd.s32 $0x1C00, s1;
	[sflag:s17] =	ssyncadd.s32 $0xFFFFE700  }
0xf3: {  	[hbm4b:s22+s3] =	stream.linear.scatter [tilespmem:s11], [sflag:$0xD], $0x1900, $0x38;
	v63 =	vld [tilespmem:$0x0]  }
0xf4: {  	s10 =	simm.s32 $0x13C00;
	s23 =	sadd.s32 $0x1F80, s1  }
0xf5: {  	[hbm4b:s23+s3] =	stream.linear.scatter [tilespmem:s10], [sflag:$0xD], $0x1900, $0x38;
	v63 =	vld [tilespmem:$0x0]  }
0xf6: {  	_ =	swait.ge [sflag:s5], $0x3200  }
0xf7: {  	[sflag:s5] =	ssyncset.done $0x0  }
0xf8: {  	s18 =	simm.s32 $0x1200;
	[sflag:s5] =	ssyncadd.s32 $0xFFFFCE00  }
0xf9: {  	[tilespmem:s28], [sflag:$0x3] =	stream.indirect.gather [hbm4b:s2+s24], $0x80, s18, s24, $0xb8;
	v63 =	vld [tilespmem:$0x0]  }
0xfa: {  	s20 =	simm.s32 $0x1280  }
0xfb: {  	[tilespmem:s29], [sflag:$0x3] =	stream.indirect.gather [hbm4b:s2+s24], $0x80, s20, s24, $0xb8;
	v63 =	vld [tilespmem:$0x0]  }
0xfc: {  	_ =	swait.ge [sflag:s19], $0x1900  }
0xfd: {  	[sflag:s19] =	ssyncset.done $0x0  }
0xfe: {  	[sflag:s19] =	ssyncadd.s32 $0xFFFFE700  }
0xff: {  	_ =	swait.ge [sflag:s19], $0x1900  }
0x100: {  	[sflag:s19] =	ssyncset.done $0x0  }
0x101: {  	s21 =	sadd.s32 $0x2300, s1;
	s5 =	simm.s32 $0x15800;
	[sflag:s19] =	ssyncadd.s32 $0xFFFFE700  }
0x102: {  	[hbm4b:s21+s3] =	stream.linear.scatter [tilespmem:s5], [sflag:$0xE], $0x1900, $0x38;
	v63 =	vld [tilespmem:$0x0]  }
0x103: {  	s22 =	sadd.s32 $0x2680, s1;
	s23 =	simm.s32 $0x17400  }
0x104: {  	[hbm4b:s22+s3] =	stream.linear.scatter [tilespmem:s23], [sflag:$0xE], $0x1900, $0x38;
	v63 =	vld [tilespmem:$0x0]  }
0x105: {  	_ =	swait.ge [sflag:s6], $0x3200  }
0x106: {  	[sflag:s6] =	ssyncset.done $0x0  }
0x107: {  	s28 =	simm.s32 $0x1300;
	[sflag:s6] =	ssyncadd.s32 $0xFFFFCE00  }
0x108: {  	[tilespmem:s30], [sflag:$0x4] =	stream.indirect.gather [hbm4b:s2+s24], $0x80, s28, s24, $0xb8;
	v63 =	vld [tilespmem:$0x0]  }
0x109: {  	s6 =	simm.s32 $0x1380  }
0x10a: {  	[tilespmem:s9], [sflag:$0x4] =	stream.indirect.gather [hbm4b:s2+s24], $0x80, s6, s24, $0xb8;
	v63 =	vld [tilespmem:$0x0]  }
0x10b: {  	_ =	swait.ge [sflag:s4], $0x1900  }
0x10c: {  	[sflag:s4] =	ssyncset.done $0x0  }
0x10d: {  	[sflag:s4] =	ssyncadd.s32 $0xFFFFE700  }
0x10e: {  	_ =	swait.ge [sflag:s4], $0x1900  }
0x10f: {  	[sflag:s4] =	ssyncset.done $0x0  }
0x110: {  	s18 =	simm.s32 $0x19000;
	s9 =	sadd.s32 $0x2A00, s1;
	[sflag:s4] =	ssyncadd.s32 $0xFFFFE700  }
0x111: {  	[hbm4b:s9+s3] =	stream.linear.scatter [tilespmem:s18], [sflag:$0xF], $0x1900, $0x38;
	v63 =	vld [tilespmem:$0x0]  }
0x112: {  	s16 =	simm.s32 $0x1AC00;
	s20 =	sadd.s32 $0x2D80, s1  }
0x113: {  	[hbm4b:s20+s3] =	stream.linear.scatter [tilespmem:s16], [sflag:$0xF], $0x1900, $0x38;
	v63 =	vld [tilespmem:$0x0]  }
0x114: {  	_ =	swait.ge [sflag:s7], $0x3200  }
0x115: {  	[sflag:s7] =	ssyncset.done $0x0  }
0x116: {  	s21 =	simm.s32 $0x1400;
	[sflag:s7] =	ssyncadd.s32 $0xFFFFCE00  }
0x117: {  	[tilespmem:s11], [sflag:$0x5] =	stream.indirect.gather [hbm4b:s2+s24], $0x80, s21, s24, $0xb8;
	v63 =	vld [tilespmem:$0x0]  }
0x118: {  	s22 =	simm.s32 $0x1480  }
0x119: {  	[tilespmem:s10], [sflag:$0x5] =	stream.indirect.gather [hbm4b:s2+s24], $0x80, s22, s24, $0xb8;
	v63 =	vld [tilespmem:$0x0]  }
0x11a: {  	_ =	swait.ge [sflag:s25], $0x1900  }
0x11b: {  	[sflag:s25] =	ssyncset.done $0x0  }
0x11c: {  	[sflag:s25] =	ssyncadd.s32 $0xFFFFE700  }
0x11d: {  	_ =	swait.ge [sflag:s25], $0x1900  }
0x11e: {  	[sflag:s25] =	ssyncset.done $0x0  }
0x11f: {  	s23 =	sadd.s32 $0x3100, s1;
	[sflag:s25] =	ssyncadd.s32 $0xFFFFE700  }
0x120: {  	[hbm4b:s23+s3] =	stream.linear.scatter [tilespmem:s0], [sflag:$0x10], $0x1900, $0x38;
	v63 =	vld [tilespmem:$0x0]  }
0x121: {  	s14 =	simm.s32 $0x1E400;
	s28 =	sadd.s32 $0x3480, s1  }
0x122: {  	[hbm4b:s28+s3] =	stream.linear.scatter [tilespmem:s14], [sflag:$0x10], $0x1900, $0x38;
	v63 =	vld [tilespmem:$0x0]  }
0x123: {  	_ =	swait.ge [sflag:s8], $0x3200  }
0x124: {  	s26 =	simm.s32 $0x2000;
	s31 =	sadd.s32 $0x3800, s1;
	[sflag:s8] =	ssyncset.done $0x0  }
0x125: {  	s29 =	simm.s32 $0x1580;
	s30 =	simm.s32 $0x1500;
	[sflag:s8] =	ssyncadd.s32 $0xFFFFCE00  }
0x126: {  	[tilespmem:s5], [sflag:$0x6] =	stream.indirect.gather [hbm4b:s2+s24], $0x80, s30, s24, $0xb8;
	v63 =	vld [tilespmem:$0x0]  }
.LBB2_2:
0x127: {  	s22 =	simm.s32 $0x17400  }
0x128: {  	[tilespmem:s22], [sflag:$0x6] =	stream.indirect.gather [hbm4b:s2+s24], $0x80, s29, s24, $0xb8;
	v63 =	vld [tilespmem:$0x0]  }
0x129: {  	s0 =	simm.s32 $0x1;
	s29 =	smov.u32 s26  }
0x12a: {  	p0 =	sne.s32 s26, $0xA000;
	s26 =	sadd.s32 $0x2000, s26;
	_ =	swait.ge [sflag:s0], $0x1900  }
0x12b: {  	[sflag:s0] =	ssyncset.done $0x0  }
0x12c: {  	[sflag:s0] =	ssyncadd.s32 $0xFFFFE700  }
0x12d: {  	_ =	swait.ge [sflag:s0], $0x1900  }
0x12e: {  	[sflag:s0] =	ssyncset.done $0x0  }
0x12f: {  	s21 =	simm.s32 $0x4000;
	[sflag:s0] =	ssyncadd.s32 $0xFFFFE700  }
0x130: {  	[hbm4b:s31+s3] =	stream.linear.scatter [tilespmem:s21], [sflag:$0x9], $0x1900, $0x38;
	v63 =	vld [tilespmem:$0x0]  }
0x131: {  	s1 =	sadd.s32 $0x380, s31;
	s23 =	simm.s32 $0x5C00;
	s0 =	simm.s32 $0xF  }
0x132: {  	[hbm4b:s1+s3] =	stream.linear.scatter [tilespmem:s23], [sflag:$0x9], $0x1900, $0x38;
	v63 =	vld [tilespmem:$0x0]  }
0x133: {  	_ =	swait.ge [sflag:s0], $0x3200  }
0x134: {  	s29 =	sshra.s32 s29, $0x2;
	[sflag:s0] =	ssyncset.done $0x0  }
0x135: {  	s28 =	simm.s32 $0x19000;
	s1 =	sadd.s32 $0xE00, s29;
	[sflag:s0] =	ssyncadd.s32 $0xFFFFCE00  }
0x136: {  	[tilespmem:s28], [sflag:$0x7] =	stream.indirect.gather [hbm4b:s2+s24], $0x80, s1, s24, $0xb8;
	v63 =	vld [tilespmem:$0x0]  }
0x137: {  	s30 =	simm.s32 $0x1AC00;
	s1 =	sadd.s32 $0xE80, s29  }
0x138: {  	[tilespmem:s30], [sflag:$0x7] =	stream.indirect.gather [hbm4b:s2+s24], $0x80, s1, s24, $0xb8;
	v63 =	vld [tilespmem:$0x0]  }
0x139: {  	_ =	swait.ge [sflag:s12], $0x1900  }
0x13a: {  	[sflag:s12] =	ssyncset.done $0x0  }
0x13b: {  	[sflag:s12] =	ssyncadd.s32 $0xFFFFE700  }
0x13c: {  	_ =	swait.ge [sflag:s12], $0x1900  }
0x13d: {  	[sflag:s12] =	ssyncset.done $0x0  }
0x13e: {  	s6 =	simm.s32 $0x7800;
	s1 =	sadd.s32 $0x700, s31;
	[sflag:s12] =	ssyncadd.s32 $0xFFFFE700  }
0x13f: {  	[hbm4b:s1+s3] =	stream.linear.scatter [tilespmem:s6], [sflag:$0xA], $0x1900, $0x38;
	v63 =	vld [tilespmem:$0x0]  }
0x140: {  	s7 =	simm.s32 $0x9400;
	s0 =	simm.s32 $0x10;
	s1 =	sadd.s32 $0xA80, s31  }
0x141: {  	[hbm4b:s1+s3] =	stream.linear.scatter [tilespmem:s7], [sflag:$0xA], $0x1900, $0x38;
	v63 =	vld [tilespmem:$0x0]  }
0x142: {  	_ =	swait.ge [sflag:s0], $0x3200  }
0x143: {  	[sflag:s0] =	ssyncset.done $0x0  }
0x144: {  	s1 =	sadd.s32 $0xF00, s29;
	[sflag:s0] =	ssyncadd.s32 $0xFFFFCE00;
	s0 =	simm.s32 $0x1C800  }
0x145: {  	[tilespmem:s0], [sflag:$0x8] =	stream.indirect.gather [hbm4b:s2+s24], $0x80, s1, s24, $0xb8;
	v63 =	vld [tilespmem:$0x0]  }
0x146: {  	s11 =	simm.s32 $0x1E400;
	s1 =	sadd.s32 $0xF80, s29  }
0x147: {  	[tilespmem:s11], [sflag:$0x8] =	stream.indirect.gather [hbm4b:s2+s24], $0x80, s1, s24, $0xb8;
	v63 =	vld [tilespmem:$0x0]  }
0x148: {  	_ =	swait.ge [sflag:s13], $0x1900  }
0x149: {  	[sflag:s13] =	ssyncset.done $0x0  }
0x14a: {  	[sflag:s13] =	ssyncadd.s32 $0xFFFFE700  }
0x14b: {  	_ =	swait.ge [sflag:s13], $0x1900  }
0x14c: {  	[sflag:s13] =	ssyncset.done $0x0  }
0x14d: {  	s8 =	simm.s32 $0xB000;
	s1 =	sadd.s32 $0xE00, s31;
	[sflag:s13] =	ssyncadd.s32 $0xFFFFE700  }
0x14e: {  	[hbm4b:s1+s3] =	stream.linear.scatter [tilespmem:s8], [sflag:$0xB], $0x1900, $0x38;
	v63 =	vld [tilespmem:$0x0]  }
0x14f: {  	s9 =	simm.s32 $0xCC00;
	s1 =	sadd.s32 $0x1180, s31  }
0x150: {  	[hbm4b:s1+s3] =	stream.linear.scatter [tilespmem:s9], [sflag:$0xB], $0x1900, $0x38;
	v63 =	vld [tilespmem:$0x0]  }
0x151: {  	s1 =	simm.s32 $0x9  }
0x152: {  	_ =	swait.ge [sflag:s1], $0x3200  }
0x153: {  	[sflag:s1] =	ssyncset.done $0x0  }
0x154: {  	s5 =	simm.s32 $0x4000;
	[sflag:s1] =	ssyncadd.s32 $0xFFFFCE00;
	s1 =	sadd.s32 $0x1000, s29  }
0x155: {  	[tilespmem:s21], [sflag:$0x1] =	stream.indirect.gather [hbm4b:s2+s24], $0x80, s1, s24, $0xb8;
	v63 =	vld [tilespmem:$0x0]  }
0x156: {  	s1 =	sadd.s32 $0x1080, s29;
	s21 =	simm.s32 $0x5C00  }
0x157: {  	[tilespmem:s23], [sflag:$0x1] =	stream.indirect.gather [hbm4b:s2+s24], $0x80, s1, s24, $0xb8;
	v63 =	vld [tilespmem:$0x0]  }
0x158: {  	_ =	swait.ge [sflag:s15], $0x1900  }
0x159: {  	[sflag:s15] =	ssyncset.done $0x0  }
0x15a: {  	[sflag:s15] =	ssyncadd.s32 $0xFFFFE700  }
0x15b: {  	_ =	swait.ge [sflag:s15], $0x1900  }
0x15c: {  	[sflag:s15] =	ssyncset.done $0x0  }
0x15d: {  	s10 =	simm.s32 $0xE800;
	s1 =	sadd.s32 $0x1500, s31;
	[sflag:s15] =	ssyncadd.s32 $0xFFFFE700  }
0x15e: {  	[hbm4b:s1+s3] =	stream.linear.scatter [tilespmem:s10], [sflag:$0xC], $0x1900, $0x38;
	v63 =	vld [tilespmem:$0x0]  }
0x15f: {  	s14 =	simm.s32 $0x10400;
	s1 =	sadd.s32 $0x1880, s31  }
0x160: {  	[hbm4b:s1+s3] =	stream.linear.scatter [tilespmem:s14], [sflag:$0xC], $0x1900, $0x38;
	v63 =	vld [tilespmem:$0x0]  }
0x161: {  	s1 =	simm.s32 $0xA  }
0x162: {  	_ =	swait.ge [sflag:s1], $0x3200  }
0x163: {  	[sflag:s1] =	ssyncset.done $0x0  }
0x164: {  	s23 =	simm.s32 $0x7800;
	[sflag:s1] =	ssyncadd.s32 $0xFFFFCE00;
	s1 =	sadd.s32 $0x1100, s29  }
0x165: {  	[tilespmem:s6], [sflag:$0x2] =	stream.indirect.gather [hbm4b:s2+s24], $0x80, s1, s24, $0xb8;
	v63 =	vld [tilespmem:$0x0]  }
0x166: {  	s1 =	sadd.s32 $0x1180, s29;
	s6 =	simm.s32 $0x9400  }
0x167: {  	[tilespmem:s7], [sflag:$0x2] =	stream.indirect.gather [hbm4b:s2+s24], $0x80, s1, s24, $0xb8;
	v63 =	vld [tilespmem:$0x0]  }
0x168: {  	_ =	swait.ge [sflag:s17], $0x1900  }
0x169: {  	[sflag:s17] =	ssyncset.done $0x0  }
0x16a: {  	[sflag:s17] =	ssyncadd.s32 $0xFFFFE700  }
0x16b: {  	_ =	swait.ge [sflag:s17], $0x1900  }
0x16c: {  	[sflag:s17] =	ssyncset.done $0x0  }
0x16d: {  	s16 =	simm.s32 $0x12000;
	s1 =	sadd.s32 $0x1C00, s31;
	[sflag:s17] =	ssyncadd.s32 $0xFFFFE700  }
0x16e: {  	[hbm4b:s1+s3] =	stream.linear.scatter [tilespmem:s16], [sflag:$0xD], $0x1900, $0x38;
	v63 =	vld [tilespmem:$0x0]  }
0x16f: {  	s18 =	simm.s32 $0x13C00;
	s1 =	sadd.s32 $0x1F80, s31  }
0x170: {  	[hbm4b:s1+s3] =	stream.linear.scatter [tilespmem:s18], [sflag:$0xD], $0x1900, $0x38;
	v63 =	vld [tilespmem:$0x0]  }
0x171: {  	s1 =	simm.s32 $0xB  }
0x172: {  	_ =	swait.ge [sflag:s1], $0x3200  }
0x173: {  	[sflag:s1] =	ssyncset.done $0x0  }
0x174: {  	s7 =	simm.s32 $0xB000;
	[sflag:s1] =	ssyncadd.s32 $0xFFFFCE00;
	s1 =	sadd.s32 $0x1200, s29  }
0x175: {  	[tilespmem:s8], [sflag:$0x3] =	stream.indirect.gather [hbm4b:s2+s24], $0x80, s1, s24, $0xb8;
	v63 =	vld [tilespmem:$0x0]  }
0x176: {  	s1 =	sadd.s32 $0x1280, s29;
	s8 =	simm.s32 $0xCC00  }
0x177: {  	[tilespmem:s9], [sflag:$0x3] =	stream.indirect.gather [hbm4b:s2+s24], $0x80, s1, s24, $0xb8;
	v63 =	vld [tilespmem:$0x0]  }
0x178: {  	_ =	swait.ge [sflag:s19], $0x1900  }
0x179: {  	[sflag:s19] =	ssyncset.done $0x0  }
0x17a: {  	[sflag:s19] =	ssyncadd.s32 $0xFFFFE700  }
0x17b: {  	_ =	swait.ge [sflag:s19], $0x1900  }
0x17c: {  	[sflag:s19] =	ssyncset.done $0x0  }
0x17d: {  	s20 =	simm.s32 $0x15800;
	s1 =	sadd.s32 $0x2300, s31;
	[sflag:s19] =	ssyncadd.s32 $0xFFFFE700  }
0x17e: {  	[hbm4b:s1+s3] =	stream.linear.scatter [tilespmem:s20], [sflag:$0xE], $0x1900, $0x38;
	v63 =	vld [tilespmem:$0x0]  }
0x17f: {  	s1 =	sadd.s32 $0x2680, s31  }
0x180: {  	[hbm4b:s1+s3] =	stream.linear.scatter [tilespmem:s22], [sflag:$0xE], $0x1900, $0x38;
	v63 =	vld [tilespmem:$0x0]  }
0x181: {  	s1 =	simm.s32 $0xC  }
0x182: {  	_ =	swait.ge [sflag:s1], $0x3200  }
0x183: {  	[sflag:s1] =	ssyncset.done $0x0  }
0x184: {  	s9 =	simm.s32 $0xE800;
	[sflag:s1] =	ssyncadd.s32 $0xFFFFCE00;
	s1 =	sadd.s32 $0x1300, s29  }
0x185: {  	[tilespmem:s10], [sflag:$0x4] =	stream.indirect.gather [hbm4b:s2+s24], $0x80, s1, s24, $0xb8;
	v63 =	vld [tilespmem:$0x0]  }
0x186: {  	s1 =	sadd.s32 $0x1380, s29;
	s10 =	simm.s32 $0x10400  }
0x187: {  	[tilespmem:s14], [sflag:$0x4] =	stream.indirect.gather [hbm4b:s2+s24], $0x80, s1, s24, $0xb8;
	v63 =	vld [tilespmem:$0x0]  }
0x188: {  	_ =	swait.ge [sflag:s4], $0x1900  }
0x189: {  	[sflag:s4] =	ssyncset.done $0x0  }
0x18a: {  	[sflag:s4] =	ssyncadd.s32 $0xFFFFE700  }
0x18b: {  	_ =	swait.ge [sflag:s4], $0x1900  }
0x18c: {  	[sflag:s4] =	ssyncset.done $0x0  }
0x18d: {  	s1 =	sadd.s32 $0x2A00, s31;
	[sflag:s4] =	ssyncadd.s32 $0xFFFFE700  }
0x18e: {  	[hbm4b:s1+s3] =	stream.linear.scatter [tilespmem:s28], [sflag:$0xF], $0x1900, $0x38;
	v63 =	vld [tilespmem:$0x0]  }
0x18f: {  	s1 =	sadd.s32 $0x2D80, s31  }
0x190: {  	[hbm4b:s1+s3] =	stream.linear.scatter [tilespmem:s30], [sflag:$0xF], $0x1900, $0x38;
	v63 =	vld [tilespmem:$0x0]  }
0x191: {  	s1 =	simm.s32 $0xD  }
0x192: {  	_ =	swait.ge [sflag:s1], $0x3200  }
0x193: {  	[sflag:s1] =	ssyncset.done $0x0  }
0x194: {  	s14 =	simm.s32 $0x12000;
	[sflag:s1] =	ssyncadd.s32 $0xFFFFCE00;
	s1 =	sadd.s32 $0x1400, s29  }
0x195: {  	[tilespmem:s16], [sflag:$0x5] =	stream.indirect.gather [hbm4b:s2+s24], $0x80, s1, s24, $0xb8;
	v63 =	vld [tilespmem:$0x0]  }
0x196: {  	s1 =	sadd.s32 $0x1480, s29;
	s16 =	simm.s32 $0x13C00  }
0x197: {  	[tilespmem:s18], [sflag:$0x5] =	stream.indirect.gather [hbm4b:s2+s24], $0x80, s1, s24, $0xb8;
	v63 =	vld [tilespmem:$0x0]  }
0x198: {  	_ =	swait.ge [sflag:s25], $0x1900  }
0x199: {  	[sflag:s25] =	ssyncset.done $0x0  }
0x19a: {  	[sflag:s25] =	ssyncadd.s32 $0xFFFFE700  }
0x19b: {  	_ =	swait.ge [sflag:s25], $0x1900  }
0x19c: {  	[sflag:s25] =	ssyncset.done $0x0  }
0x19d: {  	s1 =	sadd.s32 $0x3100, s31;
	[sflag:s25] =	ssyncadd.s32 $0xFFFFE700  }
0x19e: {  	[hbm4b:s1+s3] =	stream.linear.scatter [tilespmem:s0], [sflag:$0x10], $0x1900, $0x38;
	v63 =	vld [tilespmem:$0x0]  }
0x19f: {  	s1 =	sadd.s32 $0x3480, s31;
	s0 =	simm.s32 $0xE  }
0x1a0: {  	[hbm4b:s1+s3] =	stream.linear.scatter [tilespmem:s11], [sflag:$0x10], $0x1900, $0x38;
	v63 =	vld [tilespmem:$0x0]  }
.Ltmp0:
0x1a1: {  	_ =	swait.ge [sflag:s0], $0x3200;
	(pc) =	sbr.rel @p0 .LBB2_2-.Ltmp0, $4  }
0x1a2: {  	[sflag:s0] =	ssyncset.done $0x0  }
0x1a3: {  	s18 =	simm.s32 $0x15800;
	s1 =	sadd.s32 $0x1500, s29;
	[sflag:s0] =	ssyncadd.s32 $0xFFFFCE00  }
0x1a4: {  	[tilespmem:s20], [sflag:$0x6] =	stream.indirect.gather [hbm4b:s2+s24], $0x80, s1, s24, $0xb8;
	v63 =	vld [tilespmem:$0x0]  }
0x1a5: {  	s31 =	sadd.s32 $0x3800, s31;
	s29 =	sadd.s32 $0x1580, s29  }
0x1a6: {  	s20 =	simm.s32 $0x17400;
	s0 =	simm.s32 $0x1  }
0x1a7: {  	[tilespmem:s20], [sflag:$0x6] =	stream.indirect.gather [hbm4b:s2+s24], $0x80, s29, s24, $0xb8;
	v63 =	vld [tilespmem:$0x0]  }
0x1a8: {  	_ =	swait.ge [sflag:s0], $0x1900  }
0x1a9: {  	[sflag:s0] =	ssyncset.done $0x0  }
0x1aa: {  	[sflag:s0] =	ssyncadd.s32 $0xFFFFE700  }
0x1ab: {  	_ =	swait.ge [sflag:s0], $0x1900  }
0x1ac: {  	[sflag:s0] =	ssyncset.done $0x0  }
0x1ad: {  	s1 =	rddreg [dreg:$0xd];
	[sflag:s0] =	ssyncadd.s32 $0xFFFFE700  }
0x1ae: {  	[hbm4b:s1+s3] =	stream.linear.scatter [tilespmem:s5], [sflag:$0x9], $0x1900, $0x38;
	v63 =	vld [tilespmem:$0x0]  }
0x1af: {  	s11 =	simm.s32 $0xF;
	s1 =	sadd.s32 $0x380, s1  }
0x1b0: {  	[hbm4b:s1+s3] =	stream.linear.scatter [tilespmem:s21], [sflag:$0x9], $0x1900, $0x38;
	v63 =	vld [tilespmem:$0x0]  }
0x1b1: {  	_ =	swait.ge [sflag:s11], $0x3200  }
0x1b2: {  	[sflag:s11] =	ssyncset.done $0x0  }
0x1b3: {  	s22 =	simm.s32 $0x3E00;
	s21 =	simm.s32 $0x19000;
	[sflag:s11] =	ssyncadd.s32 $0xFFFFCE00  }
0x1b4: {  	[tilespmem:s21], [sflag:$0x7] =	stream.indirect.gather [hbm4b:s2+s24], $0x80, s22, s24, $0xb8;
	v63 =	vld [tilespmem:$0x0]  }
0x1b5: {  	s26 =	simm.s32 $0x1AC00;
	s31 =	simm.s32 $0x3E80  }
0x1b6: {  	[tilespmem:s26], [sflag:$0x7] =	stream.indirect.gather [hbm4b:s2+s24], $0x80, s31, s24, $0xb8;
	v63 =	vld [tilespmem:$0x0]  }
0x1b7: {  	_ =	swait.ge [sflag:s12], $0x1900  }
0x1b8: {  	[sflag:s12] =	ssyncset.done $0x0  }
0x1b9: {  	[sflag:s12] =	ssyncadd.s32 $0xFFFFE700  }
0x1ba: {  	_ =	swait.ge [sflag:s12], $0x1900  }
0x1bb: {  	[sflag:s12] =	ssyncset.done $0x0  }
0x1bc: {  	s0 =	rddreg [dreg:$0xe];
	[sflag:s12] =	ssyncadd.s32 $0xFFFFE700  }
0x1bd: {  	[hbm4b:s0+s3] =	stream.linear.scatter [tilespmem:s23], [sflag:$0xA], $0x1900, $0x38;
	v63 =	vld [tilespmem:$0x0]  }
0x1be: {  	s22 =	simm.s32 $0x10;
	s1 =	sadd.s32 $0x380, s0  }
0x1bf: {  	[hbm4b:s1+s3] =	stream.linear.scatter [tilespmem:s6], [sflag:$0xA], $0x1900, $0x38;
	v63 =	vld [tilespmem:$0x0]  }
0x1c0: {  	_ =	swait.ge [sflag:s22], $0x3200  }
0x1c1: {  	[sflag:s22] =	ssyncset.done $0x0  }
0x1c2: {  	s28 =	simm.s32 $0x3F00;
	s6 =	simm.s32 $0x1C800;
	[sflag:s22] =	ssyncadd.s32 $0xFFFFCE00  }
0x1c3: {  	[tilespmem:s6], [sflag:$0x8] =	stream.indirect.gather [hbm4b:s2+s24], $0x80, s28, s24, $0xb8;
	v63 =	vld [tilespmem:$0x0]  }
0x1c4: {  	s30 =	simm.s32 $0x3F80;
	s29 =	simm.s32 $0x1E400  }
0x1c5: {  	[tilespmem:s29], [sflag:$0x8] =	stream.indirect.gather [hbm4b:s2+s24], $0x80, s30, s24, $0xb8;
	v63 =	vld [tilespmem:$0x0]  }
0x1c6: {  	_ =	swait.ge [sflag:s13], $0x1900  }
0x1c7: {  	[sflag:s13] =	ssyncset.done $0x0  }
0x1c8: {  	[sflag:s13] =	ssyncadd.s32 $0xFFFFE700  }
0x1c9: {  	_ =	swait.ge [sflag:s13], $0x1900  }
0x1ca: {  	[sflag:s13] =	ssyncset.done $0x0  }
0x1cb: {  	s31 =	rddreg [dreg:$0xf];
	[sflag:s13] =	ssyncadd.s32 $0xFFFFE700  }
0x1cc: {  	[hbm4b:s31+s3] =	stream.linear.scatter [tilespmem:s7], [sflag:$0xB], $0x1900, $0x38;
	v63 =	vld [tilespmem:$0x0]  }
0x1cd: {  	s1 =	sadd.s32 $0x380, s31;
	s7 =	simm.s32 $0x9  }
0x1ce: {  	[hbm4b:s1+s3] =	stream.linear.scatter [tilespmem:s8], [sflag:$0xB], $0x1900, $0x38;
	v63 =	vld [tilespmem:$0x0]  }
0x1cf: {  	_ =	swait.ge [sflag:s7], $0x3200  }
0x1d0: {  	[sflag:s7] =	ssyncset.done $0x0  }
0x1d1: {  	[sflag:s7] =	ssyncadd.s32 $0xFFFFCE00  }
0x1d2: {  	_ =	swait.ge [sflag:s15], $0x1900  }
0x1d3: {  	[sflag:s15] =	ssyncset.done $0x0  }
0x1d4: {  	[sflag:s15] =	ssyncadd.s32 $0xFFFFE700  }
0x1d5: {  	_ =	swait.ge [sflag:s15], $0x1900  }
0x1d6: {  	[sflag:s15] =	ssyncset.done $0x0  }
0x1d7: {  	s8 =	rddreg [dreg:$0x10];
	[sflag:s15] =	ssyncadd.s32 $0xFFFFE700  }
0x1d8: {  	[hbm4b:s8+s3] =	stream.linear.scatter [tilespmem:s9], [sflag:$0xC], $0x1900, $0x38;
	v63 =	vld [tilespmem:$0x0]  }
0x1d9: {  	s1 =	sadd.s32 $0x380, s8;
	s9 =	simm.s32 $0xA  }
0x1da: {  	[hbm4b:s1+s3] =	stream.linear.scatter [tilespmem:s10], [sflag:$0xC], $0x1900, $0x38;
	v63 =	vld [tilespmem:$0x0]  }
0x1db: {  	_ =	swait.ge [sflag:s9], $0x3200  }
0x1dc: {  	[sflag:s9] =	ssyncset.done $0x0  }
0x1dd: {  	[sflag:s9] =	ssyncadd.s32 $0xFFFFCE00  }
0x1de: {  	_ =	swait.ge [sflag:s17], $0x1900  }
0x1df: {  	[sflag:s17] =	ssyncset.done $0x0  }
0x1e0: {  	[sflag:s17] =	ssyncadd.s32 $0xFFFFE700  }
0x1e1: {  	_ =	swait.ge [sflag:s17], $0x1900  }
0x1e2: {  	[sflag:s17] =	ssyncset.done $0x0  }
0x1e3: {  	s10 =	rddreg [dreg:$0x11];
	[sflag:s17] =	ssyncadd.s32 $0xFFFFE700  }
0x1e4: {  	[hbm4b:s10+s3] =	stream.linear.scatter [tilespmem:s14], [sflag:$0xD], $0x1900, $0x38;
	v63 =	vld [tilespmem:$0x0]  }
0x1e5: {  	s1 =	sadd.s32 $0x380, s10;
	s14 =	simm.s32 $0xB  }
0x1e6: {  	[hbm4b:s1+s3] =	stream.linear.scatter [tilespmem:s16], [sflag:$0xD], $0x1900, $0x38;
	v63 =	vld [tilespmem:$0x0]  }
0x1e7: {  	_ =	swait.ge [sflag:s14], $0x3200  }
0x1e8: {  	[sflag:s14] =	ssyncset.done $0x0  }
0x1e9: {  	[sflag:s14] =	ssyncadd.s32 $0xFFFFCE00  }
0x1ea: {  	_ =	swait.ge [sflag:s19], $0x1900  }
0x1eb: {  	[sflag:s19] =	ssyncset.done $0x0  }
0x1ec: {  	[sflag:s19] =	ssyncadd.s32 $0xFFFFE700  }
0x1ed: {  	_ =	swait.ge [sflag:s19], $0x1900  }
0x1ee: {  	[sflag:s19] =	ssyncset.done $0x0  }
0x1ef: {  	s16 =	rddreg [dreg:$0x12];
	[sflag:s19] =	ssyncadd.s32 $0xFFFFE700  }
0x1f0: {  	[hbm4b:s16+s3] =	stream.linear.scatter [tilespmem:s18], [sflag:$0xE], $0x1900, $0x38;
	v63 =	vld [tilespmem:$0x0]  }
0x1f1: {  	s1 =	sadd.s32 $0x380, s16  }
0x1f2: {  	[hbm4b:s1+s3] =	stream.linear.scatter [tilespmem:s20], [sflag:$0xE], $0x1900, $0x38;
	v63 =	vld [tilespmem:$0x0]  }
0x1f3: {  	s20 =	simm.s32 $0xC  }
0x1f4: {  	_ =	swait.ge [sflag:s20], $0x3200  }
0x1f5: {  	[sflag:s20] =	ssyncset.done $0x0  }
0x1f6: {  	[sflag:s20] =	ssyncadd.s32 $0xFFFFCE00  }
0x1f7: {  	_ =	swait.ge [sflag:s4], $0x1900  }
0x1f8: {  	[sflag:s4] =	ssyncset.done $0x0  }
0x1f9: {  	[sflag:s4] =	ssyncadd.s32 $0xFFFFE700  }
0x1fa: {  	_ =	swait.ge [sflag:s4], $0x1900  }
0x1fb: {  	[sflag:s4] =	ssyncset.done $0x0  }
0x1fc: {  	s23 =	rddreg [dreg:$0x13];
	[sflag:s4] =	ssyncadd.s32 $0xFFFFE700  }
0x1fd: {  	[hbm4b:s23+s3] =	stream.linear.scatter [tilespmem:s21], [sflag:$0xF], $0x1900, $0x38;
	v63 =	vld [tilespmem:$0x0]  }
0x1fe: {  	s1 =	sadd.s32 $0x380, s23  }
0x1ff: {  	[hbm4b:s1+s3] =	stream.linear.scatter [tilespmem:s26], [sflag:$0xF], $0x1900, $0x38;
	v63 =	vld [tilespmem:$0x0]  }
0x200: {  	s26 =	simm.s32 $0xD  }
0x201: {  	_ =	swait.ge [sflag:s26], $0x3200  }
0x202: {  	[sflag:s26] =	ssyncset.done $0x0  }
0x203: {  	[sflag:s26] =	ssyncadd.s32 $0xFFFFCE00  }
0x204: {  	_ =	swait.ge [sflag:s25], $0x1900  }
0x205: {  	[sflag:s25] =	ssyncset.done $0x0  }
0x206: {  	[sflag:s25] =	ssyncadd.s32 $0xFFFFE700  }
0x207: {  	_ =	swait.ge [sflag:s25], $0x1900  }
0x208: {  	[sflag:s25] =	ssyncset.done $0x0  }
0x209: {  	s28 =	rddreg [dreg:$0x14];
	[sflag:s25] =	ssyncadd.s32 $0xFFFFE700  }
0x20a: {  	[hbm4b:s28+s3] =	stream.linear.scatter [tilespmem:s6], [sflag:$0x10], $0x1900, $0x38;
	v63 =	vld [tilespmem:$0x0]  }
0x20b: {  	s1 =	sadd.s32 $0x380, s28  }
0x20c: {  	[hbm4b:s1+s3] =	stream.linear.scatter [tilespmem:s29], [sflag:$0x10], $0x1900, $0x38;
	v63 =	vld [tilespmem:$0x0]  }
0x20d: {  	s29 =	simm.s32 $0xE  }
0x20e: {  	_ =	swait.ge [sflag:s29], $0x3200  }
0x20f: {  	[sflag:s29] =	ssyncset.done $0x0  }
0x210: {  	[sflag:s29] =	ssyncadd.s32 $0xFFFFCE00  }
0x211: {  	_ =	swait.ge [sflag:s11], $0x3200  }
0x212: {  	[sflag:s11] =	ssyncset.done $0x0  }
0x213: {  	[sflag:s11] =	ssyncadd.s32 $0xFFFFCE00  }
0x214: {  	_ =	swait.ge [sflag:s22], $0x3200  }
0x215: {  	s30 =	rddreg [dreg:$0x17]  }
0x216: {  	s31 =	rddreg [dreg:$0x15];
	s0 =	sadd.s32 $0x1, s30  }
0x217: {  	p0 =	sne.s32 s0, s31  }
.Ltmp1:
0x218: {  	_ = 	snop;
	(pc) =	sbr.rel @p0 .LBB2_1-.Ltmp1, $3  }
0x219: {  	_ =	sdelay $0x1  }
0x21a: {  	[sflag:s22] =	ssyncset.done $0x0  }
0x21b: {  	[sflag:s22] =	ssyncadd.s32 $0xFFFFCE00  }
0x21c: {  	_ =	sfence.sel $0x180000  }
0x21d: {  	[bflag:$0x0] =	sbarrier.arrive $0xFFFF  }
0x21e: {  	_ =	strace $0x90000047  }
0x21f: {  	s0 =	stileid.u32;
	[bflag:$0x2] =	sbarrier.arrive $0xFFFF  }
0x220: {  	p0 =	sne.s32 s0, $0x0;
	s0 =	rddreg [dreg:$0x3]  }
0x221: {  	s0 =	sadd.s32 @!p0 $0x100000, s0  }
0x222: {  	[sflag:s0] =	ssyncadd.tile.s32 @!p0 $0x1;
	_ =	shalt  }
.Lfunc_end2:
_tile_overlayer_lowered:
.L_overlay_start_2:
0x223: {  	(tag) =	ssettag $0x2  }
0x224: {  	s0 =	rddreg [dreg:$0x0];
	s2 =	stileid.u32  }
0x225: {  	s1 =	rddreg [dreg:$0x1];
	p0 =	sne.s32 s2, $0x0  }
0x226: {  	s3 =	rddreg [dreg:$0x2];
	[bflag:$0x3] =	sbarrier.arrive $0xFFFF;
	s2 =	simm.s32 @!p0 $0x1C11  }
0x227: {  	[timem:s3], [sflag:s2] =	dma.local @!p0 [hbm:s0], s1  }
0x228: {  	s0 =	simm.s32 @!p0 $0x11  }
0x229: {  	_ =	swait.ge @!p0 [sflag:s0], s1  }
0x22a: {  	s1 =	ssub.s32 @!p0 $0x0, s1;
	[sflag:s0] =	ssyncset.done @!p0 $0x0  }
0x22b: {  	[sflag:s0] =	ssyncadd.s32 @!p0 s1  }
0x22c: {  	[bflag:$0x3] =	sbarrier.arrive $0xFFFF  }
0x22d: {  	_ =	shalt  }

</sc_bundles>
